<compile_context>
chip_gen: v7x
topology: tpu7x:2x2x1
jax: 0.10.2.dev20260603
libtpu: 0.0.44.dev20260713+nightly
codegen_flags: <defaults>
</compile_context>

<pallas_src>
import functools

import jax
import jax.numpy as jnp
from jax import lax
from jax.experimental import pallas as pl
from jax.experimental.pallas import tpu as pltpu
from jax.experimental.pallas import tpu_sc as plsc

_TOL = 0.01
_MAXITER = 16

_N = 10000
_E = 320000
_CP = 48
_CHUNK = 128
_NBUF = 3
_NCHUNKS = 2592
_EPAD = _NCHUNKS * _CHUNK
_RPW = _N // 16
_NC = 2


_BN = 2000


def _proj_body(nf_ref, w_ref, b_ref, o_ref, bb_ref):
    acc = (
        jnp.dot(nf_ref[...], w_ref[...], preferred_element_type=jnp.float32)
        + b_ref[...]
    )
    o_ref[...] = acc

    @pl.when(pl.program_id(0) == 0)
    def _():
        bb_ref[0, 0] = 0.0

    bb_ref[0, 0] += jnp.sum(acc * acc)


def _project(nf, Wp, bp):
    N, D = nf.shape
    return pl.pallas_call(
        _proj_body,
        grid=(N // _BN,),
        in_specs=[
            pl.BlockSpec((_BN, D), lambda i: (i, 0)),
            pl.BlockSpec((D, _CP), lambda i: (0, 0)),
            pl.BlockSpec((1, _CP), lambda i: (0, 0)),
        ],
        out_specs=[
            pl.BlockSpec((_BN, _CP), lambda i: (i, 0)),
            pl.BlockSpec(memory_space=pltpu.SMEM),
        ],
        out_shape=[
            jax.ShapeDtypeStruct((N, _CP), jnp.float32),
            jax.ShapeDtypeStruct((1, 1), jnp.float32),
        ],
    )(nf, Wp, bp.reshape(1, _CP))


def _cg_update_body(x_ref, r_ref, p_ref, av_ref, gamma_ref, c_ref,
                    xo_ref, ro_ref, po_ref, go_ref, ap_scr, pap_scr, gn_scr):
    ph = pl.program_id(0)
    j = pl.program_id(1)

    @pl.when(ph == 0)
    def _():
        @pl.when(j == 0)
        def _():
            pap_scr[0, 0] = 0.0

        pblk = p_ref[...]
        ap = pblk - c_ref[0, 0] * (av_ref[0] + av_ref[1])
        ap_scr[pl.ds(j * _BN, _BN), :] = ap
        pap_scr[0, 0] += jnp.sum(pblk * ap)
        xo_ref[...] = x_ref[...]
        ro_ref[...] = r_ref[...]
        po_ref[...] = pblk

    @pl.when(ph == 1)
    def _():
        @pl.when(j == 0)
        def _():
            gn_scr[0, 0] = 0.0

        alpha = gamma_ref[0, 0] / pap_scr[0, 0]
        xo_ref[...] = x_ref[...] + alpha * p_ref[...]
        rnew = r_ref[...] - alpha * ap_scr[pl.ds(j * _BN, _BN), :]
        ro_ref[...] = rnew
        gn_scr[0, 0] += jnp.sum(rnew * rnew)
        po_ref[...] = p_ref[...]

    @pl.when(ph == 2)
    def _():
        beta = gn_scr[0, 0] / gamma_ref[0, 0]
        po_ref[...] = r_ref[...] + beta * p_ref[...]
        xo_ref[...] = x_ref[...]
        ro_ref[...] = r_ref[...]

        @pl.when(j == pl.num_programs(1) - 1)
        def _():
            go_ref[0, 0] = gn_scr[0, 0]


def _cg_update(x, r, p, av2, gamma, cc):
    nb = _N // _BN
    return pl.pallas_call(
        _cg_update_body,
        grid=(3, nb),
        in_specs=[
            pl.BlockSpec((_BN, _CP), lambda ph, j: (j, 0)),
            pl.BlockSpec((_BN, _CP), lambda ph, j: (j, 0)),
            pl.BlockSpec((_BN, _CP), lambda ph, j: (j, 0)),
            pl.BlockSpec((2, _BN, _CP), lambda ph, j: (0, j, 0)),
            pl.BlockSpec(memory_space=pltpu.SMEM),
            pl.BlockSpec(memory_space=pltpu.SMEM),
        ],
        out_specs=[
            pl.BlockSpec((_BN, _CP), lambda ph, j: (j, 0)),
            pl.BlockSpec((_BN, _CP), lambda ph, j: (j, 0)),
            pl.BlockSpec((_BN, _CP), lambda ph, j: (j, 0)),
            pl.BlockSpec(memory_space=pltpu.SMEM),
        ],
        out_shape=[
            jax.ShapeDtypeStruct((_N, _CP), jnp.float32),
            jax.ShapeDtypeStruct((_N, _CP), jnp.float32),
            jax.ShapeDtypeStruct((_N, _CP), jnp.float32),
            jax.ShapeDtypeStruct((1, 1), jnp.float32),
        ],
        scratch_shapes=[
            pltpu.VMEM((_N, _CP), jnp.float32),
            pltpu.SMEM((1, 1), jnp.float32),
            pltpu.SMEM((1, 1), jnp.float32),
        ],
        input_output_aliases={0: 0, 1: 1, 2: 2},
    )(x, r, p, av2, gamma, cc)


def _make_sc_matvec(nc):
    cpw = _NCHUNKS // (nc * 16)

    @functools.partial(
        pl.kernel,
        out_type=jax.ShapeDtypeStruct((nc, _N, _CP), jnp.float32),
        mesh=plsc.VectorSubcoreMesh(
            core_axis_name="c", subcore_axis_name="s", num_cores=nc),
        compiler_params=pltpu.CompilerParams(use_tc_tiling_on_sc=False),
        scratch_types=(
            [
                pltpu.VMEM((cpw, _CHUNK), jnp.int32),
                pltpu.VMEM((cpw, _CHUNK), jnp.int32),
                pltpu.VMEM((cpw, _CHUNK), jnp.float32),
                pltpu.VMEM_SHARED((_N, _CP), jnp.float32),
                pltpu.VMEM_SHARED((_N, _CP), jnp.float32),
            ]
            + [pltpu.VMEM((_CHUNK, _CP), jnp.float32)] * (2 * _NBUF)
            + [pltpu.SemaphoreType.DMA] * (2 * _NBUF)
        ),
    )
    def sc_matvec(vpad_hbm, col_hbm, row_hbm, adj_hbm, zeros_hbm, av_hbm,
                  col_all, row_all, adj_all, av_sh, v_sh, *bufs_and_sems):
        _sc_matvec_body(cpw, col_all, row_all, adj_all, av_sh, v_sh,
                        bufs_and_sems, vpad_hbm, col_hbm, row_hbm, adj_hbm,
                        zeros_hbm, av_hbm)

    return sc_matvec


def _sc_matvec_body(cpw, col_all, row_all, adj_all, av_sh, v_sh,
                    bufs_and_sems, vpad_hbm, col_hbm, row_hbm, adj_hbm,
                    zeros_hbm, av_hbm):
    gb = bufs_and_sems[0:_NBUF]
    sb = bufs_and_sems[_NBUF:2 * _NBUF]
    gsem = bufs_and_sems[2 * _NBUF:3 * _NBUF]
    ssem = bufs_and_sems[3 * _NBUF:4 * _NBUF]
    cid = lax.axis_index("c")
    sid = lax.axis_index("s")
    base = (cid * 16 + sid) * cpw
    pltpu.sync_copy(col_hbm.at[pl.ds(base, cpw)], col_all)
    pltpu.sync_copy(row_hbm.at[pl.ds(base, cpw)], row_all)
    pltpu.sync_copy(adj_hbm.at[pl.ds(base, cpw)], adj_all)
    pltpu.sync_copy(zeros_hbm.at[pl.ds(sid * _RPW, _RPW)],
                    av_sh.at[pl.ds(sid * _RPW, _RPW)])
    pltpu.sync_copy(vpad_hbm.at[pl.ds(sid * _RPW, _RPW)],
                    v_sh.at[pl.ds(sid * _RPW, _RPW)])
    plsc.subcore_barrier()

    for b in range(_NBUF):
        pltpu.async_copy(v_sh.at[col_all.at[b]], gb[b], gsem[b])

    n_outer = cpw // _NBUF

    def outer_body(o, carry):
        for b in range(_NBUF):
            i = o * _NBUF + b
            pltpu.make_async_copy(v_sh.at[col_all.at[b]], gb[b],
                                  gsem[b]).wait()
            @pl.when(o > 0)
            def _():
                pltpu.make_async_copy(sb[b], av_sh.at[row_all.at[b]],
                                      ssem[b]).wait()

            def edge_body(e16, c2):
                a16 = adj_all[i, pl.ds(e16 * 16, 16)]
                for j in range(16):
                    e = e16 * 16 + j
                    a = a16[j]
                    for k in range(3):
                        sb[b][e, pl.ds(16 * k, 16)] = (
                            gb[b][e, pl.ds(16 * k, 16)] * a
                        )
                return c2

            lax.fori_loop(0, _CHUNK // 16, edge_body, 0)

            @pl.when(o < n_outer - 1)
            def _():
                pltpu.async_copy(v_sh.at[col_all.at[i + _NBUF]],
                                 gb[b], gsem[b])

            pltpu.async_copy(sb[b], av_sh.at[row_all.at[i]], ssem[b],
                             add=True)
        return carry

    lax.fori_loop(0, n_outer, outer_body, 0)
    for b in range(_NBUF):
        pltpu.make_async_copy(sb[b], av_sh.at[row_all.at[b]],
                              ssem[b]).wait()
    plsc.subcore_barrier()
    pltpu.sync_copy(av_sh.at[pl.ds(sid * _RPW, _RPW)],
                    av_hbm.at[cid, pl.ds(sid * _RPW, _RPW)])


_NIDP = 1024


@functools.partial(
    pl.kernel,
    out_type=jax.ShapeDtypeStruct((_NIDP, _CP), jnp.float32),
    mesh=plsc.VectorSubcoreMesh(core_axis_name="c", subcore_axis_name="s"),
    compiler_params=pltpu.CompilerParams(use_tc_tiling_on_sc=False),
    scratch_types=[
        pltpu.VMEM((32,), jnp.int32),
        pltpu.VMEM((32, _CP), jnp.float32),
        pltpu.SemaphoreType.DMA,
    ],
)
def _sc_ids_gather(sol_hbm, ids_hbm, out_hbm, ids_v, rows_v, sem):
    w = lax.axis_index("c") * 16 + lax.axis_index("s")
    pltpu.sync_copy(ids_hbm.at[w], ids_v)
    pltpu.async_copy(sol_hbm.at[ids_v], rows_v, sem).wait()
    pltpu.sync_copy(rows_v, out_hbm.at[pl.ds(w * 32, 32)])


def kernel(node_features, adj_values, e0, W, b, edge_index, ids):
    D, C = W.shape
    Wp = jnp.zeros((D, _CP), jnp.float32).at[:, :C].set(W)
    bp = jnp.zeros((_CP,), jnp.float32).at[:C].set(b)
    xpad, bb = _project(node_features, Wp, bp)

    row = jnp.pad(edge_index[0], (0, _EPAD - _E)).reshape(_NCHUNKS, _CHUNK)
    col = jnp.pad(edge_index[1], (0, _EPAD - _E)).reshape(_NCHUNKS, _CHUNK)
    adj = jnp.pad(adj_values, (0, _EPAD - _E)).reshape(_NCHUNKS, _CHUNK)
    zeros = jnp.zeros((_N, _CP), jnp.float32)

    epsilon = jax.nn.sigmoid(e0)
    cc = (1.0 - epsilon).reshape(1, 1)
    mv = _make_sc_matvec(_NC)

    atol2 = (_TOL * _TOL) * bb[0, 0]

    def cond(carry):
        _, _, _, gamma, k = carry
        return (gamma[0, 0] > atol2) & (k < _MAXITER)

    def body(carry):
        x, r, p, gamma, k = carry
        av2 = mv(p, col, row, adj, zeros)
        x, r, p, gamma = _cg_update(x, r, p, av2, gamma, cc)
        return x, r, p, gamma, k + 1

    x0 = jnp.zeros((_N, _CP), jnp.float32)
    sol, _, _, _, _ = lax.while_loop(
        cond, body, (x0, xpad, xpad, bb, jnp.int32(0)))

    ids_p = jnp.pad(ids, (0, _NIDP - ids.shape[0])).reshape(32, 32)
    outp = _sc_ids_gather(sol, ids_p)
    return outp[: ids.shape[0], :C]

# --- scband reference (transcript-rebuilt; emitter-appended) ---
"""Pipeline reference for scband-learned-igcn-67095979098484 (READ-ONLY COPY).

The authoritative reference and input builder live on the scoring server;
editing this copy changes nothing except your own understanding.
"""

import jax, jax.numpy as jnp
import numpy as np

N = 10000
E = 320000
D = 128
C = 40
NID = 1000
AVG_DEG = 32.0
TOL = 0.01
MAXITER = 16


def setup_inputs(seed: int = 0) -> dict:
    key = jax.random.key(seed)
    k1, k2, k3, k4, k5 = jax.random.split(key, 5)
    node_features = jax.random.normal(k1, (N, D), dtype=jnp.float32)
    edge_index = jax.random.randint(k2, (2, E), 0, N, dtype=jnp.int32)
    # normalized adjacency values ~ 1/avg_degree so that rho((1-eps)*A) < 1
    adj_values = jax.random.uniform(k3, (E,), dtype=jnp.float32) * (1.0 / AVG_DEG)
    ids = jax.random.randint(k4, (NID,), 0, N, dtype=jnp.int32)
    # learned parameters: epsilon logit e0, Linear(num_classes) weight/bias
    e0 = jnp.zeros((), dtype=jnp.float32)
    W = jax.random.normal(k5, (D, C), dtype=jnp.float32) * (1.0 / np.sqrt(D))
    b = jnp.zeros((C,), dtype=jnp.float32)
    return {
        "node_features": node_features,
        "adj_values": adj_values,
        "e0": e0,
        "W": W,
        "b": b,
        "edge_index": edge_index,
        "ids": ids,
    }


def reference(node_features, adj_values, e0, W, b, edge_index, ids):
    # head_transform=None -> x = node_features
    # x.shape[1] (128) > num_classes (40) -> project first, then smooth
    x = node_features @ W + b  # [N, C]
    epsilon = jax.nn.sigmoid(e0)
    row = edge_index[0]
    col = edge_index[1]
    n = node_features.shape[0]

    def matvec(v):
        # adj @ v via gather + scatter-add (COO spmm)
        msgs = adj_values[:, None] * v[col]
        av = jnp.zeros((n, v.shape[1]), dtype=v.dtype).at[row].add(msgs)
        return v - (1.0 - epsilon) * av

    # x.shape[1] (40) <= ids.size (1000) -> solve for full x, then gather ids
    sol, _ = jax.scipy.sparse.linalg.cg(matvec, x, tol=TOL, maxiter=MAXITER)
    logits = sol[ids]
    return logits

if __name__ == "__main__":
    import jax
    _d = setup_inputs()
    print(jax.jit(kernel)(*tuple(_d.values())))

</pallas_src>

<mosaic_0001>
#map = affine_map<(d0, d1) -> (0, 0)>
#map1 = affine_map<(d0, d1) -> (0, 0, 0)>
module attributes {stable_mosaic.version = 14 : i64} {
  func.func @sc_matvec(%arg0: i32, %arg1: i32, %arg2: memref<10000x48xf32, #tpu.memory_space<hbm>>, %arg3: memref<2592x128xi32, #tpu.memory_space<hbm>>, %arg4: memref<2592x128xi32, #tpu.memory_space<hbm>>, %arg5: memref<2592x128xf32, #tpu.memory_space<hbm>>, %arg6: memref<10000x48xf32, #tpu.memory_space<hbm>>, %arg7: memref<2x10000x48xf32, #tpu.memory_space<hbm>>, %arg8: memref<81x128xi32, #tpu.memory_space<vmem>>, %arg9: memref<81x128xi32, #tpu.memory_space<vmem>>, %arg10: memref<81x128xf32, #tpu.memory_space<vmem>>, %arg11: memref<10000x48xf32, #tpu.memory_space<vmem_shared>>, %arg12: memref<10000x48xf32, #tpu.memory_space<vmem_shared>>, %arg13: memref<128x48xf32, #tpu.memory_space<vmem>>, %arg14: memref<128x48xf32, #tpu.memory_space<vmem>>, %arg15: memref<128x48xf32, #tpu.memory_space<vmem>>, %arg16: memref<128x48xf32, #tpu.memory_space<vmem>>, %arg17: memref<128x48xf32, #tpu.memory_space<vmem>>, %arg18: memref<128x48xf32, #tpu.memory_space<vmem>>, %arg19: memref<!tpu.dma_semaphore, #tpu.memory_space<semaphore_mem>>, %arg20: memref<!tpu.dma_semaphore, #tpu.memory_space<semaphore_mem>>, %arg21: memref<!tpu.dma_semaphore, #tpu.memory_space<semaphore_mem>>, %arg22: memref<!tpu.dma_semaphore, #tpu.memory_space<semaphore_mem>>, %arg23: memref<!tpu.dma_semaphore, #tpu.memory_space<semaphore_mem>>, %arg24: memref<!tpu.dma_semaphore, #tpu.memory_space<semaphore_mem>>) attributes {dimension_semantics = [#tpu.dimension_semantics<core_parallel>, #tpu.dimension_semantics<subcore_parallel>], iteration_bounds = array<i64: 2, 16>, scalar_prefetch = 0 : i64, scratch_operands = 17 : i64, tpu.core_type = #tpu.core_type<sc_vector_subcore>, window_params = [{transform_indices = #map}, {transform_indices = #map}, {transform_indices = #map}, {transform_indices = #map}, {transform_indices = #map}, {transform_indices = #map1}]} {
    %mul3A = arith.constant 16 : i32
    %mul3A_0 = arith.muli %arg0, %mul3A : i32
    %add3A = arith.addi %mul3A_0, %arg1 : i32
    %mul3A_1 = arith.constant 81 : i32
    %mul3A_2 = arith.muli %add3A, %mul3A_1 : i32
    "tpu.region"() ({
      %run_scoped3A = tpu.sem_alloc : memref<!tpu.dma_semaphore, #tpu.memory_space<semaphore_mem>>
      %dma_start3A_61 = arith.constant 0 : i32
      %dma_start3A_62 = tpu.memref_slice %arg3[%mul3A_2, %dma_start3A_61] : memref<2592x128xi32, #tpu.memory_space<hbm>> -> memref<81x128xi32, #tpu.memory_space<hbm>>
      %dma_start3A_63 = arith.constant 0 : i32
      %dma_start3A_64 = tpu.memref_slice %arg3[%mul3A_2, %dma_start3A_63] : memref<2592x128xi32, #tpu.memory_space<hbm>> -> memref<81x128xi32, #tpu.memory_space<hbm>>
      tpu.enqueue_dma source(%dma_start3A_64 : memref<81x128xi32, #tpu.memory_space<hbm>>) target(%arg8 : memref<81x128xi32, #tpu.memory_space<vmem>>) target_semaphore(%run_scoped3A : memref<!tpu.dma_semaphore, #tpu.memory_space<semaphore_mem>>)
      %dma_wait3A_65 = arith.constant 0 : i32
      %dma_wait3A_66 = tpu.memref_slice %arg3[%mul3A_2, %dma_wait3A_65] : memref<2592x128xi32, #tpu.memory_space<hbm>> -> memref<81x128xi32, #tpu.memory_space<hbm>>
      %dma_wait3A_67 = arith.constant 0 : i32
      %dma_wait3A_68 = tpu.memref_slice %arg3[%mul3A_2, %dma_wait3A_67] : memref<2592x128xi32, #tpu.memory_space<hbm>> -> memref<81x128xi32, #tpu.memory_space<hbm>>
      tpu.wait_dma2 semaphore(%run_scoped3A : memref<!tpu.dma_semaphore, #tpu.memory_space<semaphore_mem>>) src(%dma_wait3A_68 : memref<81x128xi32, #tpu.memory_space<hbm>>) dst(%arg8 : memref<81x128xi32, #tpu.memory_space<vmem>>)
      tpu.yield
    }) : () -> ()
    "tpu.region"() ({
      %run_scoped3A = tpu.sem_alloc : memref<!tpu.dma_semaphore, #tpu.memory_space<semaphore_mem>>
      %dma_start3A_61 = arith.constant 0 : i32
      %dma_start3A_62 = tpu.memref_slice %arg4[%mul3A_2, %dma_start3A_61] : memref<2592x128xi32, #tpu.memory_space<hbm>> -> memref<81x128xi32, #tpu.memory_space<hbm>>
      %dma_start3A_63 = arith.constant 0 : i32
      %dma_start3A_64 = tpu.memref_slice %arg4[%mul3A_2, %dma_start3A_63] : memref<2592x128xi32, #tpu.memory_space<hbm>> -> memref<81x128xi32, #tpu.memory_space<hbm>>
      tpu.enqueue_dma source(%dma_start3A_64 : memref<81x128xi32, #tpu.memory_space<hbm>>) target(%arg9 : memref<81x128xi32, #tpu.memory_space<vmem>>) target_semaphore(%run_scoped3A : memref<!tpu.dma_semaphore, #tpu.memory_space<semaphore_mem>>)
      %dma_wait3A_65 = arith.constant 0 : i32
      %dma_wait3A_66 = tpu.memref_slice %arg4[%mul3A_2, %dma_wait3A_65] : memref<2592x128xi32, #tpu.memory_space<hbm>> -> memref<81x128xi32, #tpu.memory_space<hbm>>
      %dma_wait3A_67 = arith.constant 0 : i32
      %dma_wait3A_68 = tpu.memref_slice %arg4[%mul3A_2, %dma_wait3A_67] : memref<2592x128xi32, #tpu.memory_space<hbm>> -> memref<81x128xi32, #tpu.memory_space<hbm>>
      tpu.wait_dma2 semaphore(%run_scoped3A : memref<!tpu.dma_semaphore, #tpu.memory_space<semaphore_mem>>) src(%dma_wait3A_68 : memref<81x128xi32, #tpu.memory_space<hbm>>) dst(%arg9 : memref<81x128xi32, #tpu.memory_space<vmem>>)
      tpu.yield
    }) : () -> ()
    "tpu.region"() ({
      %run_scoped3A = tpu.sem_alloc : memref<!tpu.dma_semaphore, #tpu.memory_space<semaphore_mem>>
      %dma_start3A_61 = arith.constant 0 : i32
      %dma_start3A_62 = tpu.memref_slice %arg5[%mul3A_2, %dma_start3A_61] : memref<2592x128xf32, #tpu.memory_space<hbm>> -> memref<81x128xf32, #tpu.memory_space<hbm>>
      %dma_start3A_63 = arith.constant 0 : i32
      %dma_start3A_64 = tpu.memref_slice %arg5[%mul3A_2, %dma_start3A_63] : memref<2592x128xf32, #tpu.memory_space<hbm>> -> memref<81x128xf32, #tpu.memory_space<hbm>>
      tpu.enqueue_dma source(%dma_start3A_64 : memref<81x128xf32, #tpu.memory_space<hbm>>) target(%arg10 : memref<81x128xf32, #tpu.memory_space<vmem>>) target_semaphore(%run_scoped3A : memref<!tpu.dma_semaphore, #tpu.memory_space<semaphore_mem>>)
      %dma_wait3A_65 = arith.constant 0 : i32
      %dma_wait3A_66 = tpu.memref_slice %arg5[%mul3A_2, %dma_wait3A_65] : memref<2592x128xf32, #tpu.memory_space<hbm>> -> memref<81x128xf32, #tpu.memory_space<hbm>>
      %dma_wait3A_67 = arith.constant 0 : i32
      %dma_wait3A_68 = tpu.memref_slice %arg5[%mul3A_2, %dma_wait3A_67] : memref<2592x128xf32, #tpu.memory_space<hbm>> -> memref<81x128xf32, #tpu.memory_space<hbm>>
      tpu.wait_dma2 semaphore(%run_scoped3A : memref<!tpu.dma_semaphore, #tpu.memory_space<semaphore_mem>>) src(%dma_wait3A_68 : memref<81x128xf32, #tpu.memory_space<hbm>>) dst(%arg10 : memref<81x128xf32, #tpu.memory_space<vmem>>)
      tpu.yield
    }) : () -> ()
    %mul3A_3 = arith.constant 625 : i32
    %mul3A_4 = arith.muli %arg1, %mul3A_3 : i32
    %mul3A_5 = arith.constant 625 : i32
    %mul3A_6 = arith.muli %arg1, %mul3A_5 : i32
    "tpu.region"() ({
      %run_scoped3A = tpu.sem_alloc : memref<!tpu.dma_semaphore, #tpu.memory_space<semaphore_mem>>
      %dma_start3A_61 = arith.constant 0 : i32
      %dma_start3A_62 = tpu.memref_slice %arg11[%mul3A_6, %dma_start3A_61] : memref<10000x48xf32, #tpu.memory_space<vmem_shared>> -> memref<625x48xf32, #tpu.memory_space<vmem_shared>>
      %dma_start3A_63 = arith.constant 0 : i32
      %dma_start3A_64 = tpu.memref_slice %arg6[%mul3A_4, %dma_start3A_63] : memref<10000x48xf32, #tpu.memory_space<hbm>> -> memref<625x48xf32, #tpu.memory_space<hbm>>
      tpu.enqueue_dma source(%dma_start3A_64 : memref<625x48xf32, #tpu.memory_space<hbm>>) target(%dma_start3A_62 : memref<625x48xf32, #tpu.memory_space<vmem_shared>>) target_semaphore(%run_scoped3A : memref<!tpu.dma_semaphore, #tpu.memory_space<semaphore_mem>>)
      %dma_wait3A_65 = arith.constant 0 : i32
      %dma_wait3A_66 = tpu.memref_slice %arg11[%mul3A_6, %dma_wait3A_65] : memref<10000x48xf32, #tpu.memory_space<vmem_shared>> -> memref<625x48xf32, #tpu.memory_space<vmem_shared>>
      %dma_wait3A_67 = arith.constant 0 : i32
      %dma_wait3A_68 = tpu.memref_slice %arg6[%mul3A_4, %dma_wait3A_67] : memref<10000x48xf32, #tpu.memory_space<hbm>> -> memref<625x48xf32, #tpu.memory_space<hbm>>
      tpu.wait_dma2 semaphore(%run_scoped3A : memref<!tpu.dma_semaphore, #tpu.memory_space<semaphore_mem>>) src(%dma_wait3A_68 : memref<625x48xf32, #tpu.memory_space<hbm>>) dst(%dma_wait3A_66 : memref<625x48xf32, #tpu.memory_space<vmem_shared>>)
      tpu.yield
    }) : () -> ()
    %mul3A_7 = arith.constant 625 : i32
    %mul3A_8 = arith.muli %arg1, %mul3A_7 : i32
    %mul3A_9 = arith.constant 625 : i32
    %mul3A_10 = arith.muli %arg1, %mul3A_9 : i32
    "tpu.region"() ({
      %run_scoped3A = tpu.sem_alloc : memref<!tpu.dma_semaphore, #tpu.memory_space<semaphore_mem>>
      %dma_start3A_61 = arith.constant 0 : i32
      %dma_start3A_62 = tpu.memref_slice %arg12[%mul3A_10, %dma_start3A_61] : memref<10000x48xf32, #tpu.memory_space<vmem_shared>> -> memref<625x48xf32, #tpu.memory_space<vmem_shared>>
      %dma_start3A_63 = arith.constant 0 : i32
      %dma_start3A_64 = tpu.memref_slice %arg2[%mul3A_8, %dma_start3A_63] : memref<10000x48xf32, #tpu.memory_space<hbm>> -> memref<625x48xf32, #tpu.memory_space<hbm>>
      tpu.enqueue_dma source(%dma_start3A_64 : memref<625x48xf32, #tpu.memory_space<hbm>>) target(%dma_start3A_62 : memref<625x48xf32, #tpu.memory_space<vmem_shared>>) target_semaphore(%run_scoped3A : memref<!tpu.dma_semaphore, #tpu.memory_space<semaphore_mem>>)
      %dma_wait3A_65 = arith.constant 0 : i32
      %dma_wait3A_66 = tpu.memref_slice %arg12[%mul3A_10, %dma_wait3A_65] : memref<10000x48xf32, #tpu.memory_space<vmem_shared>> -> memref<625x48xf32, #tpu.memory_space<vmem_shared>>
      %dma_wait3A_67 = arith.constant 0 : i32
      %dma_wait3A_68 = tpu.memref_slice %arg2[%mul3A_8, %dma_wait3A_67] : memref<10000x48xf32, #tpu.memory_space<hbm>> -> memref<625x48xf32, #tpu.memory_space<hbm>>
      tpu.wait_dma2 semaphore(%run_scoped3A : memref<!tpu.dma_semaphore, #tpu.memory_space<semaphore_mem>>) src(%dma_wait3A_68 : memref<625x48xf32, #tpu.memory_space<hbm>>) dst(%dma_wait3A_66 : memref<625x48xf32, #tpu.memory_space<vmem_shared>>)
      tpu.yield
    }) : () -> ()
    %barrier3A = arith.constant 0 : index
    tpu.barrier barrier_id(%barrier3A)
    %dma_start3A = arith.constant 0 : i32
    %dma_start3A_11 = arith.constant 0 : i32
    %dma_start3A_12 = tpu.memref_slice %arg8[%dma_start3A, %dma_start3A_11] : memref<81x128xi32, #tpu.memory_space<vmem>> -> memref<1x128xi32, #tpu.memory_space<vmem>>
    %dma_start3A_13 = tpu.memref_squeeze %dma_start3A_12 : memref<1x128xi32, #tpu.memory_space<vmem>> -> memref<128xi32, #tpu.memory_space<vmem>>
    %dma_start3A_14 = arith.constant 0 : i32
    %dma_start3A_15 = arith.constant 0 : i32
    %dma_start3A_16 = tpu.memref_slice %arg12[%dma_start3A_14, %dma_start3A_15] : memref<10000x48xf32, #tpu.memory_space<vmem_shared>> -> memref<10000x48xf32, #tpu.memory_space<vmem_shared>>
    tpu.enqueue_indirect_dma source(%dma_start3A_16 : memref<10000x48xf32, #tpu.memory_space<vmem_shared>>) target(%arg13 : memref<128x48xf32, #tpu.memory_space<vmem>>) offsets(%dma_start3A_13 : memref<128xi32, #tpu.memory_space<vmem>>) semaphore(%arg19 : memref<!tpu.dma_semaphore, #tpu.memory_space<semaphore_mem>>)
    %dma_start3A_17 = arith.constant 1 : i32
    %dma_start3A_18 = arith.constant 0 : i32
    %dma_start3A_19 = tpu.memref_slice %arg8[%dma_start3A_17, %dma_start3A_18] : memref<81x128xi32, #tpu.memory_space<vmem>> -> memref<1x128xi32, #tpu.memory_space<vmem>>
    %dma_start3A_20 = tpu.memref_squeeze %dma_start3A_19 : memref<1x128xi32, #tpu.memory_space<vmem>> -> memref<128xi32, #tpu.memory_space<vmem>>
    %dma_start3A_21 = arith.constant 0 : i32
    %dma_start3A_22 = arith.constant 0 : i32
    %dma_start3A_23 = tpu.memref_slice %arg12[%dma_start3A_21, %dma_start3A_22] : memref<10000x48xf32, #tpu.memory_space<vmem_shared>> -> memref<10000x48xf32, #tpu.memory_space<vmem_shared>>
    tpu.enqueue_indirect_dma source(%dma_start3A_23 : memref<10000x48xf32, #tpu.memory_space<vmem_shared>>) target(%arg14 : memref<128x48xf32, #tpu.memory_space<vmem>>) offsets(%dma_start3A_20 : memref<128xi32, #tpu.memory_space<vmem>>) semaphore(%arg20 : memref<!tpu.dma_semaphore, #tpu.memory_space<semaphore_mem>>)
    %dma_start3A_24 = arith.constant 2 : i32
    %dma_start3A_25 = arith.constant 0 : i32
    %dma_start3A_26 = tpu.memref_slice %arg8[%dma_start3A_24, %dma_start3A_25] : memref<81x128xi32, #tpu.memory_space<vmem>> -> memref<1x128xi32, #tpu.memory_space<vmem>>
    %dma_start3A_27 = tpu.memref_squeeze %dma_start3A_26 : memref<1x128xi32, #tpu.memory_space<vmem>> -> memref<128xi32, #tpu.memory_space<vmem>>
    %dma_start3A_28 = arith.constant 0 : i32
    %dma_start3A_29 = arith.constant 0 : i32
    %dma_start3A_30 = tpu.memref_slice %arg12[%dma_start3A_28, %dma_start3A_29] : memref<10000x48xf32, #tpu.memory_space<vmem_shared>> -> memref<10000x48xf32, #tpu.memory_space<vmem_shared>>
    tpu.enqueue_indirect_dma source(%dma_start3A_30 : memref<10000x48xf32, #tpu.memory_space<vmem_shared>>) target(%arg15 : memref<128x48xf32, #tpu.memory_space<vmem>>) offsets(%dma_start3A_27 : memref<128xi32, #tpu.memory_space<vmem>>) semaphore(%arg21 : memref<!tpu.dma_semaphore, #tpu.memory_space<semaphore_mem>>)
    %scan3A = arith.constant 0 : i32
    %scan3A_31 = arith.constant 0 : i32
    %scan3A_32 = arith.constant 27 : i32
    %scan3A_33 = arith.addi %scan3A_31, %scan3A_32 : i32
    %scan3A_34 = arith.constant 1 : i32
    scf.for %scan3A_61 = %scan3A_31 to %scan3A_33 step %scan3A_34  : i32 {
      %mul3A_62 = arith.constant 3 : i32
      %mul3A_63 = arith.muli %scan3A_61, %mul3A_62 : i32
      %add3A_64 = arith.constant 0 : i32
      %add3A_65 = arith.addi %mul3A_63, %add3A_64 : i32
      %dma_wait3A_66 = arith.constant 0 : i32
      %dma_wait3A_67 = arith.constant 0 : i32
      %dma_wait3A_68 = tpu.memref_slice %arg8[%dma_wait3A_66, %dma_wait3A_67] : memref<81x128xi32, #tpu.memory_space<vmem>> -> memref<1x128xi32, #tpu.memory_space<vmem>>
      %dma_wait3A_69 = tpu.memref_squeeze %dma_wait3A_68 : memref<1x128xi32, #tpu.memory_space<vmem>> -> memref<128xi32, #tpu.memory_space<vmem>>
      %dma_wait3A_70 = arith.constant 0 : i32
      %dma_wait3A_71 = arith.constant 0 : i32
      %dma_wait3A_72 = tpu.memref_slice %arg12[%dma_wait3A_70, %dma_wait3A_71] : memref<10000x48xf32, #tpu.memory_space<vmem_shared>> -> memref<10000x48xf32, #tpu.memory_space<vmem_shared>>
      tpu.wait_indirect_dma semaphore(%arg19 : memref<!tpu.dma_semaphore, #tpu.memory_space<semaphore_mem>>) src(%dma_wait3A_72 : memref<10000x48xf32, #tpu.memory_space<vmem_shared>>) dst(%arg13 : memref<128x48xf32, #tpu.memory_space<vmem>>)
      %gt3A = arith.constant 0 : i32
      %gt3A_73 = arith.cmpi sgt, %scan3A_61, %gt3A : i32
      %convert_element_type3A = arith.extui %gt3A_73 : i1 to i32
      %cond3A = arith.constant 0 : i32
      %cond3A_74 = arith.cmpi ne, %convert_element_type3A, %cond3A : i32
      scf.if %cond3A_74 {
        %dma_wait3A_157 = arith.constant 0 : i32
        %dma_wait3A_158 = arith.constant 0 : i32
        %dma_wait3A_159 = tpu.memref_slice %arg9[%dma_wait3A_157, %dma_wait3A_158] : memref<81x128xi32, #tpu.memory_space<vmem>> -> memref<1x128xi32, #tpu.memory_space<vmem>>
        %dma_wait3A_160 = tpu.memref_squeeze %dma_wait3A_159 : memref<1x128xi32, #tpu.memory_space<vmem>> -> memref<128xi32, #tpu.memory_space<vmem>>
        %dma_wait3A_161 = arith.constant 0 : i32
        %dma_wait3A_162 = arith.constant 0 : i32
        %dma_wait3A_163 = tpu.memref_slice %arg11[%dma_wait3A_161, %dma_wait3A_162] : memref<10000x48xf32, #tpu.memory_space<vmem_shared>> -> memref<10000x48xf32, #tpu.memory_space<vmem_shared>>
        tpu.wait_indirect_dma semaphore(%arg22 : memref<!tpu.dma_semaphore, #tpu.memory_space<semaphore_mem>>) src(%arg16 : memref<128x48xf32, #tpu.memory_space<vmem>>) dst(%dma_wait3A_163 : memref<10000x48xf32, #tpu.memory_space<vmem_shared>>)
      } else {
      }
      %scan3A_75 = arith.constant 0 : i32
      %scan3A_76 = arith.constant 0 : i32
      %scan3A_77 = arith.constant 8 : i32
      %scan3A_78 = arith.addi %scan3A_76, %scan3A_77 : i32
      %scan3A_79 = arith.constant 1 : i32
      scf.for %scan3A_157 = %scan3A_76 to %scan3A_78 step %scan3A_79  : i32 {
        %mul3A_158 = arith.constant 16 : i32
        %mul3A_159 = arith.muli %scan3A_157, %mul3A_158 : i32
        %get3A = arith.index_cast %add3A_65 : i32 to index
        %get3A_160 = arith.index_cast %mul3A_159 : i32 to index
        %get3A_161 = tpu.vector_load %arg10[%get3A, %get3A_160] {strides = array<i32>} : memref<81x128xf32, #tpu.memory_space<vmem>>, vector<1x16xf32>,
        %get3A_162 = vector.shape_cast %get3A_161 : vector<1x16xf32> to vector<16xf32>
        %mul3A_163 = arith.constant 16 : i32
        %mul3A_164 = arith.muli %scan3A_157, %mul3A_163 : i32
        %add3A_165 = arith.constant 0 : i32
        %add3A_166 = arith.addi %mul3A_164, %add3A_165 : i32
        %slice3A = vector.extract_strided_slice %get3A_162 {offsets = [0], sizes = [1], strides = [1]} : vector<16xf32> to vector<1xf32>
        %squeeze3A = vector.extract %slice3A[0] : f32 from vector<1xf32>
        %get3A_167 = arith.index_cast %add3A_166 : i32 to index
        %get3A_168 = arith.constant 0 : index
        %get3A_169 = tpu.vector_load %arg13[%get3A_167, %get3A_168] {strides = array<i32>} : memref<128x48xf32, #tpu.memory_space<vmem>>, vector<1x16xf32>,
        %get3A_170 = vector.shape_cast %get3A_169 : vector<1x16xf32> to vector<16xf32>
        %mul3A_171 = vector.broadcast %squeeze3A : f32 to vector<16xf32>
        %mul3A_172 = arith.mulf %get3A_170, %mul3A_171 : vector<16xf32>
        %swap3A = arith.index_cast %add3A_166 : i32 to index
        %swap3A_173 = arith.constant 0 : index
        %swap3A_174 = tpu.vector_load %arg16[%swap3A, %swap3A_173] {strides = array<i32>} : memref<128x48xf32, #tpu.memory_space<vmem>>, vector<1x16xf32>,
        %swap3A_175 = vector.shape_cast %swap3A_174 : vector<1x16xf32> to vector<16xf32>
        %swap3A_176 = vector.shape_cast %mul3A_172 : vector<16xf32> to vector<1x16xf32>
        tpu.vector_store %arg16[%swap3A, %swap3A_173], %swap3A_176 {strides = array<i32>} : memref<128x48xf32, #tpu.memory_space<vmem>>, vector<1x16xf32>,
        %get3A_177 = arith.index_cast %add3A_166 : i32 to index
        %get3A_178 = arith.constant 16 : index
        %get3A_179 = tpu.vector_load %arg13[%get3A_177, %get3A_178] {strides = array<i32>} : memref<128x48xf32, #tpu.memory_space<vmem>>, vector<1x16xf32>,
        %get3A_180 = vector.shape_cast %get3A_179 : vector<1x16xf32> to vector<16xf32>
        %mul3A_181 = vector.broadcast %squeeze3A : f32 to vector<16xf32>
        %mul3A_182 = arith.mulf %get3A_180, %mul3A_181 : vector<16xf32>
        %swap3A_183 = arith.index_cast %add3A_166 : i32 to index
        %swap3A_184 = arith.constant 16 : index
        %swap3A_185 = tpu.vector_load %arg16[%swap3A_183, %swap3A_184] {strides = array<i32>} : memref<128x48xf32, #tpu.memory_space<vmem>>, vector<1x16xf32>,
        %swap3A_186 = vector.shape_cast %swap3A_185 : vector<1x16xf32> to vector<16xf32>
        %swap3A_187 = vector.shape_cast %mul3A_182 : vector<16xf32> to vector<1x16xf32>
        tpu.vector_store %arg16[%swap3A_183, %swap3A_184], %swap3A_187 {strides = array<i32>} : memref<128x48xf32, #tpu.memory_space<vmem>>, vector<1x16xf32>,
        %get3A_188 = arith.index_cast %add3A_166 : i32 to index
        %get3A_189 = arith.constant 32 : index
        %get3A_190 = tpu.vector_load %arg13[%get3A_188, %get3A_189] {strides = array<i32>} : memref<128x48xf32, #tpu.memory_space<vmem>>, vector<1x16xf32>,
        %get3A_191 = vector.shape_cast %get3A_190 : vector<1x16xf32> to vector<16xf32>
        %mul3A_192 = vector.broadcast %squeeze3A : f32 to vector<16xf32>
        %mul3A_193 = arith.mulf %get3A_191, %mul3A_192 : vector<16xf32>
        %swap3A_194 = arith.index_cast %add3A_166 : i32 to index
        %swap3A_195 = arith.constant 32 : index
        %swap3A_196 = tpu.vector_load %arg16[%swap3A_194, %swap3A_195] {strides = array<i32>} : memref<128x48xf32, #tpu.memory_space<vmem>>, vector<1x16xf32>,
        %swap3A_197 = vector.shape_cast %swap3A_196 : vector<1x16xf32> to vector<16xf32>
        %swap3A_198 = vector.shape_cast %mul3A_193 : vector<16xf32> to vector<1x16xf32>
        tpu.vector_store %arg16[%swap3A_194, %swap3A_195], %swap3A_198 {strides = array<i32>} : memref<128x48xf32, #tpu.memory_space<vmem>>, vector<1x16xf32>,
        %mul3A_199 = arith.constant 16 : i32
        %mul3A_200 = arith.muli %scan3A_157, %mul3A_199 : i32
        %add3A_201 = arith.constant 1 : i32
        %add3A_202 = arith.addi %mul3A_200, %add3A_201 : i32
        %slice3A_203 = vector.extract_strided_slice %get3A_162 {offsets = [1], sizes = [1], strides = [1]} : vector<16xf32> to vector<1xf32>
        %squeeze3A_204 = vector.extract %slice3A_203[0] : f32 from vector<1xf32>
        %get3A_205 = arith.index_cast %add3A_202 : i32 to index
        %get3A_206 = arith.constant 0 : index
        %get3A_207 = tpu.vector_load %arg13[%get3A_205, %get3A_206] {strides = array<i32>} : memref<128x48xf32, #tpu.memory_space<vmem>>, vector<1x16xf32>,
        %get3A_208 = vector.shape_cast %get3A_207 : vector<1x16xf32> to vector<16xf32>
        %mul3A_209 = vector.broadcast %squeeze3A_204 : f32 to vector<16xf32>
        %mul3A_210 = arith.mulf %get3A_208, %mul3A_209 : vector<16xf32>
        %swap3A_211 = arith.index_cast %add3A_202 : i32 to index
        %swap3A_212 = arith.constant 0 : index
        %swap3A_213 = tpu.vector_load %arg16[%swap3A_211, %swap3A_212] {strides = array<i32>} : memref<128x48xf32, #tpu.memory_space<vmem>>, vector<1x16xf32>,
        %swap3A_214 = vector.shape_cast %swap3A_213 : vector<1x16xf32> to vector<16xf32>
        %swap3A_215 = vector.shape_cast %mul3A_210 : vector<16xf32> to vector<1x16xf32>
        tpu.vector_store %arg16[%swap3A_211, %swap3A_212], %swap3A_215 {strides = array<i32>} : memref<128x48xf32, #tpu.memory_space<vmem>>, vector<1x16xf32>,
        %get3A_216 = arith.index_cast %add3A_202 : i32 to index
        %get3A_217 = arith.constant 16 : index
        %get3A_218 = tpu.vector_load %arg13[%get3A_216, %get3A_217] {strides = array<i32>} : memref<128x48xf32, #tpu.memory_space<vmem>>, vector<1x16xf32>,
        %get3A_219 = vector.shape_cast %get3A_218 : vector<1x16xf32> to vector<16xf32>
        %mul3A_220 = vector.broadcast %squeeze3A_204 : f32 to vector<16xf32>
        %mul3A_221 = arith.mulf %get3A_219, %mul3A_220 : vector<16xf32>
        %swap3A_222 = arith.index_cast %add3A_202 : i32 to index
        %swap3A_223 = arith.constant 16 : index
        %swap3A_224 = tpu.vector_load %arg16[%swap3A_222, %swap3A_223] {strides = array<i32>} : memref<128x48xf32, #tpu.memory_space<vmem>>, vector<1x16xf32>,
        %swap3A_225 = vector.shape_cast %swap3A_224 : vector<1x16xf32> to vector<16xf32>
        %swap3A_226 = vector.shape_cast %mul3A_221 : vector<16xf32> to vector<1x16xf32>
        tpu.vector_store %arg16[%swap3A_222, %swap3A_223], %swap3A_226 {strides = array<i32>} : memref<128x48xf32, #tpu.memory_space<vmem>>, vector<1x16xf32>,
        %get3A_227 = arith.index_cast %add3A_202 : i32 to index
        %get3A_228 = arith.constant 32 : index
        %get3A_229 = tpu.vector_load %arg13[%get3A_227, %get3A_228] {strides = array<i32>} : memref<128x48xf32, #tpu.memory_space<vmem>>, vector<1x16xf32>,
        %get3A_230 = vector.shape_cast %get3A_229 : vector<1x16xf32> to vector<16xf32>
        %mul3A_231 = vector.broadcast %squeeze3A_204 : f32 to vector<16xf32>
        %mul3A_232 = arith.mulf %get3A_230, %mul3A_231 : vector<16xf32>
        %swap3A_233 = arith.index_cast %add3A_202 : i32 to index
        %swap3A_234 = arith.constant 32 : index
        %swap3A_235 = tpu.vector_load %arg16[%swap3A_233, %swap3A_234] {strides = array<i32>} : memref<128x48xf32, #tpu.memory_space<vmem>>, vector<1x16xf32>,
        %swap3A_236 = vector.shape_cast %swap3A_235 : vector<1x16xf32> to vector<16xf32>
        %swap3A_237 = vector.shape_cast %mul3A_232 : vector<16xf32> to vector<1x16xf32>
        tpu.vector_store %arg16[%swap3A_233, %swap3A_234], %swap3A_237 {strides = array<i32>} : memref<128x48xf32, #tpu.memory_space<vmem>>, vector<1x16xf32>,
        %mul3A_238 = arith.constant 16 : i32
        %mul3A_239 = arith.muli %scan3A_157, %mul3A_238 : i32
        %add3A_240 = arith.constant 2 : i32
        %add3A_241 = arith.addi %mul3A_239, %add3A_240 : i32
        %slice3A_242 = vector.extract_strided_slice %get3A_162 {offsets = [2], sizes = [1], strides = [1]} : vector<16xf32> to vector<1xf32>
        %squeeze3A_243 = vector.extract %slice3A_242[0] : f32 from vector<1xf32>
        %get3A_244 = arith.index_cast %add3A_241 : i32 to index
        %get3A_245 = arith.constant 0 : index
        %get3A_246 = tpu.vector_load %arg13[%get3A_244, %get3A_245] {strides = array<i32>} : memref<128x48xf32, #tpu.memory_space<vmem>>, vector<1x16xf32>,
        %get3A_247 = vector.shape_cast %get3A_246 : vector<1x16xf32> to vector<16xf32>
        %mul3A_248 = vector.broadcast %squeeze3A_243 : f32 to vector<16xf32>
        %mul3A_249 = arith.mulf %get3A_247, %mul3A_248 : vector<16xf32>
        %swap3A_250 = arith.index_cast %add3A_241 : i32 to index
        %swap3A_251 = arith.constant 0 : index
        %swap3A_252 = tpu.vector_load %arg16[%swap3A_250, %swap3A_251] {strides = array<i32>} : memref<128x48xf32, #tpu.memory_space<vmem>>, vector<1x16xf32>,
        %swap3A_253 = vector.shape_cast %swap3A_252 : vector<1x16xf32> to vector<16xf32>
        %swap3A_254 = vector.shape_cast %mul3A_249 : vector<16xf32> to vector<1x16xf32>
        tpu.vector_store %arg16[%swap3A_250, %swap3A_251], %swap3A_254 {strides = array<i32>} : memref<128x48xf32, #tpu.memory_space<vmem>>, vector<1x16xf32>,
        %get3A_255 = arith.index_cast %add3A_241 : i32 to index
        %get3A_256 = arith.constant 16 : index
        %get3A_257 = tpu.vector_load %arg13[%get3A_255, %get3A_256] {strides = array<i32>} : memref<128x48xf32, #tpu.memory_space<vmem>>, vector<1x16xf32>,
        %get3A_258 = vector.shape_cast %get3A_257 : vector<1x16xf32> to vector<16xf32>
        %mul3A_259 = vector.broadcast %squeeze3A_243 : f32 to vector<16xf32>
        %mul3A_260 = arith.mulf %get3A_258, %mul3A_259 : vector<16xf32>
        %swap3A_261 = arith.index_cast %add3A_241 : i32 to index
        %swap3A_262 = arith.constant 16 : index
        %swap3A_263 = tpu.vector_load %arg16[%swap3A_261, %swap3A_262] {strides = array<i32>} : memref<128x48xf32, #tpu.memory_space<vmem>>, vector<1x16xf32>,
        %swap3A_264 = vector.shape_cast %swap3A_263 : vector<1x16xf32> to vector<16xf32>
        %swap3A_265 = vector.shape_cast %mul3A_260 : vector<16xf32> to vector<1x16xf32>
        tpu.vector_store %arg16[%swap3A_261, %swap3A_262], %swap3A_265 {strides = array<i32>} : memref<128x48xf32, #tpu.memory_space<vmem>>, vector<1x16xf32>,
        %get3A_266 = arith.index_cast %add3A_241 : i32 to index
        %get3A_267 = arith.constant 32 : index
        %get3A_268 = tpu.vector_load %arg13[%get3A_266, %get3A_267] {strides = array<i32>} : memref<128x48xf32, #tpu.memory_space<vmem>>, vector<1x16xf32>,
        %get3A_269 = vector.shape_cast %get3A_268 : vector<1x16xf32> to vector<16xf32>
        %mul3A_270 = vector.broadcast %squeeze3A_243 : f32 to vector<16xf32>
        %mul3A_271 = arith.mulf %get3A_269, %mul3A_270 : vector<16xf32>
        %swap3A_272 = arith.index_cast %add3A_241 : i32 to index
        %swap3A_273 = arith.constant 32 : index
        %swap3A_274 = tpu.vector_load %arg16[%swap3A_272, %swap3A_273] {strides = array<i32>} : memref<128x48xf32, #tpu.memory_space<vmem>>, vector<1x16xf32>,
        %swap3A_275 = vector.shape_cast %swap3A_274 : vector<1x16xf32> to vector<16xf32>
        %swap3A_276 = vector.shape_cast %mul3A_271 : vector<16xf32> to vector<1x16xf32>
        tpu.vector_store %arg16[%swap3A_272, %swap3A_273], %swap3A_276 {strides = array<i32>} : memref<128x48xf32, #tpu.memory_space<vmem>>, vector<1x16xf32>,
        %mul3A_277 = arith.constant 16 : i32
        %mul3A_278 = arith.muli %scan3A_157, %mul3A_277 : i32
        %add3A_279 = arith.constant 3 : i32
        %add3A_280 = arith.addi %mul3A_278, %add3A_279 : i32
        %slice3A_281 = vector.extract_strided_slice %get3A_162 {offsets = [3], sizes = [1], strides = [1]} : vector<16xf32> to vector<1xf32>
        %squeeze3A_282 = vector.extract %slice3A_281[0] : f32 from vector<1xf32>
        %get3A_283 = arith.index_cast %add3A_280 : i32 to index
        %get3A_284 = arith.constant 0 : index
        %get3A_285 = tpu.vector_load %arg13[%get3A_283, %get3A_284] {strides = array<i32>} : memref<128x48xf32, #tpu.memory_space<vmem>>, vector<1x16xf32>,
        %get3A_286 = vector.shape_cast %get3A_285 : vector<1x16xf32> to vector<16xf32>
        %mul3A_287 = vector.broadcast %squeeze3A_282 : f32 to vector<16xf32>
        %mul3A_288 = arith.mulf %get3A_286, %mul3A_287 : vector<16xf32>
        %swap3A_289 = arith.index_cast %add3A_280 : i32 to index
        %swap3A_290 = arith.constant 0 : index
        %swap3A_291 = tpu.vector_load %arg16[%swap3A_289, %swap3A_290] {strides = array<i32>} : memref<128x48xf32, #tpu.memory_space<vmem>>, vector<1x16xf32>,
        %swap3A_292 = vector.shape_cast %swap3A_291 : vector<1x16xf32> to vector<16xf32>
        %swap3A_293 = vector.shape_cast %mul3A_288 : vector<16xf32> to vector<1x16xf32>
        tpu.vector_store %arg16[%swap3A_289, %swap3A_290], %swap3A_293 {strides = array<i32>} : memref<128x48xf32, #tpu.memory_space<vmem>>, vector<1x16xf32>,
        %get3A_294 = arith.index_cast %add3A_280 : i32 to index
        %get3A_295 = arith.constant 16 : index
        %get3A_296 = tpu.vector_load %arg13[%get3A_294, %get3A_295] {strides = array<i32>} : memref<128x48xf32, #tpu.memory_space<vmem>>, vector<1x16xf32>,
        %get3A_297 = vector.shape_cast %get3A_296 : vector<1x16xf32> to vector<16xf32>
        %mul3A_298 = vector.broadcast %squeeze3A_282 : f32 to vector<16xf32>
        %mul3A_299 = arith.mulf %get3A_297, %mul3A_298 : vector<16xf32>
        %swap3A_300 = arith.index_cast %add3A_280 : i32 to index
        %swap3A_301 = arith.constant 16 : index
        %swap3A_302 = tpu.vector_load %arg16[%swap3A_300, %swap3A_301] {strides = array<i32>} : memref<128x48xf32, #tpu.memory_space<vmem>>, vector<1x16xf32>,
        %swap3A_303 = vector.shape_cast %swap3A_302 : vector<1x16xf32> to vector<16xf32>
        %swap3A_304 = vector.shape_cast %mul3A_299 : vector<16xf32> to vector<1x16xf32>
        tpu.vector_store %arg16[%swap3A_300, %swap3A_301], %swap3A_304 {strides = array<i32>} : memref<128x48xf32, #tpu.memory_space<vmem>>, vector<1x16xf32>,
        %get3A_305 = arith.index_cast %add3A_280 : i32 to index
        %get3A_306 = arith.constant 32 : index
        %get3A_307 = tpu.vector_load %arg13[%get3A_305, %get3A_306] {strides = array<i32>} : memref<128x48xf32, #tpu.memory_space<vmem>>, vector<1x16xf32>,
        %get3A_308 = vector.shape_cast %get3A_307 : vector<1x16xf32> to vector<16xf32>
        %mul3A_309 = vector.broadcast %squeeze3A_282 : f32 to vector<16xf32>
        %mul3A_310 = arith.mulf %get3A_308, %mul3A_309 : vector<16xf32>
        %swap3A_311 = arith.index_cast %add3A_280 : i32 to index
        %swap3A_312 = arith.constant 32 : index
        %swap3A_313 = tpu.vector_load %arg16[%swap3A_311, %swap3A_312] {strides = array<i32>} : memref<128x48xf32, #tpu.memory_space<vmem>>, vector<1x16xf32>,
        %swap3A_314 = vector.shape_cast %swap3A_313 : vector<1x16xf32> to vector<16xf32>
        %swap3A_315 = vector.shape_cast %mul3A_310 : vector<16xf32> to vector<1x16xf32>
        tpu.vector_store %arg16[%swap3A_311, %swap3A_312], %swap3A_315 {strides = array<i32>} : memref<128x48xf32, #tpu.memory_space<vmem>>, vector<1x16xf32>,
        %mul3A_316 = arith.constant 16 : i32
        %mul3A_317 = arith.muli %scan3A_157, %mul3A_316 : i32
        %add3A_318 = arith.constant 4 : i32
        %add3A_319 = arith.addi %mul3A_317, %add3A_318 : i32
        %slice3A_320 = vector.extract_strided_slice %get3A_162 {offsets = [4], sizes = [1], strides = [1]} : vector<16xf32> to vector<1xf32>
        %squeeze3A_321 = vector.extract %slice3A_320[0] : f32 from vector<1xf32>
        %get3A_322 = arith.index_cast %add3A_319 : i32 to index
        %get3A_323 = arith.constant 0 : index
        %get3A_324 = tpu.vector_load %arg13[%get3A_322, %get3A_323] {strides = array<i32>} : memref<128x48xf32, #tpu.memory_space<vmem>>, vector<1x16xf32>,
        %get3A_325 = vector.shape_cast %get3A_324 : vector<1x16xf32> to vector<16xf32>
        %mul3A_326 = vector.broadcast %squeeze3A_321 : f32 to vector<16xf32>
        %mul3A_327 = arith.mulf %get3A_325, %mul3A_326 : vector<16xf32>
        %swap3A_328 = arith.index_cast %add3A_319 : i32 to index
        %swap3A_329 = arith.constant 0 : index
        %swap3A_330 = tpu.vector_load %arg16[%swap3A_328, %swap3A_329] {strides = array<i32>} : memref<128x48xf32, #tpu.memory_space<vmem>>, vector<1x16xf32>,
        %swap3A_331 = vector.shape_cast %swap3A_330 : vector<1x16xf32> to vector<16xf32>
        %swap3A_332 = vector.shape_cast %mul3A_327 : vector<16xf32> to vector<1x16xf32>
        tpu.vector_store %arg16[%swap3A_328, %swap3A_329], %swap3A_332 {strides = array<i32>} : memref<128x48xf32, #tpu.memory_space<vmem>>, vector<1x16xf32>,
        %get3A_333 = arith.index_cast %add3A_319 : i32 to index
        %get3A_334 = arith.constant 16 : index
        %get3A_335 = tpu.vector_load %arg13[%get3A_333, %get3A_334] {strides = array<i32>} : memref<128x48xf32, #tpu.memory_space<vmem>>, vector<1x16xf32>,
        %get3A_336 = vector.shape_cast %get3A_335 : vector<1x16xf32> to vector<16xf32>
        %mul3A_337 = vector.broadcast %squeeze3A_321 : f32 to vector<16xf32>
        %mul3A_338 = arith.mulf %get3A_336, %mul3A_337 : vector<16xf32>
        %swap3A_339 = arith.index_cast %add3A_319 : i32 to index
        %swap3A_340 = arith.constant 16 : index
        %swap3A_341 = tpu.vector_load %arg16[%swap3A_339, %swap3A_340] {strides = array<i32>} : memref<128x48xf32, #tpu.memory_space<vmem>>, vector<1x16xf32>,
        %swap3A_342 = vector.shape_cast %swap3A_341 : vector<1x16xf32> to vector<16xf32>
        %swap3A_343 = vector.shape_cast %mul3A_338 : vector<16xf32> to vector<1x16xf32>
        tpu.vector_store %arg16[%swap3A_339, %swap3A_340], %swap3A_343 {strides = array<i32>} : memref<128x48xf32, #tpu.memory_space<vmem>>, vector<1x16xf32>,
        %get3A_344 = arith.index_cast %add3A_319 : i32 to index
        %get3A_345 = arith.constant 32 : index
        %get3A_346 = tpu.vector_load %arg13[%get3A_344, %get3A_345] {strides = array<i32>} : memref<128x48xf32, #tpu.memory_space<vmem>>, vector<1x16xf32>,
        %get3A_347 = vector.shape_cast %get3A_346 : vector<1x16xf32> to vector<16xf32>
        %mul3A_348 = vector.broadcast %squeeze3A_321 : f32 to vector<16xf32>
        %mul3A_349 = arith.mulf %get3A_347, %mul3A_348 : vector<16xf32>
        %swap3A_350 = arith.index_cast %add3A_319 : i32 to index
        %swap3A_351 = arith.constant 32 : index
        %swap3A_352 = tpu.vector_load %arg16[%swap3A_350, %swap3A_351] {strides = array<i32>} : memref<128x48xf32, #tpu.memory_space<vmem>>, vector<1x16xf32>,
        %swap3A_353 = vector.shape_cast %swap3A_352 : vector<1x16xf32> to vector<16xf32>
        %swap3A_354 = vector.shape_cast %mul3A_349 : vector<16xf32> to vector<1x16xf32>
        tpu.vector_store %arg16[%swap3A_350, %swap3A_351], %swap3A_354 {strides = array<i32>} : memref<128x48xf32, #tpu.memory_space<vmem>>, vector<1x16xf32>,
        %mul3A_355 = arith.constant 16 : i32
        %mul3A_356 = arith.muli %scan3A_157, %mul3A_355 : i32
        %add3A_357 = arith.constant 5 : i32
        %add3A_358 = arith.addi %mul3A_356, %add3A_357 : i32
        %slice3A_359 = vector.extract_strided_slice %get3A_162 {offsets = [5], sizes = [1], strides = [1]} : vector<16xf32> to vector<1xf32>
        %squeeze3A_360 = vector.extract %slice3A_359[0] : f32 from vector<1xf32>
        %get3A_361 = arith.index_cast %add3A_358 : i32 to index
        %get3A_362 = arith.constant 0 : index
        %get3A_363 = tpu.vector_load %arg13[%get3A_361, %get3A_362] {strides = array<i32>} : memref<128x48xf32, #tpu.memory_space<vmem>>, vector<1x16xf32>,
        %get3A_364 = vector.shape_cast %get3A_363 : vector<1x16xf32> to vector<16xf32>
        %mul3A_365 = vector.broadcast %squeeze3A_360 : f32 to vector<16xf32>
        %mul3A_366 = arith.mulf %get3A_364, %mul3A_365 : vector<16xf32>
        %swap3A_367 = arith.index_cast %add3A_358 : i32 to index
        %swap3A_368 = arith.constant 0 : index
        %swap3A_369 = tpu.vector_load %arg16[%swap3A_367, %swap3A_368] {strides = array<i32>} : memref<128x48xf32, #tpu.memory_space<vmem>>, vector<1x16xf32>,
        %swap3A_370 = vector.shape_cast %swap3A_369 : vector<1x16xf32> to vector<16xf32>
        %swap3A_371 = vector.shape_cast %mul3A_366 : vector<16xf32> to vector<1x16xf32>
        tpu.vector_store %arg16[%swap3A_367, %swap3A_368], %swap3A_371 {strides = array<i32>} : memref<128x48xf32, #tpu.memory_space<vmem>>, vector<1x16xf32>,
        %get3A_372 = arith.index_cast %add3A_358 : i32 to index
        %get3A_373 = arith.constant 16 : index
        %get3A_374 = tpu.vector_load %arg13[%get3A_372, %get3A_373] {strides = array<i32>} : memref<128x48xf32, #tpu.memory_space<vmem>>, vector<1x16xf32>,
        %get3A_375 = vector.shape_cast %get3A_374 : vector<1x16xf32> to vector<16xf32>
        %mul3A_376 = vector.broadcast %squeeze3A_360 : f32 to vector<16xf32>
        %mul3A_377 = arith.mulf %get3A_375, %mul3A_376 : vector<16xf32>
        %swap3A_378 = arith.index_cast %add3A_358 : i32 to index
        %swap3A_379 = arith.constant 16 : index
        %swap3A_380 = tpu.vector_load %arg16[%swap3A_378, %swap3A_379] {strides = array<i32>} : memref<128x48xf32, #tpu.memory_space<vmem>>, vector<1x16xf32>,
        %swap3A_381 = vector.shape_cast %swap3A_380 : vector<1x16xf32> to vector<16xf32>
        %swap3A_382 = vector.shape_cast %mul3A_377 : vector<16xf32> to vector<1x16xf32>
        tpu.vector_store %arg16[%swap3A_378, %swap3A_379], %swap3A_382 {strides = array<i32>} : memref<128x48xf32, #tpu.memory_space<vmem>>, vector<1x16xf32>,
        %get3A_383 = arith.index_cast %add3A_358 : i32 to index
        %get3A_384 = arith.constant 32 : index
        %get3A_385 = tpu.vector_load %arg13[%get3A_383, %get3A_384] {strides = array<i32>} : memref<128x48xf32, #tpu.memory_space<vmem>>, vector<1x16xf32>,
        %get3A_386 = vector.shape_cast %get3A_385 : vector<1x16xf32> to vector<16xf32>
        %mul3A_387 = vector.broadcast %squeeze3A_360 : f32 to vector<16xf32>
        %mul3A_388 = arith.mulf %get3A_386, %mul3A_387 : vector<16xf32>
        %swap3A_389 = arith.index_cast %add3A_358 : i32 to index
        %swap3A_390 = arith.constant 32 : index
        %swap3A_391 = tpu.vector_load %arg16[%swap3A_389, %swap3A_390] {strides = array<i32>} : memref<128x48xf32, #tpu.memory_space<vmem>>, vector<1x16xf32>,
        %swap3A_392 = vector.shape_cast %swap3A_391 : vector<1x16xf32> to vector<16xf32>
        %swap3A_393 = vector.shape_cast %mul3A_388 : vector<16xf32> to vector<1x16xf32>
        tpu.vector_store %arg16[%swap3A_389, %swap3A_390], %swap3A_393 {strides = array<i32>} : memref<128x48xf32, #tpu.memory_space<vmem>>, vector<1x16xf32>,
        %mul3A_394 = arith.constant 16 : i32
        %mul3A_395 = arith.muli %scan3A_157, %mul3A_394 : i32
        %add3A_396 = arith.constant 6 : i32
        %add3A_397 = arith.addi %mul3A_395, %add3A_396 : i32
        %slice3A_398 = vector.extract_strided_slice %get3A_162 {offsets = [6], sizes = [1], strides = [1]} : vector<16xf32> to vector<1xf32>
        %squeeze3A_399 = vector.extract %slice3A_398[0] : f32 from vector<1xf32>
        %get3A_400 = arith.index_cast %add3A_397 : i32 to index
        %get3A_401 = arith.constant 0 : index
        %get3A_402 = tpu.vector_load %arg13[%get3A_400, %get3A_401] {strides = array<i32>} : memref<128x48xf32, #tpu.memory_space<vmem>>, vector<1x16xf32>,
        %get3A_403 = vector.shape_cast %get3A_402 : vector<1x16xf32> to vector<16xf32>
        %mul3A_404 = vector.broadcast %squeeze3A_399 : f32 to vector<16xf32>
        %mul3A_405 = arith.mulf %get3A_403, %mul3A_404 : vector<16xf32>
        %swap3A_406 = arith.index_cast %add3A_397 : i32 to index
        %swap3A_407 = arith.constant 0 : index
        %swap3A_408 = tpu.vector_load %arg16[%swap3A_406, %swap3A_407] {strides = array<i32>} : memref<128x48xf32, #tpu.memory_space<vmem>>, vector<1x16xf32>,
        %swap3A_409 = vector.shape_cast %swap3A_408 : vector<1x16xf32> to vector<16xf32>
        %swap3A_410 = vector.shape_cast %mul3A_405 : vector<16xf32> to vector<1x16xf32>
        tpu.vector_store %arg16[%swap3A_406, %swap3A_407], %swap3A_410 {strides = array<i32>} : memref<128x48xf32, #tpu.memory_space<vmem>>, vector<1x16xf32>,
        %get3A_411 = arith.index_cast %add3A_397 : i32 to index
        %get3A_412 = arith.constant 16 : index
        %get3A_413 = tpu.vector_load %arg13[%get3A_411, %get3A_412] {strides = array<i32>} : memref<128x48xf32, #tpu.memory_space<vmem>>, vector<1x16xf32>,
        %get3A_414 = vector.shape_cast %get3A_413 : vector<1x16xf32> to vector<16xf32>
        %mul3A_415 = vector.broadcast %squeeze3A_399 : f32 to vector<16xf32>
        %mul3A_416 = arith.mulf %get3A_414, %mul3A_415 : vector<16xf32>
        %swap3A_417 = arith.index_cast %add3A_397 : i32 to index
        %swap3A_418 = arith.constant 16 : index
        %swap3A_419 = tpu.vector_load %arg16[%swap3A_417, %swap3A_418] {strides = array<i32>} : memref<128x48xf32, #tpu.memory_space<vmem>>, vector<1x16xf32>,
        %swap3A_420 = vector.shape_cast %swap3A_419 : vector<1x16xf32> to vector<16xf32>
        %swap3A_421 = vector.shape_cast %mul3A_416 : vector<16xf32> to vector<1x16xf32>
        tpu.vector_store %arg16[%swap3A_417, %swap3A_418], %swap3A_421 {strides = array<i32>} : memref<128x48xf32, #tpu.memory_space<vmem>>, vector<1x16xf32>,
        %get3A_422 = arith.index_cast %add3A_397 : i32 to index
        %get3A_423 = arith.constant 32 : index
        %get3A_424 = tpu.vector_load %arg13[%get3A_422, %get3A_423] {strides = array<i32>} : memref<128x48xf32, #tpu.memory_space<vmem>>, vector<1x16xf32>,
        %get3A_425 = vector.shape_cast %get3A_424 : vector<1x16xf32> to vector<16xf32>
        %mul3A_426 = vector.broadcast %squeeze3A_399 : f32 to vector<16xf32>
        %mul3A_427 = arith.mulf %get3A_425, %mul3A_426 : vector<16xf32>
        %swap3A_428 = arith.index_cast %add3A_397 : i32 to index
        %swap3A_429 = arith.constant 32 : index
        %swap3A_430 = tpu.vector_load %arg16[%swap3A_428, %swap3A_429] {strides = array<i32>} : memref<128x48xf32, #tpu.memory_space<vmem>>, vector<1x16xf32>,
        %swap3A_431 = vector.shape_cast %swap3A_430 : vector<1x16xf32> to vector<16xf32>
        %swap3A_432 = vector.shape_cast %mul3A_427 : vector<16xf32> to vector<1x16xf32>
        tpu.vector_store %arg16[%swap3A_428, %swap3A_429], %swap3A_432 {strides = array<i32>} : memref<128x48xf32, #tpu.memory_space<vmem>>, vector<1x16xf32>,
        %mul3A_433 = arith.constant 16 : i32
        %mul3A_434 = arith.muli %scan3A_157, %mul3A_433 : i32
        %add3A_435 = arith.constant 7 : i32
        %add3A_436 = arith.addi %mul3A_434, %add3A_435 : i32
        %slice3A_437 = vector.extract_strided_slice %get3A_162 {offsets = [7], sizes = [1], strides = [1]} : vector<16xf32> to vector<1xf32>
        %squeeze3A_438 = vector.extract %slice3A_437[0] : f32 from vector<1xf32>
        %get3A_439 = arith.index_cast %add3A_436 : i32 to index
        %get3A_440 = arith.constant 0 : index
        %get3A_441 = tpu.vector_load %arg13[%get3A_439, %get3A_440] {strides = array<i32>} : memref<128x48xf32, #tpu.memory_space<vmem>>, vector<1x16xf32>,
        %get3A_442 = vector.shape_cast %get3A_441 : vector<1x16xf32> to vector<16xf32>
        %mul3A_443 = vector.broadcast %squeeze3A_438 : f32 to vector<16xf32>
        %mul3A_444 = arith.mulf %get3A_442, %mul3A_443 : vector<16xf32>
        %swap3A_445 = arith.index_cast %add3A_436 : i32 to index
        %swap3A_446 = arith.constant 0 : index
        %swap3A_447 = tpu.vector_load %arg16[%swap3A_445, %swap3A_446] {strides = array<i32>} : memref<128x48xf32, #tpu.memory_space<vmem>>, vector<1x16xf32>,
        %swap3A_448 = vector.shape_cast %swap3A_447 : vector<1x16xf32> to vector<16xf32>
        %swap3A_449 = vector.shape_cast %mul3A_444 : vector<16xf32> to vector<1x16xf32>
        tpu.vector_store %arg16[%swap3A_445, %swap3A_446], %swap3A_449 {strides = array<i32>} : memref<128x48xf32, #tpu.memory_space<vmem>>, vector<1x16xf32>,
        %get3A_450 = arith.index_cast %add3A_436 : i32 to index
        %get3A_451 = arith.constant 16 : index
        %get3A_452 = tpu.vector_load %arg13[%get3A_450, %get3A_451] {strides = array<i32>} : memref<128x48xf32, #tpu.memory_space<vmem>>, vector<1x16xf32>,
        %get3A_453 = vector.shape_cast %get3A_452 : vector<1x16xf32> to vector<16xf32>
        %mul3A_454 = vector.broadcast %squeeze3A_438 : f32 to vector<16xf32>
        %mul3A_455 = arith.mulf %get3A_453, %mul3A_454 : vector<16xf32>
        %swap3A_456 = arith.index_cast %add3A_436 : i32 to index
        %swap3A_457 = arith.constant 16 : index
        %swap3A_458 = tpu.vector_load %arg16[%swap3A_456, %swap3A_457] {strides = array<i32>} : memref<128x48xf32, #tpu.memory_space<vmem>>, vector<1x16xf32>,
        %swap3A_459 = vector.shape_cast %swap3A_458 : vector<1x16xf32> to vector<16xf32>
        %swap3A_460 = vector.shape_cast %mul3A_455 : vector<16xf32> to vector<1x16xf32>
        tpu.vector_store %arg16[%swap3A_456, %swap3A_457], %swap3A_460 {strides = array<i32>} : memref<128x48xf32, #tpu.memory_space<vmem>>, vector<1x16xf32>,
        %get3A_461 = arith.index_cast %add3A_436 : i32 to index
        %get3A_462 = arith.constant 32 : index
        %get3A_463 = tpu.vector_load %arg13[%get3A_461, %get3A_462] {strides = array<i32>} : memref<128x48xf32, #tpu.memory_space<vmem>>, vector<1x16xf32>,
        %get3A_464 = vector.shape_cast %get3A_463 : vector<1x16xf32> to vector<16xf32>
        %mul3A_465 = vector.broadcast %squeeze3A_438 : f32 to vector<16xf32>
        %mul3A_466 = arith.mulf %get3A_464, %mul3A_465 : vector<16xf32>
        %swap3A_467 = arith.index_cast %add3A_436 : i32 to index
        %swap3A_468 = arith.constant 32 : index
        %swap3A_469 = tpu.vector_load %arg16[%swap3A_467, %swap3A_468] {strides = array<i32>} : memref<128x48xf32, #tpu.memory_space<vmem>>, vector<1x16xf32>,
        %swap3A_470 = vector.shape_cast %swap3A_469 : vector<1x16xf32> to vector<16xf32>
        %swap3A_471 = vector.shape_cast %mul3A_466 : vector<16xf32> to vector<1x16xf32>
        tpu.vector_store %arg16[%swap3A_467, %swap3A_468], %swap3A_471 {strides = array<i32>} : memref<128x48xf32, #tpu.memory_space<vmem>>, vector<1x16xf32>,
        %mul3A_472 = arith.constant 16 : i32
        %mul3A_473 = arith.muli %scan3A_157, %mul3A_472 : i32
        %add3A_474 = arith.constant 8 : i32
        %add3A_475 = arith.addi %mul3A_473, %add3A_474 : i32
        %slice3A_476 = vector.extract_strided_slice %get3A_162 {offsets = [8], sizes = [1], strides = [1]} : vector<16xf32> to vector<1xf32>
        %squeeze3A_477 = vector.extract %slice3A_476[0] : f32 from vector<1xf32>
        %get3A_478 = arith.index_cast %add3A_475 : i32 to index
        %get3A_479 = arith.constant 0 : index
        %get3A_480 = tpu.vector_load %arg13[%get3A_478, %get3A_479] {strides = array<i32>} : memref<128x48xf32, #tpu.memory_space<vmem>>, vector<1x16xf32>,
        %get3A_481 = vector.shape_cast %get3A_480 : vector<1x16xf32> to vector<16xf32>
        %mul3A_482 = vector.broadcast %squeeze3A_477 : f32 to vector<16xf32>
        %mul3A_483 = arith.mulf %get3A_481, %mul3A_482 : vector<16xf32>
        %swap3A_484 = arith.index_cast %add3A_475 : i32 to index
        %swap3A_485 = arith.constant 0 : index
        %swap3A_486 = tpu.vector_load %arg16[%swap3A_484, %swap3A_485] {strides = array<i32>} : memref<128x48xf32, #tpu.memory_space<vmem>>, vector<1x16xf32>,
        %swap3A_487 = vector.shape_cast %swap3A_486 : vector<1x16xf32> to vector<16xf32>
        %swap3A_488 = vector.shape_cast %mul3A_483 : vector<16xf32> to vector<1x16xf32>
        tpu.vector_store %arg16[%swap3A_484, %swap3A_485], %swap3A_488 {strides = array<i32>} : memref<128x48xf32, #tpu.memory_space<vmem>>, vector<1x16xf32>,
        %get3A_489 = arith.index_cast %add3A_475 : i32 to index
        %get3A_490 = arith.constant 16 : index
        %get3A_491 = tpu.vector_load %arg13[%get3A_489, %get3A_490] {strides = array<i32>} : memref<128x48xf32, #tpu.memory_space<vmem>>, vector<1x16xf32>,
        %get3A_492 = vector.shape_cast %get3A_491 : vector<1x16xf32> to vector<16xf32>
        %mul3A_493 = vector.broadcast %squeeze3A_477 : f32 to vector<16xf32>
        %mul3A_494 = arith.mulf %get3A_492, %mul3A_493 : vector<16xf32>
        %swap3A_495 = arith.index_cast %add3A_475 : i32 to index
        %swap3A_496 = arith.constant 16 : index
        %swap3A_497 = tpu.vector_load %arg16[%swap3A_495, %swap3A_496] {strides = array<i32>} : memref<128x48xf32, #tpu.memory_space<vmem>>, vector<1x16xf32>,
        %swap3A_498 = vector.shape_cast %swap3A_497 : vector<1x16xf32> to vector<16xf32>
        %swap3A_499 = vector.shape_cast %mul3A_494 : vector<16xf32> to vector<1x16xf32>
        tpu.vector_store %arg16[%swap3A_495, %swap3A_496], %swap3A_499 {strides = array<i32>} : memref<128x48xf32, #tpu.memory_space<vmem>>, vector<1x16xf32>,
        %get3A_500 = arith.index_cast %add3A_475 : i32 to index
        %get3A_501 = arith.constant 32 : index
        %get3A_502 = tpu.vector_load %arg13[%get3A_500, %get3A_501] {strides = array<i32>} : memref<128x48xf32, #tpu.memory_space<vmem>>, vector<1x16xf32>,
        %get3A_503 = vector.shape_cast %get3A_502 : vector<1x16xf32> to vector<16xf32>
        %mul3A_504 = vector.broadcast %squeeze3A_477 : f32 to vector<16xf32>
        %mul3A_505 = arith.mulf %get3A_503, %mul3A_504 : vector<16xf32>
        %swap3A_506 = arith.index_cast %add3A_475 : i32 to index
        %swap3A_507 = arith.constant 32 : index
        %swap3A_508 = tpu.vector_load %arg16[%swap3A_506, %swap3A_507] {strides = array<i32>} : memref<128x48xf32, #tpu.memory_space<vmem>>, vector<1x16xf32>,
        %swap3A_509 = vector.shape_cast %swap3A_508 : vector<1x16xf32> to vector<16xf32>
        %swap3A_510 = vector.shape_cast %mul3A_505 : vector<16xf32> to vector<1x16xf32>
        tpu.vector_store %arg16[%swap3A_506, %swap3A_507], %swap3A_510 {strides = array<i32>} : memref<128x48xf32, #tpu.memory_space<vmem>>, vector<1x16xf32>,
        %mul3A_511 = arith.constant 16 : i32
        %mul3A_512 = arith.muli %scan3A_157, %mul3A_511 : i32
        %add3A_513 = arith.constant 9 : i32
        %add3A_514 = arith.addi %mul3A_512, %add3A_513 : i32
        %slice3A_515 = vector.extract_strided_slice %get3A_162 {offsets = [9], sizes = [1], strides = [1]} : vector<16xf32> to vector<1xf32>
        %squeeze3A_516 = vector.extract %slice3A_515[0] : f32 from vector<1xf32>
        %get3A_517 = arith.index_cast %add3A_514 : i32 to index
        %get3A_518 = arith.constant 0 : index
        %get3A_519 = tpu.vector_load %arg13[%get3A_517, %get3A_518] {strides = array<i32>} : memref<128x48xf32, #tpu.memory_space<vmem>>, vector<1x16xf32>,
        %get3A_520 = vector.shape_cast %get3A_519 : vector<1x16xf32> to vector<16xf32>
        %mul3A_521 = vector.broadcast %squeeze3A_516 : f32 to vector<16xf32>
        %mul3A_522 = arith.mulf %get3A_520, %mul3A_521 : vector<16xf32>
        %swap3A_523 = arith.index_cast %add3A_514 : i32 to index
        %swap3A_524 = arith.constant 0 : index
        %swap3A_525 = tpu.vector_load %arg16[%swap3A_523, %swap3A_524] {strides = array<i32>} : memref<128x48xf32, #tpu.memory_space<vmem>>, vector<1x16xf32>,
        %swap3A_526 = vector.shape_cast %swap3A_525 : vector<1x16xf32> to vector<16xf32>
        %swap3A_527 = vector.shape_cast %mul3A_522 : vector<16xf32> to vector<1x16xf32>
        tpu.vector_store %arg16[%swap3A_523, %swap3A_524], %swap3A_527 {strides = array<i32>} : memref<128x48xf32, #tpu.memory_space<vmem>>, vector<1x16xf32>,
        %get3A_528 = arith.index_cast %add3A_514 : i32 to index
        %get3A_529 = arith.constant 16 : index
        %get3A_530 = tpu.vector_load %arg13[%get3A_528, %get3A_529] {strides = array<i32>} : memref<128x48xf32, #tpu.memory_space<vmem>>, vector<1x16xf32>,
        %get3A_531 = vector.shape_cast %get3A_530 : vector<1x16xf32> to vector<16xf32>
        %mul3A_532 = vector.broadcast %squeeze3A_516 : f32 to vector<16xf32>
        %mul3A_533 = arith.mulf %get3A_531, %mul3A_532 : vector<16xf32>
        %swap3A_534 = arith.index_cast %add3A_514 : i32 to index
        %swap3A_535 = arith.constant 16 : index
        %swap3A_536 = tpu.vector_load %arg16[%swap3A_534, %swap3A_535] {strides = array<i32>} : memref<128x48xf32, #tpu.memory_space<vmem>>, vector<1x16xf32>,
        %swap3A_537 = vector.shape_cast %swap3A_536 : vector<1x16xf32> to vector<16xf32>
        %swap3A_538 = vector.shape_cast %mul3A_533 : vector<16xf32> to vector<1x16xf32>
        tpu.vector_store %arg16[%swap3A_534, %swap3A_535], %swap3A_538 {strides = array<i32>} : memref<128x48xf32, #tpu.memory_space<vmem>>, vector<1x16xf32>,
        %get3A_539 = arith.index_cast %add3A_514 : i32 to index
        %get3A_540 = arith.constant 32 : index
        %get3A_541 = tpu.vector_load %arg13[%get3A_539, %get3A_540] {strides = array<i32>} : memref<128x48xf32, #tpu.memory_space<vmem>>, vector<1x16xf32>,
        %get3A_542 = vector.shape_cast %get3A_541 : vector<1x16xf32> to vector<16xf32>
        %mul3A_543 = vector.broadcast %squeeze3A_516 : f32 to vector<16xf32>
        %mul3A_544 = arith.mulf %get3A_542, %mul3A_543 : vector<16xf32>
        %swap3A_545 = arith.index_cast %add3A_514 : i32 to index
        %swap3A_546 = arith.constant 32 : index
        %swap3A_547 = tpu.vector_load %arg16[%swap3A_545, %swap3A_546] {strides = array<i32>} : memref<128x48xf32, #tpu.memory_space<vmem>>, vector<1x16xf32>,
        %swap3A_548 = vector.shape_cast %swap3A_547 : vector<1x16xf32> to vector<16xf32>
        %swap3A_549 = vector.shape_cast %mul3A_544 : vector<16xf32> to vector<1x16xf32>
        tpu.vector_store %arg16[%swap3A_545, %swap3A_546], %swap3A_549 {strides = array<i32>} : memref<128x48xf32, #tpu.memory_space<vmem>>, vector<1x16xf32>,
        %mul3A_550 = arith.constant 16 : i32
        %mul3A_551 = arith.muli %scan3A_157, %mul3A_550 : i32
        %add3A_552 = arith.constant 10 : i32
        %add3A_553 = arith.addi %mul3A_551, %add3A_552 : i32
        %slice3A_554 = vector.extract_strided_slice %get3A_162 {offsets = [10], sizes = [1], strides = [1]} : vector<16xf32> to vector<1xf32>
        %squeeze3A_555 = vector.extract %slice3A_554[0] : f32 from vector<1xf32>
        %get3A_556 = arith.index_cast %add3A_553 : i32 to index
        %get3A_557 = arith.constant 0 : index
        %get3A_558 = tpu.vector_load %arg13[%get3A_556, %get3A_557] {strides = array<i32>} : memref<128x48xf32, #tpu.memory_space<vmem>>, vector<1x16xf32>,
        %get3A_559 = vector.shape_cast %get3A_558 : vector<1x16xf32> to vector<16xf32>
        %mul3A_560 = vector.broadcast %squeeze3A_555 : f32 to vector<16xf32>
        %mul3A_561 = arith.mulf %get3A_559, %mul3A_560 : vector<16xf32>
        %swap3A_562 = arith.index_cast %add3A_553 : i32 to index
        %swap3A_563 = arith.constant 0 : index
        %swap3A_564 = tpu.vector_load %arg16[%swap3A_562, %swap3A_563] {strides = array<i32>} : memref<128x48xf32, #tpu.memory_space<vmem>>, vector<1x16xf32>,
        %swap3A_565 = vector.shape_cast %swap3A_564 : vector<1x16xf32> to vector<16xf32>
        %swap3A_566 = vector.shape_cast %mul3A_561 : vector<16xf32> to vector<1x16xf32>
        tpu.vector_store %arg16[%swap3A_562, %swap3A_563], %swap3A_566 {strides = array<i32>} : memref<128x48xf32, #tpu.memory_space<vmem>>, vector<1x16xf32>,
        %get3A_567 = arith.index_cast %add3A_553 : i32 to index
        %get3A_568 = arith.constant 16 : index
        %get3A_569 = tpu.vector_load %arg13[%get3A_567, %get3A_568] {strides = array<i32>} : memref<128x48xf32, #tpu.memory_space<vmem>>, vector<1x16xf32>,
        %get3A_570 = vector.shape_cast %get3A_569 : vector<1x16xf32> to vector<16xf32>
        %mul3A_571 = vector.broadcast %squeeze3A_555 : f32 to vector<16xf32>
        %mul3A_572 = arith.mulf %get3A_570, %mul3A_571 : vector<16xf32>
        %swap3A_573 = arith.index_cast %add3A_553 : i32 to index
        %swap3A_574 = arith.constant 16 : index
        %swap3A_575 = tpu.vector_load %arg16[%swap3A_573, %swap3A_574] {strides = array<i32>} : memref<128x48xf32, #tpu.memory_space<vmem>>, vector<1x16xf32>,
        %swap3A_576 = vector.shape_cast %swap3A_575 : vector<1x16xf32> to vector<16xf32>
        %swap3A_577 = vector.shape_cast %mul3A_572 : vector<16xf32> to vector<1x16xf32>
        tpu.vector_store %arg16[%swap3A_573, %swap3A_574], %swap3A_577 {strides = array<i32>} : memref<128x48xf32, #tpu.memory_space<vmem>>, vector<1x16xf32>,
        %get3A_578 = arith.index_cast %add3A_553 : i32 to index
        %get3A_579 = arith.constant 32 : index
        %get3A_580 = tpu.vector_load %arg13[%get3A_578, %get3A_579] {strides = array<i32>} : memref<128x48xf32, #tpu.memory_space<vmem>>, vector<1x16xf32>,
        %get3A_581 = vector.shape_cast %get3A_580 : vector<1x16xf32> to vector<16xf32>
        %mul3A_582 = vector.broadcast %squeeze3A_555 : f32 to vector<16xf32>
        %mul3A_583 = arith.mulf %get3A_581, %mul3A_582 : vector<16xf32>
        %swap3A_584 = arith.index_cast %add3A_553 : i32 to index
        %swap3A_585 = arith.constant 32 : index
        %swap3A_586 = tpu.vector_load %arg16[%swap3A_584, %swap3A_585] {strides = array<i32>} : memref<128x48xf32, #tpu.memory_space<vmem>>, vector<1x16xf32>,
        %swap3A_587 = vector.shape_cast %swap3A_586 : vector<1x16xf32> to vector<16xf32>
        %swap3A_588 = vector.shape_cast %mul3A_583 : vector<16xf32> to vector<1x16xf32>
        tpu.vector_store %arg16[%swap3A_584, %swap3A_585], %swap3A_588 {strides = array<i32>} : memref<128x48xf32, #tpu.memory_space<vmem>>, vector<1x16xf32>,
        %mul3A_589 = arith.constant 16 : i32
        %mul3A_590 = arith.muli %scan3A_157, %mul3A_589 : i32
        %add3A_591 = arith.constant 11 : i32
        %add3A_592 = arith.addi %mul3A_590, %add3A_591 : i32
        %slice3A_593 = vector.extract_strided_slice %get3A_162 {offsets = [11], sizes = [1], strides = [1]} : vector<16xf32> to vector<1xf32>
        %squeeze3A_594 = vector.extract %slice3A_593[0] : f32 from vector<1xf32>
        %get3A_595 = arith.index_cast %add3A_592 : i32 to index
        %get3A_596 = arith.constant 0 : index
        %get3A_597 = tpu.vector_load %arg13[%get3A_595, %get3A_596] {strides = array<i32>} : memref<128x48xf32, #tpu.memory_space<vmem>>, vector<1x16xf32>,
        %get3A_598 = vector.shape_cast %get3A_597 : vector<1x16xf32> to vector<16xf32>
        %mul3A_599 = vector.broadcast %squeeze3A_594 : f32 to vector<16xf32>
        %mul3A_600 = arith.mulf %get3A_598, %mul3A_599 : vector<16xf32>
        %swap3A_601 = arith.index_cast %add3A_592 : i32 to index
        %swap3A_602 = arith.constant 0 : index
        %swap3A_603 = tpu.vector_load %arg16[%swap3A_601, %swap3A_602] {strides = array<i32>} : memref<128x48xf32, #tpu.memory_space<vmem>>, vector<1x16xf32>,
        %swap3A_604 = vector.shape_cast %swap3A_603 : vector<1x16xf32> to vector<16xf32>
        %swap3A_605 = vector.shape_cast %mul3A_600 : vector<16xf32> to vector<1x16xf32>
        tpu.vector_store %arg16[%swap3A_601, %swap3A_602], %swap3A_605 {strides = array<i32>} : memref<128x48xf32, #tpu.memory_space<vmem>>, vector<1x16xf32>,
        %get3A_606 = arith.index_cast %add3A_592 : i32 to index
        %get3A_607 = arith.constant 16 : index
        %get3A_608 = tpu.vector_load %arg13[%get3A_606, %get3A_607] {strides = array<i32>} : memref<128x48xf32, #tpu.memory_space<vmem>>, vector<1x16xf32>,
        %get3A_609 = vector.shape_cast %get3A_608 : vector<1x16xf32> to vector<16xf32>
        %mul3A_610 = vector.broadcast %squeeze3A_594 : f32 to vector<16xf32>
        %mul3A_611 = arith.mulf %get3A_609, %mul3A_610 : vector<16xf32>
        %swap3A_612 = arith.index_cast %add3A_592 : i32 to index
        %swap3A_613 = arith.constant 16 : index
        %swap3A_614 = tpu.vector_load %arg16[%swap3A_612, %swap3A_613] {strides = array<i32>} : memref<128x48xf32, #tpu.memory_space<vmem>>, vector<1x16xf32>,
        %swap3A_615 = vector.shape_cast %swap3A_614 : vector<1x16xf32> to vector<16xf32>
        %swap3A_616 = vector.shape_cast %mul3A_611 : vector<16xf32> to vector<1x16xf32>
        tpu.vector_store %arg16[%swap3A_612, %swap3A_613], %swap3A_616 {strides = array<i32>} : memref<128x48xf32, #tpu.memory_space<vmem>>, vector<1x16xf32>,
        %get3A_617 = arith.index_cast %add3A_592 : i32 to index
        %get3A_618 = arith.constant 32 : index
        %get3A_619 = tpu.vector_load %arg13[%get3A_617, %get3A_618] {strides = array<i32>} : memref<128x48xf32, #tpu.memory_space<vmem>>, vector<1x16xf32>,
        %get3A_620 = vector.shape_cast %get3A_619 : vector<1x16xf32> to vector<16xf32>
        %mul3A_621 = vector.broadcast %squeeze3A_594 : f32 to vector<16xf32>
        %mul3A_622 = arith.mulf %get3A_620, %mul3A_621 : vector<16xf32>
        %swap3A_623 = arith.index_cast %add3A_592 : i32 to index
        %swap3A_624 = arith.constant 32 : index
        %swap3A_625 = tpu.vector_load %arg16[%swap3A_623, %swap3A_624] {strides = array<i32>} : memref<128x48xf32, #tpu.memory_space<vmem>>, vector<1x16xf32>,
        %swap3A_626 = vector.shape_cast %swap3A_625 : vector<1x16xf32> to vector<16xf32>
        %swap3A_627 = vector.shape_cast %mul3A_622 : vector<16xf32> to vector<1x16xf32>
        tpu.vector_store %arg16[%swap3A_623, %swap3A_624], %swap3A_627 {strides = array<i32>} : memref<128x48xf32, #tpu.memory_space<vmem>>, vector<1x16xf32>,
        %mul3A_628 = arith.constant 16 : i32
        %mul3A_629 = arith.muli %scan3A_157, %mul3A_628 : i32
        %add3A_630 = arith.constant 12 : i32
        %add3A_631 = arith.addi %mul3A_629, %add3A_630 : i32
        %slice3A_632 = vector.extract_strided_slice %get3A_162 {offsets = [12], sizes = [1], strides = [1]} : vector<16xf32> to vector<1xf32>
        %squeeze3A_633 = vector.extract %slice3A_632[0] : f32 from vector<1xf32>
        %get3A_634 = arith.index_cast %add3A_631 : i32 to index
        %get3A_635 = arith.constant 0 : index
        %get3A_636 = tpu.vector_load %arg13[%get3A_634, %get3A_635] {strides = array<i32>} : memref<128x48xf32, #tpu.memory_space<vmem>>, vector<1x16xf32>,
        %get3A_637 = vector.shape_cast %get3A_636 : vector<1x16xf32> to vector<16xf32>
        %mul3A_638 = vector.broadcast %squeeze3A_633 : f32 to vector<16xf32>
        %mul3A_639 = arith.mulf %get3A_637, %mul3A_638 : vector<16xf32>
        %swap3A_640 = arith.index_cast %add3A_631 : i32 to index
        %swap3A_641 = arith.constant 0 : index
        %swap3A_642 = tpu.vector_load %arg16[%swap3A_640, %swap3A_641] {strides = array<i32>} : memref<128x48xf32, #tpu.memory_space<vmem>>, vector<1x16xf32>,
        %swap3A_643 = vector.shape_cast %swap3A_642 : vector<1x16xf32> to vector<16xf32>
        %swap3A_644 = vector.shape_cast %mul3A_639 : vector<16xf32> to vector<1x16xf32>
        tpu.vector_store %arg16[%swap3A_640, %swap3A_641], %swap3A_644 {strides = array<i32>} : memref<128x48xf32, #tpu.memory_space<vmem>>, vector<1x16xf32>,
        %get3A_645 = arith.index_cast %add3A_631 : i32 to index
        %get3A_646 = arith.constant 16 : index
        %get3A_647 = tpu.vector_load %arg13[%get3A_645, %get3A_646] {strides = array<i32>} : memref<128x48xf32, #tpu.memory_space<vmem>>, vector<1x16xf32>,
        %get3A_648 = vector.shape_cast %get3A_647 : vector<1x16xf32> to vector<16xf32>
        %mul3A_649 = vector.broadcast %squeeze3A_633 : f32 to vector<16xf32>
        %mul3A_650 = arith.mulf %get3A_648, %mul3A_649 : vector<16xf32>
        %swap3A_651 = arith.index_cast %add3A_631 : i32 to index
        %swap3A_652 = arith.constant 16 : index
        %swap3A_653 = tpu.vector_load %arg16[%swap3A_651, %swap3A_652] {strides = array<i32>} : memref<128x48xf32, #tpu.memory_space<vmem>>, vector<1x16xf32>,
        %swap3A_654 = vector.shape_cast %swap3A_653 : vector<1x16xf32> to vector<16xf32>
        %swap3A_655 = vector.shape_cast %mul3A_650 : vector<16xf32> to vector<1x16xf32>
        tpu.vector_store %arg16[%swap3A_651, %swap3A_652], %swap3A_655 {strides = array<i32>} : memref<128x48xf32, #tpu.memory_space<vmem>>, vector<1x16xf32>,
        %get3A_656 = arith.index_cast %add3A_631 : i32 to index
        %get3A_657 = arith.constant 32 : index
        %get3A_658 = tpu.vector_load %arg13[%get3A_656, %get3A_657] {strides = array<i32>} : memref<128x48xf32, #tpu.memory_space<vmem>>, vector<1x16xf32>,
        %get3A_659 = vector.shape_cast %get3A_658 : vector<1x16xf32> to vector<16xf32>
        %mul3A_660 = vector.broadcast %squeeze3A_633 : f32 to vector<16xf32>
        %mul3A_661 = arith.mulf %get3A_659, %mul3A_660 : vector<16xf32>
        %swap3A_662 = arith.index_cast %add3A_631 : i32 to index
        %swap3A_663 = arith.constant 32 : index
        %swap3A_664 = tpu.vector_load %arg16[%swap3A_662, %swap3A_663] {strides = array<i32>} : memref<128x48xf32, #tpu.memory_space<vmem>>, vector<1x16xf32>,
        %swap3A_665 = vector.shape_cast %swap3A_664 : vector<1x16xf32> to vector<16xf32>
        %swap3A_666 = vector.shape_cast %mul3A_661 : vector<16xf32> to vector<1x16xf32>
        tpu.vector_store %arg16[%swap3A_662, %swap3A_663], %swap3A_666 {strides = array<i32>} : memref<128x48xf32, #tpu.memory_space<vmem>>, vector<1x16xf32>,
        %mul3A_667 = arith.constant 16 : i32
        %mul3A_668 = arith.muli %scan3A_157, %mul3A_667 : i32
        %add3A_669 = arith.constant 13 : i32
        %add3A_670 = arith.addi %mul3A_668, %add3A_669 : i32
        %slice3A_671 = vector.extract_strided_slice %get3A_162 {offsets = [13], sizes = [1], strides = [1]} : vector<16xf32> to vector<1xf32>
        %squeeze3A_672 = vector.extract %slice3A_671[0] : f32 from vector<1xf32>
        %get3A_673 = arith.index_cast %add3A_670 : i32 to index
        %get3A_674 = arith.constant 0 : index
        %get3A_675 = tpu.vector_load %arg13[%get3A_673, %get3A_674] {strides = array<i32>} : memref<128x48xf32, #tpu.memory_space<vmem>>, vector<1x16xf32>,
        %get3A_676 = vector.shape_cast %get3A_675 : vector<1x16xf32> to vector<16xf32>
        %mul3A_677 = vector.broadcast %squeeze3A_672 : f32 to vector<16xf32>
        %mul3A_678 = arith.mulf %get3A_676, %mul3A_677 : vector<16xf32>
        %swap3A_679 = arith.index_cast %add3A_670 : i32 to index
        %swap3A_680 = arith.constant 0 : index
        %swap3A_681 = tpu.vector_load %arg16[%swap3A_679, %swap3A_680] {strides = array<i32>} : memref<128x48xf32, #tpu.memory_space<vmem>>, vector<1x16xf32>,
        %swap3A_682 = vector.shape_cast %swap3A_681 : vector<1x16xf32> to vector<16xf32>
        %swap3A_683 = vector.shape_cast %mul3A_678 : vector<16xf32> to vector<1x16xf32>
        tpu.vector_store %arg16[%swap3A_679, %swap3A_680], %swap3A_683 {strides = array<i32>} : memref<128x48xf32, #tpu.memory_space<vmem>>, vector<1x16xf32>,
        %get3A_684 = arith.index_cast %add3A_670 : i32 to index
        %get3A_685 = arith.constant 16 : index
        %get3A_686 = tpu.vector_load %arg13[%get3A_684, %get3A_685] {strides = array<i32>} : memref<128x48xf32, #tpu.memory_space<vmem>>, vector<1x16xf32>,
        %get3A_687 = vector.shape_cast %get3A_686 : vector<1x16xf32> to vector<16xf32>
        %mul3A_688 = vector.broadcast %squeeze3A_672 : f32 to vector<16xf32>
        %mul3A_689 = arith.mulf %get3A_687, %mul3A_688 : vector<16xf32>
        %swap3A_690 = arith.index_cast %add3A_670 : i32 to index
        %swap3A_691 = arith.constant 16 : index
        %swap3A_692 = tpu.vector_load %arg16[%swap3A_690, %swap3A_691] {strides = array<i32>} : memref<128x48xf32, #tpu.memory_space<vmem>>, vector<1x16xf32>,
        %swap3A_693 = vector.shape_cast %swap3A_692 : vector<1x16xf32> to vector<16xf32>
        %swap3A_694 = vector.shape_cast %mul3A_689 : vector<16xf32> to vector<1x16xf32>
        tpu.vector_store %arg16[%swap3A_690, %swap3A_691], %swap3A_694 {strides = array<i32>} : memref<128x48xf32, #tpu.memory_space<vmem>>, vector<1x16xf32>,
        %get3A_695 = arith.index_cast %add3A_670 : i32 to index
        %get3A_696 = arith.constant 32 : index
        %get3A_697 = tpu.vector_load %arg13[%get3A_695, %get3A_696] {strides = array<i32>} : memref<128x48xf32, #tpu.memory_space<vmem>>, vector<1x16xf32>,
        %get3A_698 = vector.shape_cast %get3A_697 : vector<1x16xf32> to vector<16xf32>
        %mul3A_699 = vector.broadcast %squeeze3A_672 : f32 to vector<16xf32>
        %mul3A_700 = arith.mulf %get3A_698, %mul3A_699 : vector<16xf32>
        %swap3A_701 = arith.index_cast %add3A_670 : i32 to index
        %swap3A_702 = arith.constant 32 : index
        %swap3A_703 = tpu.vector_load %arg16[%swap3A_701, %swap3A_702] {strides = array<i32>} : memref<128x48xf32, #tpu.memory_space<vmem>>, vector<1x16xf32>,
        %swap3A_704 = vector.shape_cast %swap3A_703 : vector<1x16xf32> to vector<16xf32>
        %swap3A_705 = vector.shape_cast %mul3A_700 : vector<16xf32> to vector<1x16xf32>
        tpu.vector_store %arg16[%swap3A_701, %swap3A_702], %swap3A_705 {strides = array<i32>} : memref<128x48xf32, #tpu.memory_space<vmem>>, vector<1x16xf32>,
        %mul3A_706 = arith.constant 16 : i32
        %mul3A_707 = arith.muli %scan3A_157, %mul3A_706 : i32
        %add3A_708 = arith.constant 14 : i32
        %add3A_709 = arith.addi %mul3A_707, %add3A_708 : i32
        %slice3A_710 = vector.extract_strided_slice %get3A_162 {offsets = [14], sizes = [1], strides = [1]} : vector<16xf32> to vector<1xf32>
        %squeeze3A_711 = vector.extract %slice3A_710[0] : f32 from vector<1xf32>
        %get3A_712 = arith.index_cast %add3A_709 : i32 to index
        %get3A_713 = arith.constant 0 : index
        %get3A_714 = tpu.vector_load %arg13[%get3A_712, %get3A_713] {strides = array<i32>} : memref<128x48xf32, #tpu.memory_space<vmem>>, vector<1x16xf32>,
        %get3A_715 = vector.shape_cast %get3A_714 : vector<1x16xf32> to vector<16xf32>
        %mul3A_716 = vector.broadcast %squeeze3A_711 : f32 to vector<16xf32>
        %mul3A_717 = arith.mulf %get3A_715, %mul3A_716 : vector<16xf32>
        %swap3A_718 = arith.index_cast %add3A_709 : i32 to index
        %swap3A_719 = arith.constant 0 : index
        %swap3A_720 = tpu.vector_load %arg16[%swap3A_718, %swap3A_719] {strides = array<i32>} : memref<128x48xf32, #tpu.memory_space<vmem>>, vector<1x16xf32>,
        %swap3A_721 = vector.shape_cast %swap3A_720 : vector<1x16xf32> to vector<16xf32>
        %swap3A_722 = vector.shape_cast %mul3A_717 : vector<16xf32> to vector<1x16xf32>
        tpu.vector_store %arg16[%swap3A_718, %swap3A_719], %swap3A_722 {strides = array<i32>} : memref<128x48xf32, #tpu.memory_space<vmem>>, vector<1x16xf32>,
        %get3A_723 = arith.index_cast %add3A_709 : i32 to index
        %get3A_724 = arith.constant 16 : index
        %get3A_725 = tpu.vector_load %arg13[%get3A_723, %get3A_724] {strides = array<i32>} : memref<128x48xf32, #tpu.memory_space<vmem>>, vector<1x16xf32>,
        %get3A_726 = vector.shape_cast %get3A_725 : vector<1x16xf32> to vector<16xf32>
        %mul3A_727 = vector.broadcast %squeeze3A_711 : f32 to vector<16xf32>
        %mul3A_728 = arith.mulf %get3A_726, %mul3A_727 : vector<16xf32>
        %swap3A_729 = arith.index_cast %add3A_709 : i32 to index
        %swap3A_730 = arith.constant 16 : index
        %swap3A_731 = tpu.vector_load %arg16[%swap3A_729, %swap3A_730] {strides = array<i32>} : memref<128x48xf32, #tpu.memory_space<vmem>>, vector<1x16xf32>,
        %swap3A_732 = vector.shape_cast %swap3A_731 : vector<1x16xf32> to vector<16xf32>
        %swap3A_733 = vector.shape_cast %mul3A_728 : vector<16xf32> to vector<1x16xf32>
        tpu.vector_store %arg16[%swap3A_729, %swap3A_730], %swap3A_733 {strides = array<i32>} : memref<128x48xf32, #tpu.memory_space<vmem>>, vector<1x16xf32>,
        %get3A_734 = arith.index_cast %add3A_709 : i32 to index
        %get3A_735 = arith.constant 32 : index
        %get3A_736 = tpu.vector_load %arg13[%get3A_734, %get3A_735] {strides = array<i32>} : memref<128x48xf32, #tpu.memory_space<vmem>>, vector<1x16xf32>,
        %get3A_737 = vector.shape_cast %get3A_736 : vector<1x16xf32> to vector<16xf32>
        %mul3A_738 = vector.broadcast %squeeze3A_711 : f32 to vector<16xf32>
        %mul3A_739 = arith.mulf %get3A_737, %mul3A_738 : vector<16xf32>
        %swap3A_740 = arith.index_cast %add3A_709 : i32 to index
        %swap3A_741 = arith.constant 32 : index
        %swap3A_742 = tpu.vector_load %arg16[%swap3A_740, %swap3A_741] {strides = array<i32>} : memref<128x48xf32, #tpu.memory_space<vmem>>, vector<1x16xf32>,
        %swap3A_743 = vector.shape_cast %swap3A_742 : vector<1x16xf32> to vector<16xf32>
        %swap3A_744 = vector.shape_cast %mul3A_739 : vector<16xf32> to vector<1x16xf32>
        tpu.vector_store %arg16[%swap3A_740, %swap3A_741], %swap3A_744 {strides = array<i32>} : memref<128x48xf32, #tpu.memory_space<vmem>>, vector<1x16xf32>,
        %mul3A_745 = arith.constant 16 : i32
        %mul3A_746 = arith.muli %scan3A_157, %mul3A_745 : i32
        %add3A_747 = arith.constant 15 : i32
        %add3A_748 = arith.addi %mul3A_746, %add3A_747 : i32
        %slice3A_749 = vector.extract_strided_slice %get3A_162 {offsets = [15], sizes = [1], strides = [1]} : vector<16xf32> to vector<1xf32>
        %squeeze3A_750 = vector.extract %slice3A_749[0] : f32 from vector<1xf32>
        %get3A_751 = arith.index_cast %add3A_748 : i32 to index
        %get3A_752 = arith.constant 0 : index
        %get3A_753 = tpu.vector_load %arg13[%get3A_751, %get3A_752] {strides = array<i32>} : memref<128x48xf32, #tpu.memory_space<vmem>>, vector<1x16xf32>,
        %get3A_754 = vector.shape_cast %get3A_753 : vector<1x16xf32> to vector<16xf32>
        %mul3A_755 = vector.broadcast %squeeze3A_750 : f32 to vector<16xf32>
        %mul3A_756 = arith.mulf %get3A_754, %mul3A_755 : vector<16xf32>
        %swap3A_757 = arith.index_cast %add3A_748 : i32 to index
        %swap3A_758 = arith.constant 0 : index
        %swap3A_759 = tpu.vector_load %arg16[%swap3A_757, %swap3A_758] {strides = array<i32>} : memref<128x48xf32, #tpu.memory_space<vmem>>, vector<1x16xf32>,
        %swap3A_760 = vector.shape_cast %swap3A_759 : vector<1x16xf32> to vector<16xf32>
        %swap3A_761 = vector.shape_cast %mul3A_756 : vector<16xf32> to vector<1x16xf32>
        tpu.vector_store %arg16[%swap3A_757, %swap3A_758], %swap3A_761 {strides = array<i32>} : memref<128x48xf32, #tpu.memory_space<vmem>>, vector<1x16xf32>,
        %get3A_762 = arith.index_cast %add3A_748 : i32 to index
        %get3A_763 = arith.constant 16 : index
        %get3A_764 = tpu.vector_load %arg13[%get3A_762, %get3A_763] {strides = array<i32>} : memref<128x48xf32, #tpu.memory_space<vmem>>, vector<1x16xf32>,
        %get3A_765 = vector.shape_cast %get3A_764 : vector<1x16xf32> to vector<16xf32>
        %mul3A_766 = vector.broadcast %squeeze3A_750 : f32 to vector<16xf32>
        %mul3A_767 = arith.mulf %get3A_765, %mul3A_766 : vector<16xf32>
        %swap3A_768 = arith.index_cast %add3A_748 : i32 to index
        %swap3A_769 = arith.constant 16 : index
        %swap3A_770 = tpu.vector_load %arg16[%swap3A_768, %swap3A_769] {strides = array<i32>} : memref<128x48xf32, #tpu.memory_space<vmem>>, vector<1x16xf32>,
        %swap3A_771 = vector.shape_cast %swap3A_770 : vector<1x16xf32> to vector<16xf32>
        %swap3A_772 = vector.shape_cast %mul3A_767 : vector<16xf32> to vector<1x16xf32>
        tpu.vector_store %arg16[%swap3A_768, %swap3A_769], %swap3A_772 {strides = array<i32>} : memref<128x48xf32, #tpu.memory_space<vmem>>, vector<1x16xf32>,
        %get3A_773 = arith.index_cast %add3A_748 : i32 to index
        %get3A_774 = arith.constant 32 : index
        %get3A_775 = tpu.vector_load %arg13[%get3A_773, %get3A_774] {strides = array<i32>} : memref<128x48xf32, #tpu.memory_space<vmem>>, vector<1x16xf32>,
        %get3A_776 = vector.shape_cast %get3A_775 : vector<1x16xf32> to vector<16xf32>
        %mul3A_777 = vector.broadcast %squeeze3A_750 : f32 to vector<16xf32>
        %mul3A_778 = arith.mulf %get3A_776, %mul3A_777 : vector<16xf32>
        %swap3A_779 = arith.index_cast %add3A_748 : i32 to index
        %swap3A_780 = arith.constant 32 : index
        %swap3A_781 = tpu.vector_load %arg16[%swap3A_779, %swap3A_780] {strides = array<i32>} : memref<128x48xf32, #tpu.memory_space<vmem>>, vector<1x16xf32>,
        %swap3A_782 = vector.shape_cast %swap3A_781 : vector<1x16xf32> to vector<16xf32>
        %swap3A_783 = vector.shape_cast %mul3A_778 : vector<16xf32> to vector<1x16xf32>
        tpu.vector_store %arg16[%swap3A_779, %swap3A_780], %swap3A_783 {strides = array<i32>} : memref<128x48xf32, #tpu.memory_space<vmem>>, vector<1x16xf32>,
      }
      %scan3A_80 = arith.constant 8 : i32
      %lt3A = arith.constant 26 : i32
      %lt3A_81 = arith.cmpi slt, %scan3A_61, %lt3A : i32
      %convert_element_type3A_82 = arith.extui %lt3A_81 : i1 to i32
      %cond3A_83 = arith.constant 0 : i32
      %cond3A_84 = arith.cmpi ne, %convert_element_type3A_82, %cond3A_83 : i32
      scf.if %cond3A_84 {
        %add3A_157 = arith.constant 3 : i32
        %add3A_158 = arith.addi %add3A_65, %add3A_157 : i32
        %dma_start3A_159 = arith.constant 0 : i32
        %dma_start3A_160 = tpu.memref_slice %arg8[%add3A_158, %dma_start3A_159] : memref<81x128xi32, #tpu.memory_space<vmem>> -> memref<1x128xi32, #tpu.memory_space<vmem>>
        %dma_start3A_161 = tpu.memref_squeeze %dma_start3A_160 : memref<1x128xi32, #tpu.memory_space<vmem>> -> memref<128xi32, #tpu.memory_space<vmem>>
        %dma_start3A_162 = arith.constant 0 : i32
        %dma_start3A_163 = arith.constant 0 : i32
        %dma_start3A_164 = tpu.memref_slice %arg12[%dma_start3A_162, %dma_start3A_163] : memref<10000x48xf32, #tpu.memory_space<vmem_shared>> -> memref<10000x48xf32, #tpu.memory_space<vmem_shared>>
        tpu.enqueue_indirect_dma source(%dma_start3A_164 : memref<10000x48xf32, #tpu.memory_space<vmem_shared>>) target(%arg13 : memref<128x48xf32, #tpu.memory_space<vmem>>) offsets(%dma_start3A_161 : memref<128xi32, #tpu.memory_space<vmem>>) semaphore(%arg19 : memref<!tpu.dma_semaphore, #tpu.memory_space<semaphore_mem>>)
      } else {
      }
      %dma_start3A_85 = arith.constant 0 : i32
      %dma_start3A_86 = tpu.memref_slice %arg9[%add3A_65, %dma_start3A_85] : memref<81x128xi32, #tpu.memory_space<vmem>> -> memref<1x128xi32, #tpu.memory_space<vmem>>
      %dma_start3A_87 = tpu.memref_squeeze %dma_start3A_86 : memref<1x128xi32, #tpu.memory_space<vmem>> -> memref<128xi32, #tpu.memory_space<vmem>>
      %dma_start3A_88 = arith.constant 0 : i32
      %dma_start3A_89 = arith.constant 0 : i32
      %dma_start3A_90 = tpu.memref_slice %arg11[%dma_start3A_88, %dma_start3A_89] : memref<10000x48xf32, #tpu.memory_space<vmem_shared>> -> memref<10000x48xf32, #tpu.memory_space<vmem_shared>>
      tpu.enqueue_indirect_dma source(%arg16 : memref<128x48xf32, #tpu.memory_space<vmem>>) target(%dma_start3A_90 : memref<10000x48xf32, #tpu.memory_space<vmem_shared>>) offsets(%dma_start3A_87 : memref<128xi32, #tpu.memory_space<vmem>>) semaphore(%arg22 : memref<!tpu.dma_semaphore, #tpu.memory_space<semaphore_mem>>) {add = true}
      %mul3A_91 = arith.constant 3 : i32
      %mul3A_92 = arith.muli %scan3A_61, %mul3A_91 : i32
      %add3A_93 = arith.constant 1 : i32
      %add3A_94 = arith.addi %mul3A_92, %add3A_93 : i32
      %dma_wait3A_95 = arith.constant 1 : i32
      %dma_wait3A_96 = arith.constant 0 : i32
      %dma_wait3A_97 = tpu.memref_slice %arg8[%dma_wait3A_95, %dma_wait3A_96] : memref<81x128xi32, #tpu.memory_space<vmem>> -> memref<1x128xi32, #tpu.memory_space<vmem>>
      %dma_wait3A_98 = tpu.memref_squeeze %dma_wait3A_97 : memref<1x128xi32, #tpu.memory_space<vmem>> -> memref<128xi32, #tpu.memory_space<vmem>>
      %dma_wait3A_99 = arith.constant 0 : i32
      %dma_wait3A_100 = arith.constant 0 : i32
      %dma_wait3A_101 = tpu.memref_slice %arg12[%dma_wait3A_99, %dma_wait3A_100] : memref<10000x48xf32, #tpu.memory_space<vmem_shared>> -> memref<10000x48xf32, #tpu.memory_space<vmem_shared>>
      tpu.wait_indirect_dma semaphore(%arg20 : memref<!tpu.dma_semaphore, #tpu.memory_space<semaphore_mem>>) src(%dma_wait3A_101 : memref<10000x48xf32, #tpu.memory_space<vmem_shared>>) dst(%arg14 : memref<128x48xf32, #tpu.memory_space<vmem>>)
      %gt3A_102 = arith.constant 0 : i32
      %gt3A_103 = arith.cmpi sgt, %scan3A_61, %gt3A_102 : i32
      %convert_element_type3A_104 = arith.extui %gt3A_103 : i1 to i32
      %cond3A_105 = arith.constant 0 : i32
      %cond3A_106 = arith.cmpi ne, %convert_element_type3A_104, %cond3A_105 : i32
      scf.if %cond3A_106 {
        %dma_wait3A_157 = arith.constant 1 : i32
        %dma_wait3A_158 = arith.constant 0 : i32
        %dma_wait3A_159 = tpu.memref_slice %arg9[%dma_wait3A_157, %dma_wait3A_158] : memref<81x128xi32, #tpu.memory_space<vmem>> -> memref<1x128xi32, #tpu.memory_space<vmem>>
        %dma_wait3A_160 = tpu.memref_squeeze %dma_wait3A_159 : memref<1x128xi32, #tpu.memory_space<vmem>> -> memref<128xi32, #tpu.memory_space<vmem>>
        %dma_wait3A_161 = arith.constant 0 : i32
        %dma_wait3A_162 = arith.constant 0 : i32
        %dma_wait3A_163 = tpu.memref_slice %arg11[%dma_wait3A_161, %dma_wait3A_162] : memref<10000x48xf32, #tpu.memory_space<vmem_shared>> -> memref<10000x48xf32, #tpu.memory_space<vmem_shared>>
        tpu.wait_indirect_dma semaphore(%arg23 : memref<!tpu.dma_semaphore, #tpu.memory_space<semaphore_mem>>) src(%arg17 : memref<128x48xf32, #tpu.memory_space<vmem>>) dst(%dma_wait3A_163 : memref<10000x48xf32, #tpu.memory_space<vmem_shared>>)
      } else {
      }
      %scan3A_107 = arith.constant 0 : i32
      %scan3A_108 = arith.constant 0 : i32
      %scan3A_109 = arith.constant 8 : i32
      %scan3A_110 = arith.addi %scan3A_108, %scan3A_109 : i32
      %scan3A_111 = arith.constant 1 : i32
      scf.for %scan3A_157 = %scan3A_108 to %scan3A_110 step %scan3A_111  : i32 {
        %mul3A_158 = arith.constant 16 : i32
        %mul3A_159 = arith.muli %scan3A_157, %mul3A_158 : i32
        %get3A = arith.index_cast %add3A_94 : i32 to index
        %get3A_160 = arith.index_cast %mul3A_159 : i32 to index
        %get3A_161 = tpu.vector_load %arg10[%get3A, %get3A_160] {strides = array<i32>} : memref<81x128xf32, #tpu.memory_space<vmem>>, vector<1x16xf32>,
        %get3A_162 = vector.shape_cast %get3A_161 : vector<1x16xf32> to vector<16xf32>
        %mul3A_163 = arith.constant 16 : i32
        %mul3A_164 = arith.muli %scan3A_157, %mul3A_163 : i32
        %add3A_165 = arith.constant 0 : i32
        %add3A_166 = arith.addi %mul3A_164, %add3A_165 : i32
        %slice3A = vector.extract_strided_slice %get3A_162 {offsets = [0], sizes = [1], strides = [1]} : vector<16xf32> to vector<1xf32>
        %squeeze3A = vector.extract %slice3A[0] : f32 from vector<1xf32>
        %get3A_167 = arith.index_cast %add3A_166 : i32 to index
        %get3A_168 = arith.constant 0 : index
        %get3A_169 = tpu.vector_load %arg14[%get3A_167, %get3A_168] {strides = array<i32>} : memref<128x48xf32, #tpu.memory_space<vmem>>, vector<1x16xf32>,
        %get3A_170 = vector.shape_cast %get3A_169 : vector<1x16xf32> to vector<16xf32>
        %mul3A_171 = vector.broadcast %squeeze3A : f32 to vector<16xf32>
        %mul3A_172 = arith.mulf %get3A_170, %mul3A_171 : vector<16xf32>
        %swap3A = arith.index_cast %add3A_166 : i32 to index
        %swap3A_173 = arith.constant 0 : index
        %swap3A_174 = tpu.vector_load %arg17[%swap3A, %swap3A_173] {strides = array<i32>} : memref<128x48xf32, #tpu.memory_space<vmem>>, vector<1x16xf32>,
        %swap3A_175 = vector.shape_cast %swap3A_174 : vector<1x16xf32> to vector<16xf32>
        %swap3A_176 = vector.shape_cast %mul3A_172 : vector<16xf32> to vector<1x16xf32>
        tpu.vector_store %arg17[%swap3A, %swap3A_173], %swap3A_176 {strides = array<i32>} : memref<128x48xf32, #tpu.memory_space<vmem>>, vector<1x16xf32>,
        %get3A_177 = arith.index_cast %add3A_166 : i32 to index
        %get3A_178 = arith.constant 16 : index
        %get3A_179 = tpu.vector_load %arg14[%get3A_177, %get3A_178] {strides = array<i32>} : memref<128x48xf32, #tpu.memory_space<vmem>>, vector<1x16xf32>,
        %get3A_180 = vector.shape_cast %get3A_179 : vector<1x16xf32> to vector<16xf32>
        %mul3A_181 = vector.broadcast %squeeze3A : f32 to vector<16xf32>
        %mul3A_182 = arith.mulf %get3A_180, %mul3A_181 : vector<16xf32>
        %swap3A_183 = arith.index_cast %add3A_166 : i32 to index
        %swap3A_184 = arith.constant 16 : index
        %swap3A_185 = tpu.vector_load %arg17[%swap3A_183, %swap3A_184] {strides = array<i32>} : memref<128x48xf32, #tpu.memory_space<vmem>>, vector<1x16xf32>,
        %swap3A_186 = vector.shape_cast %swap3A_185 : vector<1x16xf32> to vector<16xf32>
        %swap3A_187 = vector.shape_cast %mul3A_182 : vector<16xf32> to vector<1x16xf32>
        tpu.vector_store %arg17[%swap3A_183, %swap3A_184], %swap3A_187 {strides = array<i32>} : memref<128x48xf32, #tpu.memory_space<vmem>>, vector<1x16xf32>,
        %get3A_188 = arith.index_cast %add3A_166 : i32 to index
        %get3A_189 = arith.constant 32 : index
        %get3A_190 = tpu.vector_load %arg14[%get3A_188, %get3A_189] {strides = array<i32>} : memref<128x48xf32, #tpu.memory_space<vmem>>, vector<1x16xf32>,
        %get3A_191 = vector.shape_cast %get3A_190 : vector<1x16xf32> to vector<16xf32>
        %mul3A_192 = vector.broadcast %squeeze3A : f32 to vector<16xf32>
        %mul3A_193 = arith.mulf %get3A_191, %mul3A_192 : vector<16xf32>
        %swap3A_194 = arith.index_cast %add3A_166 : i32 to index
        %swap3A_195 = arith.constant 32 : index
        %swap3A_196 = tpu.vector_load %arg17[%swap3A_194, %swap3A_195] {strides = array<i32>} : memref<128x48xf32, #tpu.memory_space<vmem>>, vector<1x16xf32>,
        %swap3A_197 = vector.shape_cast %swap3A_196 : vector<1x16xf32> to vector<16xf32>
        %swap3A_198 = vector.shape_cast %mul3A_193 : vector<16xf32> to vector<1x16xf32>
        tpu.vector_store %arg17[%swap3A_194, %swap3A_195], %swap3A_198 {strides = array<i32>} : memref<128x48xf32, #tpu.memory_space<vmem>>, vector<1x16xf32>,
        %mul3A_199 = arith.constant 16 : i32
        %mul3A_200 = arith.muli %scan3A_157, %mul3A_199 : i32
        %add3A_201 = arith.constant 1 : i32
        %add3A_202 = arith.addi %mul3A_200, %add3A_201 : i32
        %slice3A_203 = vector.extract_strided_slice %get3A_162 {offsets = [1], sizes = [1], strides = [1]} : vector<16xf32> to vector<1xf32>
        %squeeze3A_204 = vector.extract %slice3A_203[0] : f32 from vector<1xf32>
        %get3A_205 = arith.index_cast %add3A_202 : i32 to index
        %get3A_206 = arith.constant 0 : index
        %get3A_207 = tpu.vector_load %arg14[%get3A_205, %get3A_206] {strides = array<i32>} : memref<128x48xf32, #tpu.memory_space<vmem>>, vector<1x16xf32>,
        %get3A_208 = vector.shape_cast %get3A_207 : vector<1x16xf32> to vector<16xf32>
        %mul3A_209 = vector.broadcast %squeeze3A_204 : f32 to vector<16xf32>
        %mul3A_210 = arith.mulf %get3A_208, %mul3A_209 : vector<16xf32>
        %swap3A_211 = arith.index_cast %add3A_202 : i32 to index
        %swap3A_212 = arith.constant 0 : index
        %swap3A_213 = tpu.vector_load %arg17[%swap3A_211, %swap3A_212] {strides = array<i32>} : memref<128x48xf32, #tpu.memory_space<vmem>>, vector<1x16xf32>,
        %swap3A_214 = vector.shape_cast %swap3A_213 : vector<1x16xf32> to vector<16xf32>
        %swap3A_215 = vector.shape_cast %mul3A_210 : vector<16xf32> to vector<1x16xf32>
        tpu.vector_store %arg17[%swap3A_211, %swap3A_212], %swap3A_215 {strides = array<i32>} : memref<128x48xf32, #tpu.memory_space<vmem>>, vector<1x16xf32>,
        %get3A_216 = arith.index_cast %add3A_202 : i32 to index
        %get3A_217 = arith.constant 16 : index
        %get3A_218 = tpu.vector_load %arg14[%get3A_216, %get3A_217] {strides = array<i32>} : memref<128x48xf32, #tpu.memory_space<vmem>>, vector<1x16xf32>,
        %get3A_219 = vector.shape_cast %get3A_218 : vector<1x16xf32> to vector<16xf32>
        %mul3A_220 = vector.broadcast %squeeze3A_204 : f32 to vector<16xf32>
        %mul3A_221 = arith.mulf %get3A_219, %mul3A_220 : vector<16xf32>
        %swap3A_222 = arith.index_cast %add3A_202 : i32 to index
        %swap3A_223 = arith.constant 16 : index
        %swap3A_224 = tpu.vector_load %arg17[%swap3A_222, %swap3A_223] {strides = array<i32>} : memref<128x48xf32, #tpu.memory_space<vmem>>, vector<1x16xf32>,
        %swap3A_225 = vector.shape_cast %swap3A_224 : vector<1x16xf32> to vector<16xf32>
        %swap3A_226 = vector.shape_cast %mul3A_221 : vector<16xf32> to vector<1x16xf32>
        tpu.vector_store %arg17[%swap3A_222, %swap3A_223], %swap3A_226 {strides = array<i32>} : memref<128x48xf32, #tpu.memory_space<vmem>>, vector<1x16xf32>,
        %get3A_227 = arith.index_cast %add3A_202 : i32 to index
        %get3A_228 = arith.constant 32 : index
        %get3A_229 = tpu.vector_load %arg14[%get3A_227, %get3A_228] {strides = array<i32>} : memref<128x48xf32, #tpu.memory_space<vmem>>, vector<1x16xf32>,
        %get3A_230 = vector.shape_cast %get3A_229 : vector<1x16xf32> to vector<16xf32>
        %mul3A_231 = vector.broadcast %squeeze3A_204 : f32 to vector<16xf32>
        %mul3A_232 = arith.mulf %get3A_230, %mul3A_231 : vector<16xf32>
        %swap3A_233 = arith.index_cast %add3A_202 : i32 to index
        %swap3A_234 = arith.constant 32 : index
        %swap3A_235 = tpu.vector_load %arg17[%swap3A_233, %swap3A_234] {strides = array<i32>} : memref<128x48xf32, #tpu.memory_space<vmem>>, vector<1x16xf32>,
        %swap3A_236 = vector.shape_cast %swap3A_235 : vector<1x16xf32> to vector<16xf32>
        %swap3A_237 = vector.shape_cast %mul3A_232 : vector<16xf32> to vector<1x16xf32>
        tpu.vector_store %arg17[%swap3A_233, %swap3A_234], %swap3A_237 {strides = array<i32>} : memref<128x48xf32, #tpu.memory_space<vmem>>, vector<1x16xf32>,
        %mul3A_238 = arith.constant 16 : i32
        %mul3A_239 = arith.muli %scan3A_157, %mul3A_238 : i32
        %add3A_240 = arith.constant 2 : i32
        %add3A_241 = arith.addi %mul3A_239, %add3A_240 : i32
        %slice3A_242 = vector.extract_strided_slice %get3A_162 {offsets = [2], sizes = [1], strides = [1]} : vector<16xf32> to vector<1xf32>
        %squeeze3A_243 = vector.extract %slice3A_242[0] : f32 from vector<1xf32>
        %get3A_244 = arith.index_cast %add3A_241 : i32 to index
        %get3A_245 = arith.constant 0 : index
        %get3A_246 = tpu.vector_load %arg14[%get3A_244, %get3A_245] {strides = array<i32>} : memref<128x48xf32, #tpu.memory_space<vmem>>, vector<1x16xf32>,
        %get3A_247 = vector.shape_cast %get3A_246 : vector<1x16xf32> to vector<16xf32>
        %mul3A_248 = vector.broadcast %squeeze3A_243 : f32 to vector<16xf32>
        %mul3A_249 = arith.mulf %get3A_247, %mul3A_248 : vector<16xf32>
        %swap3A_250 = arith.index_cast %add3A_241 : i32 to index
        %swap3A_251 = arith.constant 0 : index
        %swap3A_252 = tpu.vector_load %arg17[%swap3A_250, %swap3A_251] {strides = array<i32>} : memref<128x48xf32, #tpu.memory_space<vmem>>, vector<1x16xf32>,
        %swap3A_253 = vector.shape_cast %swap3A_252 : vector<1x16xf32> to vector<16xf32>
        %swap3A_254 = vector.shape_cast %mul3A_249 : vector<16xf32> to vector<1x16xf32>
        tpu.vector_store %arg17[%swap3A_250, %swap3A_251], %swap3A_254 {strides = array<i32>} : memref<128x48xf32, #tpu.memory_space<vmem>>, vector<1x16xf32>,
        %get3A_255 = arith.index_cast %add3A_241 : i32 to index
        %get3A_256 = arith.constant 16 : index
        %get3A_257 = tpu.vector_load %arg14[%get3A_255, %get3A_256] {strides = array<i32>} : memref<128x48xf32, #tpu.memory_space<vmem>>, vector<1x16xf32>,
        %get3A_258 = vector.shape_cast %get3A_257 : vector<1x16xf32> to vector<16xf32>
        %mul3A_259 = vector.broadcast %squeeze3A_243 : f32 to vector<16xf32>
        %mul3A_260 = arith.mulf %get3A_258, %mul3A_259 : vector<16xf32>
        %swap3A_261 = arith.index_cast %add3A_241 : i32 to index
        %swap3A_262 = arith.constant 16 : index
        %swap3A_263 = tpu.vector_load %arg17[%swap3A_261, %swap3A_262] {strides = array<i32>} : memref<128x48xf32, #tpu.memory_space<vmem>>, vector<1x16xf32>,
        %swap3A_264 = vector.shape_cast %swap3A_263 : vector<1x16xf32> to vector<16xf32>
        %swap3A_265 = vector.shape_cast %mul3A_260 : vector<16xf32> to vector<1x16xf32>
        tpu.vector_store %arg17[%swap3A_261, %swap3A_262], %swap3A_265 {strides = array<i32>} : memref<128x48xf32, #tpu.memory_space<vmem>>, vector<1x16xf32>,
        %get3A_266 = arith.index_cast %add3A_241 : i32 to index
        %get3A_267 = arith.constant 32 : index
        %get3A_268 = tpu.vector_load %arg14[%get3A_266, %get3A_267] {strides = array<i32>} : memref<128x48xf32, #tpu.memory_space<vmem>>, vector<1x16xf32>,
        %get3A_269 = vector.shape_cast %get3A_268 : vector<1x16xf32> to vector<16xf32>
        %mul3A_270 = vector.broadcast %squeeze3A_243 : f32 to vector<16xf32>
        %mul3A_271 = arith.mulf %get3A_269, %mul3A_270 : vector<16xf32>
        %swap3A_272 = arith.index_cast %add3A_241 : i32 to index
        %swap3A_273 = arith.constant 32 : index
        %swap3A_274 = tpu.vector_load %arg17[%swap3A_272, %swap3A_273] {strides = array<i32>} : memref<128x48xf32, #tpu.memory_space<vmem>>, vector<1x16xf32>,
        %swap3A_275 = vector.shape_cast %swap3A_274 : vector<1x16xf32> to vector<16xf32>
        %swap3A_276 = vector.shape_cast %mul3A_271 : vector<16xf32> to vector<1x16xf32>
        tpu.vector_store %arg17[%swap3A_272, %swap3A_273], %swap3A_276 {strides = array<i32>} : memref<128x48xf32, #tpu.memory_space<vmem>>, vector<1x16xf32>,
        %mul3A_277 = arith.constant 16 : i32
        %mul3A_278 = arith.muli %scan3A_157, %mul3A_277 : i32
        %add3A_279 = arith.constant 3 : i32
        %add3A_280 = arith.addi %mul3A_278, %add3A_279 : i32
        %slice3A_281 = vector.extract_strided_slice %get3A_162 {offsets = [3], sizes = [1], strides = [1]} : vector<16xf32> to vector<1xf32>
        %squeeze3A_282 = vector.extract %slice3A_281[0] : f32 from vector<1xf32>
        %get3A_283 = arith.index_cast %add3A_280 : i32 to index
        %get3A_284 = arith.constant 0 : index
        %get3A_285 = tpu.vector_load %arg14[%get3A_283, %get3A_284] {strides = array<i32>} : memref<128x48xf32, #tpu.memory_space<vmem>>, vector<1x16xf32>,
        %get3A_286 = vector.shape_cast %get3A_285 : vector<1x16xf32> to vector<16xf32>
        %mul3A_287 = vector.broadcast %squeeze3A_282 : f32 to vector<16xf32>
        %mul3A_288 = arith.mulf %get3A_286, %mul3A_287 : vector<16xf32>
        %swap3A_289 = arith.index_cast %add3A_280 : i32 to index
        %swap3A_290 = arith.constant 0 : index
        %swap3A_291 = tpu.vector_load %arg17[%swap3A_289, %swap3A_290] {strides = array<i32>} : memref<128x48xf32, #tpu.memory_space<vmem>>, vector<1x16xf32>,
        %swap3A_292 = vector.shape_cast %swap3A_291 : vector<1x16xf32> to vector<16xf32>
        %swap3A_293 = vector.shape_cast %mul3A_288 : vector<16xf32> to vector<1x16xf32>
        tpu.vector_store %arg17[%swap3A_289, %swap3A_290], %swap3A_293 {strides = array<i32>} : memref<128x48xf32, #tpu.memory_space<vmem>>, vector<1x16xf32>,
        %get3A_294 = arith.index_cast %add3A_280 : i32 to index
        %get3A_295 = arith.constant 16 : index
        %get3A_296 = tpu.vector_load %arg14[%get3A_294, %get3A_295] {strides = array<i32>} : memref<128x48xf32, #tpu.memory_space<vmem>>, vector<1x16xf32>,
        %get3A_297 = vector.shape_cast %get3A_296 : vector<1x16xf32> to vector<16xf32>
        %mul3A_298 = vector.broadcast %squeeze3A_282 : f32 to vector<16xf32>
        %mul3A_299 = arith.mulf %get3A_297, %mul3A_298 : vector<16xf32>
        %swap3A_300 = arith.index_cast %add3A_280 : i32 to index
        %swap3A_301 = arith.constant 16 : index
        %swap3A_302 = tpu.vector_load %arg17[%swap3A_300, %swap3A_301] {strides = array<i32>} : memref<128x48xf32, #tpu.memory_space<vmem>>, vector<1x16xf32>,
        %swap3A_303 = vector.shape_cast %swap3A_302 : vector<1x16xf32> to vector<16xf32>
        %swap3A_304 = vector.shape_cast %mul3A_299 : vector<16xf32> to vector<1x16xf32>
        tpu.vector_store %arg17[%swap3A_300, %swap3A_301], %swap3A_304 {strides = array<i32>} : memref<128x48xf32, #tpu.memory_space<vmem>>, vector<1x16xf32>,
        %get3A_305 = arith.index_cast %add3A_280 : i32 to index
        %get3A_306 = arith.constant 32 : index
        %get3A_307 = tpu.vector_load %arg14[%get3A_305, %get3A_306] {strides = array<i32>} : memref<128x48xf32, #tpu.memory_space<vmem>>, vector<1x16xf32>,
        %get3A_308 = vector.shape_cast %get3A_307 : vector<1x16xf32> to vector<16xf32>
        %mul3A_309 = vector.broadcast %squeeze3A_282 : f32 to vector<16xf32>
        %mul3A_310 = arith.mulf %get3A_308, %mul3A_309 : vector<16xf32>
        %swap3A_311 = arith.index_cast %add3A_280 : i32 to index
        %swap3A_312 = arith.constant 32 : index
        %swap3A_313 = tpu.vector_load %arg17[%swap3A_311, %swap3A_312] {strides = array<i32>} : memref<128x48xf32, #tpu.memory_space<vmem>>, vector<1x16xf32>,
        %swap3A_314 = vector.shape_cast %swap3A_313 : vector<1x16xf32> to vector<16xf32>
        %swap3A_315 = vector.shape_cast %mul3A_310 : vector<16xf32> to vector<1x16xf32>
        tpu.vector_store %arg17[%swap3A_311, %swap3A_312], %swap3A_315 {strides = array<i32>} : memref<128x48xf32, #tpu.memory_space<vmem>>, vector<1x16xf32>,
        %mul3A_316 = arith.constant 16 : i32
        %mul3A_317 = arith.muli %scan3A_157, %mul3A_316 : i32
        %add3A_318 = arith.constant 4 : i32
        %add3A_319 = arith.addi %mul3A_317, %add3A_318 : i32
        %slice3A_320 = vector.extract_strided_slice %get3A_162 {offsets = [4], sizes = [1], strides = [1]} : vector<16xf32> to vector<1xf32>
        %squeeze3A_321 = vector.extract %slice3A_320[0] : f32 from vector<1xf32>
        %get3A_322 = arith.index_cast %add3A_319 : i32 to index
        %get3A_323 = arith.constant 0 : index
        %get3A_324 = tpu.vector_load %arg14[%get3A_322, %get3A_323] {strides = array<i32>} : memref<128x48xf32, #tpu.memory_space<vmem>>, vector<1x16xf32>,
        %get3A_325 = vector.shape_cast %get3A_324 : vector<1x16xf32> to vector<16xf32>
        %mul3A_326 = vector.broadcast %squeeze3A_321 : f32 to vector<16xf32>
        %mul3A_327 = arith.mulf %get3A_325, %mul3A_326 : vector<16xf32>
        %swap3A_328 = arith.index_cast %add3A_319 : i32 to index
        %swap3A_329 = arith.constant 0 : index
        %swap3A_330 = tpu.vector_load %arg17[%swap3A_328, %swap3A_329] {strides = array<i32>} : memref<128x48xf32, #tpu.memory_space<vmem>>, vector<1x16xf32>,
        %swap3A_331 = vector.shape_cast %swap3A_330 : vector<1x16xf32> to vector<16xf32>
        %swap3A_332 = vector.shape_cast %mul3A_327 : vector<16xf32> to vector<1x16xf32>
        tpu.vector_store %arg17[%swap3A_328, %swap3A_329], %swap3A_332 {strides = array<i32>} : memref<128x48xf32, #tpu.memory_space<vmem>>, vector<1x16xf32>,
        %get3A_333 = arith.index_cast %add3A_319 : i32 to index
        %get3A_334 = arith.constant 16 : index
        %get3A_335 = tpu.vector_load %arg14[%get3A_333, %get3A_334] {strides = array<i32>} : memref<128x48xf32, #tpu.memory_space<vmem>>, vector<1x16xf32>,
        %get3A_336 = vector.shape_cast %get3A_335 : vector<1x16xf32> to vector<16xf32>
        %mul3A_337 = vector.broadcast %squeeze3A_321 : f32 to vector<16xf32>
        %mul3A_338 = arith.mulf %get3A_336, %mul3A_337 : vector<16xf32>
        %swap3A_339 = arith.index_cast %add3A_319 : i32 to index
        %swap3A_340 = arith.constant 16 : index
        %swap3A_341 = tpu.vector_load %arg17[%swap3A_339, %swap3A_340] {strides = array<i32>} : memref<128x48xf32, #tpu.memory_space<vmem>>, vector<1x16xf32>,
        %swap3A_342 = vector.shape_cast %swap3A_341 : vector<1x16xf32> to vector<16xf32>
        %swap3A_343 = vector.shape_cast %mul3A_338 : vector<16xf32> to vector<1x16xf32>
        tpu.vector_store %arg17[%swap3A_339, %swap3A_340], %swap3A_343 {strides = array<i32>} : memref<128x48xf32, #tpu.memory_space<vmem>>, vector<1x16xf32>,
        %get3A_344 = arith.index_cast %add3A_319 : i32 to index
        %get3A_345 = arith.constant 32 : index
        %get3A_346 = tpu.vector_load %arg14[%get3A_344, %get3A_345] {strides = array<i32>} : memref<128x48xf32, #tpu.memory_space<vmem>>, vector<1x16xf32>,
        %get3A_347 = vector.shape_cast %get3A_346 : vector<1x16xf32> to vector<16xf32>
        %mul3A_348 = vector.broadcast %squeeze3A_321 : f32 to vector<16xf32>
        %mul3A_349 = arith.mulf %get3A_347, %mul3A_348 : vector<16xf32>
        %swap3A_350 = arith.index_cast %add3A_319 : i32 to index
        %swap3A_351 = arith.constant 32 : index
        %swap3A_352 = tpu.vector_load %arg17[%swap3A_350, %swap3A_351] {strides = array<i32>} : memref<128x48xf32, #tpu.memory_space<vmem>>, vector<1x16xf32>,
        %swap3A_353 = vector.shape_cast %swap3A_352 : vector<1x16xf32> to vector<16xf32>
        %swap3A_354 = vector.shape_cast %mul3A_349 : vector<16xf32> to vector<1x16xf32>
        tpu.vector_store %arg17[%swap3A_350, %swap3A_351], %swap3A_354 {strides = array<i32>} : memref<128x48xf32, #tpu.memory_space<vmem>>, vector<1x16xf32>,
        %mul3A_355 = arith.constant 16 : i32
        %mul3A_356 = arith.muli %scan3A_157, %mul3A_355 : i32
        %add3A_357 = arith.constant 5 : i32
        %add3A_358 = arith.addi %mul3A_356, %add3A_357 : i32
        %slice3A_359 = vector.extract_strided_slice %get3A_162 {offsets = [5], sizes = [1], strides = [1]} : vector<16xf32> to vector<1xf32>
        %squeeze3A_360 = vector.extract %slice3A_359[0] : f32 from vector<1xf32>
        %get3A_361 = arith.index_cast %add3A_358 : i32 to index
        %get3A_362 = arith.constant 0 : index
        %get3A_363 = tpu.vector_load %arg14[%get3A_361, %get3A_362] {strides = array<i32>} : memref<128x48xf32, #tpu.memory_space<vmem>>, vector<1x16xf32>,
        %get3A_364 = vector.shape_cast %get3A_363 : vector<1x16xf32> to vector<16xf32>
        %mul3A_365 = vector.broadcast %squeeze3A_360 : f32 to vector<16xf32>
        %mul3A_366 = arith.mulf %get3A_364, %mul3A_365 : vector<16xf32>
        %swap3A_367 = arith.index_cast %add3A_358 : i32 to index
        %swap3A_368 = arith.constant 0 : index
        %swap3A_369 = tpu.vector_load %arg17[%swap3A_367, %swap3A_368] {strides = array<i32>} : memref<128x48xf32, #tpu.memory_space<vmem>>, vector<1x16xf32>,
        %swap3A_370 = vector.shape_cast %swap3A_369 : vector<1x16xf32> to vector<16xf32>
        %swap3A_371 = vector.shape_cast %mul3A_366 : vector<16xf32> to vector<1x16xf32>
        tpu.vector_store %arg17[%swap3A_367, %swap3A_368], %swap3A_371 {strides = array<i32>} : memref<128x48xf32, #tpu.memory_space<vmem>>, vector<1x16xf32>,
        %get3A_372 = arith.index_cast %add3A_358 : i32 to index
        %get3A_373 = arith.constant 16 : index
        %get3A_374 = tpu.vector_load %arg14[%get3A_372, %get3A_373] {strides = array<i32>} : memref<128x48xf32, #tpu.memory_space<vmem>>, vector<1x16xf32>,
        %get3A_375 = vector.shape_cast %get3A_374 : vector<1x16xf32> to vector<16xf32>
        %mul3A_376 = vector.broadcast %squeeze3A_360 : f32 to vector<16xf32>
        %mul3A_377 = arith.mulf %get3A_375, %mul3A_376 : vector<16xf32>
        %swap3A_378 = arith.index_cast %add3A_358 : i32 to index
        %swap3A_379 = arith.constant 16 : index
        %swap3A_380 = tpu.vector_load %arg17[%swap3A_378, %swap3A_379] {strides = array<i32>} : memref<128x48xf32, #tpu.memory_space<vmem>>, vector<1x16xf32>,
        %swap3A_381 = vector.shape_cast %swap3A_380 : vector<1x16xf32> to vector<16xf32>
        %swap3A_382 = vector.shape_cast %mul3A_377 : vector<16xf32> to vector<1x16xf32>
        tpu.vector_store %arg17[%swap3A_378, %swap3A_379], %swap3A_382 {strides = array<i32>} : memref<128x48xf32, #tpu.memory_space<vmem>>, vector<1x16xf32>,
        %get3A_383 = arith.index_cast %add3A_358 : i32 to index
        %get3A_384 = arith.constant 32 : index
        %get3A_385 = tpu.vector_load %arg14[%get3A_383, %get3A_384] {strides = array<i32>} : memref<128x48xf32, #tpu.memory_space<vmem>>, vector<1x16xf32>,
        %get3A_386 = vector.shape_cast %get3A_385 : vector<1x16xf32> to vector<16xf32>
        %mul3A_387 = vector.broadcast %squeeze3A_360 : f32 to vector<16xf32>
        %mul3A_388 = arith.mulf %get3A_386, %mul3A_387 : vector<16xf32>
        %swap3A_389 = arith.index_cast %add3A_358 : i32 to index
        %swap3A_390 = arith.constant 32 : index
        %swap3A_391 = tpu.vector_load %arg17[%swap3A_389, %swap3A_390] {strides = array<i32>} : memref<128x48xf32, #tpu.memory_space<vmem>>, vector<1x16xf32>,
        %swap3A_392 = vector.shape_cast %swap3A_391 : vector<1x16xf32> to vector<16xf32>
        %swap3A_393 = vector.shape_cast %mul3A_388 : vector<16xf32> to vector<1x16xf32>
        tpu.vector_store %arg17[%swap3A_389, %swap3A_390], %swap3A_393 {strides = array<i32>} : memref<128x48xf32, #tpu.memory_space<vmem>>, vector<1x16xf32>,
        %mul3A_394 = arith.constant 16 : i32
        %mul3A_395 = arith.muli %scan3A_157, %mul3A_394 : i32
        %add3A_396 = arith.constant 6 : i32
        %add3A_397 = arith.addi %mul3A_395, %add3A_396 : i32
        %slice3A_398 = vector.extract_strided_slice %get3A_162 {offsets = [6], sizes = [1], strides = [1]} : vector<16xf32> to vector<1xf32>
        %squeeze3A_399 = vector.extract %slice3A_398[0] : f32 from vector<1xf32>
        %get3A_400 = arith.index_cast %add3A_397 : i32 to index
        %get3A_401 = arith.constant 0 : index
        %get3A_402 = tpu.vector_load %arg14[%get3A_400, %get3A_401] {strides = array<i32>} : memref<128x48xf32, #tpu.memory_space<vmem>>, vector<1x16xf32>,
        %get3A_403 = vector.shape_cast %get3A_402 : vector<1x16xf32> to vector<16xf32>
        %mul3A_404 = vector.broadcast %squeeze3A_399 : f32 to vector<16xf32>
        %mul3A_405 = arith.mulf %get3A_403, %mul3A_404 : vector<16xf32>
        %swap3A_406 = arith.index_cast %add3A_397 : i32 to index
        %swap3A_407 = arith.constant 0 : index
        %swap3A_408 = tpu.vector_load %arg17[%swap3A_406, %swap3A_407] {strides = array<i32>} : memref<128x48xf32, #tpu.memory_space<vmem>>, vector<1x16xf32>,
        %swap3A_409 = vector.shape_cast %swap3A_408 : vector<1x16xf32> to vector<16xf32>
        %swap3A_410 = vector.shape_cast %mul3A_405 : vector<16xf32> to vector<1x16xf32>
        tpu.vector_store %arg17[%swap3A_406, %swap3A_407], %swap3A_410 {strides = array<i32>} : memref<128x48xf32, #tpu.memory_space<vmem>>, vector<1x16xf32>,
        %get3A_411 = arith.index_cast %add3A_397 : i32 to index
        %get3A_412 = arith.constant 16 : index
        %get3A_413 = tpu.vector_load %arg14[%get3A_411, %get3A_412] {strides = array<i32>} : memref<128x48xf32, #tpu.memory_space<vmem>>, vector<1x16xf32>,
        %get3A_414 = vector.shape_cast %get3A_413 : vector<1x16xf32> to vector<16xf32>
        %mul3A_415 = vector.broadcast %squeeze3A_399 : f32 to vector<16xf32>
        %mul3A_416 = arith.mulf %get3A_414, %mul3A_415 : vector<16xf32>
        %swap3A_417 = arith.index_cast %add3A_397 : i32 to index
        %swap3A_418 = arith.constant 16 : index
        %swap3A_419 = tpu.vector_load %arg17[%swap3A_417, %swap3A_418] {strides = array<i32>} : memref<128x48xf32, #tpu.memory_space<vmem>>, vector<1x16xf32>,
        %swap3A_420 = vector.shape_cast %swap3A_419 : vector<1x16xf32> to vector<16xf32>
        %swap3A_421 = vector.shape_cast %mul3A_416 : vector<16xf32> to vector<1x16xf32>
        tpu.vector_store %arg17[%swap3A_417, %swap3A_418], %swap3A_421 {strides = array<i32>} : memref<128x48xf32, #tpu.memory_space<vmem>>, vector<1x16xf32>,
        %get3A_422 = arith.index_cast %add3A_397 : i32 to index
        %get3A_423 = arith.constant 32 : index
        %get3A_424 = tpu.vector_load %arg14[%get3A_422, %get3A_423] {strides = array<i32>} : memref<128x48xf32, #tpu.memory_space<vmem>>, vector<1x16xf32>,
        %get3A_425 = vector.shape_cast %get3A_424 : vector<1x16xf32> to vector<16xf32>
        %mul3A_426 = vector.broadcast %squeeze3A_399 : f32 to vector<16xf32>
        %mul3A_427 = arith.mulf %get3A_425, %mul3A_426 : vector<16xf32>
        %swap3A_428 = arith.index_cast %add3A_397 : i32 to index
        %swap3A_429 = arith.constant 32 : index
        %swap3A_430 = tpu.vector_load %arg17[%swap3A_428, %swap3A_429] {strides = array<i32>} : memref<128x48xf32, #tpu.memory_space<vmem>>, vector<1x16xf32>,
        %swap3A_431 = vector.shape_cast %swap3A_430 : vector<1x16xf32> to vector<16xf32>
        %swap3A_432 = vector.shape_cast %mul3A_427 : vector<16xf32> to vector<1x16xf32>
        tpu.vector_store %arg17[%swap3A_428, %swap3A_429], %swap3A_432 {strides = array<i32>} : memref<128x48xf32, #tpu.memory_space<vmem>>, vector<1x16xf32>,
        %mul3A_433 = arith.constant 16 : i32
        %mul3A_434 = arith.muli %scan3A_157, %mul3A_433 : i32
        %add3A_435 = arith.constant 7 : i32
        %add3A_436 = arith.addi %mul3A_434, %add3A_435 : i32
        %slice3A_437 = vector.extract_strided_slice %get3A_162 {offsets = [7], sizes = [1], strides = [1]} : vector<16xf32> to vector<1xf32>
        %squeeze3A_438 = vector.extract %slice3A_437[0] : f32 from vector<1xf32>
        %get3A_439 = arith.index_cast %add3A_436 : i32 to index
        %get3A_440 = arith.constant 0 : index
        %get3A_441 = tpu.vector_load %arg14[%get3A_439, %get3A_440] {strides = array<i32>} : memref<128x48xf32, #tpu.memory_space<vmem>>, vector<1x16xf32>,
        %get3A_442 = vector.shape_cast %get3A_441 : vector<1x16xf32> to vector<16xf32>
        %mul3A_443 = vector.broadcast %squeeze3A_438 : f32 to vector<16xf32>
        %mul3A_444 = arith.mulf %get3A_442, %mul3A_443 : vector<16xf32>
        %swap3A_445 = arith.index_cast %add3A_436 : i32 to index
        %swap3A_446 = arith.constant 0 : index
        %swap3A_447 = tpu.vector_load %arg17[%swap3A_445, %swap3A_446] {strides = array<i32>} : memref<128x48xf32, #tpu.memory_space<vmem>>, vector<1x16xf32>,
        %swap3A_448 = vector.shape_cast %swap3A_447 : vector<1x16xf32> to vector<16xf32>
        %swap3A_449 = vector.shape_cast %mul3A_444 : vector<16xf32> to vector<1x16xf32>
        tpu.vector_store %arg17[%swap3A_445, %swap3A_446], %swap3A_449 {strides = array<i32>} : memref<128x48xf32, #tpu.memory_space<vmem>>, vector<1x16xf32>,
        %get3A_450 = arith.index_cast %add3A_436 : i32 to index
        %get3A_451 = arith.constant 16 : index
        %get3A_452 = tpu.vector_load %arg14[%get3A_450, %get3A_451] {strides = array<i32>} : memref<128x48xf32, #tpu.memory_space<vmem>>, vector<1x16xf32>,
        %get3A_453 = vector.shape_cast %get3A_452 : vector<1x16xf32> to vector<16xf32>
        %mul3A_454 = vector.broadcast %squeeze3A_438 : f32 to vector<16xf32>
        %mul3A_455 = arith.mulf %get3A_453, %mul3A_454 : vector<16xf32>
        %swap3A_456 = arith.index_cast %add3A_436 : i32 to index
        %swap3A_457 = arith.constant 16 : index
        %swap3A_458 = tpu.vector_load %arg17[%swap3A_456, %swap3A_457] {strides = array<i32>} : memref<128x48xf32, #tpu.memory_space<vmem>>, vector<1x16xf32>,
        %swap3A_459 = vector.shape_cast %swap3A_458 : vector<1x16xf32> to vector<16xf32>
        %swap3A_460 = vector.shape_cast %mul3A_455 : vector<16xf32> to vector<1x16xf32>
        tpu.vector_store %arg17[%swap3A_456, %swap3A_457], %swap3A_460 {strides = array<i32>} : memref<128x48xf32, #tpu.memory_space<vmem>>, vector<1x16xf32>,
        %get3A_461 = arith.index_cast %add3A_436 : i32 to index
        %get3A_462 = arith.constant 32 : index
        %get3A_463 = tpu.vector_load %arg14[%get3A_461, %get3A_462] {strides = array<i32>} : memref<128x48xf32, #tpu.memory_space<vmem>>, vector<1x16xf32>,
        %get3A_464 = vector.shape_cast %get3A_463 : vector<1x16xf32> to vector<16xf32>
        %mul3A_465 = vector.broadcast %squeeze3A_438 : f32 to vector<16xf32>
        %mul3A_466 = arith.mulf %get3A_464, %mul3A_465 : vector<16xf32>
        %swap3A_467 = arith.index_cast %add3A_436 : i32 to index
        %swap3A_468 = arith.constant 32 : index
        %swap3A_469 = tpu.vector_load %arg17[%swap3A_467, %swap3A_468] {strides = array<i32>} : memref<128x48xf32, #tpu.memory_space<vmem>>, vector<1x16xf32>,
        %swap3A_470 = vector.shape_cast %swap3A_469 : vector<1x16xf32> to vector<16xf32>
        %swap3A_471 = vector.shape_cast %mul3A_466 : vector<16xf32> to vector<1x16xf32>
        tpu.vector_store %arg17[%swap3A_467, %swap3A_468], %swap3A_471 {strides = array<i32>} : memref<128x48xf32, #tpu.memory_space<vmem>>, vector<1x16xf32>,
        %mul3A_472 = arith.constant 16 : i32
        %mul3A_473 = arith.muli %scan3A_157, %mul3A_472 : i32
        %add3A_474 = arith.constant 8 : i32
        %add3A_475 = arith.addi %mul3A_473, %add3A_474 : i32
        %slice3A_476 = vector.extract_strided_slice %get3A_162 {offsets = [8], sizes = [1], strides = [1]} : vector<16xf32> to vector<1xf32>
        %squeeze3A_477 = vector.extract %slice3A_476[0] : f32 from vector<1xf32>
        %get3A_478 = arith.index_cast %add3A_475 : i32 to index
        %get3A_479 = arith.constant 0 : index
        %get3A_480 = tpu.vector_load %arg14[%get3A_478, %get3A_479] {strides = array<i32>} : memref<128x48xf32, #tpu.memory_space<vmem>>, vector<1x16xf32>,
        %get3A_481 = vector.shape_cast %get3A_480 : vector<1x16xf32> to vector<16xf32>
        %mul3A_482 = vector.broadcast %squeeze3A_477 : f32 to vector<16xf32>
        %mul3A_483 = arith.mulf %get3A_481, %mul3A_482 : vector<16xf32>
        %swap3A_484 = arith.index_cast %add3A_475 : i32 to index
        %swap3A_485 = arith.constant 0 : index
        %swap3A_486 = tpu.vector_load %arg17[%swap3A_484, %swap3A_485] {strides = array<i32>} : memref<128x48xf32, #tpu.memory_space<vmem>>, vector<1x16xf32>,
        %swap3A_487 = vector.shape_cast %swap3A_486 : vector<1x16xf32> to vector<16xf32>
        %swap3A_488 = vector.shape_cast %mul3A_483 : vector<16xf32> to vector<1x16xf32>
        tpu.vector_store %arg17[%swap3A_484, %swap3A_485], %swap3A_488 {strides = array<i32>} : memref<128x48xf32, #tpu.memory_space<vmem>>, vector<1x16xf32>,
        %get3A_489 = arith.index_cast %add3A_475 : i32 to index
        %get3A_490 = arith.constant 16 : index
        %get3A_491 = tpu.vector_load %arg14[%get3A_489, %get3A_490] {strides = array<i32>} : memref<128x48xf32, #tpu.memory_space<vmem>>, vector<1x16xf32>,
        %get3A_492 = vector.shape_cast %get3A_491 : vector<1x16xf32> to vector<16xf32>
        %mul3A_493 = vector.broadcast %squeeze3A_477 : f32 to vector<16xf32>
        %mul3A_494 = arith.mulf %get3A_492, %mul3A_493 : vector<16xf32>
        %swap3A_495 = arith.index_cast %add3A_475 : i32 to index
        %swap3A_496 = arith.constant 16 : index
        %swap3A_497 = tpu.vector_load %arg17[%swap3A_495, %swap3A_496] {strides = array<i32>} : memref<128x48xf32, #tpu.memory_space<vmem>>, vector<1x16xf32>,
        %swap3A_498 = vector.shape_cast %swap3A_497 : vector<1x16xf32> to vector<16xf32>
        %swap3A_499 = vector.shape_cast %mul3A_494 : vector<16xf32> to vector<1x16xf32>
        tpu.vector_store %arg17[%swap3A_495, %swap3A_496], %swap3A_499 {strides = array<i32>} : memref<128x48xf32, #tpu.memory_space<vmem>>, vector<1x16xf32>,
        %get3A_500 = arith.index_cast %add3A_475 : i32 to index
        %get3A_501 = arith.constant 32 : index
        %get3A_502 = tpu.vector_load %arg14[%get3A_500, %get3A_501] {strides = array<i32>} : memref<128x48xf32, #tpu.memory_space<vmem>>, vector<1x16xf32>,
        %get3A_503 = vector.shape_cast %get3A_502 : vector<1x16xf32> to vector<16xf32>
        %mul3A_504 = vector.broadcast %squeeze3A_477 : f32 to vector<16xf32>
        %mul3A_505 = arith.mulf %get3A_503, %mul3A_504 : vector<16xf32>
        %swap3A_506 = arith.index_cast %add3A_475 : i32 to index
        %swap3A_507 = arith.constant 32 : index
        %swap3A_508 = tpu.vector_load %arg17[%swap3A_506, %swap3A_507] {strides = array<i32>} : memref<128x48xf32, #tpu.memory_space<vmem>>, vector<1x16xf32>,
        %swap3A_509 = vector.shape_cast %swap3A_508 : vector<1x16xf32> to vector<16xf32>
        %swap3A_510 = vector.shape_cast %mul3A_505 : vector<16xf32> to vector<1x16xf32>
        tpu.vector_store %arg17[%swap3A_506, %swap3A_507], %swap3A_510 {strides = array<i32>} : memref<128x48xf32, #tpu.memory_space<vmem>>, vector<1x16xf32>,
        %mul3A_511 = arith.constant 16 : i32
        %mul3A_512 = arith.muli %scan3A_157, %mul3A_511 : i32
        %add3A_513 = arith.constant 9 : i32
        %add3A_514 = arith.addi %mul3A_512, %add3A_513 : i32
        %slice3A_515 = vector.extract_strided_slice %get3A_162 {offsets = [9], sizes = [1], strides = [1]} : vector<16xf32> to vector<1xf32>
        %squeeze3A_516 = vector.extract %slice3A_515[0] : f32 from vector<1xf32>
        %get3A_517 = arith.index_cast %add3A_514 : i32 to index
        %get3A_518 = arith.constant 0 : index
        %get3A_519 = tpu.vector_load %arg14[%get3A_517, %get3A_518] {strides = array<i32>} : memref<128x48xf32, #tpu.memory_space<vmem>>, vector<1x16xf32>,
        %get3A_520 = vector.shape_cast %get3A_519 : vector<1x16xf32> to vector<16xf32>
        %mul3A_521 = vector.broadcast %squeeze3A_516 : f32 to vector<16xf32>
        %mul3A_522 = arith.mulf %get3A_520, %mul3A_521 : vector<16xf32>
        %swap3A_523 = arith.index_cast %add3A_514 : i32 to index
        %swap3A_524 = arith.constant 0 : index
        %swap3A_525 = tpu.vector_load %arg17[%swap3A_523, %swap3A_524] {strides = array<i32>} : memref<128x48xf32, #tpu.memory_space<vmem>>, vector<1x16xf32>,
        %swap3A_526 = vector.shape_cast %swap3A_525 : vector<1x16xf32> to vector<16xf32>
        %swap3A_527 = vector.shape_cast %mul3A_522 : vector<16xf32> to vector<1x16xf32>
        tpu.vector_store %arg17[%swap3A_523, %swap3A_524], %swap3A_527 {strides = array<i32>} : memref<128x48xf32, #tpu.memory_space<vmem>>, vector<1x16xf32>,
        %get3A_528 = arith.index_cast %add3A_514 : i32 to index
        %get3A_529 = arith.constant 16 : index
        %get3A_530 = tpu.vector_load %arg14[%get3A_528, %get3A_529] {strides = array<i32>} : memref<128x48xf32, #tpu.memory_space<vmem>>, vector<1x16xf32>,
        %get3A_531 = vector.shape_cast %get3A_530 : vector<1x16xf32> to vector<16xf32>
        %mul3A_532 = vector.broadcast %squeeze3A_516 : f32 to vector<16xf32>
        %mul3A_533 = arith.mulf %get3A_531, %mul3A_532 : vector<16xf32>
        %swap3A_534 = arith.index_cast %add3A_514 : i32 to index
        %swap3A_535 = arith.constant 16 : index
        %swap3A_536 = tpu.vector_load %arg17[%swap3A_534, %swap3A_535] {strides = array<i32>} : memref<128x48xf32, #tpu.memory_space<vmem>>, vector<1x16xf32>,
        %swap3A_537 = vector.shape_cast %swap3A_536 : vector<1x16xf32> to vector<16xf32>
        %swap3A_538 = vector.shape_cast %mul3A_533 : vector<16xf32> to vector<1x16xf32>
        tpu.vector_store %arg17[%swap3A_534, %swap3A_535], %swap3A_538 {strides = array<i32>} : memref<128x48xf32, #tpu.memory_space<vmem>>, vector<1x16xf32>,
        %get3A_539 = arith.index_cast %add3A_514 : i32 to index
        %get3A_540 = arith.constant 32 : index
        %get3A_541 = tpu.vector_load %arg14[%get3A_539, %get3A_540] {strides = array<i32>} : memref<128x48xf32, #tpu.memory_space<vmem>>, vector<1x16xf32>,
        %get3A_542 = vector.shape_cast %get3A_541 : vector<1x16xf32> to vector<16xf32>
        %mul3A_543 = vector.broadcast %squeeze3A_516 : f32 to vector<16xf32>
        %mul3A_544 = arith.mulf %get3A_542, %mul3A_543 : vector<16xf32>
        %swap3A_545 = arith.index_cast %add3A_514 : i32 to index
        %swap3A_546 = arith.constant 32 : index
        %swap3A_547 = tpu.vector_load %arg17[%swap3A_545, %swap3A_546] {strides = array<i32>} : memref<128x48xf32, #tpu.memory_space<vmem>>, vector<1x16xf32>,
        %swap3A_548 = vector.shape_cast %swap3A_547 : vector<1x16xf32> to vector<16xf32>
        %swap3A_549 = vector.shape_cast %mul3A_544 : vector<16xf32> to vector<1x16xf32>
        tpu.vector_store %arg17[%swap3A_545, %swap3A_546], %swap3A_549 {strides = array<i32>} : memref<128x48xf32, #tpu.memory_space<vmem>>, vector<1x16xf32>,
        %mul3A_550 = arith.constant 16 : i32
        %mul3A_551 = arith.muli %scan3A_157, %mul3A_550 : i32
        %add3A_552 = arith.constant 10 : i32
        %add3A_553 = arith.addi %mul3A_551, %add3A_552 : i32
        %slice3A_554 = vector.extract_strided_slice %get3A_162 {offsets = [10], sizes = [1], strides = [1]} : vector<16xf32> to vector<1xf32>
        %squeeze3A_555 = vector.extract %slice3A_554[0] : f32 from vector<1xf32>
        %get3A_556 = arith.index_cast %add3A_553 : i32 to index
        %get3A_557 = arith.constant 0 : index
        %get3A_558 = tpu.vector_load %arg14[%get3A_556, %get3A_557] {strides = array<i32>} : memref<128x48xf32, #tpu.memory_space<vmem>>, vector<1x16xf32>,
        %get3A_559 = vector.shape_cast %get3A_558 : vector<1x16xf32> to vector<16xf32>
        %mul3A_560 = vector.broadcast %squeeze3A_555 : f32 to vector<16xf32>
        %mul3A_561 = arith.mulf %get3A_559, %mul3A_560 : vector<16xf32>
        %swap3A_562 = arith.index_cast %add3A_553 : i32 to index
        %swap3A_563 = arith.constant 0 : index
        %swap3A_564 = tpu.vector_load %arg17[%swap3A_562, %swap3A_563] {strides = array<i32>} : memref<128x48xf32, #tpu.memory_space<vmem>>, vector<1x16xf32>,
        %swap3A_565 = vector.shape_cast %swap3A_564 : vector<1x16xf32> to vector<16xf32>
        %swap3A_566 = vector.shape_cast %mul3A_561 : vector<16xf32> to vector<1x16xf32>
        tpu.vector_store %arg17[%swap3A_562, %swap3A_563], %swap3A_566 {strides = array<i32>} : memref<128x48xf32, #tpu.memory_space<vmem>>, vector<1x16xf32>,
        %get3A_567 = arith.index_cast %add3A_553 : i32 to index
        %get3A_568 = arith.constant 16 : index
        %get3A_569 = tpu.vector_load %arg14[%get3A_567, %get3A_568] {strides = array<i32>} : memref<128x48xf32, #tpu.memory_space<vmem>>, vector<1x16xf32>,
        %get3A_570 = vector.shape_cast %get3A_569 : vector<1x16xf32> to vector<16xf32>
        %mul3A_571 = vector.broadcast %squeeze3A_555 : f32 to vector<16xf32>
        %mul3A_572 = arith.mulf %get3A_570, %mul3A_571 : vector<16xf32>
        %swap3A_573 = arith.index_cast %add3A_553 : i32 to index
        %swap3A_574 = arith.constant 16 : index
        %swap3A_575 = tpu.vector_load %arg17[%swap3A_573, %swap3A_574] {strides = array<i32>} : memref<128x48xf32, #tpu.memory_space<vmem>>, vector<1x16xf32>,
        %swap3A_576 = vector.shape_cast %swap3A_575 : vector<1x16xf32> to vector<16xf32>
        %swap3A_577 = vector.shape_cast %mul3A_572 : vector<16xf32> to vector<1x16xf32>
        tpu.vector_store %arg17[%swap3A_573, %swap3A_574], %swap3A_577 {strides = array<i32>} : memref<128x48xf32, #tpu.memory_space<vmem>>, vector<1x16xf32>,
        %get3A_578 = arith.index_cast %add3A_553 : i32 to index
        %get3A_579 = arith.constant 32 : index
        %get3A_580 = tpu.vector_load %arg14[%get3A_578, %get3A_579] {strides = array<i32>} : memref<128x48xf32, #tpu.memory_space<vmem>>, vector<1x16xf32>,
        %get3A_581 = vector.shape_cast %get3A_580 : vector<1x16xf32> to vector<16xf32>
        %mul3A_582 = vector.broadcast %squeeze3A_555 : f32 to vector<16xf32>
        %mul3A_583 = arith.mulf %get3A_581, %mul3A_582 : vector<16xf32>
        %swap3A_584 = arith.index_cast %add3A_553 : i32 to index
        %swap3A_585 = arith.constant 32 : index
        %swap3A_586 = tpu.vector_load %arg17[%swap3A_584, %swap3A_585] {strides = array<i32>} : memref<128x48xf32, #tpu.memory_space<vmem>>, vector<1x16xf32>,
        %swap3A_587 = vector.shape_cast %swap3A_586 : vector<1x16xf32> to vector<16xf32>
        %swap3A_588 = vector.shape_cast %mul3A_583 : vector<16xf32> to vector<1x16xf32>
        tpu.vector_store %arg17[%swap3A_584, %swap3A_585], %swap3A_588 {strides = array<i32>} : memref<128x48xf32, #tpu.memory_space<vmem>>, vector<1x16xf32>,
        %mul3A_589 = arith.constant 16 : i32
        %mul3A_590 = arith.muli %scan3A_157, %mul3A_589 : i32
        %add3A_591 = arith.constant 11 : i32
        %add3A_592 = arith.addi %mul3A_590, %add3A_591 : i32
        %slice3A_593 = vector.extract_strided_slice %get3A_162 {offsets = [11], sizes = [1], strides = [1]} : vector<16xf32> to vector<1xf32>
        %squeeze3A_594 = vector.extract %slice3A_593[0] : f32 from vector<1xf32>
        %get3A_595 = arith.index_cast %add3A_592 : i32 to index
        %get3A_596 = arith.constant 0 : index
        %get3A_597 = tpu.vector_load %arg14[%get3A_595, %get3A_596] {strides = array<i32>} : memref<128x48xf32, #tpu.memory_space<vmem>>, vector<1x16xf32>,
        %get3A_598 = vector.shape_cast %get3A_597 : vector<1x16xf32> to vector<16xf32>
        %mul3A_599 = vector.broadcast %squeeze3A_594 : f32 to vector<16xf32>
        %mul3A_600 = arith.mulf %get3A_598, %mul3A_599 : vector<16xf32>
        %swap3A_601 = arith.index_cast %add3A_592 : i32 to index
        %swap3A_602 = arith.constant 0 : index
        %swap3A_603 = tpu.vector_load %arg17[%swap3A_601, %swap3A_602] {strides = array<i32>} : memref<128x48xf32, #tpu.memory_space<vmem>>, vector<1x16xf32>,
        %swap3A_604 = vector.shape_cast %swap3A_603 : vector<1x16xf32> to vector<16xf32>
        %swap3A_605 = vector.shape_cast %mul3A_600 : vector<16xf32> to vector<1x16xf32>
        tpu.vector_store %arg17[%swap3A_601, %swap3A_602], %swap3A_605 {strides = array<i32>} : memref<128x48xf32, #tpu.memory_space<vmem>>, vector<1x16xf32>,
        %get3A_606 = arith.index_cast %add3A_592 : i32 to index
        %get3A_607 = arith.constant 16 : index
        %get3A_608 = tpu.vector_load %arg14[%get3A_606, %get3A_607] {strides = array<i32>} : memref<128x48xf32, #tpu.memory_space<vmem>>, vector<1x16xf32>,
        %get3A_609 = vector.shape_cast %get3A_608 : vector<1x16xf32> to vector<16xf32>
        %mul3A_610 = vector.broadcast %squeeze3A_594 : f32 to vector<16xf32>
        %mul3A_611 = arith.mulf %get3A_609, %mul3A_610 : vector<16xf32>
        %swap3A_612 = arith.index_cast %add3A_592 : i32 to index
        %swap3A_613 = arith.constant 16 : index
        %swap3A_614 = tpu.vector_load %arg17[%swap3A_612, %swap3A_613] {strides = array<i32>} : memref<128x48xf32, #tpu.memory_space<vmem>>, vector<1x16xf32>,
        %swap3A_615 = vector.shape_cast %swap3A_614 : vector<1x16xf32> to vector<16xf32>
        %swap3A_616 = vector.shape_cast %mul3A_611 : vector<16xf32> to vector<1x16xf32>
        tpu.vector_store %arg17[%swap3A_612, %swap3A_613], %swap3A_616 {strides = array<i32>} : memref<128x48xf32, #tpu.memory_space<vmem>>, vector<1x16xf32>,
        %get3A_617 = arith.index_cast %add3A_592 : i32 to index
        %get3A_618 = arith.constant 32 : index
        %get3A_619 = tpu.vector_load %arg14[%get3A_617, %get3A_618] {strides = array<i32>} : memref<128x48xf32, #tpu.memory_space<vmem>>, vector<1x16xf32>,
        %get3A_620 = vector.shape_cast %get3A_619 : vector<1x16xf32> to vector<16xf32>
        %mul3A_621 = vector.broadcast %squeeze3A_594 : f32 to vector<16xf32>
        %mul3A_622 = arith.mulf %get3A_620, %mul3A_621 : vector<16xf32>
        %swap3A_623 = arith.index_cast %add3A_592 : i32 to index
        %swap3A_624 = arith.constant 32 : index
        %swap3A_625 = tpu.vector_load %arg17[%swap3A_623, %swap3A_624] {strides = array<i32>} : memref<128x48xf32, #tpu.memory_space<vmem>>, vector<1x16xf32>,
        %swap3A_626 = vector.shape_cast %swap3A_625 : vector<1x16xf32> to vector<16xf32>
        %swap3A_627 = vector.shape_cast %mul3A_622 : vector<16xf32> to vector<1x16xf32>
        tpu.vector_store %arg17[%swap3A_623, %swap3A_624], %swap3A_627 {strides = array<i32>} : memref<128x48xf32, #tpu.memory_space<vmem>>, vector<1x16xf32>,
        %mul3A_628 = arith.constant 16 : i32
        %mul3A_629 = arith.muli %scan3A_157, %mul3A_628 : i32
        %add3A_630 = arith.constant 12 : i32
        %add3A_631 = arith.addi %mul3A_629, %add3A_630 : i32
        %slice3A_632 = vector.extract_strided_slice %get3A_162 {offsets = [12], sizes = [1], strides = [1]} : vector<16xf32> to vector<1xf32>
        %squeeze3A_633 = vector.extract %slice3A_632[0] : f32 from vector<1xf32>
        %get3A_634 = arith.index_cast %add3A_631 : i32 to index
        %get3A_635 = arith.constant 0 : index
        %get3A_636 = tpu.vector_load %arg14[%get3A_634, %get3A_635] {strides = array<i32>} : memref<128x48xf32, #tpu.memory_space<vmem>>, vector<1x16xf32>,
        %get3A_637 = vector.shape_cast %get3A_636 : vector<1x16xf32> to vector<16xf32>
        %mul3A_638 = vector.broadcast %squeeze3A_633 : f32 to vector<16xf32>
        %mul3A_639 = arith.mulf %get3A_637, %mul3A_638 : vector<16xf32>
        %swap3A_640 = arith.index_cast %add3A_631 : i32 to index
        %swap3A_641 = arith.constant 0 : index
        %swap3A_642 = tpu.vector_load %arg17[%swap3A_640, %swap3A_641] {strides = array<i32>} : memref<128x48xf32, #tpu.memory_space<vmem>>, vector<1x16xf32>,
        %swap3A_643 = vector.shape_cast %swap3A_642 : vector<1x16xf32> to vector<16xf32>
        %swap3A_644 = vector.shape_cast %mul3A_639 : vector<16xf32> to vector<1x16xf32>
        tpu.vector_store %arg17[%swap3A_640, %swap3A_641], %swap3A_644 {strides = array<i32>} : memref<128x48xf32, #tpu.memory_space<vmem>>, vector<1x16xf32>,
        %get3A_645 = arith.index_cast %add3A_631 : i32 to index
        %get3A_646 = arith.constant 16 : index
        %get3A_647 = tpu.vector_load %arg14[%get3A_645, %get3A_646] {strides = array<i32>} : memref<128x48xf32, #tpu.memory_space<vmem>>, vector<1x16xf32>,
        %get3A_648 = vector.shape_cast %get3A_647 : vector<1x16xf32> to vector<16xf32>
        %mul3A_649 = vector.broadcast %squeeze3A_633 : f32 to vector<16xf32>
        %mul3A_650 = arith.mulf %get3A_648, %mul3A_649 : vector<16xf32>
        %swap3A_651 = arith.index_cast %add3A_631 : i32 to index
        %swap3A_652 = arith.constant 16 : index
        %swap3A_653 = tpu.vector_load %arg17[%swap3A_651, %swap3A_652] {strides = array<i32>} : memref<128x48xf32, #tpu.memory_space<vmem>>, vector<1x16xf32>,
        %swap3A_654 = vector.shape_cast %swap3A_653 : vector<1x16xf32> to vector<16xf32>
        %swap3A_655 = vector.shape_cast %mul3A_650 : vector<16xf32> to vector<1x16xf32>
        tpu.vector_store %arg17[%swap3A_651, %swap3A_652], %swap3A_655 {strides = array<i32>} : memref<128x48xf32, #tpu.memory_space<vmem>>, vector<1x16xf32>,
        %get3A_656 = arith.index_cast %add3A_631 : i32 to index
        %get3A_657 = arith.constant 32 : index
        %get3A_658 = tpu.vector_load %arg14[%get3A_656, %get3A_657] {strides = array<i32>} : memref<128x48xf32, #tpu.memory_space<vmem>>, vector<1x16xf32>,
        %get3A_659 = vector.shape_cast %get3A_658 : vector<1x16xf32> to vector<16xf32>
        %mul3A_660 = vector.broadcast %squeeze3A_633 : f32 to vector<16xf32>
        %mul3A_661 = arith.mulf %get3A_659, %mul3A_660 : vector<16xf32>
        %swap3A_662 = arith.index_cast %add3A_631 : i32 to index
        %swap3A_663 = arith.constant 32 : index
        %swap3A_664 = tpu.vector_load %arg17[%swap3A_662, %swap3A_663] {strides = array<i32>} : memref<128x48xf32, #tpu.memory_space<vmem>>, vector<1x16xf32>,
        %swap3A_665 = vector.shape_cast %swap3A_664 : vector<1x16xf32> to vector<16xf32>
        %swap3A_666 = vector.shape_cast %mul3A_661 : vector<16xf32> to vector<1x16xf32>
        tpu.vector_store %arg17[%swap3A_662, %swap3A_663], %swap3A_666 {strides = array<i32>} : memref<128x48xf32, #tpu.memory_space<vmem>>, vector<1x16xf32>,
        %mul3A_667 = arith.constant 16 : i32
        %mul3A_668 = arith.muli %scan3A_157, %mul3A_667 : i32
        %add3A_669 = arith.constant 13 : i32
        %add3A_670 = arith.addi %mul3A_668, %add3A_669 : i32
        %slice3A_671 = vector.extract_strided_slice %get3A_162 {offsets = [13], sizes = [1], strides = [1]} : vector<16xf32> to vector<1xf32>
        %squeeze3A_672 = vector.extract %slice3A_671[0] : f32 from vector<1xf32>
        %get3A_673 = arith.index_cast %add3A_670 : i32 to index
        %get3A_674 = arith.constant 0 : index
        %get3A_675 = tpu.vector_load %arg14[%get3A_673, %get3A_674] {strides = array<i32>} : memref<128x48xf32, #tpu.memory_space<vmem>>, vector<1x16xf32>,
        %get3A_676 = vector.shape_cast %get3A_675 : vector<1x16xf32> to vector<16xf32>
        %mul3A_677 = vector.broadcast %squeeze3A_672 : f32 to vector<16xf32>
        %mul3A_678 = arith.mulf %get3A_676, %mul3A_677 : vector<16xf32>
        %swap3A_679 = arith.index_cast %add3A_670 : i32 to index
        %swap3A_680 = arith.constant 0 : index
        %swap3A_681 = tpu.vector_load %arg17[%swap3A_679, %swap3A_680] {strides = array<i32>} : memref<128x48xf32, #tpu.memory_space<vmem>>, vector<1x16xf32>,
        %swap3A_682 = vector.shape_cast %swap3A_681 : vector<1x16xf32> to vector<16xf32>
        %swap3A_683 = vector.shape_cast %mul3A_678 : vector<16xf32> to vector<1x16xf32>
        tpu.vector_store %arg17[%swap3A_679, %swap3A_680], %swap3A_683 {strides = array<i32>} : memref<128x48xf32, #tpu.memory_space<vmem>>, vector<1x16xf32>,
        %get3A_684 = arith.index_cast %add3A_670 : i32 to index
        %get3A_685 = arith.constant 16 : index
        %get3A_686 = tpu.vector_load %arg14[%get3A_684, %get3A_685] {strides = array<i32>} : memref<128x48xf32, #tpu.memory_space<vmem>>, vector<1x16xf32>,
        %get3A_687 = vector.shape_cast %get3A_686 : vector<1x16xf32> to vector<16xf32>
        %mul3A_688 = vector.broadcast %squeeze3A_672 : f32 to vector<16xf32>
        %mul3A_689 = arith.mulf %get3A_687, %mul3A_688 : vector<16xf32>
        %swap3A_690 = arith.index_cast %add3A_670 : i32 to index
        %swap3A_691 = arith.constant 16 : index
        %swap3A_692 = tpu.vector_load %arg17[%swap3A_690, %swap3A_691] {strides = array<i32>} : memref<128x48xf32, #tpu.memory_space<vmem>>, vector<1x16xf32>,
        %swap3A_693 = vector.shape_cast %swap3A_692 : vector<1x16xf32> to vector<16xf32>
        %swap3A_694 = vector.shape_cast %mul3A_689 : vector<16xf32> to vector<1x16xf32>
        tpu.vector_store %arg17[%swap3A_690, %swap3A_691], %swap3A_694 {strides = array<i32>} : memref<128x48xf32, #tpu.memory_space<vmem>>, vector<1x16xf32>,
        %get3A_695 = arith.index_cast %add3A_670 : i32 to index
        %get3A_696 = arith.constant 32 : index
        %get3A_697 = tpu.vector_load %arg14[%get3A_695, %get3A_696] {strides = array<i32>} : memref<128x48xf32, #tpu.memory_space<vmem>>, vector<1x16xf32>,
        %get3A_698 = vector.shape_cast %get3A_697 : vector<1x16xf32> to vector<16xf32>
        %mul3A_699 = vector.broadcast %squeeze3A_672 : f32 to vector<16xf32>
        %mul3A_700 = arith.mulf %get3A_698, %mul3A_699 : vector<16xf32>
        %swap3A_701 = arith.index_cast %add3A_670 : i32 to index
        %swap3A_702 = arith.constant 32 : index
        %swap3A_703 = tpu.vector_load %arg17[%swap3A_701, %swap3A_702] {strides = array<i32>} : memref<128x48xf32, #tpu.memory_space<vmem>>, vector<1x16xf32>,
        %swap3A_704 = vector.shape_cast %swap3A_703 : vector<1x16xf32> to vector<16xf32>
        %swap3A_705 = vector.shape_cast %mul3A_700 : vector<16xf32> to vector<1x16xf32>
        tpu.vector_store %arg17[%swap3A_701, %swap3A_702], %swap3A_705 {strides = array<i32>} : memref<128x48xf32, #tpu.memory_space<vmem>>, vector<1x16xf32>,
        %mul3A_706 = arith.constant 16 : i32
        %mul3A_707 = arith.muli %scan3A_157, %mul3A_706 : i32
        %add3A_708 = arith.constant 14 : i32
        %add3A_709 = arith.addi %mul3A_707, %add3A_708 : i32
        %slice3A_710 = vector.extract_strided_slice %get3A_162 {offsets = [14], sizes = [1], strides = [1]} : vector<16xf32> to vector<1xf32>
        %squeeze3A_711 = vector.extract %slice3A_710[0] : f32 from vector<1xf32>
        %get3A_712 = arith.index_cast %add3A_709 : i32 to index
        %get3A_713 = arith.constant 0 : index
        %get3A_714 = tpu.vector_load %arg14[%get3A_712, %get3A_713] {strides = array<i32>} : memref<128x48xf32, #tpu.memory_space<vmem>>, vector<1x16xf32>,
        %get3A_715 = vector.shape_cast %get3A_714 : vector<1x16xf32> to vector<16xf32>
        %mul3A_716 = vector.broadcast %squeeze3A_711 : f32 to vector<16xf32>
        %mul3A_717 = arith.mulf %get3A_715, %mul3A_716 : vector<16xf32>
        %swap3A_718 = arith.index_cast %add3A_709 : i32 to index
        %swap3A_719 = arith.constant 0 : index
        %swap3A_720 = tpu.vector_load %arg17[%swap3A_718, %swap3A_719] {strides = array<i32>} : memref<128x48xf32, #tpu.memory_space<vmem>>, vector<1x16xf32>,
        %swap3A_721 = vector.shape_cast %swap3A_720 : vector<1x16xf32> to vector<16xf32>
        %swap3A_722 = vector.shape_cast %mul3A_717 : vector<16xf32> to vector<1x16xf32>
        tpu.vector_store %arg17[%swap3A_718, %swap3A_719], %swap3A_722 {strides = array<i32>} : memref<128x48xf32, #tpu.memory_space<vmem>>, vector<1x16xf32>,
        %get3A_723 = arith.index_cast %add3A_709 : i32 to index
        %get3A_724 = arith.constant 16 : index
        %get3A_725 = tpu.vector_load %arg14[%get3A_723, %get3A_724] {strides = array<i32>} : memref<128x48xf32, #tpu.memory_space<vmem>>, vector<1x16xf32>,
        %get3A_726 = vector.shape_cast %get3A_725 : vector<1x16xf32> to vector<16xf32>
        %mul3A_727 = vector.broadcast %squeeze3A_711 : f32 to vector<16xf32>
        %mul3A_728 = arith.mulf %get3A_726, %mul3A_727 : vector<16xf32>
        %swap3A_729 = arith.index_cast %add3A_709 : i32 to index
        %swap3A_730 = arith.constant 16 : index
        %swap3A_731 = tpu.vector_load %arg17[%swap3A_729, %swap3A_730] {strides = array<i32>} : memref<128x48xf32, #tpu.memory_space<vmem>>, vector<1x16xf32>,
        %swap3A_732 = vector.shape_cast %swap3A_731 : vector<1x16xf32> to vector<16xf32>
        %swap3A_733 = vector.shape_cast %mul3A_728 : vector<16xf32> to vector<1x16xf32>
        tpu.vector_store %arg17[%swap3A_729, %swap3A_730], %swap3A_733 {strides = array<i32>} : memref<128x48xf32, #tpu.memory_space<vmem>>, vector<1x16xf32>,
        %get3A_734 = arith.index_cast %add3A_709 : i32 to index
        %get3A_735 = arith.constant 32 : index
        %get3A_736 = tpu.vector_load %arg14[%get3A_734, %get3A_735] {strides = array<i32>} : memref<128x48xf32, #tpu.memory_space<vmem>>, vector<1x16xf32>,
        %get3A_737 = vector.shape_cast %get3A_736 : vector<1x16xf32> to vector<16xf32>
        %mul3A_738 = vector.broadcast %squeeze3A_711 : f32 to vector<16xf32>
        %mul3A_739 = arith.mulf %get3A_737, %mul3A_738 : vector<16xf32>
        %swap3A_740 = arith.index_cast %add3A_709 : i32 to index
        %swap3A_741 = arith.constant 32 : index
        %swap3A_742 = tpu.vector_load %arg17[%swap3A_740, %swap3A_741] {strides = array<i32>} : memref<128x48xf32, #tpu.memory_space<vmem>>, vector<1x16xf32>,
        %swap3A_743 = vector.shape_cast %swap3A_742 : vector<1x16xf32> to vector<16xf32>
        %swap3A_744 = vector.shape_cast %mul3A_739 : vector<16xf32> to vector<1x16xf32>
        tpu.vector_store %arg17[%swap3A_740, %swap3A_741], %swap3A_744 {strides = array<i32>} : memref<128x48xf32, #tpu.memory_space<vmem>>, vector<1x16xf32>,
        %mul3A_745 = arith.constant 16 : i32
        %mul3A_746 = arith.muli %scan3A_157, %mul3A_745 : i32
        %add3A_747 = arith.constant 15 : i32
        %add3A_748 = arith.addi %mul3A_746, %add3A_747 : i32
        %slice3A_749 = vector.extract_strided_slice %get3A_162 {offsets = [15], sizes = [1], strides = [1]} : vector<16xf32> to vector<1xf32>
        %squeeze3A_750 = vector.extract %slice3A_749[0] : f32 from vector<1xf32>
        %get3A_751 = arith.index_cast %add3A_748 : i32 to index
        %get3A_752 = arith.constant 0 : index
        %get3A_753 = tpu.vector_load %arg14[%get3A_751, %get3A_752] {strides = array<i32>} : memref<128x48xf32, #tpu.memory_space<vmem>>, vector<1x16xf32>,
        %get3A_754 = vector.shape_cast %get3A_753 : vector<1x16xf32> to vector<16xf32>
        %mul3A_755 = vector.broadcast %squeeze3A_750 : f32 to vector<16xf32>
        %mul3A_756 = arith.mulf %get3A_754, %mul3A_755 : vector<16xf32>
        %swap3A_757 = arith.index_cast %add3A_748 : i32 to index
        %swap3A_758 = arith.constant 0 : index
        %swap3A_759 = tpu.vector_load %arg17[%swap3A_757, %swap3A_758] {strides = array<i32>} : memref<128x48xf32, #tpu.memory_space<vmem>>, vector<1x16xf32>,
        %swap3A_760 = vector.shape_cast %swap3A_759 : vector<1x16xf32> to vector<16xf32>
        %swap3A_761 = vector.shape_cast %mul3A_756 : vector<16xf32> to vector<1x16xf32>
        tpu.vector_store %arg17[%swap3A_757, %swap3A_758], %swap3A_761 {strides = array<i32>} : memref<128x48xf32, #tpu.memory_space<vmem>>, vector<1x16xf32>,
        %get3A_762 = arith.index_cast %add3A_748 : i32 to index
        %get3A_763 = arith.constant 16 : index
        %get3A_764 = tpu.vector_load %arg14[%get3A_762, %get3A_763] {strides = array<i32>} : memref<128x48xf32, #tpu.memory_space<vmem>>, vector<1x16xf32>,
        %get3A_765 = vector.shape_cast %get3A_764 : vector<1x16xf32> to vector<16xf32>
        %mul3A_766 = vector.broadcast %squeeze3A_750 : f32 to vector<16xf32>
        %mul3A_767 = arith.mulf %get3A_765, %mul3A_766 : vector<16xf32>
        %swap3A_768 = arith.index_cast %add3A_748 : i32 to index
        %swap3A_769 = arith.constant 16 : index
        %swap3A_770 = tpu.vector_load %arg17[%swap3A_768, %swap3A_769] {strides = array<i32>} : memref<128x48xf32, #tpu.memory_space<vmem>>, vector<1x16xf32>,
        %swap3A_771 = vector.shape_cast %swap3A_770 : vector<1x16xf32> to vector<16xf32>
        %swap3A_772 = vector.shape_cast %mul3A_767 : vector<16xf32> to vector<1x16xf32>
        tpu.vector_store %arg17[%swap3A_768, %swap3A_769], %swap3A_772 {strides = array<i32>} : memref<128x48xf32, #tpu.memory_space<vmem>>, vector<1x16xf32>,
        %get3A_773 = arith.index_cast %add3A_748 : i32 to index
        %get3A_774 = arith.constant 32 : index
        %get3A_775 = tpu.vector_load %arg14[%get3A_773, %get3A_774] {strides = array<i32>} : memref<128x48xf32, #tpu.memory_space<vmem>>, vector<1x16xf32>,
        %get3A_776 = vector.shape_cast %get3A_775 : vector<1x16xf32> to vector<16xf32>
        %mul3A_777 = vector.broadcast %squeeze3A_750 : f32 to vector<16xf32>
        %mul3A_778 = arith.mulf %get3A_776, %mul3A_777 : vector<16xf32>
        %swap3A_779 = arith.index_cast %add3A_748 : i32 to index
        %swap3A_780 = arith.constant 32 : index
        %swap3A_781 = tpu.vector_load %arg17[%swap3A_779, %swap3A_780] {strides = array<i32>} : memref<128x48xf32, #tpu.memory_space<vmem>>, vector<1x16xf32>,
        %swap3A_782 = vector.shape_cast %swap3A_781 : vector<1x16xf32> to vector<16xf32>
        %swap3A_783 = vector.shape_cast %mul3A_778 : vector<16xf32> to vector<1x16xf32>
        tpu.vector_store %arg17[%swap3A_779, %swap3A_780], %swap3A_783 {strides = array<i32>} : memref<128x48xf32, #tpu.memory_space<vmem>>, vector<1x16xf32>,
      }
      %scan3A_112 = arith.constant 8 : i32
      %lt3A_113 = arith.constant 26 : i32
      %lt3A_114 = arith.cmpi slt, %scan3A_61, %lt3A_113 : i32
      %convert_element_type3A_115 = arith.extui %lt3A_114 : i1 to i32
      %cond3A_116 = arith.constant 0 : i32
      %cond3A_117 = arith.cmpi ne, %convert_element_type3A_115, %cond3A_116 : i32
      scf.if %cond3A_117 {
        %add3A_157 = arith.constant 3 : i32
        %add3A_158 = arith.addi %add3A_94, %add3A_157 : i32
        %dma_start3A_159 = arith.constant 0 : i32
        %dma_start3A_160 = tpu.memref_slice %arg8[%add3A_158, %dma_start3A_159] : memref<81x128xi32, #tpu.memory_space<vmem>> -> memref<1x128xi32, #tpu.memory_space<vmem>>
        %dma_start3A_161 = tpu.memref_squeeze %dma_start3A_160 : memref<1x128xi32, #tpu.memory_space<vmem>> -> memref<128xi32, #tpu.memory_space<vmem>>
        %dma_start3A_162 = arith.constant 0 : i32
        %dma_start3A_163 = arith.constant 0 : i32
        %dma_start3A_164 = tpu.memref_slice %arg12[%dma_start3A_162, %dma_start3A_163] : memref<10000x48xf32, #tpu.memory_space<vmem_shared>> -> memref<10000x48xf32, #tpu.memory_space<vmem_shared>>
        tpu.enqueue_indirect_dma source(%dma_start3A_164 : memref<10000x48xf32, #tpu.memory_space<vmem_shared>>) target(%arg14 : memref<128x48xf32, #tpu.memory_space<vmem>>) offsets(%dma_start3A_161 : memref<128xi32, #tpu.memory_space<vmem>>) semaphore(%arg20 : memref<!tpu.dma_semaphore, #tpu.memory_space<semaphore_mem>>)
      } else {
      }
      %dma_start3A_118 = arith.constant 0 : i32
      %dma_start3A_119 = tpu.memref_slice %arg9[%add3A_94, %dma_start3A_118] : memref<81x128xi32, #tpu.memory_space<vmem>> -> memref<1x128xi32, #tpu.memory_space<vmem>>
      %dma_start3A_120 = tpu.memref_squeeze %dma_start3A_119 : memref<1x128xi32, #tpu.memory_space<vmem>> -> memref<128xi32, #tpu.memory_space<vmem>>
      %dma_start3A_121 = arith.constant 0 : i32
      %dma_start3A_122 = arith.constant 0 : i32
      %dma_start3A_123 = tpu.memref_slice %arg11[%dma_start3A_121, %dma_start3A_122] : memref<10000x48xf32, #tpu.memory_space<vmem_shared>> -> memref<10000x48xf32, #tpu.memory_space<vmem_shared>>
      tpu.enqueue_indirect_dma source(%arg17 : memref<128x48xf32, #tpu.memory_space<vmem>>) target(%dma_start3A_123 : memref<10000x48xf32, #tpu.memory_space<vmem_shared>>) offsets(%dma_start3A_120 : memref<128xi32, #tpu.memory_space<vmem>>) semaphore(%arg23 : memref<!tpu.dma_semaphore, #tpu.memory_space<semaphore_mem>>) {add = true}
      %mul3A_124 = arith.constant 3 : i32
      %mul3A_125 = arith.muli %scan3A_61, %mul3A_124 : i32
      %add3A_126 = arith.constant 2 : i32
      %add3A_127 = arith.addi %mul3A_125, %add3A_126 : i32
      %dma_wait3A_128 = arith.constant 2 : i32
      %dma_wait3A_129 = arith.constant 0 : i32
      %dma_wait3A_130 = tpu.memref_slice %arg8[%dma_wait3A_128, %dma_wait3A_129] : memref<81x128xi32, #tpu.memory_space<vmem>> -> memref<1x128xi32, #tpu.memory_space<vmem>>
      %dma_wait3A_131 = tpu.memref_squeeze %dma_wait3A_130 : memref<1x128xi32, #tpu.memory_space<vmem>> -> memref<128xi32, #tpu.memory_space<vmem>>
      %dma_wait3A_132 = arith.constant 0 : i32
      %dma_wait3A_133 = arith.constant 0 : i32
      %dma_wait3A_134 = tpu.memref_slice %arg12[%dma_wait3A_132, %dma_wait3A_133] : memref<10000x48xf32, #tpu.memory_space<vmem_shared>> -> memref<10000x48xf32, #tpu.memory_space<vmem_shared>>
      tpu.wait_indirect_dma semaphore(%arg21 : memref<!tpu.dma_semaphore, #tpu.memory_space<semaphore_mem>>) src(%dma_wait3A_134 : memref<10000x48xf32, #tpu.memory_space<vmem_shared>>) dst(%arg15 : memref<128x48xf32, #tpu.memory_space<vmem>>)
      %gt3A_135 = arith.constant 0 : i32
      %gt3A_136 = arith.cmpi sgt, %scan3A_61, %gt3A_135 : i32
      %convert_element_type3A_137 = arith.extui %gt3A_136 : i1 to i32
      %cond3A_138 = arith.constant 0 : i32
      %cond3A_139 = arith.cmpi ne, %convert_element_type3A_137, %cond3A_138 : i32
      scf.if %cond3A_139 {
        %dma_wait3A_157 = arith.constant 2 : i32
        %dma_wait3A_158 = arith.constant 0 : i32
        %dma_wait3A_159 = tpu.memref_slice %arg9[%dma_wait3A_157, %dma_wait3A_158] : memref<81x128xi32, #tpu.memory_space<vmem>> -> memref<1x128xi32, #tpu.memory_space<vmem>>
        %dma_wait3A_160 = tpu.memref_squeeze %dma_wait3A_159 : memref<1x128xi32, #tpu.memory_space<vmem>> -> memref<128xi32, #tpu.memory_space<vmem>>
        %dma_wait3A_161 = arith.constant 0 : i32
        %dma_wait3A_162 = arith.constant 0 : i32
        %dma_wait3A_163 = tpu.memref_slice %arg11[%dma_wait3A_161, %dma_wait3A_162] : memref<10000x48xf32, #tpu.memory_space<vmem_shared>> -> memref<10000x48xf32, #tpu.memory_space<vmem_shared>>
        tpu.wait_indirect_dma semaphore(%arg24 : memref<!tpu.dma_semaphore, #tpu.memory_space<semaphore_mem>>) src(%arg18 : memref<128x48xf32, #tpu.memory_space<vmem>>) dst(%dma_wait3A_163 : memref<10000x48xf32, #tpu.memory_space<vmem_shared>>)
      } else {
      }
      %scan3A_140 = arith.constant 0 : i32
      %scan3A_141 = arith.constant 0 : i32
      %scan3A_142 = arith.constant 8 : i32
      %scan3A_143 = arith.addi %scan3A_141, %scan3A_142 : i32
      %scan3A_144 = arith.constant 1 : i32
      scf.for %scan3A_157 = %scan3A_141 to %scan3A_143 step %scan3A_144  : i32 {
        %mul3A_158 = arith.constant 16 : i32
        %mul3A_159 = arith.muli %scan3A_157, %mul3A_158 : i32
        %get3A = arith.index_cast %add3A_127 : i32 to index
        %get3A_160 = arith.index_cast %mul3A_159 : i32 to index
        %get3A_161 = tpu.vector_load %arg10[%get3A, %get3A_160] {strides = array<i32>} : memref<81x128xf32, #tpu.memory_space<vmem>>, vector<1x16xf32>,
        %get3A_162 = vector.shape_cast %get3A_161 : vector<1x16xf32> to vector<16xf32>
        %mul3A_163 = arith.constant 16 : i32
        %mul3A_164 = arith.muli %scan3A_157, %mul3A_163 : i32
        %add3A_165 = arith.constant 0 : i32
        %add3A_166 = arith.addi %mul3A_164, %add3A_165 : i32
        %slice3A = vector.extract_strided_slice %get3A_162 {offsets = [0], sizes = [1], strides = [1]} : vector<16xf32> to vector<1xf32>
        %squeeze3A = vector.extract %slice3A[0] : f32 from vector<1xf32>
        %get3A_167 = arith.index_cast %add3A_166 : i32 to index
        %get3A_168 = arith.constant 0 : index
        %get3A_169 = tpu.vector_load %arg15[%get3A_167, %get3A_168] {strides = array<i32>} : memref<128x48xf32, #tpu.memory_space<vmem>>, vector<1x16xf32>,
        %get3A_170 = vector.shape_cast %get3A_169 : vector<1x16xf32> to vector<16xf32>
        %mul3A_171 = vector.broadcast %squeeze3A : f32 to vector<16xf32>
        %mul3A_172 = arith.mulf %get3A_170, %mul3A_171 : vector<16xf32>
        %swap3A = arith.index_cast %add3A_166 : i32 to index
        %swap3A_173 = arith.constant 0 : index
        %swap3A_174 = tpu.vector_load %arg18[%swap3A, %swap3A_173] {strides = array<i32>} : memref<128x48xf32, #tpu.memory_space<vmem>>, vector<1x16xf32>,
        %swap3A_175 = vector.shape_cast %swap3A_174 : vector<1x16xf32> to vector<16xf32>
        %swap3A_176 = vector.shape_cast %mul3A_172 : vector<16xf32> to vector<1x16xf32>
        tpu.vector_store %arg18[%swap3A, %swap3A_173], %swap3A_176 {strides = array<i32>} : memref<128x48xf32, #tpu.memory_space<vmem>>, vector<1x16xf32>,
        %get3A_177 = arith.index_cast %add3A_166 : i32 to index
        %get3A_178 = arith.constant 16 : index
        %get3A_179 = tpu.vector_load %arg15[%get3A_177, %get3A_178] {strides = array<i32>} : memref<128x48xf32, #tpu.memory_space<vmem>>, vector<1x16xf32>,
        %get3A_180 = vector.shape_cast %get3A_179 : vector<1x16xf32> to vector<16xf32>
        %mul3A_181 = vector.broadcast %squeeze3A : f32 to vector<16xf32>
        %mul3A_182 = arith.mulf %get3A_180, %mul3A_181 : vector<16xf32>
        %swap3A_183 = arith.index_cast %add3A_166 : i32 to index
        %swap3A_184 = arith.constant 16 : index
        %swap3A_185 = tpu.vector_load %arg18[%swap3A_183, %swap3A_184] {strides = array<i32>} : memref<128x48xf32, #tpu.memory_space<vmem>>, vector<1x16xf32>,
        %swap3A_186 = vector.shape_cast %swap3A_185 : vector<1x16xf32> to vector<16xf32>
        %swap3A_187 = vector.shape_cast %mul3A_182 : vector<16xf32> to vector<1x16xf32>
        tpu.vector_store %arg18[%swap3A_183, %swap3A_184], %swap3A_187 {strides = array<i32>} : memref<128x48xf32, #tpu.memory_space<vmem>>, vector<1x16xf32>,
        %get3A_188 = arith.index_cast %add3A_166 : i32 to index
        %get3A_189 = arith.constant 32 : index
        %get3A_190 = tpu.vector_load %arg15[%get3A_188, %get3A_189] {strides = array<i32>} : memref<128x48xf32, #tpu.memory_space<vmem>>, vector<1x16xf32>,
        %get3A_191 = vector.shape_cast %get3A_190 : vector<1x16xf32> to vector<16xf32>
        %mul3A_192 = vector.broadcast %squeeze3A : f32 to vector<16xf32>
        %mul3A_193 = arith.mulf %get3A_191, %mul3A_192 : vector<16xf32>
        %swap3A_194 = arith.index_cast %add3A_166 : i32 to index
        %swap3A_195 = arith.constant 32 : index
        %swap3A_196 = tpu.vector_load %arg18[%swap3A_194, %swap3A_195] {strides = array<i32>} : memref<128x48xf32, #tpu.memory_space<vmem>>, vector<1x16xf32>,
        %swap3A_197 = vector.shape_cast %swap3A_196 : vector<1x16xf32> to vector<16xf32>
        %swap3A_198 = vector.shape_cast %mul3A_193 : vector<16xf32> to vector<1x16xf32>
        tpu.vector_store %arg18[%swap3A_194, %swap3A_195], %swap3A_198 {strides = array<i32>} : memref<128x48xf32, #tpu.memory_space<vmem>>, vector<1x16xf32>,
        %mul3A_199 = arith.constant 16 : i32
        %mul3A_200 = arith.muli %scan3A_157, %mul3A_199 : i32
        %add3A_201 = arith.constant 1 : i32
        %add3A_202 = arith.addi %mul3A_200, %add3A_201 : i32
        %slice3A_203 = vector.extract_strided_slice %get3A_162 {offsets = [1], sizes = [1], strides = [1]} : vector<16xf32> to vector<1xf32>
        %squeeze3A_204 = vector.extract %slice3A_203[0] : f32 from vector<1xf32>
        %get3A_205 = arith.index_cast %add3A_202 : i32 to index
        %get3A_206 = arith.constant 0 : index
        %get3A_207 = tpu.vector_load %arg15[%get3A_205, %get3A_206] {strides = array<i32>} : memref<128x48xf32, #tpu.memory_space<vmem>>, vector<1x16xf32>,
        %get3A_208 = vector.shape_cast %get3A_207 : vector<1x16xf32> to vector<16xf32>
        %mul3A_209 = vector.broadcast %squeeze3A_204 : f32 to vector<16xf32>
        %mul3A_210 = arith.mulf %get3A_208, %mul3A_209 : vector<16xf32>
        %swap3A_211 = arith.index_cast %add3A_202 : i32 to index
        %swap3A_212 = arith.constant 0 : index
        %swap3A_213 = tpu.vector_load %arg18[%swap3A_211, %swap3A_212] {strides = array<i32>} : memref<128x48xf32, #tpu.memory_space<vmem>>, vector<1x16xf32>,
        %swap3A_214 = vector.shape_cast %swap3A_213 : vector<1x16xf32> to vector<16xf32>
        %swap3A_215 = vector.shape_cast %mul3A_210 : vector<16xf32> to vector<1x16xf32>
        tpu.vector_store %arg18[%swap3A_211, %swap3A_212], %swap3A_215 {strides = array<i32>} : memref<128x48xf32, #tpu.memory_space<vmem>>, vector<1x16xf32>,
        %get3A_216 = arith.index_cast %add3A_202 : i32 to index
        %get3A_217 = arith.constant 16 : index
        %get3A_218 = tpu.vector_load %arg15[%get3A_216, %get3A_217] {strides = array<i32>} : memref<128x48xf32, #tpu.memory_space<vmem>>, vector<1x16xf32>,
        %get3A_219 = vector.shape_cast %get3A_218 : vector<1x16xf32> to vector<16xf32>
        %mul3A_220 = vector.broadcast %squeeze3A_204 : f32 to vector<16xf32>
        %mul3A_221 = arith.mulf %get3A_219, %mul3A_220 : vector<16xf32>
        %swap3A_222 = arith.index_cast %add3A_202 : i32 to index
        %swap3A_223 = arith.constant 16 : index
        %swap3A_224 = tpu.vector_load %arg18[%swap3A_222, %swap3A_223] {strides = array<i32>} : memref<128x48xf32, #tpu.memory_space<vmem>>, vector<1x16xf32>,
        %swap3A_225 = vector.shape_cast %swap3A_224 : vector<1x16xf32> to vector<16xf32>
        %swap3A_226 = vector.shape_cast %mul3A_221 : vector<16xf32> to vector<1x16xf32>
        tpu.vector_store %arg18[%swap3A_222, %swap3A_223], %swap3A_226 {strides = array<i32>} : memref<128x48xf32, #tpu.memory_space<vmem>>, vector<1x16xf32>,
        %get3A_227 = arith.index_cast %add3A_202 : i32 to index
        %get3A_228 = arith.constant 32 : index
        %get3A_229 = tpu.vector_load %arg15[%get3A_227, %get3A_228] {strides = array<i32>} : memref<128x48xf32, #tpu.memory_space<vmem>>, vector<1x16xf32>,
        %get3A_230 = vector.shape_cast %get3A_229 : vector<1x16xf32> to vector<16xf32>
        %mul3A_231 = vector.broadcast %squeeze3A_204 : f32 to vector<16xf32>
        %mul3A_232 = arith.mulf %get3A_230, %mul3A_231 : vector<16xf32>
        %swap3A_233 = arith.index_cast %add3A_202 : i32 to index
        %swap3A_234 = arith.constant 32 : index
        %swap3A_235 = tpu.vector_load %arg18[%swap3A_233, %swap3A_234] {strides = array<i32>} : memref<128x48xf32, #tpu.memory_space<vmem>>, vector<1x16xf32>,
        %swap3A_236 = vector.shape_cast %swap3A_235 : vector<1x16xf32> to vector<16xf32>
        %swap3A_237 = vector.shape_cast %mul3A_232 : vector<16xf32> to vector<1x16xf32>
        tpu.vector_store %arg18[%swap3A_233, %swap3A_234], %swap3A_237 {strides = array<i32>} : memref<128x48xf32, #tpu.memory_space<vmem>>, vector<1x16xf32>,
        %mul3A_238 = arith.constant 16 : i32
        %mul3A_239 = arith.muli %scan3A_157, %mul3A_238 : i32
        %add3A_240 = arith.constant 2 : i32
        %add3A_241 = arith.addi %mul3A_239, %add3A_240 : i32
        %slice3A_242 = vector.extract_strided_slice %get3A_162 {offsets = [2], sizes = [1], strides = [1]} : vector<16xf32> to vector<1xf32>
        %squeeze3A_243 = vector.extract %slice3A_242[0] : f32 from vector<1xf32>
        %get3A_244 = arith.index_cast %add3A_241 : i32 to index
        %get3A_245 = arith.constant 0 : index
        %get3A_246 = tpu.vector_load %arg15[%get3A_244, %get3A_245] {strides = array<i32>} : memref<128x48xf32, #tpu.memory_space<vmem>>, vector<1x16xf32>,
        %get3A_247 = vector.shape_cast %get3A_246 : vector<1x16xf32> to vector<16xf32>
        %mul3A_248 = vector.broadcast %squeeze3A_243 : f32 to vector<16xf32>
        %mul3A_249 = arith.mulf %get3A_247, %mul3A_248 : vector<16xf32>
        %swap3A_250 = arith.index_cast %add3A_241 : i32 to index
        %swap3A_251 = arith.constant 0 : index
        %swap3A_252 = tpu.vector_load %arg18[%swap3A_250, %swap3A_251] {strides = array<i32>} : memref<128x48xf32, #tpu.memory_space<vmem>>, vector<1x16xf32>,
        %swap3A_253 = vector.shape_cast %swap3A_252 : vector<1x16xf32> to vector<16xf32>
        %swap3A_254 = vector.shape_cast %mul3A_249 : vector<16xf32> to vector<1x16xf32>
        tpu.vector_store %arg18[%swap3A_250, %swap3A_251], %swap3A_254 {strides = array<i32>} : memref<128x48xf32, #tpu.memory_space<vmem>>, vector<1x16xf32>,
        %get3A_255 = arith.index_cast %add3A_241 : i32 to index
        %get3A_256 = arith.constant 16 : index
        %get3A_257 = tpu.vector_load %arg15[%get3A_255, %get3A_256] {strides = array<i32>} : memref<128x48xf32, #tpu.memory_space<vmem>>, vector<1x16xf32>,
        %get3A_258 = vector.shape_cast %get3A_257 : vector<1x16xf32> to vector<16xf32>
        %mul3A_259 = vector.broadcast %squeeze3A_243 : f32 to vector<16xf32>
        %mul3A_260 = arith.mulf %get3A_258, %mul3A_259 : vector<16xf32>
        %swap3A_261 = arith.index_cast %add3A_241 : i32 to index
        %swap3A_262 = arith.constant 16 : index
        %swap3A_263 = tpu.vector_load %arg18[%swap3A_261, %swap3A_262] {strides = array<i32>} : memref<128x48xf32, #tpu.memory_space<vmem>>, vector<1x16xf32>,
        %swap3A_264 = vector.shape_cast %swap3A_263 : vector<1x16xf32> to vector<16xf32>
        %swap3A_265 = vector.shape_cast %mul3A_260 : vector<16xf32> to vector<1x16xf32>
        tpu.vector_store %arg18[%swap3A_261, %swap3A_262], %swap3A_265 {strides = array<i32>} : memref<128x48xf32, #tpu.memory_space<vmem>>, vector<1x16xf32>,
        %get3A_266 = arith.index_cast %add3A_241 : i32 to index
        %get3A_267 = arith.constant 32 : index
        %get3A_268 = tpu.vector_load %arg15[%get3A_266, %get3A_267] {strides = array<i32>} : memref<128x48xf32, #tpu.memory_space<vmem>>, vector<1x16xf32>,
        %get3A_269 = vector.shape_cast %get3A_268 : vector<1x16xf32> to vector<16xf32>
        %mul3A_270 = vector.broadcast %squeeze3A_243 : f32 to vector<16xf32>
        %mul3A_271 = arith.mulf %get3A_269, %mul3A_270 : vector<16xf32>
        %swap3A_272 = arith.index_cast %add3A_241 : i32 to index
        %swap3A_273 = arith.constant 32 : index
        %swap3A_274 = tpu.vector_load %arg18[%swap3A_272, %swap3A_273] {strides = array<i32>} : memref<128x48xf32, #tpu.memory_space<vmem>>, vector<1x16xf32>,
        %swap3A_275 = vector.shape_cast %swap3A_274 : vector<1x16xf32> to vector<16xf32>
        %swap3A_276 = vector.shape_cast %mul3A_271 : vector<16xf32> to vector<1x16xf32>
        tpu.vector_store %arg18[%swap3A_272, %swap3A_273], %swap3A_276 {strides = array<i32>} : memref<128x48xf32, #tpu.memory_space<vmem>>, vector<1x16xf32>,
        %mul3A_277 = arith.constant 16 : i32
        %mul3A_278 = arith.muli %scan3A_157, %mul3A_277 : i32
        %add3A_279 = arith.constant 3 : i32
        %add3A_280 = arith.addi %mul3A_278, %add3A_279 : i32
        %slice3A_281 = vector.extract_strided_slice %get3A_162 {offsets = [3], sizes = [1], strides = [1]} : vector<16xf32> to vector<1xf32>
        %squeeze3A_282 = vector.extract %slice3A_281[0] : f32 from vector<1xf32>
        %get3A_283 = arith.index_cast %add3A_280 : i32 to index
        %get3A_284 = arith.constant 0 : index
        %get3A_285 = tpu.vector_load %arg15[%get3A_283, %get3A_284] {strides = array<i32>} : memref<128x48xf32, #tpu.memory_space<vmem>>, vector<1x16xf32>,
        %get3A_286 = vector.shape_cast %get3A_285 : vector<1x16xf32> to vector<16xf32>
        %mul3A_287 = vector.broadcast %squeeze3A_282 : f32 to vector<16xf32>
        %mul3A_288 = arith.mulf %get3A_286, %mul3A_287 : vector<16xf32>
        %swap3A_289 = arith.index_cast %add3A_280 : i32 to index
        %swap3A_290 = arith.constant 0 : index
        %swap3A_291 = tpu.vector_load %arg18[%swap3A_289, %swap3A_290] {strides = array<i32>} : memref<128x48xf32, #tpu.memory_space<vmem>>, vector<1x16xf32>,
        %swap3A_292 = vector.shape_cast %swap3A_291 : vector<1x16xf32> to vector<16xf32>
        %swap3A_293 = vector.shape_cast %mul3A_288 : vector<16xf32> to vector<1x16xf32>
        tpu.vector_store %arg18[%swap3A_289, %swap3A_290], %swap3A_293 {strides = array<i32>} : memref<128x48xf32, #tpu.memory_space<vmem>>, vector<1x16xf32>,
        %get3A_294 = arith.index_cast %add3A_280 : i32 to index
        %get3A_295 = arith.constant 16 : index
        %get3A_296 = tpu.vector_load %arg15[%get3A_294, %get3A_295] {strides = array<i32>} : memref<128x48xf32, #tpu.memory_space<vmem>>, vector<1x16xf32>,
        %get3A_297 = vector.shape_cast %get3A_296 : vector<1x16xf32> to vector<16xf32>
        %mul3A_298 = vector.broadcast %squeeze3A_282 : f32 to vector<16xf32>
        %mul3A_299 = arith.mulf %get3A_297, %mul3A_298 : vector<16xf32>
        %swap3A_300 = arith.index_cast %add3A_280 : i32 to index
        %swap3A_301 = arith.constant 16 : index
        %swap3A_302 = tpu.vector_load %arg18[%swap3A_300, %swap3A_301] {strides = array<i32>} : memref<128x48xf32, #tpu.memory_space<vmem>>, vector<1x16xf32>,
        %swap3A_303 = vector.shape_cast %swap3A_302 : vector<1x16xf32> to vector<16xf32>
        %swap3A_304 = vector.shape_cast %mul3A_299 : vector<16xf32> to vector<1x16xf32>
        tpu.vector_store %arg18[%swap3A_300, %swap3A_301], %swap3A_304 {strides = array<i32>} : memref<128x48xf32, #tpu.memory_space<vmem>>, vector<1x16xf32>,
        %get3A_305 = arith.index_cast %add3A_280 : i32 to index
        %get3A_306 = arith.constant 32 : index
        %get3A_307 = tpu.vector_load %arg15[%get3A_305, %get3A_306] {strides = array<i32>} : memref<128x48xf32, #tpu.memory_space<vmem>>, vector<1x16xf32>,
        %get3A_308 = vector.shape_cast %get3A_307 : vector<1x16xf32> to vector<16xf32>
        %mul3A_309 = vector.broadcast %squeeze3A_282 : f32 to vector<16xf32>
        %mul3A_310 = arith.mulf %get3A_308, %mul3A_309 : vector<16xf32>
        %swap3A_311 = arith.index_cast %add3A_280 : i32 to index
        %swap3A_312 = arith.constant 32 : index
        %swap3A_313 = tpu.vector_load %arg18[%swap3A_311, %swap3A_312] {strides = array<i32>} : memref<128x48xf32, #tpu.memory_space<vmem>>, vector<1x16xf32>,
        %swap3A_314 = vector.shape_cast %swap3A_313 : vector<1x16xf32> to vector<16xf32>
        %swap3A_315 = vector.shape_cast %mul3A_310 : vector<16xf32> to vector<1x16xf32>
        tpu.vector_store %arg18[%swap3A_311, %swap3A_312], %swap3A_315 {strides = array<i32>} : memref<128x48xf32, #tpu.memory_space<vmem>>, vector<1x16xf32>,
        %mul3A_316 = arith.constant 16 : i32
        %mul3A_317 = arith.muli %scan3A_157, %mul3A_316 : i32
        %add3A_318 = arith.constant 4 : i32
        %add3A_319 = arith.addi %mul3A_317, %add3A_318 : i32
        %slice3A_320 = vector.extract_strided_slice %get3A_162 {offsets = [4], sizes = [1], strides = [1]} : vector<16xf32> to vector<1xf32>
        %squeeze3A_321 = vector.extract %slice3A_320[0] : f32 from vector<1xf32>
        %get3A_322 = arith.index_cast %add3A_319 : i32 to index
        %get3A_323 = arith.constant 0 : index
        %get3A_324 = tpu.vector_load %arg15[%get3A_322, %get3A_323] {strides = array<i32>} : memref<128x48xf32, #tpu.memory_space<vmem>>, vector<1x16xf32>,
        %get3A_325 = vector.shape_cast %get3A_324 : vector<1x16xf32> to vector<16xf32>
        %mul3A_326 = vector.broadcast %squeeze3A_321 : f32 to vector<16xf32>
        %mul3A_327 = arith.mulf %get3A_325, %mul3A_326 : vector<16xf32>
        %swap3A_328 = arith.index_cast %add3A_319 : i32 to index
        %swap3A_329 = arith.constant 0 : index
        %swap3A_330 = tpu.vector_load %arg18[%swap3A_328, %swap3A_329] {strides = array<i32>} : memref<128x48xf32, #tpu.memory_space<vmem>>, vector<1x16xf32>,
        %swap3A_331 = vector.shape_cast %swap3A_330 : vector<1x16xf32> to vector<16xf32>
        %swap3A_332 = vector.shape_cast %mul3A_327 : vector<16xf32> to vector<1x16xf32>
        tpu.vector_store %arg18[%swap3A_328, %swap3A_329], %swap3A_332 {strides = array<i32>} : memref<128x48xf32, #tpu.memory_space<vmem>>, vector<1x16xf32>,
        %get3A_333 = arith.index_cast %add3A_319 : i32 to index
        %get3A_334 = arith.constant 16 : index
        %get3A_335 = tpu.vector_load %arg15[%get3A_333, %get3A_334] {strides = array<i32>} : memref<128x48xf32, #tpu.memory_space<vmem>>, vector<1x16xf32>,
        %get3A_336 = vector.shape_cast %get3A_335 : vector<1x16xf32> to vector<16xf32>
        %mul3A_337 = vector.broadcast %squeeze3A_321 : f32 to vector<16xf32>
        %mul3A_338 = arith.mulf %get3A_336, %mul3A_337 : vector<16xf32>
        %swap3A_339 = arith.index_cast %add3A_319 : i32 to index
        %swap3A_340 = arith.constant 16 : index
        %swap3A_341 = tpu.vector_load %arg18[%swap3A_339, %swap3A_340] {strides = array<i32>} : memref<128x48xf32, #tpu.memory_space<vmem>>, vector<1x16xf32>,
        %swap3A_342 = vector.shape_cast %swap3A_341 : vector<1x16xf32> to vector<16xf32>
        %swap3A_343 = vector.shape_cast %mul3A_338 : vector<16xf32> to vector<1x16xf32>
        tpu.vector_store %arg18[%swap3A_339, %swap3A_340], %swap3A_343 {strides = array<i32>} : memref<128x48xf32, #tpu.memory_space<vmem>>, vector<1x16xf32>,
        %get3A_344 = arith.index_cast %add3A_319 : i32 to index
        %get3A_345 = arith.constant 32 : index
        %get3A_346 = tpu.vector_load %arg15[%get3A_344, %get3A_345] {strides = array<i32>} : memref<128x48xf32, #tpu.memory_space<vmem>>, vector<1x16xf32>,
        %get3A_347 = vector.shape_cast %get3A_346 : vector<1x16xf32> to vector<16xf32>
        %mul3A_348 = vector.broadcast %squeeze3A_321 : f32 to vector<16xf32>
        %mul3A_349 = arith.mulf %get3A_347, %mul3A_348 : vector<16xf32>
        %swap3A_350 = arith.index_cast %add3A_319 : i32 to index
        %swap3A_351 = arith.constant 32 : index
        %swap3A_352 = tpu.vector_load %arg18[%swap3A_350, %swap3A_351] {strides = array<i32>} : memref<128x48xf32, #tpu.memory_space<vmem>>, vector<1x16xf32>,
        %swap3A_353 = vector.shape_cast %swap3A_352 : vector<1x16xf32> to vector<16xf32>
        %swap3A_354 = vector.shape_cast %mul3A_349 : vector<16xf32> to vector<1x16xf32>
        tpu.vector_store %arg18[%swap3A_350, %swap3A_351], %swap3A_354 {strides = array<i32>} : memref<128x48xf32, #tpu.memory_space<vmem>>, vector<1x16xf32>,
        %mul3A_355 = arith.constant 16 : i32
        %mul3A_356 = arith.muli %scan3A_157, %mul3A_355 : i32
        %add3A_357 = arith.constant 5 : i32
        %add3A_358 = arith.addi %mul3A_356, %add3A_357 : i32
        %slice3A_359 = vector.extract_strided_slice %get3A_162 {offsets = [5], sizes = [1], strides = [1]} : vector<16xf32> to vector<1xf32>
        %squeeze3A_360 = vector.extract %slice3A_359[0] : f32 from vector<1xf32>
        %get3A_361 = arith.index_cast %add3A_358 : i32 to index
        %get3A_362 = arith.constant 0 : index
        %get3A_363 = tpu.vector_load %arg15[%get3A_361, %get3A_362] {strides = array<i32>} : memref<128x48xf32, #tpu.memory_space<vmem>>, vector<1x16xf32>,
        %get3A_364 = vector.shape_cast %get3A_363 : vector<1x16xf32> to vector<16xf32>
        %mul3A_365 = vector.broadcast %squeeze3A_360 : f32 to vector<16xf32>
        %mul3A_366 = arith.mulf %get3A_364, %mul3A_365 : vector<16xf32>
        %swap3A_367 = arith.index_cast %add3A_358 : i32 to index
        %swap3A_368 = arith.constant 0 : index
        %swap3A_369 = tpu.vector_load %arg18[%swap3A_367, %swap3A_368] {strides = array<i32>} : memref<128x48xf32, #tpu.memory_space<vmem>>, vector<1x16xf32>,
        %swap3A_370 = vector.shape_cast %swap3A_369 : vector<1x16xf32> to vector<16xf32>
        %swap3A_371 = vector.shape_cast %mul3A_366 : vector<16xf32> to vector<1x16xf32>
        tpu.vector_store %arg18[%swap3A_367, %swap3A_368], %swap3A_371 {strides = array<i32>} : memref<128x48xf32, #tpu.memory_space<vmem>>, vector<1x16xf32>,
        %get3A_372 = arith.index_cast %add3A_358 : i32 to index
        %get3A_373 = arith.constant 16 : index
        %get3A_374 = tpu.vector_load %arg15[%get3A_372, %get3A_373] {strides = array<i32>} : memref<128x48xf32, #tpu.memory_space<vmem>>, vector<1x16xf32>,
        %get3A_375 = vector.shape_cast %get3A_374 : vector<1x16xf32> to vector<16xf32>
        %mul3A_376 = vector.broadcast %squeeze3A_360 : f32 to vector<16xf32>
        %mul3A_377 = arith.mulf %get3A_375, %mul3A_376 : vector<16xf32>
        %swap3A_378 = arith.index_cast %add3A_358 : i32 to index
        %swap3A_379 = arith.constant 16 : index
        %swap3A_380 = tpu.vector_load %arg18[%swap3A_378, %swap3A_379] {strides = array<i32>} : memref<128x48xf32, #tpu.memory_space<vmem>>, vector<1x16xf32>,
        %swap3A_381 = vector.shape_cast %swap3A_380 : vector<1x16xf32> to vector<16xf32>
        %swap3A_382 = vector.shape_cast %mul3A_377 : vector<16xf32> to vector<1x16xf32>
        tpu.vector_store %arg18[%swap3A_378, %swap3A_379], %swap3A_382 {strides = array<i32>} : memref<128x48xf32, #tpu.memory_space<vmem>>, vector<1x16xf32>,
        %get3A_383 = arith.index_cast %add3A_358 : i32 to index
        %get3A_384 = arith.constant 32 : index
        %get3A_385 = tpu.vector_load %arg15[%get3A_383, %get3A_384] {strides = array<i32>} : memref<128x48xf32, #tpu.memory_space<vmem>>, vector<1x16xf32>,
        %get3A_386 = vector.shape_cast %get3A_385 : vector<1x16xf32> to vector<16xf32>
        %mul3A_387 = vector.broadcast %squeeze3A_360 : f32 to vector<16xf32>
        %mul3A_388 = arith.mulf %get3A_386, %mul3A_387 : vector<16xf32>
        %swap3A_389 = arith.index_cast %add3A_358 : i32 to index
        %swap3A_390 = arith.constant 32 : index
        %swap3A_391 = tpu.vector_load %arg18[%swap3A_389, %swap3A_390] {strides = array<i32>} : memref<128x48xf32, #tpu.memory_space<vmem>>, vector<1x16xf32>,
        %swap3A_392 = vector.shape_cast %swap3A_391 : vector<1x16xf32> to vector<16xf32>
        %swap3A_393 = vector.shape_cast %mul3A_388 : vector<16xf32> to vector<1x16xf32>
        tpu.vector_store %arg18[%swap3A_389, %swap3A_390], %swap3A_393 {strides = array<i32>} : memref<128x48xf32, #tpu.memory_space<vmem>>, vector<1x16xf32>,
        %mul3A_394 = arith.constant 16 : i32
        %mul3A_395 = arith.muli %scan3A_157, %mul3A_394 : i32
        %add3A_396 = arith.constant 6 : i32
        %add3A_397 = arith.addi %mul3A_395, %add3A_396 : i32
        %slice3A_398 = vector.extract_strided_slice %get3A_162 {offsets = [6], sizes = [1], strides = [1]} : vector<16xf32> to vector<1xf32>
        %squeeze3A_399 = vector.extract %slice3A_398[0] : f32 from vector<1xf32>
        %get3A_400 = arith.index_cast %add3A_397 : i32 to index
        %get3A_401 = arith.constant 0 : index
        %get3A_402 = tpu.vector_load %arg15[%get3A_400, %get3A_401] {strides = array<i32>} : memref<128x48xf32, #tpu.memory_space<vmem>>, vector<1x16xf32>,
        %get3A_403 = vector.shape_cast %get3A_402 : vector<1x16xf32> to vector<16xf32>
        %mul3A_404 = vector.broadcast %squeeze3A_399 : f32 to vector<16xf32>
        %mul3A_405 = arith.mulf %get3A_403, %mul3A_404 : vector<16xf32>
        %swap3A_406 = arith.index_cast %add3A_397 : i32 to index
        %swap3A_407 = arith.constant 0 : index
        %swap3A_408 = tpu.vector_load %arg18[%swap3A_406, %swap3A_407] {strides = array<i32>} : memref<128x48xf32, #tpu.memory_space<vmem>>, vector<1x16xf32>,
        %swap3A_409 = vector.shape_cast %swap3A_408 : vector<1x16xf32> to vector<16xf32>
        %swap3A_410 = vector.shape_cast %mul3A_405 : vector<16xf32> to vector<1x16xf32>
        tpu.vector_store %arg18[%swap3A_406, %swap3A_407], %swap3A_410 {strides = array<i32>} : memref<128x48xf32, #tpu.memory_space<vmem>>, vector<1x16xf32>,
        %get3A_411 = arith.index_cast %add3A_397 : i32 to index
        %get3A_412 = arith.constant 16 : index
        %get3A_413 = tpu.vector_load %arg15[%get3A_411, %get3A_412] {strides = array<i32>} : memref<128x48xf32, #tpu.memory_space<vmem>>, vector<1x16xf32>,
        %get3A_414 = vector.shape_cast %get3A_413 : vector<1x16xf32> to vector<16xf32>
        %mul3A_415 = vector.broadcast %squeeze3A_399 : f32 to vector<16xf32>
        %mul3A_416 = arith.mulf %get3A_414, %mul3A_415 : vector<16xf32>
        %swap3A_417 = arith.index_cast %add3A_397 : i32 to index
        %swap3A_418 = arith.constant 16 : index
        %swap3A_419 = tpu.vector_load %arg18[%swap3A_417, %swap3A_418] {strides = array<i32>} : memref<128x48xf32, #tpu.memory_space<vmem>>, vector<1x16xf32>,
        %swap3A_420 = vector.shape_cast %swap3A_419 : vector<1x16xf32> to vector<16xf32>
        %swap3A_421 = vector.shape_cast %mul3A_416 : vector<16xf32> to vector<1x16xf32>
        tpu.vector_store %arg18[%swap3A_417, %swap3A_418], %swap3A_421 {strides = array<i32>} : memref<128x48xf32, #tpu.memory_space<vmem>>, vector<1x16xf32>,
        %get3A_422 = arith.index_cast %add3A_397 : i32 to index
        %get3A_423 = arith.constant 32 : index
        %get3A_424 = tpu.vector_load %arg15[%get3A_422, %get3A_423] {strides = array<i32>} : memref<128x48xf32, #tpu.memory_space<vmem>>, vector<1x16xf32>,
        %get3A_425 = vector.shape_cast %get3A_424 : vector<1x16xf32> to vector<16xf32>
        %mul3A_426 = vector.broadcast %squeeze3A_399 : f32 to vector<16xf32>
        %mul3A_427 = arith.mulf %get3A_425, %mul3A_426 : vector<16xf32>
        %swap3A_428 = arith.index_cast %add3A_397 : i32 to index
        %swap3A_429 = arith.constant 32 : index
        %swap3A_430 = tpu.vector_load %arg18[%swap3A_428, %swap3A_429] {strides = array<i32>} : memref<128x48xf32, #tpu.memory_space<vmem>>, vector<1x16xf32>,
        %swap3A_431 = vector.shape_cast %swap3A_430 : vector<1x16xf32> to vector<16xf32>
        %swap3A_432 = vector.shape_cast %mul3A_427 : vector<16xf32> to vector<1x16xf32>
        tpu.vector_store %arg18[%swap3A_428, %swap3A_429], %swap3A_432 {strides = array<i32>} : memref<128x48xf32, #tpu.memory_space<vmem>>, vector<1x16xf32>,
        %mul3A_433 = arith.constant 16 : i32
        %mul3A_434 = arith.muli %scan3A_157, %mul3A_433 : i32
        %add3A_435 = arith.constant 7 : i32
        %add3A_436 = arith.addi %mul3A_434, %add3A_435 : i32
        %slice3A_437 = vector.extract_strided_slice %get3A_162 {offsets = [7], sizes = [1], strides = [1]} : vector<16xf32> to vector<1xf32>
        %squeeze3A_438 = vector.extract %slice3A_437[0] : f32 from vector<1xf32>
        %get3A_439 = arith.index_cast %add3A_436 : i32 to index
        %get3A_440 = arith.constant 0 : index
        %get3A_441 = tpu.vector_load %arg15[%get3A_439, %get3A_440] {strides = array<i32>} : memref<128x48xf32, #tpu.memory_space<vmem>>, vector<1x16xf32>,
        %get3A_442 = vector.shape_cast %get3A_441 : vector<1x16xf32> to vector<16xf32>
        %mul3A_443 = vector.broadcast %squeeze3A_438 : f32 to vector<16xf32>
        %mul3A_444 = arith.mulf %get3A_442, %mul3A_443 : vector<16xf32>
        %swap3A_445 = arith.index_cast %add3A_436 : i32 to index
        %swap3A_446 = arith.constant 0 : index
        %swap3A_447 = tpu.vector_load %arg18[%swap3A_445, %swap3A_446] {strides = array<i32>} : memref<128x48xf32, #tpu.memory_space<vmem>>, vector<1x16xf32>,
        %swap3A_448 = vector.shape_cast %swap3A_447 : vector<1x16xf32> to vector<16xf32>
        %swap3A_449 = vector.shape_cast %mul3A_444 : vector<16xf32> to vector<1x16xf32>
        tpu.vector_store %arg18[%swap3A_445, %swap3A_446], %swap3A_449 {strides = array<i32>} : memref<128x48xf32, #tpu.memory_space<vmem>>, vector<1x16xf32>,
        %get3A_450 = arith.index_cast %add3A_436 : i32 to index
        %get3A_451 = arith.constant 16 : index
        %get3A_452 = tpu.vector_load %arg15[%get3A_450, %get3A_451] {strides = array<i32>} : memref<128x48xf32, #tpu.memory_space<vmem>>, vector<1x16xf32>,
        %get3A_453 = vector.shape_cast %get3A_452 : vector<1x16xf32> to vector<16xf32>
        %mul3A_454 = vector.broadcast %squeeze3A_438 : f32 to vector<16xf32>
        %mul3A_455 = arith.mulf %get3A_453, %mul3A_454 : vector<16xf32>
        %swap3A_456 = arith.index_cast %add3A_436 : i32 to index
        %swap3A_457 = arith.constant 16 : index
        %swap3A_458 = tpu.vector_load %arg18[%swap3A_456, %swap3A_457] {strides = array<i32>} : memref<128x48xf32, #tpu.memory_space<vmem>>, vector<1x16xf32>,
        %swap3A_459 = vector.shape_cast %swap3A_458 : vector<1x16xf32> to vector<16xf32>
        %swap3A_460 = vector.shape_cast %mul3A_455 : vector<16xf32> to vector<1x16xf32>
        tpu.vector_store %arg18[%swap3A_456, %swap3A_457], %swap3A_460 {strides = array<i32>} : memref<128x48xf32, #tpu.memory_space<vmem>>, vector<1x16xf32>,
        %get3A_461 = arith.index_cast %add3A_436 : i32 to index
        %get3A_462 = arith.constant 32 : index
        %get3A_463 = tpu.vector_load %arg15[%get3A_461, %get3A_462] {strides = array<i32>} : memref<128x48xf32, #tpu.memory_space<vmem>>, vector<1x16xf32>,
        %get3A_464 = vector.shape_cast %get3A_463 : vector<1x16xf32> to vector<16xf32>
        %mul3A_465 = vector.broadcast %squeeze3A_438 : f32 to vector<16xf32>
        %mul3A_466 = arith.mulf %get3A_464, %mul3A_465 : vector<16xf32>
        %swap3A_467 = arith.index_cast %add3A_436 : i32 to index
        %swap3A_468 = arith.constant 32 : index
        %swap3A_469 = tpu.vector_load %arg18[%swap3A_467, %swap3A_468] {strides = array<i32>} : memref<128x48xf32, #tpu.memory_space<vmem>>, vector<1x16xf32>,
        %swap3A_470 = vector.shape_cast %swap3A_469 : vector<1x16xf32> to vector<16xf32>
        %swap3A_471 = vector.shape_cast %mul3A_466 : vector<16xf32> to vector<1x16xf32>
        tpu.vector_store %arg18[%swap3A_467, %swap3A_468], %swap3A_471 {strides = array<i32>} : memref<128x48xf32, #tpu.memory_space<vmem>>, vector<1x16xf32>,
        %mul3A_472 = arith.constant 16 : i32
        %mul3A_473 = arith.muli %scan3A_157, %mul3A_472 : i32
        %add3A_474 = arith.constant 8 : i32
        %add3A_475 = arith.addi %mul3A_473, %add3A_474 : i32
        %slice3A_476 = vector.extract_strided_slice %get3A_162 {offsets = [8], sizes = [1], strides = [1]} : vector<16xf32> to vector<1xf32>
        %squeeze3A_477 = vector.extract %slice3A_476[0] : f32 from vector<1xf32>
        %get3A_478 = arith.index_cast %add3A_475 : i32 to index
        %get3A_479 = arith.constant 0 : index
        %get3A_480 = tpu.vector_load %arg15[%get3A_478, %get3A_479] {strides = array<i32>} : memref<128x48xf32, #tpu.memory_space<vmem>>, vector<1x16xf32>,
        %get3A_481 = vector.shape_cast %get3A_480 : vector<1x16xf32> to vector<16xf32>
        %mul3A_482 = vector.broadcast %squeeze3A_477 : f32 to vector<16xf32>
        %mul3A_483 = arith.mulf %get3A_481, %mul3A_482 : vector<16xf32>
        %swap3A_484 = arith.index_cast %add3A_475 : i32 to index
        %swap3A_485 = arith.constant 0 : index
        %swap3A_486 = tpu.vector_load %arg18[%swap3A_484, %swap3A_485] {strides = array<i32>} : memref<128x48xf32, #tpu.memory_space<vmem>>, vector<1x16xf32>,
        %swap3A_487 = vector.shape_cast %swap3A_486 : vector<1x16xf32> to vector<16xf32>
        %swap3A_488 = vector.shape_cast %mul3A_483 : vector<16xf32> to vector<1x16xf32>
        tpu.vector_store %arg18[%swap3A_484, %swap3A_485], %swap3A_488 {strides = array<i32>} : memref<128x48xf32, #tpu.memory_space<vmem>>, vector<1x16xf32>,
        %get3A_489 = arith.index_cast %add3A_475 : i32 to index
        %get3A_490 = arith.constant 16 : index
        %get3A_491 = tpu.vector_load %arg15[%get3A_489, %get3A_490] {strides = array<i32>} : memref<128x48xf32, #tpu.memory_space<vmem>>, vector<1x16xf32>,
        %get3A_492 = vector.shape_cast %get3A_491 : vector<1x16xf32> to vector<16xf32>
        %mul3A_493 = vector.broadcast %squeeze3A_477 : f32 to vector<16xf32>
        %mul3A_494 = arith.mulf %get3A_492, %mul3A_493 : vector<16xf32>
        %swap3A_495 = arith.index_cast %add3A_475 : i32 to index
        %swap3A_496 = arith.constant 16 : index
        %swap3A_497 = tpu.vector_load %arg18[%swap3A_495, %swap3A_496] {strides = array<i32>} : memref<128x48xf32, #tpu.memory_space<vmem>>, vector<1x16xf32>,
        %swap3A_498 = vector.shape_cast %swap3A_497 : vector<1x16xf32> to vector<16xf32>
        %swap3A_499 = vector.shape_cast %mul3A_494 : vector<16xf32> to vector<1x16xf32>
        tpu.vector_store %arg18[%swap3A_495, %swap3A_496], %swap3A_499 {strides = array<i32>} : memref<128x48xf32, #tpu.memory_space<vmem>>, vector<1x16xf32>,
        %get3A_500 = arith.index_cast %add3A_475 : i32 to index
        %get3A_501 = arith.constant 32 : index
        %get3A_502 = tpu.vector_load %arg15[%get3A_500, %get3A_501] {strides = array<i32>} : memref<128x48xf32, #tpu.memory_space<vmem>>, vector<1x16xf32>,
        %get3A_503 = vector.shape_cast %get3A_502 : vector<1x16xf32> to vector<16xf32>
        %mul3A_504 = vector.broadcast %squeeze3A_477 : f32 to vector<16xf32>
        %mul3A_505 = arith.mulf %get3A_503, %mul3A_504 : vector<16xf32>
        %swap3A_506 = arith.index_cast %add3A_475 : i32 to index
        %swap3A_507 = arith.constant 32 : index
        %swap3A_508 = tpu.vector_load %arg18[%swap3A_506, %swap3A_507] {strides = array<i32>} : memref<128x48xf32, #tpu.memory_space<vmem>>, vector<1x16xf32>,
        %swap3A_509 = vector.shape_cast %swap3A_508 : vector<1x16xf32> to vector<16xf32>
        %swap3A_510 = vector.shape_cast %mul3A_505 : vector<16xf32> to vector<1x16xf32>
        tpu.vector_store %arg18[%swap3A_506, %swap3A_507], %swap3A_510 {strides = array<i32>} : memref<128x48xf32, #tpu.memory_space<vmem>>, vector<1x16xf32>,
        %mul3A_511 = arith.constant 16 : i32
        %mul3A_512 = arith.muli %scan3A_157, %mul3A_511 : i32
        %add3A_513 = arith.constant 9 : i32
        %add3A_514 = arith.addi %mul3A_512, %add3A_513 : i32
        %slice3A_515 = vector.extract_strided_slice %get3A_162 {offsets = [9], sizes = [1], strides = [1]} : vector<16xf32> to vector<1xf32>
        %squeeze3A_516 = vector.extract %slice3A_515[0] : f32 from vector<1xf32>
        %get3A_517 = arith.index_cast %add3A_514 : i32 to index
        %get3A_518 = arith.constant 0 : index
        %get3A_519 = tpu.vector_load %arg15[%get3A_517, %get3A_518] {strides = array<i32>} : memref<128x48xf32, #tpu.memory_space<vmem>>, vector<1x16xf32>,
        %get3A_520 = vector.shape_cast %get3A_519 : vector<1x16xf32> to vector<16xf32>
        %mul3A_521 = vector.broadcast %squeeze3A_516 : f32 to vector<16xf32>
        %mul3A_522 = arith.mulf %get3A_520, %mul3A_521 : vector<16xf32>
        %swap3A_523 = arith.index_cast %add3A_514 : i32 to index
        %swap3A_524 = arith.constant 0 : index
        %swap3A_525 = tpu.vector_load %arg18[%swap3A_523, %swap3A_524] {strides = array<i32>} : memref<128x48xf32, #tpu.memory_space<vmem>>, vector<1x16xf32>,
        %swap3A_526 = vector.shape_cast %swap3A_525 : vector<1x16xf32> to vector<16xf32>
        %swap3A_527 = vector.shape_cast %mul3A_522 : vector<16xf32> to vector<1x16xf32>
        tpu.vector_store %arg18[%swap3A_523, %swap3A_524], %swap3A_527 {strides = array<i32>} : memref<128x48xf32, #tpu.memory_space<vmem>>, vector<1x16xf32>,
        %get3A_528 = arith.index_cast %add3A_514 : i32 to index
        %get3A_529 = arith.constant 16 : index
        %get3A_530 = tpu.vector_load %arg15[%get3A_528, %get3A_529] {strides = array<i32>} : memref<128x48xf32, #tpu.memory_space<vmem>>, vector<1x16xf32>,
        %get3A_531 = vector.shape_cast %get3A_530 : vector<1x16xf32> to vector<16xf32>
        %mul3A_532 = vector.broadcast %squeeze3A_516 : f32 to vector<16xf32>
        %mul3A_533 = arith.mulf %get3A_531, %mul3A_532 : vector<16xf32>
        %swap3A_534 = arith.index_cast %add3A_514 : i32 to index
        %swap3A_535 = arith.constant 16 : index
        %swap3A_536 = tpu.vector_load %arg18[%swap3A_534, %swap3A_535] {strides = array<i32>} : memref<128x48xf32, #tpu.memory_space<vmem>>, vector<1x16xf32>,
        %swap3A_537 = vector.shape_cast %swap3A_536 : vector<1x16xf32> to vector<16xf32>
        %swap3A_538 = vector.shape_cast %mul3A_533 : vector<16xf32> to vector<1x16xf32>
        tpu.vector_store %arg18[%swap3A_534, %swap3A_535], %swap3A_538 {strides = array<i32>} : memref<128x48xf32, #tpu.memory_space<vmem>>, vector<1x16xf32>,
        %get3A_539 = arith.index_cast %add3A_514 : i32 to index
        %get3A_540 = arith.constant 32 : index
        %get3A_541 = tpu.vector_load %arg15[%get3A_539, %get3A_540] {strides = array<i32>} : memref<128x48xf32, #tpu.memory_space<vmem>>, vector<1x16xf32>,
        %get3A_542 = vector.shape_cast %get3A_541 : vector<1x16xf32> to vector<16xf32>
        %mul3A_543 = vector.broadcast %squeeze3A_516 : f32 to vector<16xf32>
        %mul3A_544 = arith.mulf %get3A_542, %mul3A_543 : vector<16xf32>
        %swap3A_545 = arith.index_cast %add3A_514 : i32 to index
        %swap3A_546 = arith.constant 32 : index
        %swap3A_547 = tpu.vector_load %arg18[%swap3A_545, %swap3A_546] {strides = array<i32>} : memref<128x48xf32, #tpu.memory_space<vmem>>, vector<1x16xf32>,
        %swap3A_548 = vector.shape_cast %swap3A_547 : vector<1x16xf32> to vector<16xf32>
        %swap3A_549 = vector.shape_cast %mul3A_544 : vector<16xf32> to vector<1x16xf32>
        tpu.vector_store %arg18[%swap3A_545, %swap3A_546], %swap3A_549 {strides = array<i32>} : memref<128x48xf32, #tpu.memory_space<vmem>>, vector<1x16xf32>,
        %mul3A_550 = arith.constant 16 : i32
        %mul3A_551 = arith.muli %scan3A_157, %mul3A_550 : i32
        %add3A_552 = arith.constant 10 : i32
        %add3A_553 = arith.addi %mul3A_551, %add3A_552 : i32
        %slice3A_554 = vector.extract_strided_slice %get3A_162 {offsets = [10], sizes = [1], strides = [1]} : vector<16xf32> to vector<1xf32>
        %squeeze3A_555 = vector.extract %slice3A_554[0] : f32 from vector<1xf32>
        %get3A_556 = arith.index_cast %add3A_553 : i32 to index
        %get3A_557 = arith.constant 0 : index
        %get3A_558 = tpu.vector_load %arg15[%get3A_556, %get3A_557] {strides = array<i32>} : memref<128x48xf32, #tpu.memory_space<vmem>>, vector<1x16xf32>,
        %get3A_559 = vector.shape_cast %get3A_558 : vector<1x16xf32> to vector<16xf32>
        %mul3A_560 = vector.broadcast %squeeze3A_555 : f32 to vector<16xf32>
        %mul3A_561 = arith.mulf %get3A_559, %mul3A_560 : vector<16xf32>
        %swap3A_562 = arith.index_cast %add3A_553 : i32 to index
        %swap3A_563 = arith.constant 0 : index
        %swap3A_564 = tpu.vector_load %arg18[%swap3A_562, %swap3A_563] {strides = array<i32>} : memref<128x48xf32, #tpu.memory_space<vmem>>, vector<1x16xf32>,
        %swap3A_565 = vector.shape_cast %swap3A_564 : vector<1x16xf32> to vector<16xf32>
        %swap3A_566 = vector.shape_cast %mul3A_561 : vector<16xf32> to vector<1x16xf32>
        tpu.vector_store %arg18[%swap3A_562, %swap3A_563], %swap3A_566 {strides = array<i32>} : memref<128x48xf32, #tpu.memory_space<vmem>>, vector<1x16xf32>,
        %get3A_567 = arith.index_cast %add3A_553 : i32 to index
        %get3A_568 = arith.constant 16 : index
        %get3A_569 = tpu.vector_load %arg15[%get3A_567, %get3A_568] {strides = array<i32>} : memref<128x48xf32, #tpu.memory_space<vmem>>, vector<1x16xf32>,
        %get3A_570 = vector.shape_cast %get3A_569 : vector<1x16xf32> to vector<16xf32>
        %mul3A_571 = vector.broadcast %squeeze3A_555 : f32 to vector<16xf32>
        %mul3A_572 = arith.mulf %get3A_570, %mul3A_571 : vector<16xf32>
        %swap3A_573 = arith.index_cast %add3A_553 : i32 to index
        %swap3A_574 = arith.constant 16 : index
        %swap3A_575 = tpu.vector_load %arg18[%swap3A_573, %swap3A_574] {strides = array<i32>} : memref<128x48xf32, #tpu.memory_space<vmem>>, vector<1x16xf32>,
        %swap3A_576 = vector.shape_cast %swap3A_575 : vector<1x16xf32> to vector<16xf32>
        %swap3A_577 = vector.shape_cast %mul3A_572 : vector<16xf32> to vector<1x16xf32>
        tpu.vector_store %arg18[%swap3A_573, %swap3A_574], %swap3A_577 {strides = array<i32>} : memref<128x48xf32, #tpu.memory_space<vmem>>, vector<1x16xf32>,
        %get3A_578 = arith.index_cast %add3A_553 : i32 to index
        %get3A_579 = arith.constant 32 : index
        %get3A_580 = tpu.vector_load %arg15[%get3A_578, %get3A_579] {strides = array<i32>} : memref<128x48xf32, #tpu.memory_space<vmem>>, vector<1x16xf32>,
        %get3A_581 = vector.shape_cast %get3A_580 : vector<1x16xf32> to vector<16xf32>
        %mul3A_582 = vector.broadcast %squeeze3A_555 : f32 to vector<16xf32>
        %mul3A_583 = arith.mulf %get3A_581, %mul3A_582 : vector<16xf32>
        %swap3A_584 = arith.index_cast %add3A_553 : i32 to index
        %swap3A_585 = arith.constant 32 : index
        %swap3A_586 = tpu.vector_load %arg18[%swap3A_584, %swap3A_585] {strides = array<i32>} : memref<128x48xf32, #tpu.memory_space<vmem>>, vector<1x16xf32>,
        %swap3A_587 = vector.shape_cast %swap3A_586 : vector<1x16xf32> to vector<16xf32>
        %swap3A_588 = vector.shape_cast %mul3A_583 : vector<16xf32> to vector<1x16xf32>
        tpu.vector_store %arg18[%swap3A_584, %swap3A_585], %swap3A_588 {strides = array<i32>} : memref<128x48xf32, #tpu.memory_space<vmem>>, vector<1x16xf32>,
        %mul3A_589 = arith.constant 16 : i32
        %mul3A_590 = arith.muli %scan3A_157, %mul3A_589 : i32
        %add3A_591 = arith.constant 11 : i32
        %add3A_592 = arith.addi %mul3A_590, %add3A_591 : i32
        %slice3A_593 = vector.extract_strided_slice %get3A_162 {offsets = [11], sizes = [1], strides = [1]} : vector<16xf32> to vector<1xf32>
        %squeeze3A_594 = vector.extract %slice3A_593[0] : f32 from vector<1xf32>
        %get3A_595 = arith.index_cast %add3A_592 : i32 to index
        %get3A_596 = arith.constant 0 : index
        %get3A_597 = tpu.vector_load %arg15[%get3A_595, %get3A_596] {strides = array<i32>} : memref<128x48xf32, #tpu.memory_space<vmem>>, vector<1x16xf32>,
        %get3A_598 = vector.shape_cast %get3A_597 : vector<1x16xf32> to vector<16xf32>
        %mul3A_599 = vector.broadcast %squeeze3A_594 : f32 to vector<16xf32>
        %mul3A_600 = arith.mulf %get3A_598, %mul3A_599 : vector<16xf32>
        %swap3A_601 = arith.index_cast %add3A_592 : i32 to index
        %swap3A_602 = arith.constant 0 : index
        %swap3A_603 = tpu.vector_load %arg18[%swap3A_601, %swap3A_602] {strides = array<i32>} : memref<128x48xf32, #tpu.memory_space<vmem>>, vector<1x16xf32>,
        %swap3A_604 = vector.shape_cast %swap3A_603 : vector<1x16xf32> to vector<16xf32>
        %swap3A_605 = vector.shape_cast %mul3A_600 : vector<16xf32> to vector<1x16xf32>
        tpu.vector_store %arg18[%swap3A_601, %swap3A_602], %swap3A_605 {strides = array<i32>} : memref<128x48xf32, #tpu.memory_space<vmem>>, vector<1x16xf32>,
        %get3A_606 = arith.index_cast %add3A_592 : i32 to index
        %get3A_607 = arith.constant 16 : index
        %get3A_608 = tpu.vector_load %arg15[%get3A_606, %get3A_607] {strides = array<i32>} : memref<128x48xf32, #tpu.memory_space<vmem>>, vector<1x16xf32>,
        %get3A_609 = vector.shape_cast %get3A_608 : vector<1x16xf32> to vector<16xf32>
        %mul3A_610 = vector.broadcast %squeeze3A_594 : f32 to vector<16xf32>
        %mul3A_611 = arith.mulf %get3A_609, %mul3A_610 : vector<16xf32>
        %swap3A_612 = arith.index_cast %add3A_592 : i32 to index
        %swap3A_613 = arith.constant 16 : index
        %swap3A_614 = tpu.vector_load %arg18[%swap3A_612, %swap3A_613] {strides = array<i32>} : memref<128x48xf32, #tpu.memory_space<vmem>>, vector<1x16xf32>,
        %swap3A_615 = vector.shape_cast %swap3A_614 : vector<1x16xf32> to vector<16xf32>
        %swap3A_616 = vector.shape_cast %mul3A_611 : vector<16xf32> to vector<1x16xf32>
        tpu.vector_store %arg18[%swap3A_612, %swap3A_613], %swap3A_616 {strides = array<i32>} : memref<128x48xf32, #tpu.memory_space<vmem>>, vector<1x16xf32>,
        %get3A_617 = arith.index_cast %add3A_592 : i32 to index
        %get3A_618 = arith.constant 32 : index
        %get3A_619 = tpu.vector_load %arg15[%get3A_617, %get3A_618] {strides = array<i32>} : memref<128x48xf32, #tpu.memory_space<vmem>>, vector<1x16xf32>,
        %get3A_620 = vector.shape_cast %get3A_619 : vector<1x16xf32> to vector<16xf32>
        %mul3A_621 = vector.broadcast %squeeze3A_594 : f32 to vector<16xf32>
        %mul3A_622 = arith.mulf %get3A_620, %mul3A_621 : vector<16xf32>
        %swap3A_623 = arith.index_cast %add3A_592 : i32 to index
        %swap3A_624 = arith.constant 32 : index
        %swap3A_625 = tpu.vector_load %arg18[%swap3A_623, %swap3A_624] {strides = array<i32>} : memref<128x48xf32, #tpu.memory_space<vmem>>, vector<1x16xf32>,
        %swap3A_626 = vector.shape_cast %swap3A_625 : vector<1x16xf32> to vector<16xf32>
        %swap3A_627 = vector.shape_cast %mul3A_622 : vector<16xf32> to vector<1x16xf32>
        tpu.vector_store %arg18[%swap3A_623, %swap3A_624], %swap3A_627 {strides = array<i32>} : memref<128x48xf32, #tpu.memory_space<vmem>>, vector<1x16xf32>,
        %mul3A_628 = arith.constant 16 : i32
        %mul3A_629 = arith.muli %scan3A_157, %mul3A_628 : i32
        %add3A_630 = arith.constant 12 : i32
        %add3A_631 = arith.addi %mul3A_629, %add3A_630 : i32
        %slice3A_632 = vector.extract_strided_slice %get3A_162 {offsets = [12], sizes = [1], strides = [1]} : vector<16xf32> to vector<1xf32>
        %squeeze3A_633 = vector.extract %slice3A_632[0] : f32 from vector<1xf32>
        %get3A_634 = arith.index_cast %add3A_631 : i32 to index
        %get3A_635 = arith.constant 0 : index
        %get3A_636 = tpu.vector_load %arg15[%get3A_634, %get3A_635] {strides = array<i32>} : memref<128x48xf32, #tpu.memory_space<vmem>>, vector<1x16xf32>,
        %get3A_637 = vector.shape_cast %get3A_636 : vector<1x16xf32> to vector<16xf32>
        %mul3A_638 = vector.broadcast %squeeze3A_633 : f32 to vector<16xf32>
        %mul3A_639 = arith.mulf %get3A_637, %mul3A_638 : vector<16xf32>
        %swap3A_640 = arith.index_cast %add3A_631 : i32 to index
        %swap3A_641 = arith.constant 0 : index
        %swap3A_642 = tpu.vector_load %arg18[%swap3A_640, %swap3A_641] {strides = array<i32>} : memref<128x48xf32, #tpu.memory_space<vmem>>, vector<1x16xf32>,
        %swap3A_643 = vector.shape_cast %swap3A_642 : vector<1x16xf32> to vector<16xf32>
        %swap3A_644 = vector.shape_cast %mul3A_639 : vector<16xf32> to vector<1x16xf32>
        tpu.vector_store %arg18[%swap3A_640, %swap3A_641], %swap3A_644 {strides = array<i32>} : memref<128x48xf32, #tpu.memory_space<vmem>>, vector<1x16xf32>,
        %get3A_645 = arith.index_cast %add3A_631 : i32 to index
        %get3A_646 = arith.constant 16 : index
        %get3A_647 = tpu.vector_load %arg15[%get3A_645, %get3A_646] {strides = array<i32>} : memref<128x48xf32, #tpu.memory_space<vmem>>, vector<1x16xf32>,
        %get3A_648 = vector.shape_cast %get3A_647 : vector<1x16xf32> to vector<16xf32>
        %mul3A_649 = vector.broadcast %squeeze3A_633 : f32 to vector<16xf32>
        %mul3A_650 = arith.mulf %get3A_648, %mul3A_649 : vector<16xf32>
        %swap3A_651 = arith.index_cast %add3A_631 : i32 to index
        %swap3A_652 = arith.constant 16 : index
        %swap3A_653 = tpu.vector_load %arg18[%swap3A_651, %swap3A_652] {strides = array<i32>} : memref<128x48xf32, #tpu.memory_space<vmem>>, vector<1x16xf32>,
        %swap3A_654 = vector.shape_cast %swap3A_653 : vector<1x16xf32> to vector<16xf32>
        %swap3A_655 = vector.shape_cast %mul3A_650 : vector<16xf32> to vector<1x16xf32>
        tpu.vector_store %arg18[%swap3A_651, %swap3A_652], %swap3A_655 {strides = array<i32>} : memref<128x48xf32, #tpu.memory_space<vmem>>, vector<1x16xf32>,
        %get3A_656 = arith.index_cast %add3A_631 : i32 to index
        %get3A_657 = arith.constant 32 : index
        %get3A_658 = tpu.vector_load %arg15[%get3A_656, %get3A_657] {strides = array<i32>} : memref<128x48xf32, #tpu.memory_space<vmem>>, vector<1x16xf32>,
        %get3A_659 = vector.shape_cast %get3A_658 : vector<1x16xf32> to vector<16xf32>
        %mul3A_660 = vector.broadcast %squeeze3A_633 : f32 to vector<16xf32>
        %mul3A_661 = arith.mulf %get3A_659, %mul3A_660 : vector<16xf32>
        %swap3A_662 = arith.index_cast %add3A_631 : i32 to index
        %swap3A_663 = arith.constant 32 : index
        %swap3A_664 = tpu.vector_load %arg18[%swap3A_662, %swap3A_663] {strides = array<i32>} : memref<128x48xf32, #tpu.memory_space<vmem>>, vector<1x16xf32>,
        %swap3A_665 = vector.shape_cast %swap3A_664 : vector<1x16xf32> to vector<16xf32>
        %swap3A_666 = vector.shape_cast %mul3A_661 : vector<16xf32> to vector<1x16xf32>
        tpu.vector_store %arg18[%swap3A_662, %swap3A_663], %swap3A_666 {strides = array<i32>} : memref<128x48xf32, #tpu.memory_space<vmem>>, vector<1x16xf32>,
        %mul3A_667 = arith.constant 16 : i32
        %mul3A_668 = arith.muli %scan3A_157, %mul3A_667 : i32
        %add3A_669 = arith.constant 13 : i32
        %add3A_670 = arith.addi %mul3A_668, %add3A_669 : i32
        %slice3A_671 = vector.extract_strided_slice %get3A_162 {offsets = [13], sizes = [1], strides = [1]} : vector<16xf32> to vector<1xf32>
        %squeeze3A_672 = vector.extract %slice3A_671[0] : f32 from vector<1xf32>
        %get3A_673 = arith.index_cast %add3A_670 : i32 to index
        %get3A_674 = arith.constant 0 : index
        %get3A_675 = tpu.vector_load %arg15[%get3A_673, %get3A_674] {strides = array<i32>} : memref<128x48xf32, #tpu.memory_space<vmem>>, vector<1x16xf32>,
        %get3A_676 = vector.shape_cast %get3A_675 : vector<1x16xf32> to vector<16xf32>
        %mul3A_677 = vector.broadcast %squeeze3A_672 : f32 to vector<16xf32>
        %mul3A_678 = arith.mulf %get3A_676, %mul3A_677 : vector<16xf32>
        %swap3A_679 = arith.index_cast %add3A_670 : i32 to index
        %swap3A_680 = arith.constant 0 : index
        %swap3A_681 = tpu.vector_load %arg18[%swap3A_679, %swap3A_680] {strides = array<i32>} : memref<128x48xf32, #tpu.memory_space<vmem>>, vector<1x16xf32>,
        %swap3A_682 = vector.shape_cast %swap3A_681 : vector<1x16xf32> to vector<16xf32>
        %swap3A_683 = vector.shape_cast %mul3A_678 : vector<16xf32> to vector<1x16xf32>
        tpu.vector_store %arg18[%swap3A_679, %swap3A_680], %swap3A_683 {strides = array<i32>} : memref<128x48xf32, #tpu.memory_space<vmem>>, vector<1x16xf32>,
        %get3A_684 = arith.index_cast %add3A_670 : i32 to index
        %get3A_685 = arith.constant 16 : index
        %get3A_686 = tpu.vector_load %arg15[%get3A_684, %get3A_685] {strides = array<i32>} : memref<128x48xf32, #tpu.memory_space<vmem>>, vector<1x16xf32>,
        %get3A_687 = vector.shape_cast %get3A_686 : vector<1x16xf32> to vector<16xf32>
        %mul3A_688 = vector.broadcast %squeeze3A_672 : f32 to vector<16xf32>
        %mul3A_689 = arith.mulf %get3A_687, %mul3A_688 : vector<16xf32>
        %swap3A_690 = arith.index_cast %add3A_670 : i32 to index
        %swap3A_691 = arith.constant 16 : index
        %swap3A_692 = tpu.vector_load %arg18[%swap3A_690, %swap3A_691] {strides = array<i32>} : memref<128x48xf32, #tpu.memory_space<vmem>>, vector<1x16xf32>,
        %swap3A_693 = vector.shape_cast %swap3A_692 : vector<1x16xf32> to vector<16xf32>
        %swap3A_694 = vector.shape_cast %mul3A_689 : vector<16xf32> to vector<1x16xf32>
        tpu.vector_store %arg18[%swap3A_690, %swap3A_691], %swap3A_694 {strides = array<i32>} : memref<128x48xf32, #tpu.memory_space<vmem>>, vector<1x16xf32>,
        %get3A_695 = arith.index_cast %add3A_670 : i32 to index
        %get3A_696 = arith.constant 32 : index
        %get3A_697 = tpu.vector_load %arg15[%get3A_695, %get3A_696] {strides = array<i32>} : memref<128x48xf32, #tpu.memory_space<vmem>>, vector<1x16xf32>,
        %get3A_698 = vector.shape_cast %get3A_697 : vector<1x16xf32> to vector<16xf32>
        %mul3A_699 = vector.broadcast %squeeze3A_672 : f32 to vector<16xf32>
        %mul3A_700 = arith.mulf %get3A_698, %mul3A_699 : vector<16xf32>
        %swap3A_701 = arith.index_cast %add3A_670 : i32 to index
        %swap3A_702 = arith.constant 32 : index
        %swap3A_703 = tpu.vector_load %arg18[%swap3A_701, %swap3A_702] {strides = array<i32>} : memref<128x48xf32, #tpu.memory_space<vmem>>, vector<1x16xf32>,
        %swap3A_704 = vector.shape_cast %swap3A_703 : vector<1x16xf32> to vector<16xf32>
        %swap3A_705 = vector.shape_cast %mul3A_700 : vector<16xf32> to vector<1x16xf32>
        tpu.vector_store %arg18[%swap3A_701, %swap3A_702], %swap3A_705 {strides = array<i32>} : memref<128x48xf32, #tpu.memory_space<vmem>>, vector<1x16xf32>,
        %mul3A_706 = arith.constant 16 : i32
        %mul3A_707 = arith.muli %scan3A_157, %mul3A_706 : i32
        %add3A_708 = arith.constant 14 : i32
        %add3A_709 = arith.addi %mul3A_707, %add3A_708 : i32
        %slice3A_710 = vector.extract_strided_slice %get3A_162 {offsets = [14], sizes = [1], strides = [1]} : vector<16xf32> to vector<1xf32>
        %squeeze3A_711 = vector.extract %slice3A_710[0] : f32 from vector<1xf32>
        %get3A_712 = arith.index_cast %add3A_709 : i32 to index
        %get3A_713 = arith.constant 0 : index
        %get3A_714 = tpu.vector_load %arg15[%get3A_712, %get3A_713] {strides = array<i32>} : memref<128x48xf32, #tpu.memory_space<vmem>>, vector<1x16xf32>,
        %get3A_715 = vector.shape_cast %get3A_714 : vector<1x16xf32> to vector<16xf32>
        %mul3A_716 = vector.broadcast %squeeze3A_711 : f32 to vector<16xf32>
        %mul3A_717 = arith.mulf %get3A_715, %mul3A_716 : vector<16xf32>
        %swap3A_718 = arith.index_cast %add3A_709 : i32 to index
        %swap3A_719 = arith.constant 0 : index
        %swap3A_720 = tpu.vector_load %arg18[%swap3A_718, %swap3A_719] {strides = array<i32>} : memref<128x48xf32, #tpu.memory_space<vmem>>, vector<1x16xf32>,
        %swap3A_721 = vector.shape_cast %swap3A_720 : vector<1x16xf32> to vector<16xf32>
        %swap3A_722 = vector.shape_cast %mul3A_717 : vector<16xf32> to vector<1x16xf32>
        tpu.vector_store %arg18[%swap3A_718, %swap3A_719], %swap3A_722 {strides = array<i32>} : memref<128x48xf32, #tpu.memory_space<vmem>>, vector<1x16xf32>,
        %get3A_723 = arith.index_cast %add3A_709 : i32 to index
        %get3A_724 = arith.constant 16 : index
        %get3A_725 = tpu.vector_load %arg15[%get3A_723, %get3A_724] {strides = array<i32>} : memref<128x48xf32, #tpu.memory_space<vmem>>, vector<1x16xf32>,
        %get3A_726 = vector.shape_cast %get3A_725 : vector<1x16xf32> to vector<16xf32>
        %mul3A_727 = vector.broadcast %squeeze3A_711 : f32 to vector<16xf32>
        %mul3A_728 = arith.mulf %get3A_726, %mul3A_727 : vector<16xf32>
        %swap3A_729 = arith.index_cast %add3A_709 : i32 to index
        %swap3A_730 = arith.constant 16 : index
        %swap3A_731 = tpu.vector_load %arg18[%swap3A_729, %swap3A_730] {strides = array<i32>} : memref<128x48xf32, #tpu.memory_space<vmem>>, vector<1x16xf32>,
        %swap3A_732 = vector.shape_cast %swap3A_731 : vector<1x16xf32> to vector<16xf32>
        %swap3A_733 = vector.shape_cast %mul3A_728 : vector<16xf32> to vector<1x16xf32>
        tpu.vector_store %arg18[%swap3A_729, %swap3A_730], %swap3A_733 {strides = array<i32>} : memref<128x48xf32, #tpu.memory_space<vmem>>, vector<1x16xf32>,
        %get3A_734 = arith.index_cast %add3A_709 : i32 to index
        %get3A_735 = arith.constant 32 : index
        %get3A_736 = tpu.vector_load %arg15[%get3A_734, %get3A_735] {strides = array<i32>} : memref<128x48xf32, #tpu.memory_space<vmem>>, vector<1x16xf32>,
        %get3A_737 = vector.shape_cast %get3A_736 : vector<1x16xf32> to vector<16xf32>
        %mul3A_738 = vector.broadcast %squeeze3A_711 : f32 to vector<16xf32>
        %mul3A_739 = arith.mulf %get3A_737, %mul3A_738 : vector<16xf32>
        %swap3A_740 = arith.index_cast %add3A_709 : i32 to index
        %swap3A_741 = arith.constant 32 : index
        %swap3A_742 = tpu.vector_load %arg18[%swap3A_740, %swap3A_741] {strides = array<i32>} : memref<128x48xf32, #tpu.memory_space<vmem>>, vector<1x16xf32>,
        %swap3A_743 = vector.shape_cast %swap3A_742 : vector<1x16xf32> to vector<16xf32>
        %swap3A_744 = vector.shape_cast %mul3A_739 : vector<16xf32> to vector<1x16xf32>
        tpu.vector_store %arg18[%swap3A_740, %swap3A_741], %swap3A_744 {strides = array<i32>} : memref<128x48xf32, #tpu.memory_space<vmem>>, vector<1x16xf32>,
        %mul3A_745 = arith.constant 16 : i32
        %mul3A_746 = arith.muli %scan3A_157, %mul3A_745 : i32
        %add3A_747 = arith.constant 15 : i32
        %add3A_748 = arith.addi %mul3A_746, %add3A_747 : i32
        %slice3A_749 = vector.extract_strided_slice %get3A_162 {offsets = [15], sizes = [1], strides = [1]} : vector<16xf32> to vector<1xf32>
        %squeeze3A_750 = vector.extract %slice3A_749[0] : f32 from vector<1xf32>
        %get3A_751 = arith.index_cast %add3A_748 : i32 to index
        %get3A_752 = arith.constant 0 : index
        %get3A_753 = tpu.vector_load %arg15[%get3A_751, %get3A_752] {strides = array<i32>} : memref<128x48xf32, #tpu.memory_space<vmem>>, vector<1x16xf32>,
        %get3A_754 = vector.shape_cast %get3A_753 : vector<1x16xf32> to vector<16xf32>
        %mul3A_755 = vector.broadcast %squeeze3A_750 : f32 to vector<16xf32>
        %mul3A_756 = arith.mulf %get3A_754, %mul3A_755 : vector<16xf32>
        %swap3A_757 = arith.index_cast %add3A_748 : i32 to index
        %swap3A_758 = arith.constant 0 : index
        %swap3A_759 = tpu.vector_load %arg18[%swap3A_757, %swap3A_758] {strides = array<i32>} : memref<128x48xf32, #tpu.memory_space<vmem>>, vector<1x16xf32>,
        %swap3A_760 = vector.shape_cast %swap3A_759 : vector<1x16xf32> to vector<16xf32>
        %swap3A_761 = vector.shape_cast %mul3A_756 : vector<16xf32> to vector<1x16xf32>
        tpu.vector_store %arg18[%swap3A_757, %swap3A_758], %swap3A_761 {strides = array<i32>} : memref<128x48xf32, #tpu.memory_space<vmem>>, vector<1x16xf32>,
        %get3A_762 = arith.index_cast %add3A_748 : i32 to index
        %get3A_763 = arith.constant 16 : index
        %get3A_764 = tpu.vector_load %arg15[%get3A_762, %get3A_763] {strides = array<i32>} : memref<128x48xf32, #tpu.memory_space<vmem>>, vector<1x16xf32>,
        %get3A_765 = vector.shape_cast %get3A_764 : vector<1x16xf32> to vector<16xf32>
        %mul3A_766 = vector.broadcast %squeeze3A_750 : f32 to vector<16xf32>
        %mul3A_767 = arith.mulf %get3A_765, %mul3A_766 : vector<16xf32>
        %swap3A_768 = arith.index_cast %add3A_748 : i32 to index
        %swap3A_769 = arith.constant 16 : index
        %swap3A_770 = tpu.vector_load %arg18[%swap3A_768, %swap3A_769] {strides = array<i32>} : memref<128x48xf32, #tpu.memory_space<vmem>>, vector<1x16xf32>,
        %swap3A_771 = vector.shape_cast %swap3A_770 : vector<1x16xf32> to vector<16xf32>
        %swap3A_772 = vector.shape_cast %mul3A_767 : vector<16xf32> to vector<1x16xf32>
        tpu.vector_store %arg18[%swap3A_768, %swap3A_769], %swap3A_772 {strides = array<i32>} : memref<128x48xf32, #tpu.memory_space<vmem>>, vector<1x16xf32>,
        %get3A_773 = arith.index_cast %add3A_748 : i32 to index
        %get3A_774 = arith.constant 32 : index
        %get3A_775 = tpu.vector_load %arg15[%get3A_773, %get3A_774] {strides = array<i32>} : memref<128x48xf32, #tpu.memory_space<vmem>>, vector<1x16xf32>,
        %get3A_776 = vector.shape_cast %get3A_775 : vector<1x16xf32> to vector<16xf32>
        %mul3A_777 = vector.broadcast %squeeze3A_750 : f32 to vector<16xf32>
        %mul3A_778 = arith.mulf %get3A_776, %mul3A_777 : vector<16xf32>
        %swap3A_779 = arith.index_cast %add3A_748 : i32 to index
        %swap3A_780 = arith.constant 32 : index
        %swap3A_781 = tpu.vector_load %arg18[%swap3A_779, %swap3A_780] {strides = array<i32>} : memref<128x48xf32, #tpu.memory_space<vmem>>, vector<1x16xf32>,
        %swap3A_782 = vector.shape_cast %swap3A_781 : vector<1x16xf32> to vector<16xf32>
        %swap3A_783 = vector.shape_cast %mul3A_778 : vector<16xf32> to vector<1x16xf32>
        tpu.vector_store %arg18[%swap3A_779, %swap3A_780], %swap3A_783 {strides = array<i32>} : memref<128x48xf32, #tpu.memory_space<vmem>>, vector<1x16xf32>,
      }
      %scan3A_145 = arith.constant 8 : i32
      %lt3A_146 = arith.constant 26 : i32
      %lt3A_147 = arith.cmpi slt, %scan3A_61, %lt3A_146 : i32
      %convert_element_type3A_148 = arith.extui %lt3A_147 : i1 to i32
      %cond3A_149 = arith.constant 0 : i32
      %cond3A_150 = arith.cmpi ne, %convert_element_type3A_148, %cond3A_149 : i32
      scf.if %cond3A_150 {
        %add3A_157 = arith.constant 3 : i32
        %add3A_158 = arith.addi %add3A_127, %add3A_157 : i32
        %dma_start3A_159 = arith.constant 0 : i32
        %dma_start3A_160 = tpu.memref_slice %arg8[%add3A_158, %dma_start3A_159] : memref<81x128xi32, #tpu.memory_space<vmem>> -> memref<1x128xi32, #tpu.memory_space<vmem>>
        %dma_start3A_161 = tpu.memref_squeeze %dma_start3A_160 : memref<1x128xi32, #tpu.memory_space<vmem>> -> memref<128xi32, #tpu.memory_space<vmem>>
        %dma_start3A_162 = arith.constant 0 : i32
        %dma_start3A_163 = arith.constant 0 : i32
        %dma_start3A_164 = tpu.memref_slice %arg12[%dma_start3A_162, %dma_start3A_163] : memref<10000x48xf32, #tpu.memory_space<vmem_shared>> -> memref<10000x48xf32, #tpu.memory_space<vmem_shared>>
        tpu.enqueue_indirect_dma source(%dma_start3A_164 : memref<10000x48xf32, #tpu.memory_space<vmem_shared>>) target(%arg15 : memref<128x48xf32, #tpu.memory_space<vmem>>) offsets(%dma_start3A_161 : memref<128xi32, #tpu.memory_space<vmem>>) semaphore(%arg21 : memref<!tpu.dma_semaphore, #tpu.memory_space<semaphore_mem>>)
      } else {
      }
      %dma_start3A_151 = arith.constant 0 : i32
      %dma_start3A_152 = tpu.memref_slice %arg9[%add3A_127, %dma_start3A_151] : memref<81x128xi32, #tpu.memory_space<vmem>> -> memref<1x128xi32, #tpu.memory_space<vmem>>
      %dma_start3A_153 = tpu.memref_squeeze %dma_start3A_152 : memref<1x128xi32, #tpu.memory_space<vmem>> -> memref<128xi32, #tpu.memory_space<vmem>>
      %dma_start3A_154 = arith.constant 0 : i32
      %dma_start3A_155 = arith.constant 0 : i32
      %dma_start3A_156 = tpu.memref_slice %arg11[%dma_start3A_154, %dma_start3A_155] : memref<10000x48xf32, #tpu.memory_space<vmem_shared>> -> memref<10000x48xf32, #tpu.memory_space<vmem_shared>>
      tpu.enqueue_indirect_dma source(%arg18 : memref<128x48xf32, #tpu.memory_space<vmem>>) target(%dma_start3A_156 : memref<10000x48xf32, #tpu.memory_space<vmem_shared>>) offsets(%dma_start3A_153 : memref<128xi32, #tpu.memory_space<vmem>>) semaphore(%arg24 : memref<!tpu.dma_semaphore, #tpu.memory_space<semaphore_mem>>) {add = true}
    }
    %scan3A_35 = arith.constant 27 : i32
    %dma_wait3A = arith.constant 0 : i32
    %dma_wait3A_36 = arith.constant 0 : i32
    %dma_wait3A_37 = tpu.memref_slice %arg9[%dma_wait3A, %dma_wait3A_36] : memref<81x128xi32, #tpu.memory_space<vmem>> -> memref<1x128xi32, #tpu.memory_space<vmem>>
    %dma_wait3A_38 = tpu.memref_squeeze %dma_wait3A_37 : memref<1x128xi32, #tpu.memory_space<vmem>> -> memref<128xi32, #tpu.memory_space<vmem>>
    %dma_wait3A_39 = arith.constant 0 : i32
    %dma_wait3A_40 = arith.constant 0 : i32
    %dma_wait3A_41 = tpu.memref_slice %arg11[%dma_wait3A_39, %dma_wait3A_40] : memref<10000x48xf32, #tpu.memory_space<vmem_shared>> -> memref<10000x48xf32, #tpu.memory_space<vmem_shared>>
    tpu.wait_indirect_dma semaphore(%arg22 : memref<!tpu.dma_semaphore, #tpu.memory_space<semaphore_mem>>) src(%arg16 : memref<128x48xf32, #tpu.memory_space<vmem>>) dst(%dma_wait3A_41 : memref<10000x48xf32, #tpu.memory_space<vmem_shared>>)
    %dma_wait3A_42 = arith.constant 1 : i32
    %dma_wait3A_43 = arith.constant 0 : i32
    %dma_wait3A_44 = tpu.memref_slice %arg9[%dma_wait3A_42, %dma_wait3A_43] : memref<81x128xi32, #tpu.memory_space<vmem>> -> memref<1x128xi32, #tpu.memory_space<vmem>>
    %dma_wait3A_45 = tpu.memref_squeeze %dma_wait3A_44 : memref<1x128xi32, #tpu.memory_space<vmem>> -> memref<128xi32, #tpu.memory_space<vmem>>
    %dma_wait3A_46 = arith.constant 0 : i32
    %dma_wait3A_47 = arith.constant 0 : i32
    %dma_wait3A_48 = tpu.memref_slice %arg11[%dma_wait3A_46, %dma_wait3A_47] : memref<10000x48xf32, #tpu.memory_space<vmem_shared>> -> memref<10000x48xf32, #tpu.memory_space<vmem_shared>>
    tpu.wait_indirect_dma semaphore(%arg23 : memref<!tpu.dma_semaphore, #tpu.memory_space<semaphore_mem>>) src(%arg17 : memref<128x48xf32, #tpu.memory_space<vmem>>) dst(%dma_wait3A_48 : memref<10000x48xf32, #tpu.memory_space<vmem_shared>>)
    %dma_wait3A_49 = arith.constant 2 : i32
    %dma_wait3A_50 = arith.constant 0 : i32
    %dma_wait3A_51 = tpu.memref_slice %arg9[%dma_wait3A_49, %dma_wait3A_50] : memref<81x128xi32, #tpu.memory_space<vmem>> -> memref<1x128xi32, #tpu.memory_space<vmem>>
    %dma_wait3A_52 = tpu.memref_squeeze %dma_wait3A_51 : memref<1x128xi32, #tpu.memory_space<vmem>> -> memref<128xi32, #tpu.memory_space<vmem>>
    %dma_wait3A_53 = arith.constant 0 : i32
    %dma_wait3A_54 = arith.constant 0 : i32
    %dma_wait3A_55 = tpu.memref_slice %arg11[%dma_wait3A_53, %dma_wait3A_54] : memref<10000x48xf32, #tpu.memory_space<vmem_shared>> -> memref<10000x48xf32, #tpu.memory_space<vmem_shared>>
    tpu.wait_indirect_dma semaphore(%arg24 : memref<!tpu.dma_semaphore, #tpu.memory_space<semaphore_mem>>) src(%arg18 : memref<128x48xf32, #tpu.memory_space<vmem>>) dst(%dma_wait3A_55 : memref<10000x48xf32, #tpu.memory_space<vmem_shared>>)
    %barrier3A_56 = arith.constant 0 : index
    tpu.barrier barrier_id(%barrier3A_56)
    %mul3A_57 = arith.constant 625 : i32
    %mul3A_58 = arith.muli %arg1, %mul3A_57 : i32
    %mul3A_59 = arith.constant 625 : i32
    %mul3A_60 = arith.muli %arg1, %mul3A_59 : i32
    "tpu.region"() ({
      %run_scoped3A = tpu.sem_alloc : memref<!tpu.dma_semaphore, #tpu.memory_space<semaphore_mem>>
      %dma_start3A_61 = arith.constant 0 : i32
      %dma_start3A_62 = tpu.memref_slice %arg7[%arg0, %mul3A_60, %dma_start3A_61] : memref<2x10000x48xf32, #tpu.memory_space<hbm>> -> memref<1x625x48xf32, #tpu.memory_space<hbm>>
      %dma_start3A_63 = tpu.memref_squeeze %dma_start3A_62 : memref<1x625x48xf32, #tpu.memory_space<hbm>> -> memref<625x48xf32, #tpu.memory_space<hbm>>
      %dma_start3A_64 = arith.constant 0 : i32
      %dma_start3A_65 = tpu.memref_slice %arg11[%mul3A_58, %dma_start3A_64] : memref<10000x48xf32, #tpu.memory_space<vmem_shared>> -> memref<625x48xf32, #tpu.memory_space<vmem_shared>>
      tpu.enqueue_dma source(%dma_start3A_65 : memref<625x48xf32, #tpu.memory_space<vmem_shared>>) target(%dma_start3A_63 : memref<625x48xf32, #tpu.memory_space<hbm>>) target_semaphore(%run_scoped3A : memref<!tpu.dma_semaphore, #tpu.memory_space<semaphore_mem>>)
      %dma_wait3A_66 = arith.constant 0 : i32
      %dma_wait3A_67 = tpu.memref_slice %arg7[%arg0, %mul3A_60, %dma_wait3A_66] : memref<2x10000x48xf32, #tpu.memory_space<hbm>> -> memref<1x625x48xf32, #tpu.memory_space<hbm>>
      %dma_wait3A_68 = tpu.memref_squeeze %dma_wait3A_67 : memref<1x625x48xf32, #tpu.memory_space<hbm>> -> memref<625x48xf32, #tpu.memory_space<hbm>>
      %dma_wait3A_69 = arith.constant 0 : i32
      %dma_wait3A_70 = tpu.memref_slice %arg11[%mul3A_58, %dma_wait3A_69] : memref<10000x48xf32, #tpu.memory_space<vmem_shared>> -> memref<625x48xf32, #tpu.memory_space<vmem_shared>>
      tpu.wait_dma2 semaphore(%run_scoped3A : memref<!tpu.dma_semaphore, #tpu.memory_space<semaphore_mem>>) src(%dma_wait3A_70 : memref<625x48xf32, #tpu.memory_space<vmem_shared>>) dst(%dma_wait3A_68 : memref<625x48xf32, #tpu.memory_space<hbm>>)
      tpu.yield
    }) : () -> ()
    return
  }
}

#map = affine_map<(d0, d1) -> (0, 0)>
module attributes {stable_mosaic.version = 14 : i64} {
  func.func @_sc_ids_gather(%arg0: i32, %arg1: i32, %arg2: memref<10000x48xf32, #tpu.memory_space<hbm>>, %arg3: memref<32x32xi32, #tpu.memory_space<hbm>>, %arg4: memref<1024x48xf32, #tpu.memory_space<hbm>>, %arg5: memref<32xi32, #tpu.memory_space<vmem>>, %arg6: memref<32x48xf32, #tpu.memory_space<vmem>>, %arg7: memref<!tpu.dma_semaphore, #tpu.memory_space<semaphore_mem>>) attributes {dimension_semantics = [#tpu.dimension_semantics<core_parallel>, #tpu.dimension_semantics<subcore_parallel>], iteration_bounds = array<i64: 2, 16>, scalar_prefetch = 0 : i64, scratch_operands = 3 : i64, tpu.core_type = #tpu.core_type<sc_vector_subcore>, window_params = [{transform_indices = #map}, {transform_indices = #map}, {transform_indices = #map}]} {
    %mul3A = arith.constant 16 : i32
    %mul3A_0 = arith.muli %arg0, %mul3A : i32
    %add3A = arith.addi %mul3A_0, %arg1 : i32
    "tpu.region"() ({
      %run_scoped3A = tpu.sem_alloc : memref<!tpu.dma_semaphore, #tpu.memory_space<semaphore_mem>>
      %dma_start3A_7 = arith.constant 0 : i32
      %dma_start3A_8 = tpu.memref_slice %arg3[%add3A, %dma_start3A_7] : memref<32x32xi32, #tpu.memory_space<hbm>> -> memref<1x32xi32, #tpu.memory_space<hbm>>
      %dma_start3A_9 = tpu.memref_squeeze %dma_start3A_8 : memref<1x32xi32, #tpu.memory_space<hbm>> -> memref<32xi32, #tpu.memory_space<hbm>>
      %dma_start3A_10 = arith.constant 0 : i32
      %dma_start3A_11 = tpu.memref_slice %arg3[%add3A, %dma_start3A_10] : memref<32x32xi32, #tpu.memory_space<hbm>> -> memref<1x32xi32, #tpu.memory_space<hbm>>
      %dma_start3A_12 = tpu.memref_squeeze %dma_start3A_11 : memref<1x32xi32, #tpu.memory_space<hbm>> -> memref<32xi32, #tpu.memory_space<hbm>>
      tpu.enqueue_dma source(%dma_start3A_12 : memref<32xi32, #tpu.memory_space<hbm>>) target(%arg5 : memref<32xi32, #tpu.memory_space<vmem>>) target_semaphore(%run_scoped3A : memref<!tpu.dma_semaphore, #tpu.memory_space<semaphore_mem>>)
      %dma_wait3A_13 = arith.constant 0 : i32
      %dma_wait3A_14 = tpu.memref_slice %arg3[%add3A, %dma_wait3A_13] : memref<32x32xi32, #tpu.memory_space<hbm>> -> memref<1x32xi32, #tpu.memory_space<hbm>>
      %dma_wait3A_15 = tpu.memref_squeeze %dma_wait3A_14 : memref<1x32xi32, #tpu.memory_space<hbm>> -> memref<32xi32, #tpu.memory_space<hbm>>
      %dma_wait3A_16 = arith.constant 0 : i32
      %dma_wait3A_17 = tpu.memref_slice %arg3[%add3A, %dma_wait3A_16] : memref<32x32xi32, #tpu.memory_space<hbm>> -> memref<1x32xi32, #tpu.memory_space<hbm>>
      %dma_wait3A_18 = tpu.memref_squeeze %dma_wait3A_17 : memref<1x32xi32, #tpu.memory_space<hbm>> -> memref<32xi32, #tpu.memory_space<hbm>>
      tpu.wait_dma2 semaphore(%run_scoped3A : memref<!tpu.dma_semaphore, #tpu.memory_space<semaphore_mem>>) src(%dma_wait3A_18 : memref<32xi32, #tpu.memory_space<hbm>>) dst(%arg5 : memref<32xi32, #tpu.memory_space<vmem>>)
      tpu.yield
    }) : () -> ()
    %dma_start3A = arith.constant 0 : i32
    %dma_start3A_1 = arith.constant 0 : i32
    %dma_start3A_2 = tpu.memref_slice %arg2[%dma_start3A, %dma_start3A_1] : memref<10000x48xf32, #tpu.memory_space<hbm>> -> memref<10000x48xf32, #tpu.memory_space<hbm>>
    tpu.enqueue_indirect_dma source(%dma_start3A_2 : memref<10000x48xf32, #tpu.memory_space<hbm>>) target(%arg6 : memref<32x48xf32, #tpu.memory_space<vmem>>) offsets(%arg5 : memref<32xi32, #tpu.memory_space<vmem>>) semaphore(%arg7 : memref<!tpu.dma_semaphore, #tpu.memory_space<semaphore_mem>>)
    %dma_wait3A = arith.constant 0 : i32
    %dma_wait3A_3 = arith.constant 0 : i32
    %dma_wait3A_4 = tpu.memref_slice %arg2[%dma_wait3A, %dma_wait3A_3] : memref<10000x48xf32, #tpu.memory_space<hbm>> -> memref<10000x48xf32, #tpu.memory_space<hbm>>
    tpu.wait_indirect_dma semaphore(%arg7 : memref<!tpu.dma_semaphore, #tpu.memory_space<semaphore_mem>>) src(%dma_wait3A_4 : memref<10000x48xf32, #tpu.memory_space<hbm>>) dst(%arg6 : memref<32x48xf32, #tpu.memory_space<vmem>>)
    %mul3A_5 = arith.constant 32 : i32
    %mul3A_6 = arith.muli %add3A, %mul3A_5 : i32
    "tpu.region"() ({
      %run_scoped3A = tpu.sem_alloc : memref<!tpu.dma_semaphore, #tpu.memory_space<semaphore_mem>>
      %dma_start3A_7 = arith.constant 0 : i32
      %dma_start3A_8 = tpu.memref_slice %arg4[%mul3A_6, %dma_start3A_7] : memref<1024x48xf32, #tpu.memory_space<hbm>> -> memref<32x48xf32, #tpu.memory_space<hbm>>
      %dma_start3A_9 = arith.constant 0 : i32
      %dma_start3A_10 = tpu.memref_slice %arg4[%mul3A_6, %dma_start3A_9] : memref<1024x48xf32, #tpu.memory_space<hbm>> -> memref<32x48xf32, #tpu.memory_space<hbm>>
      tpu.enqueue_dma source(%arg6 : memref<32x48xf32, #tpu.memory_space<vmem>>) target(%dma_start3A_10 : memref<32x48xf32, #tpu.memory_space<hbm>>) target_semaphore(%run_scoped3A : memref<!tpu.dma_semaphore, #tpu.memory_space<semaphore_mem>>)
      %dma_wait3A_11 = arith.constant 0 : i32
      %dma_wait3A_12 = tpu.memref_slice %arg4[%mul3A_6, %dma_wait3A_11] : memref<1024x48xf32, #tpu.memory_space<hbm>> -> memref<32x48xf32, #tpu.memory_space<hbm>>
      %dma_wait3A_13 = arith.constant 0 : i32
      %dma_wait3A_14 = tpu.memref_slice %arg4[%mul3A_6, %dma_wait3A_13] : memref<1024x48xf32, #tpu.memory_space<hbm>> -> memref<32x48xf32, #tpu.memory_space<hbm>>
      tpu.wait_dma2 semaphore(%run_scoped3A : memref<!tpu.dma_semaphore, #tpu.memory_space<semaphore_mem>>) src(%arg6 : memref<32x48xf32, #tpu.memory_space<vmem>>) dst(%dma_wait3A_14 : memref<32x48xf32, #tpu.memory_space<hbm>>)
      tpu.yield
    }) : () -> ()
    return
  }
}

module attributes {stable_mosaic.version = 14 : i64} {
  func.func @_proj_body(%arg0: i32, %arg1: memref<2000x128xf32, #tpu.memory_space<vmem>>, %arg2: memref<128x48xf32, #tpu.memory_space<vmem>>, %arg3: memref<1x48xf32, #tpu.memory_space<vmem>>, %arg4: memref<2000x48xf32, #tpu.memory_space<vmem>>, %arg5: memref<1x1xf32, #tpu.memory_space<smem>>) attributes {dimension_semantics = [#tpu.dimension_semantics<arbitrary>], iteration_bounds = array<i64: 5>, scalar_prefetch = 0 : i64, scratch_operands = 0 : i64, tpu.core_type = #tpu.core_type<tc>, window_params = [{transform_indices = @transform_0, window_bounds = array<i64: 2000, 128>}, {pipeline_mode = #tpu.pipeline_mode<synchronous>, transform_indices = @transform_1, window_bounds = array<i64: 128, 48>}, {pipeline_mode = #tpu.pipeline_mode<synchronous>, transform_indices = @transform_2, window_bounds = array<i64: 1, 48>}, {transform_indices = @transform_3, window_bounds = array<i64: 2000, 48>}, {transform_indices = @transform_4, window_bounds = array<i64: 1, 1>}]} {
    %get3A = arith.constant 0 : index
    %get3A_0 = arith.constant 0 : index
    %get3A_1 = vector.load %arg1[%get3A, %get3A_0] : memref<2000x128xf32, #tpu.memory_space<vmem>>, vector<2000x128xf32>
    %get3A_2 = arith.constant 0 : index
    %get3A_3 = arith.constant 0 : index
    %get3A_4 = vector.load %arg2[%get3A_2, %get3A_3] : memref<128x48xf32, #tpu.memory_space<vmem>>, vector<128x48xf32>
    %dot_general3A = arith.constant dense<0.000000e+00> : vector<2000x48xf32>
    %dot_general3A_5 = tpu.matmul %get3A_1, %get3A_4, %dot_general3A {dimension_numbers = #tpu.dot_dimension_numbers<[1], [0], [0], [1], [0, 0, 1, 1], [], []>, transpose_lhs_hint = false} : vector<2000x128xf32>, vector<128x48xf32>, vector<2000x48xf32> -> vector<2000x48xf32>
    %get3A_6 = arith.constant 0 : index
    %get3A_7 = arith.constant 0 : index
    %get3A_8 = vector.load %arg3[%get3A_6, %get3A_7] : memref<1x48xf32, #tpu.memory_space<vmem>>, vector<1x48xf32>
    %add3A = vector.broadcast %get3A_8 : vector<1x48xf32> to vector<2000x48xf32>
    %add3A_9 = arith.addf %dot_general3A_5, %add3A : vector<2000x48xf32>
    %swap3A = arith.constant 0 : index
    %swap3A_10 = arith.constant 0 : index
    %swap3A_11 = vector.load %arg4[%swap3A, %swap3A_10] : memref<2000x48xf32, #tpu.memory_space<vmem>>, vector<2000x48xf32>
    tpu.vector_store %arg4[%swap3A, %swap3A_10], %add3A_9 {strides = array<i32>} : memref<2000x48xf32, #tpu.memory_space<vmem>>, vector<2000x48xf32>,
    %eq3A = arith.constant 0 : i32
    %eq3A_12 = arith.cmpi eq, %arg0, %eq3A : i32
    %convert_element_type3A = arith.extui %eq3A_12 : i1 to i32
    %cond3A = arith.constant 0 : i32
    %cond3A_13 = arith.cmpi ne, %convert_element_type3A, %cond3A : i32
    scf.if %cond3A_13 {
      %swap3A_25 = arith.constant 0.000000e+00 : f32
      %swap3A_26 = arith.constant 0 : index
      %swap3A_27 = arith.constant 0 : index
      %swap3A_28 = memref.load %arg5[%swap3A_26, %swap3A_27] : memref<1x1xf32, #tpu.memory_space<smem>>
      memref.store %swap3A_25, %arg5[%swap3A_26, %swap3A_27] : memref<1x1xf32, #tpu.memory_space<smem>>
    } else {
    }
    %get3A_14 = arith.constant 0 : index
    %get3A_15 = arith.constant 0 : index
    %get3A_16 = memref.load %arg5[%get3A_14, %get3A_15] : memref<1x1xf32, #tpu.memory_space<smem>>
    %mul3A = arith.mulf %add3A_9, %add3A_9 : vector<2000x48xf32>
    %reduce_sum3A = vector.shape_cast %mul3A : vector<2000x48xf32> to vector<1x2000x48xf32>
    %reduce_sum3A_17 = arith.constant dense<0.000000e+00> : vector<1xf32>
    %reduce_sum3A_18 = vector.multi_reduction <add>, %reduce_sum3A, %reduce_sum3A_17 [1, 2] : vector<1x2000x48xf32> to vector<1xf32>
    %reduce_sum3A_19 = vector.shape_cast %reduce_sum3A_18 : vector<1xf32> to vector<1x1x1xf32>
    %reduce_sum3A_20 = vector.extract %reduce_sum3A_19[0, 0, 0] : f32 from vector<1x1x1xf32>
    %add3A_21 = arith.addf %get3A_16, %reduce_sum3A_20 : f32
    %swap3A_22 = arith.constant 0 : index
    %swap3A_23 = arith.constant 0 : index
    %swap3A_24 = memref.load %arg5[%swap3A_22, %swap3A_23] : memref<1x1xf32, #tpu.memory_space<smem>>
    memref.store %add3A_21, %arg5[%swap3A_22, %swap3A_23] : memref<1x1xf32, #tpu.memory_space<smem>>
    return
  }
  func.func @transform_0(%arg0: i32) -> (i32, i32) {
    %c0_i32 = arith.constant 0 : i32
    %c0_i32_0 = arith.constant 0 : i32
    return %arg0, %c0_i32 : i32, i32
  }
  func.func @transform_1(%arg0: i32) -> (i32, i32) {
    %c0_i32 = arith.constant 0 : i32
    %c0_i32_0 = arith.constant 0 : i32
    %c0_i32_1 = arith.constant 0 : i32
    return %c0_i32, %c0_i32_0 : i32, i32
  }
  func.func @transform_2(%arg0: i32) -> (i32, i32) {
    %c0_i32 = arith.constant 0 : i32
    %c0_i32_0 = arith.constant 0 : i32
    %c0_i32_1 = arith.constant 0 : i32
    return %c0_i32, %c0_i32_0 : i32, i32
  }
  func.func @transform_3(%arg0: i32) -> (i32, i32) {
    %c0_i32 = arith.constant 0 : i32
    %c0_i32_0 = arith.constant 0 : i32
    return %arg0, %c0_i32 : i32, i32
  }
  func.func @transform_4(%arg0: i32) -> (i32, i32) {
    %c0_i32 = arith.constant 0 : i32
    %c0_i32_0 = arith.constant 0 : i32
    %c0_i32_1 = arith.constant 0 : i32
    return %c0_i32, %c0_i32_0 : i32, i32
  }
}

module attributes {stable_mosaic.version = 14 : i64} {
  func.func @_cg_update_body(%arg0: i32, %arg1: i32, %arg2: memref<2000x48xf32, #tpu.memory_space<vmem>>, %arg3: memref<2000x48xf32, #tpu.memory_space<vmem>>, %arg4: memref<2000x48xf32, #tpu.memory_space<vmem>>, %arg5: memref<2x2000x48xf32, #tpu.memory_space<vmem>>, %arg6: memref<1x1xf32, #tpu.memory_space<smem>>, %arg7: memref<1x1xf32, #tpu.memory_space<smem>>, %arg8: memref<2000x48xf32, #tpu.memory_space<vmem>>, %arg9: memref<2000x48xf32, #tpu.memory_space<vmem>>, %arg10: memref<2000x48xf32, #tpu.memory_space<vmem>>, %arg11: memref<1x1xf32, #tpu.memory_space<smem>>, %arg12: memref<10000x48xf32, #tpu.memory_space<vmem>>, %arg13: memref<1x1xf32, #tpu.memory_space<smem>>, %arg14: memref<1x1xf32, #tpu.memory_space<smem>>) attributes {dimension_semantics = [#tpu.dimension_semantics<arbitrary>, #tpu.dimension_semantics<arbitrary>], iteration_bounds = array<i64: 3, 5>, scalar_prefetch = 0 : i64, scratch_operands = 3 : i64, tpu.core_type = #tpu.core_type<tc>, window_params = [{transform_indices = @transform_0, window_bounds = array<i64: 2000, 48>}, {transform_indices = @transform_1, window_bounds = array<i64: 2000, 48>}, {transform_indices = @transform_2, window_bounds = array<i64: 2000, 48>}, {transform_indices = @transform_3, window_bounds = array<i64: 2, 2000, 48>}, {transform_indices = @transform_4, window_bounds = array<i64: 1, 1>}, {transform_indices = @transform_5, window_bounds = array<i64: 1, 1>}, {transform_indices = @transform_6, window_bounds = array<i64: 2000, 48>}, {transform_indices = @transform_7, window_bounds = array<i64: 2000, 48>}, {transform_indices = @transform_8, window_bounds = array<i64: 2000, 48>}, {transform_indices = @transform_9, window_bounds = array<i64: 1, 1>}]} {
    %eq3A = arith.constant 0 : i32
    %eq3A_0 = arith.cmpi eq, %arg0, %eq3A : i32
    %convert_element_type3A = arith.extui %eq3A_0 : i1 to i32
    %cond3A = arith.constant 0 : i32
    %cond3A_1 = arith.cmpi ne, %convert_element_type3A, %cond3A : i32
    scf.if %cond3A_1 {
      %eq3A_12 = arith.constant 0 : i32
      %eq3A_13 = arith.cmpi eq, %arg1, %eq3A_12 : i32
      %convert_element_type3A_14 = arith.extui %eq3A_13 : i1 to i32
      %cond3A_15 = arith.constant 0 : i32
      %cond3A_16 = arith.cmpi ne, %convert_element_type3A_14, %cond3A_15 : i32
      scf.if %cond3A_16 {
        %swap3A_64 = arith.constant 0.000000e+00 : f32
        %swap3A_65 = arith.constant 0 : index
        %swap3A_66 = arith.constant 0 : index
        %swap3A_67 = memref.load %arg13[%swap3A_65, %swap3A_66] : memref<1x1xf32, #tpu.memory_space<smem>>
        memref.store %swap3A_64, %arg13[%swap3A_65, %swap3A_66] : memref<1x1xf32, #tpu.memory_space<smem>>
      } else {
      }
      %get3A = arith.constant 0 : index
      %get3A_17 = arith.constant 0 : index
      %get3A_18 = vector.load %arg4[%get3A, %get3A_17] : memref<2000x48xf32, #tpu.memory_space<vmem>>, vector<2000x48xf32>
      %get3A_19 = arith.constant 0 : index
      %get3A_20 = arith.constant 0 : index
      %get3A_21 = memref.load %arg7[%get3A_19, %get3A_20] : memref<1x1xf32, #tpu.memory_space<smem>>
      %get3A_22 = arith.constant 0 : index
      %get3A_23 = arith.constant 0 : index
      %get3A_24 = arith.constant 0 : index
      %get3A_25 = vector.load %arg5[%get3A_22, %get3A_23, %get3A_24] : memref<2x2000x48xf32, #tpu.memory_space<vmem>>, vector<1x2000x48xf32>
      %get3A_26 = vector.shape_cast %get3A_25 : vector<1x2000x48xf32> to vector<2000x48xf32>
      %get3A_27 = arith.constant 1 : index
      %get3A_28 = arith.constant 0 : index
      %get3A_29 = arith.constant 0 : index
      %get3A_30 = vector.load %arg5[%get3A_27, %get3A_28, %get3A_29] : memref<2x2000x48xf32, #tpu.memory_space<vmem>>, vector<1x2000x48xf32>
      %get3A_31 = vector.shape_cast %get3A_30 : vector<1x2000x48xf32> to vector<2000x48xf32>
      %add3A = arith.addf %get3A_26, %get3A_31 : vector<2000x48xf32>
      %mul3A = vector.broadcast %get3A_21 : f32 to vector<2000x48xf32>
      %mul3A_32 = arith.mulf %mul3A, %add3A : vector<2000x48xf32>
      %sub3A = arith.subf %get3A_18, %mul3A_32 : vector<2000x48xf32>
      %mul3A_33 = arith.constant 2000 : i32
      %mul3A_34 = arith.muli %arg1, %mul3A_33 : i32
      %swap3A = arith.index_cast %mul3A_34 : i32 to index
      %swap3A_35 = arith.constant 0 : index
      %swap3A_36 = vector.load %arg12[%swap3A, %swap3A_35] : memref<10000x48xf32, #tpu.memory_space<vmem>>, vector<2000x48xf32>
      tpu.vector_store %arg12[%swap3A, %swap3A_35], %sub3A {strides = array<i32>} : memref<10000x48xf32, #tpu.memory_space<vmem>>, vector<2000x48xf32>,
      %get3A_37 = arith.constant 0 : index
      %get3A_38 = arith.constant 0 : index
      %get3A_39 = memref.load %arg13[%get3A_37, %get3A_38] : memref<1x1xf32, #tpu.memory_space<smem>>
      %mul3A_40 = arith.mulf %get3A_18, %sub3A : vector<2000x48xf32>
      %reduce_sum3A = vector.shape_cast %mul3A_40 : vector<2000x48xf32> to vector<1x2000x48xf32>
      %reduce_sum3A_41 = arith.constant dense<0.000000e+00> : vector<1xf32>
      %reduce_sum3A_42 = vector.multi_reduction <add>, %reduce_sum3A, %reduce_sum3A_41 [1, 2] : vector<1x2000x48xf32> to vector<1xf32>
      %reduce_sum3A_43 = vector.shape_cast %reduce_sum3A_42 : vector<1xf32> to vector<1x1x1xf32>
      %reduce_sum3A_44 = vector.extract %reduce_sum3A_43[0, 0, 0] : f32 from vector<1x1x1xf32>
      %add3A_45 = arith.addf %get3A_39, %reduce_sum3A_44 : f32
      %swap3A_46 = arith.constant 0 : index
      %swap3A_47 = arith.constant 0 : index
      %swap3A_48 = memref.load %arg13[%swap3A_46, %swap3A_47] : memref<1x1xf32, #tpu.memory_space<smem>>
      memref.store %add3A_45, %arg13[%swap3A_46, %swap3A_47] : memref<1x1xf32, #tpu.memory_space<smem>>
      %get3A_49 = arith.constant 0 : index
      %get3A_50 = arith.constant 0 : index
      %get3A_51 = vector.load %arg2[%get3A_49, %get3A_50] : memref<2000x48xf32, #tpu.memory_space<vmem>>, vector<2000x48xf32>
      %swap3A_52 = arith.constant 0 : index
      %swap3A_53 = arith.constant 0 : index
      %swap3A_54 = vector.load %arg8[%swap3A_52, %swap3A_53] : memref<2000x48xf32, #tpu.memory_space<vmem>>, vector<2000x48xf32>
      tpu.vector_store %arg8[%swap3A_52, %swap3A_53], %get3A_51 {strides = array<i32>} : memref<2000x48xf32, #tpu.memory_space<vmem>>, vector<2000x48xf32>,
      %get3A_55 = arith.constant 0 : index
      %get3A_56 = arith.constant 0 : index
      %get3A_57 = vector.load %arg3[%get3A_55, %get3A_56] : memref<2000x48xf32, #tpu.memory_space<vmem>>, vector<2000x48xf32>
      %swap3A_58 = arith.constant 0 : index
      %swap3A_59 = arith.constant 0 : index
      %swap3A_60 = vector.load %arg9[%swap3A_58, %swap3A_59] : memref<2000x48xf32, #tpu.memory_space<vmem>>, vector<2000x48xf32>
      tpu.vector_store %arg9[%swap3A_58, %swap3A_59], %get3A_57 {strides = array<i32>} : memref<2000x48xf32, #tpu.memory_space<vmem>>, vector<2000x48xf32>,
      %swap3A_61 = arith.constant 0 : index
      %swap3A_62 = arith.constant 0 : index
      %swap3A_63 = vector.load %arg10[%swap3A_61, %swap3A_62] : memref<2000x48xf32, #tpu.memory_space<vmem>>, vector<2000x48xf32>
      tpu.vector_store %arg10[%swap3A_61, %swap3A_62], %get3A_18 {strides = array<i32>} : memref<2000x48xf32, #tpu.memory_space<vmem>>, vector<2000x48xf32>,
    } else {
    }
    %eq3A_2 = arith.constant 1 : i32
    %eq3A_3 = arith.cmpi eq, %arg0, %eq3A_2 : i32
    %convert_element_type3A_4 = arith.extui %eq3A_3 : i1 to i32
    %cond3A_5 = arith.constant 0 : i32
    %cond3A_6 = arith.cmpi ne, %convert_element_type3A_4, %cond3A_5 : i32
    scf.if %cond3A_6 {
      %eq3A_12 = arith.constant 0 : i32
      %eq3A_13 = arith.cmpi eq, %arg1, %eq3A_12 : i32
      %convert_element_type3A_14 = arith.extui %eq3A_13 : i1 to i32
      %cond3A_15 = arith.constant 0 : i32
      %cond3A_16 = arith.cmpi ne, %convert_element_type3A_14, %cond3A_15 : i32
      scf.if %cond3A_16 {
        %swap3A_62 = arith.constant 0.000000e+00 : f32
        %swap3A_63 = arith.constant 0 : index
        %swap3A_64 = arith.constant 0 : index
        %swap3A_65 = memref.load %arg14[%swap3A_63, %swap3A_64] : memref<1x1xf32, #tpu.memory_space<smem>>
        memref.store %swap3A_62, %arg14[%swap3A_63, %swap3A_64] : memref<1x1xf32, #tpu.memory_space<smem>>
      } else {
      }
      %get3A = arith.constant 0 : index
      %get3A_17 = arith.constant 0 : index
      %get3A_18 = memref.load %arg6[%get3A, %get3A_17] : memref<1x1xf32, #tpu.memory_space<smem>>
      %get3A_19 = arith.constant 0 : index
      %get3A_20 = arith.constant 0 : index
      %get3A_21 = memref.load %arg13[%get3A_19, %get3A_20] : memref<1x1xf32, #tpu.memory_space<smem>>
      %div3A = arith.divf %get3A_18, %get3A_21 : f32
      %get3A_22 = arith.constant 0 : index
      %get3A_23 = arith.constant 0 : index
      %get3A_24 = vector.load %arg2[%get3A_22, %get3A_23] : memref<2000x48xf32, #tpu.memory_space<vmem>>, vector<2000x48xf32>
      %get3A_25 = arith.constant 0 : index
      %get3A_26 = arith.constant 0 : index
      %get3A_27 = vector.load %arg4[%get3A_25, %get3A_26] : memref<2000x48xf32, #tpu.memory_space<vmem>>, vector<2000x48xf32>
      %mul3A = vector.broadcast %div3A : f32 to vector<2000x48xf32>
      %mul3A_28 = arith.mulf %mul3A, %get3A_27 : vector<2000x48xf32>
      %add3A = arith.addf %get3A_24, %mul3A_28 : vector<2000x48xf32>
      %swap3A = arith.constant 0 : index
      %swap3A_29 = arith.constant 0 : index
      %swap3A_30 = vector.load %arg8[%swap3A, %swap3A_29] : memref<2000x48xf32, #tpu.memory_space<vmem>>, vector<2000x48xf32>
      tpu.vector_store %arg8[%swap3A, %swap3A_29], %add3A {strides = array<i32>} : memref<2000x48xf32, #tpu.memory_space<vmem>>, vector<2000x48xf32>,
      %get3A_31 = arith.constant 0 : index
      %get3A_32 = arith.constant 0 : index
      %get3A_33 = vector.load %arg3[%get3A_31, %get3A_32] : memref<2000x48xf32, #tpu.memory_space<vmem>>, vector<2000x48xf32>
      %mul3A_34 = arith.constant 2000 : i32
      %mul3A_35 = arith.muli %arg1, %mul3A_34 : i32
      %get3A_36 = arith.index_cast %mul3A_35 : i32 to index
      %get3A_37 = arith.constant 0 : index
      %get3A_38 = vector.load %arg12[%get3A_36, %get3A_37] : memref<10000x48xf32, #tpu.memory_space<vmem>>, vector<2000x48xf32>
      %mul3A_39 = vector.broadcast %div3A : f32 to vector<2000x48xf32>
      %mul3A_40 = arith.mulf %mul3A_39, %get3A_38 : vector<2000x48xf32>
      %sub3A = arith.subf %get3A_33, %mul3A_40 : vector<2000x48xf32>
      %swap3A_41 = arith.constant 0 : index
      %swap3A_42 = arith.constant 0 : index
      %swap3A_43 = vector.load %arg9[%swap3A_41, %swap3A_42] : memref<2000x48xf32, #tpu.memory_space<vmem>>, vector<2000x48xf32>
      tpu.vector_store %arg9[%swap3A_41, %swap3A_42], %sub3A {strides = array<i32>} : memref<2000x48xf32, #tpu.memory_space<vmem>>, vector<2000x48xf32>,
      %get3A_44 = arith.constant 0 : index
      %get3A_45 = arith.constant 0 : index
      %get3A_46 = memref.load %arg14[%get3A_44, %get3A_45] : memref<1x1xf32, #tpu.memory_space<smem>>
      %mul3A_47 = arith.mulf %sub3A, %sub3A : vector<2000x48xf32>
      %reduce_sum3A = vector.shape_cast %mul3A_47 : vector<2000x48xf32> to vector<1x2000x48xf32>
      %reduce_sum3A_48 = arith.constant dense<0.000000e+00> : vector<1xf32>
      %reduce_sum3A_49 = vector.multi_reduction <add>, %reduce_sum3A, %reduce_sum3A_48 [1, 2] : vector<1x2000x48xf32> to vector<1xf32>
      %reduce_sum3A_50 = vector.shape_cast %reduce_sum3A_49 : vector<1xf32> to vector<1x1x1xf32>
      %reduce_sum3A_51 = vector.extract %reduce_sum3A_50[0, 0, 0] : f32 from vector<1x1x1xf32>
      %add3A_52 = arith.addf %get3A_46, %reduce_sum3A_51 : f32
      %swap3A_53 = arith.constant 0 : index
      %swap3A_54 = arith.constant 0 : index
      %swap3A_55 = memref.load %arg14[%swap3A_53, %swap3A_54] : memref<1x1xf32, #tpu.memory_space<smem>>
      memref.store %add3A_52, %arg14[%swap3A_53, %swap3A_54] : memref<1x1xf32, #tpu.memory_space<smem>>
      %get3A_56 = arith.constant 0 : index
      %get3A_57 = arith.constant 0 : index
      %get3A_58 = vector.load %arg4[%get3A_56, %get3A_57] : memref<2000x48xf32, #tpu.memory_space<vmem>>, vector<2000x48xf32>
      %swap3A_59 = arith.constant 0 : index
      %swap3A_60 = arith.constant 0 : index
      %swap3A_61 = vector.load %arg10[%swap3A_59, %swap3A_60] : memref<2000x48xf32, #tpu.memory_space<vmem>>, vector<2000x48xf32>
      tpu.vector_store %arg10[%swap3A_59, %swap3A_60], %get3A_58 {strides = array<i32>} : memref<2000x48xf32, #tpu.memory_space<vmem>>, vector<2000x48xf32>,
    } else {
    }
    %eq3A_7 = arith.constant 2 : i32
    %eq3A_8 = arith.cmpi eq, %arg0, %eq3A_7 : i32
    %convert_element_type3A_9 = arith.extui %eq3A_8 : i1 to i32
    %cond3A_10 = arith.constant 0 : i32
    %cond3A_11 = arith.cmpi ne, %convert_element_type3A_9, %cond3A_10 : i32
    scf.if %cond3A_11 {
      %get3A = arith.constant 0 : index
      %get3A_12 = arith.constant 0 : index
      %get3A_13 = memref.load %arg14[%get3A, %get3A_12] : memref<1x1xf32, #tpu.memory_space<smem>>
      %get3A_14 = arith.constant 0 : index
      %get3A_15 = arith.constant 0 : index
      %get3A_16 = memref.load %arg6[%get3A_14, %get3A_15] : memref<1x1xf32, #tpu.memory_space<smem>>
      %div3A = arith.divf %get3A_13, %get3A_16 : f32
      %get3A_17 = arith.constant 0 : index
      %get3A_18 = arith.constant 0 : index
      %get3A_19 = vector.load %arg3[%get3A_17, %get3A_18] : memref<2000x48xf32, #tpu.memory_space<vmem>>, vector<2000x48xf32>
      %get3A_20 = arith.constant 0 : index
      %get3A_21 = arith.constant 0 : index
      %get3A_22 = vector.load %arg4[%get3A_20, %get3A_21] : memref<2000x48xf32, #tpu.memory_space<vmem>>, vector<2000x48xf32>
      %mul3A = vector.broadcast %div3A : f32 to vector<2000x48xf32>
      %mul3A_23 = arith.mulf %mul3A, %get3A_22 : vector<2000x48xf32>
      %add3A = arith.addf %get3A_19, %mul3A_23 : vector<2000x48xf32>
      %swap3A = arith.constant 0 : index
      %swap3A_24 = arith.constant 0 : index
      %swap3A_25 = vector.load %arg10[%swap3A, %swap3A_24] : memref<2000x48xf32, #tpu.memory_space<vmem>>, vector<2000x48xf32>
      tpu.vector_store %arg10[%swap3A, %swap3A_24], %add3A {strides = array<i32>} : memref<2000x48xf32, #tpu.memory_space<vmem>>, vector<2000x48xf32>,
      %get3A_26 = arith.constant 0 : index
      %get3A_27 = arith.constant 0 : index
      %get3A_28 = vector.load %arg2[%get3A_26, %get3A_27] : memref<2000x48xf32, #tpu.memory_space<vmem>>, vector<2000x48xf32>
      %swap3A_29 = arith.constant 0 : index
      %swap3A_30 = arith.constant 0 : index
      %swap3A_31 = vector.load %arg8[%swap3A_29, %swap3A_30] : memref<2000x48xf32, #tpu.memory_space<vmem>>, vector<2000x48xf32>
      tpu.vector_store %arg8[%swap3A_29, %swap3A_30], %get3A_28 {strides = array<i32>} : memref<2000x48xf32, #tpu.memory_space<vmem>>, vector<2000x48xf32>,
      %get3A_32 = arith.constant 0 : index
      %get3A_33 = arith.constant 0 : index
      %get3A_34 = vector.load %arg3[%get3A_32, %get3A_33] : memref<2000x48xf32, #tpu.memory_space<vmem>>, vector<2000x48xf32>
      %swap3A_35 = arith.constant 0 : index
      %swap3A_36 = arith.constant 0 : index
      %swap3A_37 = vector.load %arg9[%swap3A_35, %swap3A_36] : memref<2000x48xf32, #tpu.memory_space<vmem>>, vector<2000x48xf32>
      tpu.vector_store %arg9[%swap3A_35, %swap3A_36], %get3A_34 {strides = array<i32>} : memref<2000x48xf32, #tpu.memory_space<vmem>>, vector<2000x48xf32>,
      %eq3A_38 = arith.constant 4 : i32
      %eq3A_39 = arith.cmpi eq, %arg1, %eq3A_38 : i32
      %convert_element_type3A_40 = arith.extui %eq3A_39 : i1 to i32
      %cond3A_41 = arith.constant 0 : i32
      %cond3A_42 = arith.cmpi ne, %convert_element_type3A_40, %cond3A_41 : i32
      scf.if %cond3A_42 {
        %get3A_43 = arith.constant 0 : index
        %get3A_44 = arith.constant 0 : index
        %get3A_45 = memref.load %arg14[%get3A_43, %get3A_44] : memref<1x1xf32, #tpu.memory_space<smem>>
        %swap3A_46 = arith.constant 0 : index
        %swap3A_47 = arith.constant 0 : index
        %swap3A_48 = memref.load %arg11[%swap3A_46, %swap3A_47] : memref<1x1xf32, #tpu.memory_space<smem>>
        memref.store %get3A_45, %arg11[%swap3A_46, %swap3A_47] : memref<1x1xf32, #tpu.memory_space<smem>>
      } else {
      }
    } else {
    }
    return
  }
  func.func @transform_0(%arg0: i32, %arg1: i32) -> (i32, i32) {
    %c0_i32 = arith.constant 0 : i32
    %c0_i32_0 = arith.constant 0 : i32
    return %arg1, %c0_i32 : i32, i32
  }
  func.func @transform_1(%arg0: i32, %arg1: i32) -> (i32, i32) {
    %c0_i32 = arith.constant 0 : i32
    %c0_i32_0 = arith.constant 0 : i32
    return %arg1, %c0_i32 : i32, i32
  }
  func.func @transform_2(%arg0: i32, %arg1: i32) -> (i32, i32) {
    %c0_i32 = arith.constant 0 : i32
    %c0_i32_0 = arith.constant 0 : i32
    return %arg1, %c0_i32 : i32, i32
  }
  func.func @transform_3(%arg0: i32, %arg1: i32) -> (i32, i32, i32) {
    %c0_i32 = arith.constant 0 : i32
    %c0_i32_0 = arith.constant 0 : i32
    %c0_i32_1 = arith.constant 0 : i32
    return %c0_i32, %arg1, %c0_i32_0 : i32, i32, i32
  }
  func.func @transform_4(%arg0: i32, %arg1: i32) -> (i32, i32) {
    %c0_i32 = arith.constant 0 : i32
    %c0_i32_0 = arith.constant 0 : i32
    %c0_i32_1 = arith.constant 0 : i32
    return %c0_i32, %c0_i32_0 : i32, i32
  }
  func.func @transform_5(%arg0: i32, %arg1: i32) -> (i32, i32) {
    %c0_i32 = arith.constant 0 : i32
    %c0_i32_0 = arith.constant 0 : i32
    %c0_i32_1 = arith.constant 0 : i32
    return %c0_i32, %c0_i32_0 : i32, i32
  }
  func.func @transform_6(%arg0: i32, %arg1: i32) -> (i32, i32) {
    %c0_i32 = arith.constant 0 : i32
    %c0_i32_0 = arith.constant 0 : i32
    return %arg1, %c0_i32 : i32, i32
  }
  func.func @transform_7(%arg0: i32, %arg1: i32) -> (i32, i32) {
    %c0_i32 = arith.constant 0 : i32
    %c0_i32_0 = arith.constant 0 : i32
    return %arg1, %c0_i32 : i32, i32
  }
  func.func @transform_8(%arg0: i32, %arg1: i32) -> (i32, i32) {
    %c0_i32 = arith.constant 0 : i32
    %c0_i32_0 = arith.constant 0 : i32
    return %arg1, %c0_i32 : i32, i32
  }
  func.func @transform_9(%arg0: i32, %arg1: i32) -> (i32, i32) {
    %c0_i32 = arith.constant 0 : i32
    %c0_i32_0 = arith.constant 0 : i32
    %c0_i32_1 = arith.constant 0 : i32
    return %c0_i32, %c0_i32_0 : i32, i32
  }
}

</mosaic_0001>

<sc_bundles>
// kernel: body.8.cloned.1.call-start
scs
__scs_entry_jumppad:
0x0: {  	(pc) =	sbr.rel $0x88, $3  }
0x1: {  	(tag) =	ssettag $0x0;
	lr =	simm.s32 $0x1  }
0x2: {  	[smem:$0x3F9A] =	sst lr;
	_ =	strace $0xD0000000  }
0x3: {  	_ = 	snop  }
0x4: {  	_ = 	snop  }
0x5: {  	_ = 	snop  }
0x6: {  	_ = 	snop  }
0x7: {  	_ = 	snop  }
__scs_overlays_trampoline_lowered:
0x8: {  	[smem:$0x3FA9] =	sst s0  }
0x9: {  	[smem:$0x3FAA] =	sst s1  }
0xa: {  	[smem:$0x3FAB] =	sst s2  }
0xb: {  	[smem:$0x3FAC] =	sst s3  }
0xc: {  	[smem:$0x3FAD] =	sst s4  }
0xd: {  	[smem:$0x3FAE] =	sst s5  }
0xe: {  	[smem:$0x3FAF] =	sst s6  }
0xf: {  	[smem:$0x3FB0] =	sst s7  }
0x10: {  	[smem:$0x3FB1] =	sst s8  }
0x11: {  	[smem:$0x3FB2] =	sst s9;
	s0 =	simm.s32 @!p0 $0x0  }
0x12: {  	s1 =	sld [smem:$0x3F98];
	s0 =	simm.s32 @p0 $0x1  }
0x13: {  	[smem:$0x3FB3] =	sst s0;
	s0 =	simm.s32 @!p1 $0x0  }
0x14: {  	s2 =	sld [smem:$0x3F97];
	s0 =	simm.s32 @p1 $0x1  }
0x15: {  	[smem:$0x3FB4] =	sst s0;
	s0 =	simm.s32 @!p2 $0x0  }
0x16: {  	s3 =	sld [smem:$0x3FDB];
	s0 =	simm.s32 @p2 $0x1  }
0x17: {  	s4 =	simm.s32 $0x1BF5;
	[smem:$0x3FB6] =	sst s0  }
0x18: {  	s0 =	sld [smem:$0x3F99];
	_ =	swait.ge [sflag:s4], $0x0  }
0x19: {  	s7 =	sld [smem:$0x3F9A]  }
0x1a: {  	s8 =	sadd.s32 $0xFFFFE003, lr  }
0x1b: {  	s9 =	sadd.s32 $0xFFFFFEF7, lr;
	s5 =	simm.s32 $0xFFFFFFFF;
	p2 =	slt.u32 s8, $0xFFFFF086  }
0x1c: {  	p1 =	slt.u32 s9, $0xF7A;
	s5 =	simm.s32 @!p2 $0x0  }
0x1d: {  	s5 =	simm.s32 @p1 $0x1;
	p0 =	seq.s32 s7, s2  }
0x1e: {  	s7 =	smul.u32 @!p0 $0xF7A, s2;
	p2 =	seq.s32 @!p0 s5, $0x0  }
0x1f: {  	s9 =	smul.u32 $0xF7A, s1;
	s8 =	simm.s32 @!p0 $0x1BF5;
	p2 =	por !p2, p0  }
0x20: {  	[sflag:s8] =	ssyncset.s32 @!p0 $0xFFFFF086;
	s6 =	sadd.s32 @!p0 s3, s7;
	s7 =	simm.s32 @!p0 $0x108  }
0x21: {  	s3 =	sadd.s32 s3, s9;
	s6 =	sadd.s32 @!p0 $0x88, s6;
	s7 =	simm.s32 @p2 $0x1082  }
0x22: {  	[simem:s7], [sflag:s8] =	dma.local @!p0 [hbm:s6], $0xF7A  }
0x23: {  	s9 =	sor.u32 $0xD0000000, s2;
	s6 =	simm.s32 $0x108;
	_ =	swait.ge @!p0 [sflag:s8], $0x0  }
0x24: {  	s3 =	sadd.s32 $0x88, s3;
	s6 =	simm.s32 @!p1 $0x1082;
	[sflag:s4] =	ssyncset.s32 $0xFFFFF086  }
0x25: {  	[simem:s6], [sflag:s4] =	dma.local [hbm:s3], $0xF7A  }
0x26: {  	[smem:$0x3F9A] =	sst s1;
	(tag) =	ssettag s2;
	_ =	strace s9  }
0x27: {  	s1 =	sld [smem:$0x3FAA]  }
0x28: {  	s2 =	sld [smem:$0x3FAB]  }
0x29: {  	s4 =	sld [smem:$0x3FAD]  }
0x2a: {  	p0 =	seq.s32 s5, $0x0;
	s5 =	sld [smem:$0x3FAE]  }
0x2b: {  	s6 =	sld [smem:$0x3FAF]  }
0x2c: {  	s7 =	sld [smem:$0x3FB0]  }
0x2d: {  	s3 =	simm.s32 $0x108;
	s8 =	sld [smem:$0x3FB1]  }
0x2e: {  	s3 =	simm.s32 @!p0 $0x1082;
	s9 =	sld [smem:$0x3FB2]  }
0x2f: {  	lr =	sadd.s32 s0, s3;
	s0 =	sld [smem:$0x3FA9]  }
0x30: {  	s3 =	sld [smem:$0x3FAC]  }
0x31: {  	[smem:$0x3FB5] =	sst s10  }
0x32: {  	s10 =	sld [smem:$0x3FB3];
	_ =	sdelay $0x3  }
0x33: {  	p0 =	seq.s32 s10, $0x1;
	s10 =	sld [smem:$0x3FB5];
	_ =	sdelay $0x3  }
0x34: {  	[smem:$0x3FB5] =	sst s10  }
0x35: {  	s10 =	sld [smem:$0x3FB4];
	_ =	sdelay $0x3  }
0x36: {  	p1 =	seq.s32 s10, $0x1;
	s10 =	sld [smem:$0x3FB5];
	_ =	sdelay $0x3  }
0x37: {  	[smem:$0x3FB5] =	sst s10  }
0x38: {  	s10 =	sld [smem:$0x3FB6]  }
0x39: {  	_ = 	snop;
	(pc) =	sbr.ind lr, $3  }
0x3a: {  	_ = 	snop  }
0x3b: {  	_ = 	snop  }
0x3c: {  	p2 =	seq.s32 s10, $0x1;
	s10 =	sld [smem:$0x3FB5]  }
0x3d: {  	_ =	shalt  }
0x3e: {  	_ =	shalt  }
0x3f: {  	_ =	shalt  }
0x40: {  	_ =	shalt  }
0x41: {  	_ =	shalt  }
0x42: {  	_ =	shalt  }
0x43: {  	_ =	shalt  }
0x44: {  	_ =	shalt  }
0x45: {  	_ =	shalt  }
0x46: {  	_ =	shalt  }
0x47: {  	_ =	shalt  }
0x48: {  	_ =	shalt  }
0x49: {  	_ =	shalt  }
0x4a: {  	_ =	shalt  }
0x4b: {  	_ =	shalt  }
0x4c: {  	_ =	shalt  }
0x4d: {  	_ =	shalt  }
0x4e: {  	_ =	shalt  }
0x4f: {  	_ =	shalt  }
0x50: {  	_ =	shalt  }
0x51: {  	_ =	shalt  }
0x52: {  	_ =	shalt  }
0x53: {  	_ =	shalt  }
0x54: {  	_ =	shalt  }
0x55: {  	_ =	shalt  }
0x56: {  	_ =	shalt  }
0x57: {  	_ =	shalt  }
0x58: {  	_ =	shalt  }
0x59: {  	_ =	shalt  }
0x5a: {  	_ =	shalt  }
0x5b: {  	_ =	shalt  }
0x5c: {  	_ =	shalt  }
0x5d: {  	_ =	shalt  }
0x5e: {  	_ =	shalt  }
0x5f: {  	_ =	shalt  }
0x60: {  	_ =	shalt  }
0x61: {  	_ =	shalt  }
0x62: {  	_ =	shalt  }
0x63: {  	_ =	shalt  }
0x64: {  	_ =	shalt  }
0x65: {  	_ =	shalt  }
0x66: {  	_ =	shalt  }
0x67: {  	_ =	shalt  }
0x68: {  	_ =	shalt  }
0x69: {  	_ =	shalt  }
0x6a: {  	_ =	shalt  }
0x6b: {  	_ =	shalt  }
0x6c: {  	_ =	shalt  }
0x6d: {  	_ =	shalt  }
0x6e: {  	_ =	shalt  }
0x6f: {  	_ =	shalt  }
0x70: {  	_ =	shalt  }
0x71: {  	_ =	shalt  }
0x72: {  	_ =	shalt  }
0x73: {  	_ =	shalt  }
0x74: {  	_ =	shalt  }
0x75: {  	_ =	shalt  }
0x76: {  	_ =	shalt  }
0x77: {  	_ =	shalt  }
0x78: {  	_ =	shalt  }
0x79: {  	_ =	shalt  }
0x7a: {  	_ =	shalt  }
0x7b: {  	_ =	shalt  }
0x7c: {  	_ =	shalt  }
0x7d: {  	_ =	shalt  }
0x7e: {  	_ =	shalt  }
0x7f: {  	_ =	shalt  }
0x80: {  	_ =	shalt  }
0x81: {  	_ =	shalt  }
0x82: {  	_ =	shalt  }
0x83: {  	_ =	shalt  }
0x84: {  	_ =	shalt  }
0x85: {  	_ =	shalt  }
0x86: {  	_ =	shalt  }
0x87: {  	_ =	shalt  }
.Lfunc_end0:
.L_simem_size_0:
called_computation_lowered:
.L_overlay_start_0:
0x88: {  	s2 =	sld [smem:$0x3FD9]  }
0x89: {  	s3 =	sld [smem:$0x3FFE];
	_ =	sdelay $0x1  }
0x8a: {  	s1 =	srdreg.scid  }
0x8b: {  	s0 =	sand.u32 $0x1, s1  }
0x8c: {  	s16 =	sshll.u32 s0, $0xA;
	s2 =	sadd.s32 s3, s2  }
0x8d: {  	s2 =	sadd.s32 s2, s16  }
0x8e: {  	[smem:$0x3FC1] =	sst s2  }
0x8f: {  	_ = 	snop  }
0x90: {  	(tm) =	ssettm $0x1  }
0x91: {  	s17 =	sld [smem:$0x3FFB];
	_ =	sdelay $0x3  }
0x92: {  	_ =	strace s17  }
0x93: {  	s2 =	sld [smem:$0x3FFC];
	_ =	sdelay $0x3  }
0x94: {  	_ =	strace s2  }
0x95: {  	s2 =	sld [smem:$0x3FFD];
	_ =	sdelay $0x3  }
0x96: {  	_ =	strace s2  }
0x97: {  	_ =	strace $0x8FFFFFFF  }
0x98: {  	s18 =	sld [smem:$0x3FDB];
	_ =	sdelay $0x1  }
0x99: {  	s19 =	simm.s32 $_scs_section_size  }
0x9a: {  	s4 =	simm.s32 $_size__tile_overlayer_lowered;
	s5 =	simm.s32 $_tile_overlayer_lowered  }
0x9b: {  	s22 =	simm.s32 $0x1BFF;
	s21 =	sshll.u32 s5, $0x1;
	s2 =	sadd.s32 s19, s18  }
0x9c: {  	s6 =	simm.s32 $0x0;
	s20 =	sshll.u32 s4, $0x1;
	s4 =	sadd.s32 s21, s2  }
0x9d: {  	[timem:s6], [sflag:s22] =	dma.local [hbm:s4], s20  }
0x9e: {  	_ =	swait.ge [sflag:s22], s20  }
0x9f: {  	s3 =	ssub.s32 $0x0, s20;
	[sflag:s22] =	ssyncset.done $0x0  }
0xa0: {  	[sflag:s22] =	ssyncadd.s32 s3;
	_ =	sdelay $0x1  }
0xa1: {  	s23 =	simm.s32 $0x1B8B  }
0xa2: {  	_ =	swait.ge [sflag:s23], $0x1  }
0xa3: {  	[sflag:s23] =	ssyncset.done $0x0  }
0xa4: {  	s25 =	simm.s32 $0x1B8E;
	s24 =	sld [smem:$0x3FFE];
	[sflag:s23] =	ssyncadd.s32 $0xFFFFFFFF  }
0xa5: {  	s26 =	simm.s32 $execute0_lowered;
	[smem:$0x3FD2] =	sst s25  }
0xa6: {  	s4 =	sshll.u32 s26, $0x1;
	_ =	strace $0x80000049;
	[dreg:$0x1] =	wrdreg $0xFFFFFFFF  }
0xa7: {  	s28 =	simm.s32 $_size_execute0_lowered;
	s2 =	sadd.s32 s2, s4;
	[dreg:$0x0] =	wrdreg $0x0  }
0xa8: {  	s4 =	sshll.u32 s28, $0x1;
	[dreg:$0x2] =	wrdreg s2  }
0xa9: {  	[dreg:$0x3] =	wrdreg s4  }
0xaa: {  	[dreg:$0x4] =	wrdreg $0xC0  }
0xab: {  	_ =	task [dreg:s6], $0x5FFFF  }
0xac: {  	[dreg:$0x1] =	wrdreg $0xFFFFFFFF  }
0xad: {  	[dreg:$0x0] =	wrdreg $0x60  }
0xae: {  	[dreg:$0x2] =	wrdreg s24  }
0xaf: {  	[dreg:$0x3] =	wrdreg $0x79800  }
0xb0: {  	[dreg:$0x4] =	wrdreg $0xEEB00  }
0xb1: {  	[dreg:$0x5] =	wrdreg $0x9  }
0xb2: {  	_ =	task.clear_ibuf [dreg:s6], $0x6FFFF;
	_ =	strace $0x90000049  }
0xb3: {  	s29 =	simm.s32 $0x9;
	_ =	strace $0x8000004B  }
0xb4: {  	_ =	swait.ge [sflag:s29], $0x1  }
0xb5: {  	[sflag:s29] =	ssyncadd.s32 $0xFFFFFFFF  }
0xb6: {  	_ =	strace $0x9000004B  }
0xb7: {  	_ =	sfence  }
0xb8: {  	s30 =	sld [smem:$0x0];
	_ =	sdelay $0x2  }
0xb9: {  	s31 =	sshll.u32 s1, $0xD;
	s1 =	sshrl.u32 s1, $0x2  }
0xba: {  	s3 =	sand.u32 $0x4000, s31;
	s1 =	sadd.s32 s1, s30  }
0xbb: {  	s0 =	sor.u32 s3, s0;
	s1 =	sshll.u32 s1, $0x11  }
0xbc: {  	s0 =	sor.u32 s1, s0  }
0xbd: {  	s0 =	sadd.s32 $0x8F2B, s0  }
0xbe: {  	[sflag:s0] =	ssyncadd.remote.s32 $0x1  }
0xbf: {  	_ =	sfence.sel $0xFFFF  }
0xc0: {  	[dreg:$0x0] =	wrdreg $0xFFFFFFFF;
	(pc) =	sbr.abs _section_cstart, $3  }
0xc1: {  	[dreg:$0x1] =	wrdreg $0xFFFFFFFF  }
0xc2: {  	_ =	task.clear_ibuf [dreg:s6], $0x2FFFF;
	_ =	strace $0x9FFFFFFF  }
0xc3: {  	(tm) =	ssettm $0x7FFFFFFF  }
tec
execute0_lowered:
.L_overlay_start_1:
0x0: {  	(tag) =	ssettag $0x1  }
0x1: {  	s0 =	rddreg [dreg:$0x0]  }
0x2: {  	s2 =	rddreg [dreg:$0x1]  }
0x3: {  	s3 =	rddreg [dreg:$0x2]  }
0x4: {  	s10 =	stileid.u32;
	s1 =	srdreg.scid;
	s4 =	simm.s32 $0x0  }
0x5: {  	s12 =	simm.s32 $0x7;
	s17 =	simm.s32 $0x80;
	s28 =	simm.s32 $0x1DBE0  }
0x6: {  	s29 =	simm.s32 $0x4;
	s30 =	simm.s32 $0x5;
	s31 =	simm.s32 $0x6  }
0x7: {  	s5 =	smul.u32 $0x7530, s10;
	s1 =	sand.u32 $0x1, s1;
	[smem:$0x7FF] =	sst s4  }
0x8: {  	s26 =	sshll.u32 s10, $0x6;
	s6 =	sshll.u32 s1, $0x4;
	s7 =	smul.u32 $0x75300, s1  }
0x9: {  	_ =	strace $0x8000004A;
	s1 =	ssub.s32 $0x2, s1;
	s14 =	sor.u32 $0x1C07, s26  }
0xa: {  	s26 =	simm.s32 $0x3;
	s8 =	sshrl.u32 s5, $0x3;
	s6 =	sor.u32 s10, s6  }
0xb: {  	s9 =	sshrl.u32 s1, $0x1;
	s22 =	sadd.s32 s5, s2;
	s6 =	smul.u32 $0x510, s6  }
0xc: {  	s7 =	sadd.s32 s5, s7;
	s8 =	sadd.s32 s8, s0;
	s1 =	ssub.s32 s1, s9  }
0xd: {  	s5 =	sadd.s32 s5, s3;
	s15 =	sshrl.u32 s22, $0x3;
	s22 =	simm.s32 $0x1  }
0xe: {  	s7 =	sshrl.u32 s7, $0x3;
	s23 =	sadd.s32 $0x2EE00, s8;
	s24 =	sadd.s32 $0x20200, s8  }
0xf: {  	s25 =	smax.u32 s1, $0x1;
	s16 =	sshrl.u32 s5, $0x3;
	[dreg:$0x7] =	wrdreg s23  }
0x10: {  	s6 =	sadd.s32 s6, s0;
	s0 =	sadd.s32 s7, s0;
	[dreg:$0x8] =	wrdreg s24  }
.Ltmp0:
0x11: {  	[dreg:$0xa] =	wrdreg s25;
	s20 =	sadd.s32 $0x16000, s6;
	(pc) =	sbr.rel .LBB2_1-.Ltmp0, $4  }
0x12: {  	s23 =	simm.s32 $0x1ABE0;
	s21 =	sadd.s32 $0xBE00, s6;
	[dreg:$0x4] =	wrdreg s20  }
0x13: {  	s24 =	simm.s32 $0x2;
	s6 =	sadd.s32 $0x1C00, s6;
	[dreg:$0x5] =	wrdreg s21  }
0x14: {  	s25 =	simm.s32 $0x1C3E0;
	s0 =	sadd.s32 $0x3DA00, s0;
	[dreg:$0x6] =	wrdreg s6  }
0x15: {  	[dreg:$0x9] =	wrdreg s0;
	s21 =	simm.s32 $0x193E0;
	s0 =	simm.s32 $0x0  }
.LBB2_10:
0x16: {  	[spmem:s2] =	stream.indirect.scatter.add.f32 [tilespmem:s28], [sflag:$0x6], $0x30, s6, s17, $0xb8;
	[tilespmem:$0x1F3E0] =	vst v63  }
0x17: {  	_ =	swait.ge [sflag:s29], $0x1800  }
0x18: {  	[sflag:s29] =	ssyncset.done $0x0  }
0x19: {  	[sflag:s29] =	ssyncadd.s32 $0xFFFFE800  }
0x1a: {  	_ =	swait.ge [sflag:s30], $0x1800  }
0x1b: {  	[sflag:s30] =	ssyncset.done $0x0  }
0x1c: {  	[sflag:s30] =	ssyncadd.s32 $0xFFFFE800  }
0x1d: {  	_ =	swait.ge [sflag:s31], $0x1800  }
0x1e: {  	[sflag:s31] =	ssyncset.done $0x0  }
0x1f: {  	[sflag:s31] =	ssyncadd.s32 $0xFFFFE800  }
0x20: {  	[bflag:$0x0] =	sbarrier.arrive $0xFFFF  }
0x21: {  	s1 =	rddreg [dreg:$0x9]  }
0x22: {  	[hbm:s1], [sflag:s14] =	dma.local [spmem:s15], $0xEA6  }
0x23: {  	_ =	swait.ge [sflag:s12], $0xEA6  }
0x24: {  	s0 =	sadd.s32 $0x1, s0;
	s20 =	rddreg [dreg:$0xa]  }
0x25: {  	p0 =	sne.s32 s0, s20  }
.Ltmp1:
0x26: {  	_ = 	snop;
	(pc) =	sbr.rel @!p0 .LBB2_11-.Ltmp1, $3  }
0x27: {  	_ =	sdelay $0x1  }
0x28: {  	[sflag:s12] =	ssyncset.done $0x0  }
0x29: {  	[sflag:s12] =	ssyncadd.s32 $0xFFFFF15A  }
.LBB2_1:
0x2a: {  	s1 =	rddreg [dreg:$0x4]  }
0x2b: {  	[tilespmem:s4], [sflag:$0x7] =	stream.linear.gather [hbm4b:s1+s4], $0x2880, $0x38;
	[tilespmem:$0x1F3E0] =	vst v63  }
0x2c: {  	_ =	swait.ge [sflag:s12], $0x2880  }
0x2d: {  	[sflag:s12] =	ssyncset.done $0x0  }
0x2e: {  	s5 =	simm.s32 $0x2880;
	s9 =	rddreg [dreg:$0x5];
	[sflag:s12] =	ssyncadd.s32 $0xFFFFD780  }
0x2f: {  	[tilespmem:s5], [sflag:$0x7] =	stream.linear.gather [hbm4b:s9+s4], $0x2880, $0x38;
	[tilespmem:$0x1F3E0] =	vst v63  }
0x30: {  	_ =	swait.ge [sflag:s12], $0x2880  }
0x31: {  	[sflag:s12] =	ssyncset.done $0x0  }
0x32: {  	s1 =	simm.s32 $0x5100;
	s10 =	rddreg [dreg:$0x6];
	[sflag:s12] =	ssyncadd.s32 $0xFFFFD780  }
0x33: {  	[tilespmem:s1], [sflag:$0x7] =	stream.linear.gather [hbm4b:s10+s4], $0x2880, $0x38;
	[tilespmem:$0x1F3E0] =	vst v63  }
0x34: {  	_ =	swait.ge [sflag:s12], $0x2880  }
0x35: {  	[sflag:s12] =	ssyncset.done $0x0  }
0x36: {  	s11 =	rddreg [dreg:$0x7];
	[sflag:s12] =	ssyncadd.s32 $0xFFFFD780  }
0x37: {  	[spmem:s15], [sflag:s14] =	dma.local [hbm:s11], $0xEA6  }
0x38: {  	_ =	swait.ge [sflag:s12], $0xEA6  }
0x39: {  	[sflag:s12] =	ssyncset.done $0x0  }
0x3a: {  	s13 =	rddreg [dreg:$0x8];
	[sflag:s12] =	ssyncadd.s32 $0xFFFFF15A  }
0x3b: {  	[spmem:s16], [sflag:s14] =	dma.local [hbm:s13], $0xEA6  }
0x3c: {  	_ =	swait.ge [sflag:s12], $0xEA6  }
0x3d: {  	[sflag:s12] =	ssyncset.done $0x0  }
0x3e: {  	[sflag:s12] =	ssyncadd.s32 $0xFFFFF15A  }
0x3f: {  	s18 =	simm.s32 $0x163E0;
	[bflag:$0x0] =	sbarrier.arrive $0xFFFF  }
0x40: {  	[tilespmem:s18], [sflag:$0x1] =	stream.indirect.gather [spmem:s3], $0x30, s4, s17, $0xb8;
	[tilespmem:$0x1F3E0] =	vst v63  }
0x41: {  	s19 =	simm.s32 $0x17BE0;
	s20 =	simm.s32 $0x100  }
0x42: {  	[tilespmem:s19], [sflag:$0x2] =	stream.indirect.gather [spmem:s3], $0x30, s17, s17, $0xb8;
	[tilespmem:$0x1F3E0] =	vst v63  }
0x43: {  	s10 =	simm.s32 $0x5180;
	s18 =	simm.s32 $0x5200;
	s19 =	simm.s32 $0x0  }
0x44: {  	[tilespmem:s21], [sflag:$0x3] =	stream.indirect.gather [spmem:s3], $0x30, s20, s17, $0xb8;
	[tilespmem:$0x1F3E0] =	vst v63  }
.LBB2_2:
0x45: {  	_ =	swait.ge [sflag:s22], $0x1800  }
0x46: {  	p0 =	seq.s32 s19, $0x0;
	[sflag:s22] =	ssyncset.done $0x0  }
0x47: {  	s5 =	simm.s32 @!p0 $0x4;
	[sflag:s22] =	ssyncadd.s32 $0xFFFFE800  }
0x48: {  	_ =	swait.ge @!p0 [sflag:s5], $0x1800  }
0x49: {  	[sflag:s5] =	ssyncset.done @!p0 $0x0  }
0x4a: {  	[sflag:s5] =	ssyncadd.s32 @!p0 $0xFFFFE800;
	s5 =	simm.s32 $0x2F0  }
0x4b: {  	v16 =	vld [tilespmem:s5+$0x160F0]  }
0x4c: {  	v17 =	vld [tilespmem:s5+$0x16100]  }
0x4d: {  	v14 =	vld [tilespmem:s5+$0x16110]  }
0x4e: {  	v15 =	vld [tilespmem:s5+$0x16120]  }
0x4f: {  	v13 =	vld [tilespmem:s5+$0x16130]  }
0x50: {  	v12 =	vld [tilespmem:s5+$0x16140]  }
0x51: {  	v10 =	vld [tilespmem:s5+$0x16150]  }
0x52: {  	v11 =	vld [tilespmem:s5+$0x16160]  }
0x53: {  	v8 =	vld [tilespmem:s5+$0x16170]  }
0x54: {  	v9 =	vld [tilespmem:s5+$0x16180]  }
0x55: {  	v6 =	vld [tilespmem:s5+$0x16190]  }
0x56: {  	v7 =	vld [tilespmem:s5+$0x161A0]  }
0x57: {  	v4 =	vld [tilespmem:s5+$0x161B0]  }
0x58: {  	v5 =	vld [tilespmem:s5+$0x161C0]  }
0x59: {  	v2 =	vld [tilespmem:s5+$0x161D0]  }
0x5a: {  	v3 =	vld [tilespmem:s5+$0x161E0]  }
0x5b: {  	v1 =	vld [tilespmem:s5+$0x161F0]  }
0x5c: {  	s20 =	smul.u32 $0x600, s19;
	s6 =	simm.s32 $0x17C0;
	s7 =	smov.u32 s1;
	v0 =	vld [tilespmem:s1+$0x0]  }
.LBB2_3:
0x5d: {  	p1 =	sne.s32 s6, $0x5FC0;
	v18 =	vld [tilespmem:s5+$0x16200]  }
0x5e: {  	v19 =	vld [tilespmem:s5+$0x16210]  }
0x5f: {  	v20 =	vld [tilespmem:s5+$0x16220]  }
0x60: {  	v21 =	vld [tilespmem:s5+$0x16230]  }
0x61: {  	v22 =	vbroadcast v0, $0x0;
	v23 =	vbroadcast v0, $0x1;
	v24 =	vld [tilespmem:s5+$0x16240]  }
0x62: {  	v25 =	vbroadcast v0, $0x2;
	v26 =	vbroadcast v0, $0x3;
	v27 =	vld [tilespmem:s5+$0x16250]  }
0x63: {  	v16 =	vmul.f32 v22, v16;
	v17 =	vmul.f32 v17, v22;
	v28 =	vld [tilespmem:s5+$0x16260]  }
0x64: {  	v14 =	vmul.f32 v14, v22;
	v15 =	vmul.f32 v15, v23;
	v22 =	vld [tilespmem:s5+$0x16270]  }
0x65: {  	v13 =	vmul.f32 v13, v23;
	v12 =	vmul.f32 v12, v23;
	[tilespmem:s5+$0x1A8F0] =	vst v16;
	v16 =	vld [tilespmem:s5+$0x16280]  }
0x66: {  	v10 =	vmul.f32 v10, v25;
	v11 =	vmul.f32 v11, v25;
	[tilespmem:s5+$0x1A900] =	vst v17;
	v17 =	vld [tilespmem:s5+$0x16290]  }
0x67: {  	v8 =	vmul.f32 v8, v25;
	v9 =	vmul.f32 v9, v26;
	[tilespmem:s5+$0x1A910] =	vst v14;
	v14 =	vld [tilespmem:s5+$0x162A0]  }
0x68: {  	v6 =	vmul.f32 v6, v26;
	v7 =	vmul.f32 v7, v26;
	[tilespmem:s5+$0x1A920] =	vst v15;
	v15 =	vld [tilespmem:s5+$0x162B0]  }
0x69: {  	v23 =	vbroadcast v0, $0x5;
	[tilespmem:s5+$0x1A930] =	vst v13;
	v13 =	vbroadcast v0, $0x4;
	v25 =	vld [tilespmem:s5+$0x162C0]  }
0x6a: {  	v26 =	vbroadcast v0, $0x7;
	[tilespmem:s5+$0x1A940] =	vst v12;
	v12 =	vbroadcast v0, $0x6;
	v29 =	vld [tilespmem:s5+$0x162D0]  }
0x6b: {  	[tilespmem:s5+$0x1A950] =	vst v10;
	v4 =	vmul.f32 v4, v13;
	v5 =	vmul.f32 v5, v13;
	v10 =	vld [tilespmem:s5+$0x162E0]  }
0x6c: {  	v3 =	vmul.f32 v3, v23;
	v2 =	vmul.f32 v2, v13;
	[tilespmem:s5+$0x1A960] =	vst v11;
	v11 =	vld [tilespmem:s5+$0x162F0]  }
0x6d: {  	v1 =	vmul.f32 v1, v23;
	[tilespmem:s5+$0x1A970] =	vst v8;
	v8 =	vmul.f32 v18, v23;
	v13 =	vld [tilespmem:s5+$0x16300]  }
0x6e: {  	v18 =	vmul.f32 v20, v12;
	[tilespmem:s5+$0x1A980] =	vst v9;
	v9 =	vmul.f32 v19, v12;
	v19 =	vld [tilespmem:s5+$0x16310]  }
0x6f: {  	[tilespmem:s5+$0x1A990] =	vst v6;
	v6 =	vmul.f32 v21, v12;
	v12 =	vmul.f32 v24, v26;
	v20 =	vld [tilespmem:s5+$0x16320]  }
0x70: {  	v21 =	vmul.f32 v28, v26;
	[tilespmem:s5+$0x1A9A0] =	vst v7;
	v7 =	vmul.f32 v27, v26;
	v23 =	vld [tilespmem:s5+$0x16330]  }
0x71: {  	v24 =	vbroadcast v0, $0x9;
	[tilespmem:s5+$0x1A9B0] =	vst v4;
	v4 =	vbroadcast v0, $0x8;
	v26 =	vld [tilespmem:s5+$0x16340]  }
0x72: {  	v27 =	vbroadcast v0, $0xB;
	[tilespmem:s5+$0x1A9C0] =	vst v5;
	v5 =	vbroadcast v0, $0xA;
	v28 =	vld [tilespmem:s5+$0x16350]  }
0x73: {  	[tilespmem:s5+$0x1A9D0] =	vst v2;
	v2 =	vmul.f32 v22, v4;
	v16 =	vmul.f32 v16, v4;
	v22 =	vld [tilespmem:s5+$0x16360]  }
0x74: {  	[tilespmem:s5+$0x1A9E0] =	vst v3;
	v3 =	vmul.f32 v17, v4;
	v4 =	vmul.f32 v14, v24;
	v14 =	vld [tilespmem:s5+$0x16370]  }
0x75: {  	[tilespmem:s5+$0x1A9F0] =	vst v1;
	v1 =	vmul.f32 v15, v24;
	v15 =	vmul.f32 v25, v24;
	v17 =	vld [tilespmem:s5+$0x16380]  }
0x76: {  	v10 =	vmul.f32 v10, v5;
	[tilespmem:s5+$0x1AA00] =	vst v8;
	v8 =	vmul.f32 v29, v5;
	v24 =	vld [tilespmem:s5+$0x16390]  }
0x77: {  	v5 =	vmul.f32 v11, v5;
	[tilespmem:s5+$0x1AA10] =	vst v9;
	v9 =	vmul.f32 v13, v27;
	v11 =	vld [tilespmem:s5+$0x163A0]  }
0x78: {  	v13 =	vmul.f32 v19, v27;
	[tilespmem:s5+$0x1AA20] =	vst v18;
	v18 =	vmul.f32 v20, v27;
	v19 =	vld [tilespmem:s5+$0x163B0]  }
0x79: {  	v20 =	vbroadcast v0, $0xD;
	[tilespmem:s5+$0x1AA30] =	vst v6;
	v6 =	vbroadcast v0, $0xC;
	v25 =	vld [tilespmem:s5+$0x163C0]  }
0x7a: {  	[tilespmem:s5+$0x1AA40] =	vst v12;
	v12 =	vbroadcast v0, $0xE;
	v0 =	vbroadcast v0, $0xF;
	v27 =	vld [tilespmem:s5+$0x163D0]  }
0x7b: {  	[tilespmem:s5+$0x1AA50] =	vst v7;
	v7 =	vmul.f32 v23, v6;
	v23 =	vmul.f32 v26, v6;
	v26 =	vld [tilespmem:s5+$0x163E0]  }
0x7c: {  	v6 =	vmul.f32 v28, v6;
	[tilespmem:s5+$0x1AA60] =	vst v21;
	v21 =	vmul.f32 v22, v20  }
0x7d: {  	[tilespmem:s5+$0x1AA70] =	vst v2;
	v2 =	vmul.f32 v14, v20;
	v20 =	vmul.f32 v17, v20  }
0x7e: {  	v22 =	vmul.f32 v24, v12;
	v24 =	vmul.f32 v11, v12;
	[tilespmem:s5+$0x1AA80] =	vst v16  }
0x7f: {  	[tilespmem:s5+$0x1AA90] =	vst v3;
	v3 =	vmul.f32 v19, v12;
	v19 =	vmul.f32 v25, v0  }
0x80: {  	v25 =	vmul.f32 v27, v0;
	[tilespmem:s5+$0x1AAA0] =	vst v4;
	v0 =	vmul.f32 v26, v0  }
0x81: {  	[tilespmem:s5+$0x1AAB0] =	vst v1  }
0x82: {  	[tilespmem:s5+$0x1AAC0] =	vst v15  }
0x83: {  	s8 =	sshra.s32 s6, $0x2;
	[tilespmem:s5+$0x1AAD0] =	vst v8  }
0x84: {  	v16 =	vld [tilespmem:s8+$0x160F0];
	[tilespmem:s5+$0x1AAE0] =	vst v10  }
0x85: {  	v17 =	vld [tilespmem:s8+$0x16100];
	[tilespmem:s5+$0x1AAF0] =	vst v5  }
0x86: {  	v14 =	vld [tilespmem:s8+$0x16110];
	[tilespmem:s5+$0x1AB00] =	vst v9  }
0x87: {  	v15 =	vld [tilespmem:s8+$0x16120];
	[tilespmem:s5+$0x1AB10] =	vst v13  }
0x88: {  	v13 =	vld [tilespmem:s8+$0x16130];
	[tilespmem:s5+$0x1AB20] =	vst v18  }
0x89: {  	v12 =	vld [tilespmem:s8+$0x16140];
	[tilespmem:s5+$0x1AB30] =	vst v7  }
0x8a: {  	v10 =	vld [tilespmem:s8+$0x16150];
	[tilespmem:s5+$0x1AB40] =	vst v23  }
0x8b: {  	v11 =	vld [tilespmem:s8+$0x16160];
	[tilespmem:s5+$0x1AB50] =	vst v6  }
0x8c: {  	v8 =	vld [tilespmem:s8+$0x16170];
	[tilespmem:s5+$0x1AB60] =	vst v21  }
0x8d: {  	v9 =	vld [tilespmem:s8+$0x16180];
	[tilespmem:s5+$0x1AB70] =	vst v2  }
0x8e: {  	v6 =	vld [tilespmem:s8+$0x16190];
	[tilespmem:s5+$0x1AB80] =	vst v20  }
0x8f: {  	v7 =	vld [tilespmem:s8+$0x161A0];
	[tilespmem:s5+$0x1AB90] =	vst v22  }
0x90: {  	v4 =	vld [tilespmem:s8+$0x161B0];
	[tilespmem:s5+$0x1ABA0] =	vst v24  }
.Ltmp2:
0x91: {  	v5 =	vld [tilespmem:s8+$0x161C0];
	[tilespmem:s5+$0x1ABB0] =	vst v3;
	(pc) =	sbr.rel @p1 .LBB2_3-.Ltmp2, $4  }
0x92: {  	v2 =	vld [tilespmem:s8+$0x161D0];
	[tilespmem:s5+$0x1ABC0] =	vst v19  }
0x93: {  	v3 =	vld [tilespmem:s8+$0x161E0];
	[tilespmem:s5+$0x1ABD0] =	vst v25  }
0x94: {  	s7 =	sadd.s32 $0x10, s7;
	v1 =	vld [tilespmem:s8+$0x161F0];
	[tilespmem:s5+$0x1ABE0] =	vst v0;
	s5 =	smov.u32 s8  }
0x95: {  	s6 =	sadd.s32 $0xC00, s6;
	v0 =	vld [tilespmem:s7+$0x0]  }
0x96: {  	_ =	sdelay $0x3  }
0x97: {  	v22 =	vbroadcast v0, $0x0;
	_ =	sdelay $0x1  }
0x98: {  	v16 =	vmul.f32 v22, v16  }
0x99: {  	v27 =	vbroadcast v0, $0x1;
	v17 =	vmul.f32 v17, v22  }
0x9a: {  	v14 =	vmul.f32 v14, v22;
	[tilespmem:s5+$0x1A8F0] =	vst v16  }
0x9b: {  	v15 =	vmul.f32 v15, v27;
	[tilespmem:s5+$0x1A900] =	vst v17  }
0x9c: {  	v49 =	vbroadcast v0, $0x2;
	v13 =	vmul.f32 v13, v27;
	[tilespmem:s5+$0x1A910] =	vst v14  }
0x9d: {  	v12 =	vmul.f32 v12, v27;
	[tilespmem:s5+$0x1A920] =	vst v15  }
0x9e: {  	v10 =	vmul.f32 v10, v49;
	[tilespmem:s5+$0x1A930] =	vst v13  }
0x9f: {  	v50 =	vbroadcast v0, $0x3;
	v11 =	vmul.f32 v11, v49;
	[tilespmem:s5+$0x1A940] =	vst v12  }
0xa0: {  	v8 =	vmul.f32 v8, v49;
	[tilespmem:s5+$0x1A950] =	vst v10  }
0xa1: {  	v9 =	vmul.f32 v9, v50;
	[tilespmem:s5+$0x1A960] =	vst v11  }
0xa2: {  	v51 =	vbroadcast v0, $0x4;
	v6 =	vmul.f32 v6, v50;
	[tilespmem:s5+$0x1A970] =	vst v8  }
0xa3: {  	v7 =	vmul.f32 v7, v50;
	[tilespmem:s5+$0x1A980] =	vst v9  }
0xa4: {  	v18 =	vld [tilespmem:s5+$0x16200];
	v4 =	vmul.f32 v4, v51;
	[tilespmem:s5+$0x1A990] =	vst v6  }
0xa5: {  	v19 =	vld [tilespmem:s5+$0x16210];
	v52 =	vbroadcast v0, $0x5;
	v5 =	vmul.f32 v5, v51;
	[tilespmem:s5+$0x1A9A0] =	vst v7  }
0xa6: {  	v20 =	vld [tilespmem:s5+$0x16220];
	v2 =	vmul.f32 v2, v51;
	[tilespmem:s5+$0x1A9B0] =	vst v4  }
0xa7: {  	v21 =	vld [tilespmem:s5+$0x16230];
	v3 =	vmul.f32 v3, v52;
	[tilespmem:s5+$0x1A9C0] =	vst v5  }
0xa8: {  	v23 =	vld [tilespmem:s5+$0x16240];
	v53 =	vbroadcast v0, $0x6;
	v1 =	vmul.f32 v1, v52;
	[tilespmem:s5+$0x1A9D0] =	vst v2  }
0xa9: {  	v24 =	vld [tilespmem:s5+$0x16250];
	v18 =	vmul.f32 v18, v52;
	[tilespmem:s5+$0x1A9E0] =	vst v3  }
0xaa: {  	v25 =	vld [tilespmem:s5+$0x16260];
	v19 =	vmul.f32 v19, v53;
	[tilespmem:s5+$0x1A9F0] =	vst v1  }
0xab: {  	v26 =	vld [tilespmem:s5+$0x16270];
	v54 =	vbroadcast v0, $0x7;
	v20 =	vmul.f32 v20, v53;
	[tilespmem:s5+$0x1AA00] =	vst v18  }
0xac: {  	v21 =	vmul.f32 v21, v53;
	v16 =	vld [tilespmem:s5+$0x16280];
	[tilespmem:s5+$0x1AA10] =	vst v19  }
0xad: {  	v56 =	vmul.f32 v23, v54;
	v17 =	vld [tilespmem:s5+$0x16290];
	[tilespmem:s5+$0x1AA20] =	vst v20  }
0xae: {  	v59 =	vbroadcast v0, $0x8;
	v58 =	vmul.f32 v24, v54;
	v14 =	vld [tilespmem:s5+$0x162A0];
	[tilespmem:s5+$0x1AA30] =	vst v21  }
0xaf: {  	v25 =	vmul.f32 v25, v54;
	v15 =	vld [tilespmem:s5+$0x162B0];
	[tilespmem:s5+$0x1AA40] =	vst v56  }
0xb0: {  	v61 =	vmul.f32 v26, v59;
	v13 =	vld [tilespmem:s5+$0x162C0];
	[tilespmem:s5+$0x1AA50] =	vst v58  }
0xb1: {  	v63 =	vbroadcast v0, $0x9;
	v12 =	vld [tilespmem:s5+$0x162D0];
	[tilespmem:s5+$0x1AA60] =	vst v25;
	v16 =	vmul.f32 v16, v59  }
0xb2: {  	v10 =	vld [tilespmem:s5+$0x162E0];
	[tilespmem:s5+$0x1AA70] =	vst v61;
	v17 =	vmul.f32 v17, v59  }
0xb3: {  	v11 =	vld [tilespmem:s5+$0x162F0];
	v14 =	vmul.f32 v14, v63;
	[tilespmem:s5+$0x1AA80] =	vst v16  }
0xb4: {  	v8 =	vld [tilespmem:s5+$0x16300];
	v15 =	vmul.f32 v15, v63;
	v16 =	vbroadcast v0, $0xA;
	[tilespmem:s5+$0x1AA90] =	vst v17  }
0xb5: {  	v9 =	vld [tilespmem:s5+$0x16310];
	v13 =	vmul.f32 v13, v63;
	[tilespmem:s5+$0x1AAA0] =	vst v14  }
0xb6: {  	v6 =	vld [tilespmem:s5+$0x16320];
	[tilespmem:s5+$0x1AAB0] =	vst v15;
	v12 =	vmul.f32 v12, v16  }
0xb7: {  	v7 =	vld [tilespmem:s5+$0x16330];
	v14 =	vbroadcast v0, $0xB;
	[tilespmem:s5+$0x1AAC0] =	vst v13;
	v10 =	vmul.f32 v10, v16  }
0xb8: {  	v4 =	vld [tilespmem:s5+$0x16340];
	v11 =	vmul.f32 v11, v16;
	[tilespmem:s5+$0x1AAD0] =	vst v12  }
0xb9: {  	v5 =	vld [tilespmem:s5+$0x16350];
	v8 =	vmul.f32 v8, v14;
	[tilespmem:s5+$0x1AAE0] =	vst v10  }
0xba: {  	v2 =	vld [tilespmem:s5+$0x16360];
	v9 =	vmul.f32 v9, v14;
	v10 =	vbroadcast v0, $0xC;
	[tilespmem:s5+$0x1AAF0] =	vst v11  }
0xbb: {  	v3 =	vld [tilespmem:s5+$0x16370];
	v6 =	vmul.f32 v6, v14;
	[tilespmem:s5+$0x1AB00] =	vst v8  }
0xbc: {  	v1 =	vld [tilespmem:s5+$0x16380];
	[tilespmem:s5+$0x1AB10] =	vst v9;
	v7 =	vmul.f32 v7, v10  }
0xbd: {  	v18 =	vld [tilespmem:s5+$0x16390];
	v8 =	vbroadcast v0, $0xD;
	[tilespmem:s5+$0x1AB20] =	vst v6;
	v4 =	vmul.f32 v4, v10  }
0xbe: {  	v19 =	vld [tilespmem:s5+$0x163A0];
	v5 =	vmul.f32 v5, v10;
	[tilespmem:s5+$0x1AB30] =	vst v7  }
0xbf: {  	v55 =	vld [tilespmem:s5+$0x163B0];
	v2 =	vmul.f32 v2, v8;
	[tilespmem:s5+$0x1AB40] =	vst v4  }
0xc0: {  	v57 =	vld [tilespmem:s5+$0x163C0];
	v3 =	vmul.f32 v3, v8;
	v4 =	vbroadcast v0, $0xE;
	[tilespmem:s5+$0x1AB50] =	vst v5  }
0xc1: {  	v60 =	vld [tilespmem:s5+$0x163D0];
	v1 =	vmul.f32 v1, v8;
	[tilespmem:s5+$0x1AB60] =	vst v2  }
0xc2: {  	v62 =	vld [tilespmem:s5+$0x163E0];
	[tilespmem:s5+$0x1AB70] =	vst v3;
	v2 =	vmul.f32 v18, v4  }
0xc3: {  	v0 =	vbroadcast v0, $0xF;
	[tilespmem:s5+$0x1AB80] =	vst v1;
	v3 =	vmul.f32 v19, v4  }
0xc4: {  	v1 =	vmul.f32 v55, v4;
	[tilespmem:s5+$0x1AB90] =	vst v2  }
0xc5: {  	v2 =	vmul.f32 v57, v0;
	[tilespmem:s5+$0x1ABA0] =	vst v3  }
0xc6: {  	v3 =	vmul.f32 v60, v0;
	[tilespmem:s5+$0x1ABB0] =	vst v1  }
0xc7: {  	p1 =	seq.s32 s19, $0x1A;
	v0 =	vmul.f32 v62, v0;
	[tilespmem:s5+$0x1ABC0] =	vst v2  }
0xc8: {  	s6 =	sshra.s32 @!p1 s20, $0x2;
	[tilespmem:s5+$0x1ABD0] =	vst v3  }
0xc9: {  	s7 =	simm.s32 @!p1 $0x80;
	s8 =	simm.s32 @!p1 $0x163E0;
	[tilespmem:s5+$0x1ABE0] =	vst v0;
	s5 =	sadd.s32 @!p1 $0x180, s6  }
0xca: {  	[tilespmem:s8], [sflag:$0x1] =	stream.indirect.gather @!p1 [spmem:s3], $0x30, s5, s7, $0xb8;
	[tilespmem:$0x1F3E0] =	vst v63  }
0xcb: {  	s5 =	sshra.s32 s20, $0x2  }
0xcc: {  	s13 =	sadd.s32 $0x2880, s5  }
0xcd: {  	[spmem:s2] =	stream.indirect.scatter.add.f32 [tilespmem:s23], [sflag:$0x4], $0x30, s13, s17, $0xb8;
	[tilespmem:$0x1F3E0] =	vst v63  }
0xce: {  	_ =	swait.ge [sflag:s24], $0x1800  }
0xcf: {  	[sflag:s24] =	ssyncset.done $0x0  }
0xd0: {  	s7 =	simm.s32 @!p0 $0x5;
	[sflag:s24] =	ssyncadd.s32 $0xFFFFE800  }
0xd1: {  	_ =	swait.ge @!p0 [sflag:s7], $0x1800  }
0xd2: {  	[sflag:s7] =	ssyncset.done @!p0 $0x0  }
0xd3: {  	[sflag:s7] =	ssyncadd.s32 @!p0 $0xFFFFE800;
	s7 =	simm.s32 $0x2F0  }
0xd4: {  	v16 =	vld [tilespmem:s7+$0x178F0]  }
0xd5: {  	v17 =	vld [tilespmem:s7+$0x17900]  }
0xd6: {  	v14 =	vld [tilespmem:s7+$0x17910]  }
0xd7: {  	v15 =	vld [tilespmem:s7+$0x17920]  }
0xd8: {  	v13 =	vld [tilespmem:s7+$0x17930]  }
0xd9: {  	v12 =	vld [tilespmem:s7+$0x17940]  }
0xda: {  	v10 =	vld [tilespmem:s7+$0x17950]  }
0xdb: {  	v11 =	vld [tilespmem:s7+$0x17960]  }
0xdc: {  	v8 =	vld [tilespmem:s7+$0x17970]  }
0xdd: {  	v9 =	vld [tilespmem:s7+$0x17980]  }
0xde: {  	v6 =	vld [tilespmem:s7+$0x17990]  }
0xdf: {  	v7 =	vld [tilespmem:s7+$0x179A0]  }
0xe0: {  	v4 =	vld [tilespmem:s7+$0x179B0]  }
0xe1: {  	v5 =	vld [tilespmem:s7+$0x179C0]  }
0xe2: {  	v2 =	vld [tilespmem:s7+$0x179D0]  }
0xe3: {  	v3 =	vld [tilespmem:s7+$0x179E0]  }
0xe4: {  	v1 =	vld [tilespmem:s7+$0x179F0]  }
0xe5: {  	s9 =	simm.s32 $0x17C0;
	s8 =	sadd.s32 $0x200, s20;
	s13 =	smov.u32 s10;
	v0 =	vld [tilespmem:s10+$0x0]  }
.LBB2_5:
0xe6: {  	p2 =	sne.s32 s9, $0x5FC0;
	v18 =	vld [tilespmem:s7+$0x17A00]  }
0xe7: {  	v19 =	vld [tilespmem:s7+$0x17A10]  }
0xe8: {  	v20 =	vld [tilespmem:s7+$0x17A20]  }
0xe9: {  	v21 =	vld [tilespmem:s7+$0x17A30]  }
0xea: {  	v22 =	vbroadcast v0, $0x0;
	v23 =	vbroadcast v0, $0x1;
	v24 =	vld [tilespmem:s7+$0x17A40]  }
0xeb: {  	v25 =	vbroadcast v0, $0x2;
	v26 =	vbroadcast v0, $0x3;
	v27 =	vld [tilespmem:s7+$0x17A50]  }
0xec: {  	v16 =	vmul.f32 v22, v16;
	v17 =	vmul.f32 v17, v22;
	v28 =	vld [tilespmem:s7+$0x17A60]  }
0xed: {  	v14 =	vmul.f32 v14, v22;
	v15 =	vmul.f32 v15, v23;
	v22 =	vld [tilespmem:s7+$0x17A70]  }
0xee: {  	v13 =	vmul.f32 v13, v23;
	v12 =	vmul.f32 v12, v23;
	[tilespmem:s7+$0x1C0F0] =	vst v16;
	v16 =	vld [tilespmem:s7+$0x17A80]  }
0xef: {  	v10 =	vmul.f32 v10, v25;
	v11 =	vmul.f32 v11, v25;
	[tilespmem:s7+$0x1C100] =	vst v17;
	v17 =	vld [tilespmem:s7+$0x17A90]  }
0xf0: {  	v8 =	vmul.f32 v8, v25;
	v9 =	vmul.f32 v9, v26;
	[tilespmem:s7+$0x1C110] =	vst v14;
	v14 =	vld [tilespmem:s7+$0x17AA0]  }
0xf1: {  	v6 =	vmul.f32 v6, v26;
	v7 =	vmul.f32 v7, v26;
	[tilespmem:s7+$0x1C120] =	vst v15;
	v15 =	vld [tilespmem:s7+$0x17AB0]  }
0xf2: {  	v23 =	vbroadcast v0, $0x5;
	[tilespmem:s7+$0x1C130] =	vst v13;
	v13 =	vbroadcast v0, $0x4;
	v25 =	vld [tilespmem:s7+$0x17AC0]  }
0xf3: {  	v26 =	vbroadcast v0, $0x7;
	[tilespmem:s7+$0x1C140] =	vst v12;
	v12 =	vbroadcast v0, $0x6;
	v29 =	vld [tilespmem:s7+$0x17AD0]  }
0xf4: {  	[tilespmem:s7+$0x1C150] =	vst v10;
	v4 =	vmul.f32 v4, v13;
	v5 =	vmul.f32 v5, v13;
	v10 =	vld [tilespmem:s7+$0x17AE0]  }
0xf5: {  	v3 =	vmul.f32 v3, v23;
	v2 =	vmul.f32 v2, v13;
	[tilespmem:s7+$0x1C160] =	vst v11;
	v11 =	vld [tilespmem:s7+$0x17AF0]  }
0xf6: {  	v1 =	vmul.f32 v1, v23;
	[tilespmem:s7+$0x1C170] =	vst v8;
	v8 =	vmul.f32 v18, v23;
	v13 =	vld [tilespmem:s7+$0x17B00]  }
0xf7: {  	v18 =	vmul.f32 v20, v12;
	[tilespmem:s7+$0x1C180] =	vst v9;
	v9 =	vmul.f32 v19, v12;
	v19 =	vld [tilespmem:s7+$0x17B10]  }
0xf8: {  	[tilespmem:s7+$0x1C190] =	vst v6;
	v6 =	vmul.f32 v21, v12;
	v12 =	vmul.f32 v24, v26;
	v20 =	vld [tilespmem:s7+$0x17B20]  }
0xf9: {  	v21 =	vmul.f32 v28, v26;
	[tilespmem:s7+$0x1C1A0] =	vst v7;
	v7 =	vmul.f32 v27, v26;
	v23 =	vld [tilespmem:s7+$0x17B30]  }
0xfa: {  	v24 =	vbroadcast v0, $0x9;
	[tilespmem:s7+$0x1C1B0] =	vst v4;
	v4 =	vbroadcast v0, $0x8;
	v26 =	vld [tilespmem:s7+$0x17B40]  }
0xfb: {  	v27 =	vbroadcast v0, $0xB;
	[tilespmem:s7+$0x1C1C0] =	vst v5;
	v5 =	vbroadcast v0, $0xA;
	v28 =	vld [tilespmem:s7+$0x17B50]  }
0xfc: {  	[tilespmem:s7+$0x1C1D0] =	vst v2;
	v2 =	vmul.f32 v22, v4;
	v16 =	vmul.f32 v16, v4;
	v22 =	vld [tilespmem:s7+$0x17B60]  }
0xfd: {  	[tilespmem:s7+$0x1C1E0] =	vst v3;
	v3 =	vmul.f32 v17, v4;
	v4 =	vmul.f32 v14, v24;
	v14 =	vld [tilespmem:s7+$0x17B70]  }
0xfe: {  	[tilespmem:s7+$0x1C1F0] =	vst v1;
	v1 =	vmul.f32 v15, v24;
	v15 =	vmul.f32 v25, v24;
	v17 =	vld [tilespmem:s7+$0x17B80]  }
0xff: {  	v10 =	vmul.f32 v10, v5;
	[tilespmem:s7+$0x1C200] =	vst v8;
	v8 =	vmul.f32 v29, v5;
	v24 =	vld [tilespmem:s7+$0x17B90]  }
0x100: {  	v5 =	vmul.f32 v11, v5;
	[tilespmem:s7+$0x1C210] =	vst v9;
	v9 =	vmul.f32 v13, v27;
	v11 =	vld [tilespmem:s7+$0x17BA0]  }
0x101: {  	v13 =	vmul.f32 v19, v27;
	[tilespmem:s7+$0x1C220] =	vst v18;
	v18 =	vmul.f32 v20, v27;
	v19 =	vld [tilespmem:s7+$0x17BB0]  }
0x102: {  	v20 =	vbroadcast v0, $0xD;
	[tilespmem:s7+$0x1C230] =	vst v6;
	v6 =	vbroadcast v0, $0xC;
	v25 =	vld [tilespmem:s7+$0x17BC0]  }
0x103: {  	[tilespmem:s7+$0x1C240] =	vst v12;
	v12 =	vbroadcast v0, $0xE;
	v0 =	vbroadcast v0, $0xF;
	v27 =	vld [tilespmem:s7+$0x17BD0]  }
0x104: {  	[tilespmem:s7+$0x1C250] =	vst v7;
	v7 =	vmul.f32 v23, v6;
	v23 =	vmul.f32 v26, v6;
	v26 =	vld [tilespmem:s7+$0x17BE0]  }
0x105: {  	v6 =	vmul.f32 v28, v6;
	[tilespmem:s7+$0x1C260] =	vst v21;
	v21 =	vmul.f32 v22, v20  }
0x106: {  	[tilespmem:s7+$0x1C270] =	vst v2;
	v2 =	vmul.f32 v14, v20;
	v20 =	vmul.f32 v17, v20  }
0x107: {  	v22 =	vmul.f32 v24, v12;
	v24 =	vmul.f32 v11, v12;
	[tilespmem:s7+$0x1C280] =	vst v16  }
0x108: {  	[tilespmem:s7+$0x1C290] =	vst v3;
	v3 =	vmul.f32 v19, v12;
	v19 =	vmul.f32 v25, v0  }
0x109: {  	v25 =	vmul.f32 v27, v0;
	[tilespmem:s7+$0x1C2A0] =	vst v4;
	v0 =	vmul.f32 v26, v0  }
0x10a: {  	[tilespmem:s7+$0x1C2B0] =	vst v1  }
0x10b: {  	[tilespmem:s7+$0x1C2C0] =	vst v15  }
0x10c: {  	s11 =	sshra.s32 s9, $0x2;
	[tilespmem:s7+$0x1C2D0] =	vst v8  }
0x10d: {  	v16 =	vld [tilespmem:s11+$0x178F0];
	[tilespmem:s7+$0x1C2E0] =	vst v10  }
0x10e: {  	v17 =	vld [tilespmem:s11+$0x17900];
	[tilespmem:s7+$0x1C2F0] =	vst v5  }
0x10f: {  	v14 =	vld [tilespmem:s11+$0x17910];
	[tilespmem:s7+$0x1C300] =	vst v9  }
0x110: {  	v15 =	vld [tilespmem:s11+$0x17920];
	[tilespmem:s7+$0x1C310] =	vst v13  }
0x111: {  	v13 =	vld [tilespmem:s11+$0x17930];
	[tilespmem:s7+$0x1C320] =	vst v18  }
0x112: {  	v12 =	vld [tilespmem:s11+$0x17940];
	[tilespmem:s7+$0x1C330] =	vst v7  }
0x113: {  	v10 =	vld [tilespmem:s11+$0x17950];
	[tilespmem:s7+$0x1C340] =	vst v23  }
0x114: {  	v11 =	vld [tilespmem:s11+$0x17960];
	[tilespmem:s7+$0x1C350] =	vst v6  }
0x115: {  	v8 =	vld [tilespmem:s11+$0x17970];
	[tilespmem:s7+$0x1C360] =	vst v21  }
0x116: {  	v9 =	vld [tilespmem:s11+$0x17980];
	[tilespmem:s7+$0x1C370] =	vst v2  }
0x117: {  	v6 =	vld [tilespmem:s11+$0x17990];
	[tilespmem:s7+$0x1C380] =	vst v20  }
0x118: {  	v7 =	vld [tilespmem:s11+$0x179A0];
	[tilespmem:s7+$0x1C390] =	vst v22  }
0x119: {  	v4 =	vld [tilespmem:s11+$0x179B0];
	[tilespmem:s7+$0x1C3A0] =	vst v24  }
.Ltmp3:
0x11a: {  	v5 =	vld [tilespmem:s11+$0x179C0];
	[tilespmem:s7+$0x1C3B0] =	vst v3;
	(pc) =	sbr.rel @p2 .LBB2_5-.Ltmp3, $4  }
0x11b: {  	v2 =	vld [tilespmem:s11+$0x179D0];
	[tilespmem:s7+$0x1C3C0] =	vst v19  }
0x11c: {  	v3 =	vld [tilespmem:s11+$0x179E0];
	[tilespmem:s7+$0x1C3D0] =	vst v25  }
0x11d: {  	s13 =	sadd.s32 $0x10, s13;
	v1 =	vld [tilespmem:s11+$0x179F0];
	[tilespmem:s7+$0x1C3E0] =	vst v0;
	s7 =	smov.u32 s11  }
0x11e: {  	s9 =	sadd.s32 $0xC00, s9;
	v0 =	vld [tilespmem:s13+$0x0]  }
0x11f: {  	_ =	sdelay $0x3  }
0x120: {  	v22 =	vbroadcast v0, $0x0;
	_ =	sdelay $0x1  }
0x121: {  	v16 =	vmul.f32 v22, v16  }
0x122: {  	v27 =	vbroadcast v0, $0x1;
	v17 =	vmul.f32 v17, v22  }
0x123: {  	v14 =	vmul.f32 v14, v22;
	[tilespmem:s7+$0x1C0F0] =	vst v16  }
0x124: {  	v15 =	vmul.f32 v15, v27;
	[tilespmem:s7+$0x1C100] =	vst v17  }
0x125: {  	v49 =	vbroadcast v0, $0x2;
	v13 =	vmul.f32 v13, v27;
	[tilespmem:s7+$0x1C110] =	vst v14  }
0x126: {  	v12 =	vmul.f32 v12, v27;
	[tilespmem:s7+$0x1C120] =	vst v15  }
0x127: {  	v10 =	vmul.f32 v10, v49;
	[tilespmem:s7+$0x1C130] =	vst v13  }
0x128: {  	v50 =	vbroadcast v0, $0x3;
	v11 =	vmul.f32 v11, v49;
	[tilespmem:s7+$0x1C140] =	vst v12  }
0x129: {  	v8 =	vmul.f32 v8, v49;
	[tilespmem:s7+$0x1C150] =	vst v10  }
0x12a: {  	v9 =	vmul.f32 v9, v50;
	[tilespmem:s7+$0x1C160] =	vst v11  }
0x12b: {  	v51 =	vbroadcast v0, $0x4;
	v6 =	vmul.f32 v6, v50;
	[tilespmem:s7+$0x1C170] =	vst v8  }
0x12c: {  	v7 =	vmul.f32 v7, v50;
	[tilespmem:s7+$0x1C180] =	vst v9  }
0x12d: {  	v18 =	vld [tilespmem:s7+$0x17A00];
	v4 =	vmul.f32 v4, v51;
	[tilespmem:s7+$0x1C190] =	vst v6  }
0x12e: {  	v19 =	vld [tilespmem:s7+$0x17A10];
	v52 =	vbroadcast v0, $0x5;
	v5 =	vmul.f32 v5, v51;
	[tilespmem:s7+$0x1C1A0] =	vst v7  }
0x12f: {  	v20 =	vld [tilespmem:s7+$0x17A20];
	v2 =	vmul.f32 v2, v51;
	[tilespmem:s7+$0x1C1B0] =	vst v4  }
0x130: {  	v21 =	vld [tilespmem:s7+$0x17A30];
	v3 =	vmul.f32 v3, v52;
	[tilespmem:s7+$0x1C1C0] =	vst v5  }
0x131: {  	v23 =	vld [tilespmem:s7+$0x17A40];
	v53 =	vbroadcast v0, $0x6;
	v1 =	vmul.f32 v1, v52;
	[tilespmem:s7+$0x1C1D0] =	vst v2  }
0x132: {  	v24 =	vld [tilespmem:s7+$0x17A50];
	v18 =	vmul.f32 v18, v52;
	[tilespmem:s7+$0x1C1E0] =	vst v3  }
0x133: {  	v25 =	vld [tilespmem:s7+$0x17A60];
	v19 =	vmul.f32 v19, v53;
	[tilespmem:s7+$0x1C1F0] =	vst v1  }
0x134: {  	v26 =	vld [tilespmem:s7+$0x17A70];
	v54 =	vbroadcast v0, $0x7;
	v20 =	vmul.f32 v20, v53;
	[tilespmem:s7+$0x1C200] =	vst v18  }
0x135: {  	v21 =	vmul.f32 v21, v53;
	v16 =	vld [tilespmem:s7+$0x17A80];
	[tilespmem:s7+$0x1C210] =	vst v19  }
0x136: {  	v56 =	vmul.f32 v23, v54;
	v17 =	vld [tilespmem:s7+$0x17A90];
	[tilespmem:s7+$0x1C220] =	vst v20  }
0x137: {  	v59 =	vbroadcast v0, $0x8;
	v58 =	vmul.f32 v24, v54;
	v14 =	vld [tilespmem:s7+$0x17AA0];
	[tilespmem:s7+$0x1C230] =	vst v21  }
0x138: {  	v25 =	vmul.f32 v25, v54;
	v15 =	vld [tilespmem:s7+$0x17AB0];
	[tilespmem:s7+$0x1C240] =	vst v56  }
0x139: {  	v61 =	vmul.f32 v26, v59;
	v13 =	vld [tilespmem:s7+$0x17AC0];
	[tilespmem:s7+$0x1C250] =	vst v58  }
0x13a: {  	v63 =	vbroadcast v0, $0x9;
	v12 =	vld [tilespmem:s7+$0x17AD0];
	[tilespmem:s7+$0x1C260] =	vst v25;
	v16 =	vmul.f32 v16, v59  }
0x13b: {  	v10 =	vld [tilespmem:s7+$0x17AE0];
	[tilespmem:s7+$0x1C270] =	vst v61;
	v17 =	vmul.f32 v17, v59  }
0x13c: {  	v11 =	vld [tilespmem:s7+$0x17AF0];
	v14 =	vmul.f32 v14, v63;
	[tilespmem:s7+$0x1C280] =	vst v16  }
0x13d: {  	v8 =	vld [tilespmem:s7+$0x17B00];
	v15 =	vmul.f32 v15, v63;
	v16 =	vbroadcast v0, $0xA;
	[tilespmem:s7+$0x1C290] =	vst v17  }
0x13e: {  	v9 =	vld [tilespmem:s7+$0x17B10];
	v13 =	vmul.f32 v13, v63;
	[tilespmem:s7+$0x1C2A0] =	vst v14  }
0x13f: {  	v6 =	vld [tilespmem:s7+$0x17B20];
	[tilespmem:s7+$0x1C2B0] =	vst v15;
	v12 =	vmul.f32 v12, v16  }
0x140: {  	v7 =	vld [tilespmem:s7+$0x17B30];
	v14 =	vbroadcast v0, $0xB;
	[tilespmem:s7+$0x1C2C0] =	vst v13;
	v10 =	vmul.f32 v10, v16  }
0x141: {  	v4 =	vld [tilespmem:s7+$0x17B40];
	v11 =	vmul.f32 v11, v16;
	[tilespmem:s7+$0x1C2D0] =	vst v12  }
0x142: {  	v5 =	vld [tilespmem:s7+$0x17B50];
	v8 =	vmul.f32 v8, v14;
	[tilespmem:s7+$0x1C2E0] =	vst v10  }
0x143: {  	v2 =	vld [tilespmem:s7+$0x17B60];
	v9 =	vmul.f32 v9, v14;
	v10 =	vbroadcast v0, $0xC;
	[tilespmem:s7+$0x1C2F0] =	vst v11  }
0x144: {  	v3 =	vld [tilespmem:s7+$0x17B70];
	v6 =	vmul.f32 v6, v14;
	[tilespmem:s7+$0x1C300] =	vst v8  }
0x145: {  	v1 =	vld [tilespmem:s7+$0x17B80];
	[tilespmem:s7+$0x1C310] =	vst v9;
	v7 =	vmul.f32 v7, v10  }
0x146: {  	v18 =	vld [tilespmem:s7+$0x17B90];
	v8 =	vbroadcast v0, $0xD;
	[tilespmem:s7+$0x1C320] =	vst v6;
	v4 =	vmul.f32 v4, v10  }
0x147: {  	v19 =	vld [tilespmem:s7+$0x17BA0];
	v5 =	vmul.f32 v5, v10;
	[tilespmem:s7+$0x1C330] =	vst v7  }
0x148: {  	v55 =	vld [tilespmem:s7+$0x17BB0];
	v2 =	vmul.f32 v2, v8;
	[tilespmem:s7+$0x1C340] =	vst v4  }
0x149: {  	v57 =	vld [tilespmem:s7+$0x17BC0];
	v3 =	vmul.f32 v3, v8;
	v4 =	vbroadcast v0, $0xE;
	[tilespmem:s7+$0x1C350] =	vst v5  }
0x14a: {  	v60 =	vld [tilespmem:s7+$0x17BD0];
	v1 =	vmul.f32 v1, v8;
	[tilespmem:s7+$0x1C360] =	vst v2  }
0x14b: {  	v62 =	vld [tilespmem:s7+$0x17BE0];
	[tilespmem:s7+$0x1C370] =	vst v3;
	v2 =	vmul.f32 v18, v4  }
0x14c: {  	v0 =	vbroadcast v0, $0xF;
	[tilespmem:s7+$0x1C380] =	vst v1;
	v3 =	vmul.f32 v19, v4  }
0x14d: {  	v1 =	vmul.f32 v55, v4;
	[tilespmem:s7+$0x1C390] =	vst v2  }
0x14e: {  	v2 =	vmul.f32 v57, v0;
	[tilespmem:s7+$0x1C3A0] =	vst v3  }
0x14f: {  	v3 =	vmul.f32 v60, v0;
	[tilespmem:s7+$0x1C3B0] =	vst v1  }
0x150: {  	v0 =	vmul.f32 v62, v0;
	[tilespmem:s7+$0x1C3C0] =	vst v2  }
0x151: {  	s6 =	sadd.s32 @!p1 $0x200, s6;
	[tilespmem:s7+$0x1C3D0] =	vst v3  }
0x152: {  	s9 =	simm.s32 @!p1 $0x17BE0;
	s13 =	sshra.s32 s8, $0x2;
	[tilespmem:s7+$0x1C3E0] =	vst v0;
	s7 =	simm.s32 @!p1 $0x80  }
0x153: {  	[tilespmem:s9], [sflag:$0x2] =	stream.indirect.gather @!p1 [spmem:s3], $0x30, s6, s7, $0xb8;
	[tilespmem:$0x1F3E0] =	vst v63  }
0x154: {  	s6 =	sadd.s32 $0x2880, s13  }
0x155: {  	[spmem:s2] =	stream.indirect.scatter.add.f32 [tilespmem:s25], [sflag:$0x5], $0x30, s6, s17, $0xb8;
	[tilespmem:$0x1F3E0] =	vst v63  }
0x156: {  	_ =	swait.ge [sflag:s26], $0x1800  }
0x157: {  	[sflag:s26] =	ssyncset.done $0x0  }
0x158: {  	s6 =	simm.s32 @!p0 $0x6;
	[sflag:s26] =	ssyncadd.s32 $0xFFFFE800  }
0x159: {  	_ =	swait.ge @!p0 [sflag:s6], $0x1800  }
0x15a: {  	[sflag:s6] =	ssyncset.done @!p0 $0x0  }
0x15b: {  	[sflag:s6] =	ssyncadd.s32 @!p0 $0xFFFFE800;
	s6 =	simm.s32 $0x2F0  }
0x15c: {  	v16 =	vld [tilespmem:s6+$0x190F0]  }
0x15d: {  	v17 =	vld [tilespmem:s6+$0x19100]  }
0x15e: {  	v14 =	vld [tilespmem:s6+$0x19110]  }
0x15f: {  	v15 =	vld [tilespmem:s6+$0x19120]  }
0x160: {  	v13 =	vld [tilespmem:s6+$0x19130]  }
0x161: {  	v12 =	vld [tilespmem:s6+$0x19140]  }
0x162: {  	v10 =	vld [tilespmem:s6+$0x19150]  }
0x163: {  	v11 =	vld [tilespmem:s6+$0x19160]  }
0x164: {  	v8 =	vld [tilespmem:s6+$0x19170]  }
0x165: {  	v9 =	vld [tilespmem:s6+$0x19180]  }
0x166: {  	v6 =	vld [tilespmem:s6+$0x19190]  }
0x167: {  	v7 =	vld [tilespmem:s6+$0x191A0]  }
0x168: {  	v4 =	vld [tilespmem:s6+$0x191B0]  }
0x169: {  	v5 =	vld [tilespmem:s6+$0x191C0]  }
0x16a: {  	v2 =	vld [tilespmem:s6+$0x191D0]  }
0x16b: {  	v3 =	vld [tilespmem:s6+$0x191E0]  }
0x16c: {  	v1 =	vld [tilespmem:s6+$0x191F0]  }
0x16d: {  	s8 =	simm.s32 $0x17C0;
	s7 =	sadd.s32 $0x400, s20;
	s9 =	smov.u32 s18;
	v0 =	vld [tilespmem:s18+$0x0]  }
.LBB2_7:
0x16e: {  	p0 =	sne.s32 s8, $0x5FC0;
	v18 =	vld [tilespmem:s6+$0x19200]  }
0x16f: {  	v19 =	vld [tilespmem:s6+$0x19210]  }
0x170: {  	v20 =	vld [tilespmem:s6+$0x19220]  }
0x171: {  	v21 =	vld [tilespmem:s6+$0x19230]  }
0x172: {  	v22 =	vbroadcast v0, $0x0;
	v23 =	vbroadcast v0, $0x1;
	v24 =	vld [tilespmem:s6+$0x19240]  }
0x173: {  	v25 =	vbroadcast v0, $0x2;
	v26 =	vbroadcast v0, $0x3;
	v27 =	vld [tilespmem:s6+$0x19250]  }
0x174: {  	v16 =	vmul.f32 v22, v16;
	v17 =	vmul.f32 v17, v22;
	v28 =	vld [tilespmem:s6+$0x19260]  }
0x175: {  	v14 =	vmul.f32 v14, v22;
	v15 =	vmul.f32 v15, v23;
	v22 =	vld [tilespmem:s6+$0x19270]  }
0x176: {  	v13 =	vmul.f32 v13, v23;
	v12 =	vmul.f32 v12, v23;
	[tilespmem:s6+$0x1D8F0] =	vst v16;
	v16 =	vld [tilespmem:s6+$0x19280]  }
0x177: {  	v10 =	vmul.f32 v10, v25;
	v11 =	vmul.f32 v11, v25;
	[tilespmem:s6+$0x1D900] =	vst v17;
	v17 =	vld [tilespmem:s6+$0x19290]  }
0x178: {  	v8 =	vmul.f32 v8, v25;
	v9 =	vmul.f32 v9, v26;
	[tilespmem:s6+$0x1D910] =	vst v14;
	v14 =	vld [tilespmem:s6+$0x192A0]  }
0x179: {  	v6 =	vmul.f32 v6, v26;
	v7 =	vmul.f32 v7, v26;
	[tilespmem:s6+$0x1D920] =	vst v15;
	v15 =	vld [tilespmem:s6+$0x192B0]  }
0x17a: {  	v23 =	vbroadcast v0, $0x5;
	[tilespmem:s6+$0x1D930] =	vst v13;
	v13 =	vbroadcast v0, $0x4;
	v25 =	vld [tilespmem:s6+$0x192C0]  }
0x17b: {  	v26 =	vbroadcast v0, $0x7;
	[tilespmem:s6+$0x1D940] =	vst v12;
	v12 =	vbroadcast v0, $0x6;
	v29 =	vld [tilespmem:s6+$0x192D0]  }
0x17c: {  	[tilespmem:s6+$0x1D950] =	vst v10;
	v4 =	vmul.f32 v4, v13;
	v5 =	vmul.f32 v5, v13;
	v10 =	vld [tilespmem:s6+$0x192E0]  }
0x17d: {  	v3 =	vmul.f32 v3, v23;
	v2 =	vmul.f32 v2, v13;
	[tilespmem:s6+$0x1D960] =	vst v11;
	v11 =	vld [tilespmem:s6+$0x192F0]  }
0x17e: {  	v1 =	vmul.f32 v1, v23;
	[tilespmem:s6+$0x1D970] =	vst v8;
	v8 =	vmul.f32 v18, v23;
	v13 =	vld [tilespmem:s6+$0x19300]  }
0x17f: {  	v18 =	vmul.f32 v20, v12;
	[tilespmem:s6+$0x1D980] =	vst v9;
	v9 =	vmul.f32 v19, v12;
	v19 =	vld [tilespmem:s6+$0x19310]  }
0x180: {  	[tilespmem:s6+$0x1D990] =	vst v6;
	v6 =	vmul.f32 v21, v12;
	v12 =	vmul.f32 v24, v26;
	v20 =	vld [tilespmem:s6+$0x19320]  }
0x181: {  	v21 =	vmul.f32 v28, v26;
	[tilespmem:s6+$0x1D9A0] =	vst v7;
	v7 =	vmul.f32 v27, v26;
	v23 =	vld [tilespmem:s6+$0x19330]  }
0x182: {  	v24 =	vbroadcast v0, $0x9;
	[tilespmem:s6+$0x1D9B0] =	vst v4;
	v4 =	vbroadcast v0, $0x8;
	v26 =	vld [tilespmem:s6+$0x19340]  }
0x183: {  	v27 =	vbroadcast v0, $0xB;
	[tilespmem:s6+$0x1D9C0] =	vst v5;
	v5 =	vbroadcast v0, $0xA;
	v28 =	vld [tilespmem:s6+$0x19350]  }
0x184: {  	[tilespmem:s6+$0x1D9D0] =	vst v2;
	v2 =	vmul.f32 v22, v4;
	v16 =	vmul.f32 v16, v4;
	v22 =	vld [tilespmem:s6+$0x19360]  }
0x185: {  	[tilespmem:s6+$0x1D9E0] =	vst v3;
	v3 =	vmul.f32 v17, v4;
	v4 =	vmul.f32 v14, v24;
	v14 =	vld [tilespmem:s6+$0x19370]  }
0x186: {  	[tilespmem:s6+$0x1D9F0] =	vst v1;
	v1 =	vmul.f32 v15, v24;
	v15 =	vmul.f32 v25, v24;
	v17 =	vld [tilespmem:s6+$0x19380]  }
0x187: {  	v10 =	vmul.f32 v10, v5;
	[tilespmem:s6+$0x1DA00] =	vst v8;
	v8 =	vmul.f32 v29, v5;
	v24 =	vld [tilespmem:s6+$0x19390]  }
0x188: {  	v5 =	vmul.f32 v11, v5;
	[tilespmem:s6+$0x1DA10] =	vst v9;
	v9 =	vmul.f32 v13, v27;
	v11 =	vld [tilespmem:s6+$0x193A0]  }
0x189: {  	v13 =	vmul.f32 v19, v27;
	[tilespmem:s6+$0x1DA20] =	vst v18;
	v18 =	vmul.f32 v20, v27;
	v19 =	vld [tilespmem:s6+$0x193B0]  }
0x18a: {  	v20 =	vbroadcast v0, $0xD;
	[tilespmem:s6+$0x1DA30] =	vst v6;
	v6 =	vbroadcast v0, $0xC;
	v25 =	vld [tilespmem:s6+$0x193C0]  }
0x18b: {  	[tilespmem:s6+$0x1DA40] =	vst v12;
	v12 =	vbroadcast v0, $0xE;
	v0 =	vbroadcast v0, $0xF;
	v27 =	vld [tilespmem:s6+$0x193D0]  }
0x18c: {  	[tilespmem:s6+$0x1DA50] =	vst v7;
	v7 =	vmul.f32 v23, v6;
	v23 =	vmul.f32 v26, v6;
	v26 =	vld [tilespmem:s6+$0x193E0]  }
0x18d: {  	v6 =	vmul.f32 v28, v6;
	[tilespmem:s6+$0x1DA60] =	vst v21;
	v21 =	vmul.f32 v22, v20  }
0x18e: {  	[tilespmem:s6+$0x1DA70] =	vst v2;
	v2 =	vmul.f32 v14, v20;
	v20 =	vmul.f32 v17, v20  }
0x18f: {  	v22 =	vmul.f32 v24, v12;
	v24 =	vmul.f32 v11, v12;
	[tilespmem:s6+$0x1DA80] =	vst v16  }
0x190: {  	[tilespmem:s6+$0x1DA90] =	vst v3;
	v3 =	vmul.f32 v19, v12;
	v19 =	vmul.f32 v25, v0  }
0x191: {  	v25 =	vmul.f32 v27, v0;
	[tilespmem:s6+$0x1DAA0] =	vst v4;
	v0 =	vmul.f32 v26, v0  }
0x192: {  	[tilespmem:s6+$0x1DAB0] =	vst v1  }
0x193: {  	[tilespmem:s6+$0x1DAC0] =	vst v15  }
0x194: {  	s11 =	sshra.s32 s8, $0x2;
	[tilespmem:s6+$0x1DAD0] =	vst v8  }
0x195: {  	v16 =	vld [tilespmem:s11+$0x190F0];
	[tilespmem:s6+$0x1DAE0] =	vst v10  }
0x196: {  	v17 =	vld [tilespmem:s11+$0x19100];
	[tilespmem:s6+$0x1DAF0] =	vst v5  }
0x197: {  	v14 =	vld [tilespmem:s11+$0x19110];
	[tilespmem:s6+$0x1DB00] =	vst v9  }
0x198: {  	v15 =	vld [tilespmem:s11+$0x19120];
	[tilespmem:s6+$0x1DB10] =	vst v13  }
0x199: {  	v13 =	vld [tilespmem:s11+$0x19130];
	[tilespmem:s6+$0x1DB20] =	vst v18  }
0x19a: {  	v12 =	vld [tilespmem:s11+$0x19140];
	[tilespmem:s6+$0x1DB30] =	vst v7  }
0x19b: {  	v10 =	vld [tilespmem:s11+$0x19150];
	[tilespmem:s6+$0x1DB40] =	vst v23  }
0x19c: {  	v11 =	vld [tilespmem:s11+$0x19160];
	[tilespmem:s6+$0x1DB50] =	vst v6  }
0x19d: {  	v8 =	vld [tilespmem:s11+$0x19170];
	[tilespmem:s6+$0x1DB60] =	vst v21  }
0x19e: {  	v9 =	vld [tilespmem:s11+$0x19180];
	[tilespmem:s6+$0x1DB70] =	vst v2  }
0x19f: {  	v6 =	vld [tilespmem:s11+$0x19190];
	[tilespmem:s6+$0x1DB80] =	vst v20  }
0x1a0: {  	v7 =	vld [tilespmem:s11+$0x191A0];
	[tilespmem:s6+$0x1DB90] =	vst v22  }
0x1a1: {  	v4 =	vld [tilespmem:s11+$0x191B0];
	[tilespmem:s6+$0x1DBA0] =	vst v24  }
.Ltmp4:
0x1a2: {  	v5 =	vld [tilespmem:s11+$0x191C0];
	[tilespmem:s6+$0x1DBB0] =	vst v3;
	(pc) =	sbr.rel @p0 .LBB2_7-.Ltmp4, $4  }
0x1a3: {  	v2 =	vld [tilespmem:s11+$0x191D0];
	[tilespmem:s6+$0x1DBC0] =	vst v19  }
0x1a4: {  	v3 =	vld [tilespmem:s11+$0x191E0];
	[tilespmem:s6+$0x1DBD0] =	vst v25  }
0x1a5: {  	s9 =	sadd.s32 $0x10, s9;
	v1 =	vld [tilespmem:s11+$0x191F0];
	[tilespmem:s6+$0x1DBE0] =	vst v0;
	s6 =	smov.u32 s11  }
0x1a6: {  	s8 =	sadd.s32 $0xC00, s8;
	v0 =	vld [tilespmem:s9+$0x0]  }
0x1a7: {  	_ =	sdelay $0x3  }
0x1a8: {  	v22 =	vbroadcast v0, $0x0;
	_ =	sdelay $0x1  }
0x1a9: {  	v16 =	vmul.f32 v22, v16  }
0x1aa: {  	v27 =	vbroadcast v0, $0x1;
	v17 =	vmul.f32 v17, v22  }
0x1ab: {  	v14 =	vmul.f32 v14, v22;
	[tilespmem:s6+$0x1D8F0] =	vst v16  }
0x1ac: {  	v15 =	vmul.f32 v15, v27;
	[tilespmem:s6+$0x1D900] =	vst v17  }
0x1ad: {  	v57 =	vbroadcast v0, $0x2;
	v13 =	vmul.f32 v13, v27;
	[tilespmem:s6+$0x1D910] =	vst v14  }
0x1ae: {  	v12 =	vmul.f32 v12, v27;
	[tilespmem:s6+$0x1D920] =	vst v15  }
0x1af: {  	v10 =	vmul.f32 v10, v57;
	[tilespmem:s6+$0x1D930] =	vst v13  }
0x1b0: {  	v61 =	vbroadcast v0, $0x3;
	v11 =	vmul.f32 v11, v57;
	[tilespmem:s6+$0x1D940] =	vst v12  }
0x1b1: {  	v8 =	vmul.f32 v8, v57;
	[tilespmem:s6+$0x1D950] =	vst v10  }
0x1b2: {  	v9 =	vmul.f32 v9, v61;
	[tilespmem:s6+$0x1D960] =	vst v11  }
0x1b3: {  	v31 =	vbroadcast v0, $0x4;
	v6 =	vmul.f32 v6, v61;
	[tilespmem:s6+$0x1D970] =	vst v8  }
0x1b4: {  	v7 =	vmul.f32 v7, v61;
	[tilespmem:s6+$0x1D980] =	vst v9  }
0x1b5: {  	v18 =	vld [tilespmem:s6+$0x19200];
	v4 =	vmul.f32 v4, v31;
	[tilespmem:s6+$0x1D990] =	vst v6  }
0x1b6: {  	v19 =	vld [tilespmem:s6+$0x19210];
	v35 =	vbroadcast v0, $0x5;
	v5 =	vmul.f32 v5, v31;
	[tilespmem:s6+$0x1D9A0] =	vst v7  }
0x1b7: {  	v20 =	vld [tilespmem:s6+$0x19220];
	v2 =	vmul.f32 v2, v31;
	[tilespmem:s6+$0x1D9B0] =	vst v4  }
0x1b8: {  	v21 =	vld [tilespmem:s6+$0x19230];
	v3 =	vmul.f32 v3, v35;
	[tilespmem:s6+$0x1D9C0] =	vst v5  }
0x1b9: {  	v23 =	vld [tilespmem:s6+$0x19240];
	v39 =	vbroadcast v0, $0x6;
	v1 =	vmul.f32 v1, v35;
	[tilespmem:s6+$0x1D9D0] =	vst v2  }
0x1ba: {  	v24 =	vld [tilespmem:s6+$0x19250];
	v18 =	vmul.f32 v18, v35;
	[tilespmem:s6+$0x1D9E0] =	vst v3  }
0x1bb: {  	v25 =	vld [tilespmem:s6+$0x19260];
	v19 =	vmul.f32 v19, v39;
	[tilespmem:s6+$0x1D9F0] =	vst v1  }
0x1bc: {  	v26 =	vld [tilespmem:s6+$0x19270];
	v43 =	vbroadcast v0, $0x7;
	v20 =	vmul.f32 v20, v39;
	[tilespmem:s6+$0x1DA00] =	vst v18  }
0x1bd: {  	v53 =	vld [tilespmem:s6+$0x19280];
	v21 =	vmul.f32 v21, v39;
	[tilespmem:s6+$0x1DA10] =	vst v19  }
0x1be: {  	v54 =	vld [tilespmem:s6+$0x19290];
	v45 =	vmul.f32 v23, v43;
	[tilespmem:s6+$0x1DA20] =	vst v20  }
0x1bf: {  	v55 =	vld [tilespmem:s6+$0x192A0];
	v48 =	vbroadcast v0, $0x8;
	v47 =	vmul.f32 v24, v43;
	[tilespmem:s6+$0x1DA30] =	vst v21  }
0x1c0: {  	v56 =	vld [tilespmem:s6+$0x192B0];
	v25 =	vmul.f32 v25, v43;
	[tilespmem:s6+$0x1DA40] =	vst v45  }
0x1c1: {  	v58 =	vld [tilespmem:s6+$0x192C0];
	v50 =	vmul.f32 v26, v48;
	[tilespmem:s6+$0x1DA50] =	vst v47  }
0x1c2: {  	v41 =	vld [tilespmem:s6+$0x19390];
	v52 =	vbroadcast v0, $0x9;
	v16 =	vmul.f32 v53, v48;
	[tilespmem:s6+$0x1DA60] =	vst v25  }
0x1c3: {  	v44 =	vld [tilespmem:s6+$0x193B0];
	v17 =	vmul.f32 v54, v48;
	[tilespmem:s6+$0x1DA70] =	vst v50  }
0x1c4: {  	v59 =	vld [tilespmem:s6+$0x192D0];
	v14 =	vmul.f32 v55, v52;
	[tilespmem:s6+$0x1DA80] =	vst v16  }
0x1c5: {  	v60 =	vld [tilespmem:s6+$0x192E0];
	v57 =	vbroadcast v0, $0xE;
	v15 =	vmul.f32 v56, v52;
	[tilespmem:s6+$0x1DA90] =	vst v17  }
0x1c6: {  	v62 =	vld [tilespmem:s6+$0x192F0];
	v13 =	vmul.f32 v58, v52;
	[tilespmem:s6+$0x1DAA0] =	vst v14  }
0x1c7: {  	v63 =	vld [tilespmem:s6+$0x19300];
	v53 =	vbroadcast v0, $0xA;
	v58 =	vmul.f32 v41, v57;
	[tilespmem:s6+$0x1DAB0] =	vst v15  }
0x1c8: {  	v30 =	vld [tilespmem:s6+$0x19310];
	v61 =	vmul.f32 v44, v57;
	[tilespmem:s6+$0x1DAC0] =	vst v13  }
0x1c9: {  	v32 =	vld [tilespmem:s6+$0x19320];
	v12 =	vmul.f32 v59, v53;
	[tilespmem:s6+$0x1DB90] =	vst v58  }
0x1ca: {  	v33 =	vld [tilespmem:s6+$0x19330];
	v54 =	vbroadcast v0, $0xB;
	v10 =	vmul.f32 v60, v53;
	[tilespmem:s6+$0x1DBB0] =	vst v61  }
0x1cb: {  	v34 =	vld [tilespmem:s6+$0x19340];
	v11 =	vmul.f32 v62, v53;
	[tilespmem:s6+$0x1DAD0] =	vst v12  }
0x1cc: {  	v36 =	vld [tilespmem:s6+$0x19350];
	v8 =	vmul.f32 v63, v54;
	[tilespmem:s6+$0x1DAE0] =	vst v10  }
0x1cd: {  	v37 =	vld [tilespmem:s6+$0x19360];
	v55 =	vbroadcast v0, $0xC;
	v9 =	vmul.f32 v30, v54;
	[tilespmem:s6+$0x1DAF0] =	vst v11  }
0x1ce: {  	v38 =	vld [tilespmem:s6+$0x19370];
	v6 =	vmul.f32 v32, v54;
	[tilespmem:s6+$0x1DB00] =	vst v8  }
0x1cf: {  	v40 =	vld [tilespmem:s6+$0x19380];
	v7 =	vmul.f32 v33, v55;
	[tilespmem:s6+$0x1DB10] =	vst v9  }
0x1d0: {  	v42 =	vld [tilespmem:s6+$0x193A0];
	v56 =	vbroadcast v0, $0xD;
	v4 =	vmul.f32 v34, v55;
	[tilespmem:s6+$0x1DB20] =	vst v6  }
0x1d1: {  	v46 =	vld [tilespmem:s6+$0x193C0];
	v5 =	vmul.f32 v36, v55;
	[tilespmem:s6+$0x1DB30] =	vst v7  }
0x1d2: {  	v49 =	vld [tilespmem:s6+$0x193D0];
	v2 =	vmul.f32 v37, v56;
	[tilespmem:s6+$0x1DB40] =	vst v4  }
0x1d3: {  	v51 =	vld [tilespmem:s6+$0x193E0];
	v3 =	vmul.f32 v38, v56;
	[tilespmem:s6+$0x1DB50] =	vst v5  }
0x1d4: {  	v1 =	vmul.f32 v40, v56;
	v59 =	vbroadcast v0, $0xF;
	[tilespmem:s6+$0x1DB60] =	vst v2  }
0x1d5: {  	v60 =	vmul.f32 v42, v57;
	[tilespmem:s6+$0x1DB70] =	vst v3  }
.Ltmp5:
0x1d6: {  	[tilespmem:s6+$0x1DB80] =	vst v1;
	v62 =	vmul.f32 v46, v59;
	(pc) =	sbr.rel @p1 .LBB2_10-.Ltmp5, $4  }
0x1d7: {  	[tilespmem:s6+$0x1DBA0] =	vst v60;
	v63 =	vmul.f32 v49, v59  }
0x1d8: {  	v0 =	vmul.f32 v51, v59;
	[tilespmem:s6+$0x1DBC0] =	vst v62  }
0x1d9: {  	s7 =	sshra.s32 s7, $0x2;
	[tilespmem:s6+$0x1DBD0] =	vst v63  }
0x1da: {  	[tilespmem:s6+$0x1DBE0] =	vst v0;
	s6 =	sadd.s32 $0x2880, s7  }
.Ltmp6:
0x1db: {  	(pc) =	sbr.rel .LBB2_2-.Ltmp6, $4  }
0x1dc: {  	s5 =	sadd.s32 $0x280, s5;
	s19 =	sadd.s32 $0x1, s19  }
0x1dd: {  	[tilespmem:s21], [sflag:$0x3] =	stream.indirect.gather [spmem:s3], $0x30, s5, s17, $0xb8;
	[tilespmem:$0x1F3E0] =	vst v63  }
0x1de: {  	s1 =	sadd.s32 $0x180, s1;
	s10 =	sadd.s32 $0x180, s10;
	s18 =	sadd.s32 $0x180, s18  }
0x1df: {  	[spmem:s2] =	stream.indirect.scatter.add.f32 [tilespmem:s28], [sflag:$0x6], $0x30, s6, s17, $0xb8;
	[tilespmem:$0x1F3E0] =	vst v63  }
.LBB2_11:
0x1e0: {  	_ =	sfence.sel $0x180000  }
0x1e1: {  	[bflag:$0x0] =	sbarrier.arrive $0xFFFF  }
0x1e2: {  	_ =	strace $0x9000004A  }
0x1e3: {  	s0 =	stileid.u32;
	[bflag:$0x2] =	sbarrier.arrive $0xFFFF  }
0x1e4: {  	p0 =	sne.s32 s0, $0x0;
	s0 =	rddreg [dreg:$0x3]  }
0x1e5: {  	s0 =	sadd.s32 @!p0 $0x100000, s0  }
0x1e6: {  	[sflag:s0] =	ssyncadd.tile.s32 @!p0 $0x1;
	_ =	shalt  }
.Lfunc_end2:
_tile_overlayer_lowered:
.L_overlay_start_2:
0x1e7: {  	(tag) =	ssettag $0x2  }
0x1e8: {  	s0 =	rddreg [dreg:$0x0];
	s2 =	stileid.u32  }
0x1e9: {  	s1 =	rddreg [dreg:$0x1];
	p0 =	sne.s32 s2, $0x0  }
0x1ea: {  	s3 =	rddreg [dreg:$0x2];
	[bflag:$0x3] =	sbarrier.arrive $0xFFFF;
	s2 =	simm.s32 @!p0 $0x1C07  }
0x1eb: {  	[timem:s3], [sflag:s2] =	dma.local @!p0 [hbm:s0], s1  }
0x1ec: {  	s0 =	simm.s32 @!p0 $0x7  }
0x1ed: {  	_ =	swait.ge @!p0 [sflag:s0], s1  }
0x1ee: {  	s1 =	ssub.s32 @!p0 $0x0, s1;
	[sflag:s0] =	ssyncset.done @!p0 $0x0  }
0x1ef: {  	[sflag:s0] =	ssyncadd.s32 @!p0 s1  }
0x1f0: {  	[bflag:$0x3] =	sbarrier.arrive $0xFFFF  }
0x1f1: {  	_ =	shalt  }

// kernel: kernel.4.cloned.1.call-start
scs
__scs_entry_jumppad:
0x0: {  	(pc) =	sbr.rel $0x88, $3  }
0x1: {  	(tag) =	ssettag $0x0;
	lr =	simm.s32 $0x1  }
0x2: {  	[smem:$0x3F9A] =	sst lr;
	_ =	strace $0xD0000000  }
0x3: {  	_ = 	snop  }
0x4: {  	_ = 	snop  }
0x5: {  	_ = 	snop  }
0x6: {  	_ = 	snop  }
0x7: {  	_ = 	snop  }
__scs_overlays_trampoline_lowered:
0x8: {  	[smem:$0x3FA9] =	sst s0  }
0x9: {  	[smem:$0x3FAA] =	sst s1  }
0xa: {  	[smem:$0x3FAB] =	sst s2  }
0xb: {  	[smem:$0x3FAC] =	sst s3  }
0xc: {  	[smem:$0x3FAD] =	sst s4  }
0xd: {  	[smem:$0x3FAE] =	sst s5  }
0xe: {  	[smem:$0x3FAF] =	sst s6  }
0xf: {  	[smem:$0x3FB0] =	sst s7  }
0x10: {  	[smem:$0x3FB1] =	sst s8  }
0x11: {  	[smem:$0x3FB2] =	sst s9;
	s0 =	simm.s32 @!p0 $0x0  }
0x12: {  	s1 =	sld [smem:$0x3F98];
	s0 =	simm.s32 @p0 $0x1  }
0x13: {  	[smem:$0x3FB3] =	sst s0;
	s0 =	simm.s32 @!p1 $0x0  }
0x14: {  	s2 =	sld [smem:$0x3F97];
	s0 =	simm.s32 @p1 $0x1  }
0x15: {  	[smem:$0x3FB4] =	sst s0;
	s0 =	simm.s32 @!p2 $0x0  }
0x16: {  	s3 =	sld [smem:$0x3FDB];
	s0 =	simm.s32 @p2 $0x1  }
0x17: {  	s4 =	simm.s32 $0x1BF5;
	[smem:$0x3FB6] =	sst s0  }
0x18: {  	s0 =	sld [smem:$0x3F99];
	_ =	swait.ge [sflag:s4], $0x0  }
0x19: {  	s7 =	sld [smem:$0x3F9A]  }
0x1a: {  	s8 =	sadd.s32 $0xFFFFE003, lr  }
0x1b: {  	s9 =	sadd.s32 $0xFFFFFEF7, lr;
	s5 =	simm.s32 $0xFFFFFFFF;
	p2 =	slt.u32 s8, $0xFFFFF086  }
0x1c: {  	p1 =	slt.u32 s9, $0xF7A;
	s5 =	simm.s32 @!p2 $0x0  }
0x1d: {  	s5 =	simm.s32 @p1 $0x1;
	p0 =	seq.s32 s7, s2  }
0x1e: {  	s7 =	smul.u32 @!p0 $0xF7A, s2;
	p2 =	seq.s32 @!p0 s5, $0x0  }
0x1f: {  	s9 =	smul.u32 $0xF7A, s1;
	s8 =	simm.s32 @!p0 $0x1BF5;
	p2 =	por !p2, p0  }
0x20: {  	[sflag:s8] =	ssyncset.s32 @!p0 $0xFFFFF086;
	s6 =	sadd.s32 @!p0 s3, s7;
	s7 =	simm.s32 @!p0 $0x108  }
0x21: {  	s3 =	sadd.s32 s3, s9;
	s6 =	sadd.s32 @!p0 $0x88, s6;
	s7 =	simm.s32 @p2 $0x1082  }
0x22: {  	[simem:s7], [sflag:s8] =	dma.local @!p0 [hbm:s6], $0xF7A  }
0x23: {  	s9 =	sor.u32 $0xD0000000, s2;
	s6 =	simm.s32 $0x108;
	_ =	swait.ge @!p0 [sflag:s8], $0x0  }
0x24: {  	s3 =	sadd.s32 $0x88, s3;
	s6 =	simm.s32 @!p1 $0x1082;
	[sflag:s4] =	ssyncset.s32 $0xFFFFF086  }
0x25: {  	[simem:s6], [sflag:s4] =	dma.local [hbm:s3], $0xF7A  }
0x26: {  	[smem:$0x3F9A] =	sst s1;
	(tag) =	ssettag s2;
	_ =	strace s9  }
0x27: {  	s1 =	sld [smem:$0x3FAA]  }
0x28: {  	s2 =	sld [smem:$0x3FAB]  }
0x29: {  	s4 =	sld [smem:$0x3FAD]  }
0x2a: {  	p0 =	seq.s32 s5, $0x0;
	s5 =	sld [smem:$0x3FAE]  }
0x2b: {  	s6 =	sld [smem:$0x3FAF]  }
0x2c: {  	s7 =	sld [smem:$0x3FB0]  }
0x2d: {  	s3 =	simm.s32 $0x108;
	s8 =	sld [smem:$0x3FB1]  }
0x2e: {  	s3 =	simm.s32 @!p0 $0x1082;
	s9 =	sld [smem:$0x3FB2]  }
0x2f: {  	lr =	sadd.s32 s0, s3;
	s0 =	sld [smem:$0x3FA9]  }
0x30: {  	s3 =	sld [smem:$0x3FAC]  }
0x31: {  	[smem:$0x3FB5] =	sst s10  }
0x32: {  	s10 =	sld [smem:$0x3FB3];
	_ =	sdelay $0x3  }
0x33: {  	p0 =	seq.s32 s10, $0x1;
	s10 =	sld [smem:$0x3FB5];
	_ =	sdelay $0x3  }
0x34: {  	[smem:$0x3FB5] =	sst s10  }
0x35: {  	s10 =	sld [smem:$0x3FB4];
	_ =	sdelay $0x3  }
0x36: {  	p1 =	seq.s32 s10, $0x1;
	s10 =	sld [smem:$0x3FB5];
	_ =	sdelay $0x3  }
0x37: {  	[smem:$0x3FB5] =	sst s10  }
0x38: {  	s10 =	sld [smem:$0x3FB6]  }
0x39: {  	_ = 	snop;
	(pc) =	sbr.ind lr, $3  }
0x3a: {  	_ = 	snop  }
0x3b: {  	_ = 	snop  }
0x3c: {  	p2 =	seq.s32 s10, $0x1;
	s10 =	sld [smem:$0x3FB5]  }
0x3d: {  	_ =	shalt  }
0x3e: {  	_ =	shalt  }
0x3f: {  	_ =	shalt  }
0x40: {  	_ =	shalt  }
0x41: {  	_ =	shalt  }
0x42: {  	_ =	shalt  }
0x43: {  	_ =	shalt  }
0x44: {  	_ =	shalt  }
0x45: {  	_ =	shalt  }
0x46: {  	_ =	shalt  }
0x47: {  	_ =	shalt  }
0x48: {  	_ =	shalt  }
0x49: {  	_ =	shalt  }
0x4a: {  	_ =	shalt  }
0x4b: {  	_ =	shalt  }
0x4c: {  	_ =	shalt  }
0x4d: {  	_ =	shalt  }
0x4e: {  	_ =	shalt  }
0x4f: {  	_ =	shalt  }
0x50: {  	_ =	shalt  }
0x51: {  	_ =	shalt  }
0x52: {  	_ =	shalt  }
0x53: {  	_ =	shalt  }
0x54: {  	_ =	shalt  }
0x55: {  	_ =	shalt  }
0x56: {  	_ =	shalt  }
0x57: {  	_ =	shalt  }
0x58: {  	_ =	shalt  }
0x59: {  	_ =	shalt  }
0x5a: {  	_ =	shalt  }
0x5b: {  	_ =	shalt  }
0x5c: {  	_ =	shalt  }
0x5d: {  	_ =	shalt  }
0x5e: {  	_ =	shalt  }
0x5f: {  	_ =	shalt  }
0x60: {  	_ =	shalt  }
0x61: {  	_ =	shalt  }
0x62: {  	_ =	shalt  }
0x63: {  	_ =	shalt  }
0x64: {  	_ =	shalt  }
0x65: {  	_ =	shalt  }
0x66: {  	_ =	shalt  }
0x67: {  	_ =	shalt  }
0x68: {  	_ =	shalt  }
0x69: {  	_ =	shalt  }
0x6a: {  	_ =	shalt  }
0x6b: {  	_ =	shalt  }
0x6c: {  	_ =	shalt  }
0x6d: {  	_ =	shalt  }
0x6e: {  	_ =	shalt  }
0x6f: {  	_ =	shalt  }
0x70: {  	_ =	shalt  }
0x71: {  	_ =	shalt  }
0x72: {  	_ =	shalt  }
0x73: {  	_ =	shalt  }
0x74: {  	_ =	shalt  }
0x75: {  	_ =	shalt  }
0x76: {  	_ =	shalt  }
0x77: {  	_ =	shalt  }
0x78: {  	_ =	shalt  }
0x79: {  	_ =	shalt  }
0x7a: {  	_ =	shalt  }
0x7b: {  	_ =	shalt  }
0x7c: {  	_ =	shalt  }
0x7d: {  	_ =	shalt  }
0x7e: {  	_ =	shalt  }
0x7f: {  	_ =	shalt  }
0x80: {  	_ =	shalt  }
0x81: {  	_ =	shalt  }
0x82: {  	_ =	shalt  }
0x83: {  	_ =	shalt  }
0x84: {  	_ =	shalt  }
0x85: {  	_ =	shalt  }
0x86: {  	_ =	shalt  }
0x87: {  	_ =	shalt  }
.Lfunc_end0:
.L_simem_size_0:
called_computation.1_lowered:
.L_overlay_start_0:
0x88: {  	s2 =	sld [smem:$0x3FD9]  }
0x89: {  	s3 =	sld [smem:$0x3FFE];
	_ =	sdelay $0x1  }
0x8a: {  	s1 =	srdreg.scid  }
0x8b: {  	s0 =	sand.u32 $0x1, s1  }
0x8c: {  	s17 =	sshll.u32 s0, $0xA;
	s2 =	sadd.s32 s3, s2  }
0x8d: {  	s2 =	sadd.s32 s2, s17  }
0x8e: {  	[smem:$0x3FC1] =	sst s2  }
0x8f: {  	_ = 	snop  }
0x90: {  	s2 =	sld [smem:$0x3FD0];
	(tm) =	ssettm $0x1  }
0x91: {  	s18 =	sld [smem:$0x3FFB];
	_ =	sdelay $0x3  }
0x92: {  	_ =	strace s18  }
0x93: {  	s3 =	sld [smem:$0x3FFC];
	_ =	sdelay $0x3  }
0x94: {  	_ =	strace s3  }
0x95: {  	s3 =	sld [smem:$0x3FFD];
	_ =	sdelay $0x3  }
0x96: {  	_ =	strace s3  }
0x97: {  	_ =	strace $0x8FFFFFFF  }
0x98: {  	s19 =	sld [smem:$0x3FDB];
	_ =	sdelay $0x1  }
0x99: {  	s4 =	simm.s32 $_scs_section_size  }
0x9a: {  	s5 =	simm.s32 $_size__tile_overlayer_lowered;
	s6 =	simm.s32 $_tile_overlayer_lowered  }
0x9b: {  	s22 =	simm.s32 $0x1BFF;
	s21 =	sshll.u32 s6, $0x1;
	s3 =	sadd.s32 s4, s19  }
0x9c: {  	s7 =	simm.s32 $0x0;
	s20 =	sshll.u32 s5, $0x1;
	s5 =	sadd.s32 s21, s3  }
0x9d: {  	[timem:s7], [sflag:s22] =	dma.local [hbm:s5], s20  }
0x9e: {  	_ =	swait.ge [sflag:s22], s20  }
0x9f: {  	s4 =	ssub.s32 $0x0, s20;
	[sflag:s22] =	ssyncset.done $0x0  }
0xa0: {  	[sflag:s22] =	ssyncadd.s32 s4;
	_ =	sdelay $0x1  }
0xa1: {  	s23 =	simm.s32 $0x1B8B  }
0xa2: {  	_ =	swait.ge [sflag:s23], $0x1  }
0xa3: {  	[sflag:s23] =	ssyncset.done $0x0  }
0xa4: {  	s25 =	simm.s32 $0x1B8E;
	s24 =	sld [smem:$0x3FFE];
	[sflag:s23] =	ssyncadd.s32 $0xFFFFFFFF  }
0xa5: {  	s26 =	simm.s32 $execute0_lowered;
	[smem:$0x3FD2] =	sst s25  }
0xa6: {  	s5 =	sshll.u32 s26, $0x1;
	_ =	strace $0x80000046;
	[dreg:$0x1] =	wrdreg $0xFFFFFFFF  }
0xa7: {  	s28 =	simm.s32 $_size_execute0_lowered;
	s3 =	sadd.s32 s3, s5;
	[dreg:$0x0] =	wrdreg $0x0  }
0xa8: {  	s5 =	sshll.u32 s28, $0x1;
	[dreg:$0x2] =	wrdreg s3  }
0xa9: {  	[dreg:$0x3] =	wrdreg s5  }
0xaa: {  	[dreg:$0x4] =	wrdreg $0xC0  }
0xab: {  	_ =	task [dreg:s7], $0x5FFFF  }
0xac: {  	[dreg:$0x1] =	wrdreg $0xFFFFFFFF  }
0xad: {  	[dreg:$0x0] =	wrdreg $0x60  }
0xae: {  	[dreg:$0x2] =	wrdreg s24  }
0xaf: {  	[dreg:$0x3] =	wrdreg s2  }
0xb0: {  	[dreg:$0x4] =	wrdreg $0x9  }
0xb1: {  	_ =	task.clear_ibuf [dreg:s7], $0x5FFFF;
	_ =	strace $0x90000046  }
0xb2: {  	s29 =	simm.s32 $0x9;
	_ =	strace $0x80000048  }
0xb3: {  	_ =	swait.ge [sflag:s29], $0x1  }
0xb4: {  	[sflag:s29] =	ssyncadd.s32 $0xFFFFFFFF  }
0xb5: {  	_ =	strace $0x90000048  }
0xb6: {  	_ =	sfence  }
0xb7: {  	s30 =	sld [smem:$0x0];
	_ =	sdelay $0x2  }
0xb8: {  	s31 =	sshll.u32 s1, $0xD;
	s1 =	sshrl.u32 s1, $0x2  }
0xb9: {  	s3 =	sand.u32 $0x4000, s31;
	s1 =	sadd.s32 s1, s30  }
0xba: {  	s0 =	sor.u32 s3, s0;
	s1 =	sshll.u32 s1, $0x11  }
0xbb: {  	s0 =	sor.u32 s1, s0  }
0xbc: {  	s0 =	sadd.s32 $0x8F2B, s0  }
0xbd: {  	[sflag:s0] =	ssyncadd.remote.s32 $0x1  }
0xbe: {  	_ =	sfence.sel $0xFFFF  }
0xbf: {  	[dreg:$0x0] =	wrdreg $0xFFFFFFFF;
	(pc) =	sbr.abs _section_cstart, $3  }
0xc0: {  	[dreg:$0x1] =	wrdreg $0xFFFFFFFF  }
0xc1: {  	_ =	task.clear_ibuf [dreg:s7], $0x2FFFF;
	_ =	strace $0x9FFFFFFF  }
0xc2: {  	(tm) =	ssettm $0x7FFFFFFF  }
0xc3: {  	_ =	shalt  }
tec
execute0_lowered:
.L_overlay_start_1:
0x0: {  	(tag) =	ssettag $0x1  }
0x1: {  	s1 =	srdreg.scid  }
0x2: {  	s8 =	rddreg [dreg:$0x0];
	s0 =	stileid.u32  }
0x3: {  	s3 =	rddreg [dreg:$0x1];
	s2 =	simm.s32 $0x0;
	s6 =	sand.u32 $0x1, s1  }
0x4: {  	s5 =	sshll.u32 s0, $0x5;
	[smem:$0x7FF] =	sst s2;
	s4 =	sshll.u32 s6, $0x9  }
0x5: {  	s1 =	rddreg [dreg:$0x2];
	_ =	strace $0x80000047;
	s7 =	sor.u32 s5, s4  }
0x6: {  	s10 =	ssub.s32 $0x2, s6;
	s6 =	simm.s32 $0x20;
	s4 =	sshrl.u32 s7, $0x3  }
0x7: {  	s5 =	sadd.s32 $0x1600, s8;
	s4 =	sadd.s32 s3, s4;
	s3 =	simm.s32 $0x2  }
0x8: {  	[tilespmem:s2], [sflag:$0x2] =	stream.linear.gather [hbm4b:s4+s2], $0x20, $0x38;
	[tilespmem:$0x620] =	vst v63  }
0x9: {  	s11 =	sshrl.u32 s10, $0x1;
	s9 =	smul.u32 $0x6, s7;
	_ =	swait.ge [sflag:s3], $0x20  }
0xa: {  	s7 =	simm.s32 $0x1;
	s31 =	ssub.s32 s10, s11;
	[sflag:s3] =	ssyncset.done $0x0  }
0xb: {  	s8 =	sadd.s32 s9, s8;
	s9 =	smax.u32 s31, $0x1;
	[sflag:s3] =	ssyncadd.s32 $0xFFFFFFE0  }
0xc: {  	[tilespmem:s6], [sflag:$0x1] =	stream.indirect.gather [hbm4b:s5+s6], $0x30, s2, s6, $0xb8;
	[tilespmem:$0x620] =	vst v63  }
0xd: {  	p0 =	sne.s32 s9, $0x1;
	_ =	swait.ge [sflag:s7], $0x600  }
.Ltmp0:
0xe: {  	[sflag:s7] =	ssyncset.done $0x0;
	(pc) =	sbr.rel @!p0 .LBB2_2-.Ltmp0, $4  }
0xf: {  	s8 =	sadd.s32 $0x10200, s8;
	[sflag:s7] =	ssyncadd.s32 $0xFFFFFA00  }
0x10: {  	[hbm4b:s8+s2] =	stream.linear.scatter [tilespmem:s6], [sflag:$0x2], $0x600, $0x38;
	[tilespmem:$0x620] =	vst v63  }
0x11: {  	_ =	swait.ge [sflag:s3], $0x600  }
0x12: {  	s9 =	sadd.s32 $0xFFFFFFFF, s9;
	[sflag:s3] =	ssyncset.done $0x0  }
.LBB2_1:
0x13: {  	p0 =	sne.s32 s9, $0x1;
	s9 =	sadd.s32 $0xFFFFFFFF, s9;
	[sflag:s3] =	ssyncadd.s32 $0xFFFFFA00  }
0x14: {  	[tilespmem:s2], [sflag:$0x2] =	stream.linear.gather [hbm4b:s4+s2], $0x20, $0x38;
	[tilespmem:$0x620] =	vst v63  }
0x15: {  	_ =	swait.ge [sflag:s3], $0x20  }
0x16: {  	[sflag:s3] =	ssyncset.done $0x0  }
0x17: {  	[sflag:s3] =	ssyncadd.s32 $0xFFFFFFE0  }
0x18: {  	[tilespmem:s6], [sflag:$0x1] =	stream.indirect.gather [hbm4b:s5+s6], $0x30, s2, s6, $0xb8;
	[tilespmem:$0x620] =	vst v63  }
0x19: {  	_ =	swait.ge [sflag:s7], $0x600  }
.Ltmp1:
0x1a: {  	[sflag:s7] =	ssyncset.done $0x0;
	(pc) =	sbr.rel @p0 .LBB2_1-.Ltmp1, $4  }
0x1b: {  	[sflag:s7] =	ssyncadd.s32 $0xFFFFFA00  }
0x1c: {  	[hbm4b:s8+s2] =	stream.linear.scatter [tilespmem:s6], [sflag:$0x2], $0x600, $0x38;
	[tilespmem:$0x620] =	vst v63  }
0x1d: {  	_ =	swait.ge [sflag:s3], $0x600  }
0x1e: {  	[sflag:s3] =	ssyncset.done $0x0  }
.LBB2_2:
0x1f: {  	[sflag:s3] =	ssyncadd.s32 $0xFFFFFA00  }
0x20: {  	_ =	sfence.sel $0x180000  }
0x21: {  	[bflag:$0x0] =	sbarrier.arrive $0xFFFF  }
0x22: {  	p0 =	sne.s32 s0, $0x0;
	_ =	strace $0x90000047  }
0x23: {  	s0 =	sadd.s32 @!p0 $0x100000, s1;
	[bflag:$0x2] =	sbarrier.arrive $0xFFFF  }
0x24: {  	[sflag:s0] =	ssyncadd.tile.s32 @!p0 $0x1;
	_ =	shalt  }
.Lfunc_end2:
_tile_overlayer_lowered:
.L_overlay_start_2:
0x25: {  	(tag) =	ssettag $0x2  }
0x26: {  	s0 =	rddreg [dreg:$0x0];
	s2 =	stileid.u32  }
0x27: {  	s1 =	rddreg [dreg:$0x1];
	p0 =	sne.s32 s2, $0x0  }
0x28: {  	s3 =	rddreg [dreg:$0x2];
	[bflag:$0x3] =	sbarrier.arrive $0xFFFF;
	s2 =	simm.s32 @!p0 $0x1C02  }
0x29: {  	[timem:s3], [sflag:s2] =	dma.local @!p0 [hbm:s0], s1  }
0x2a: {  	s0 =	simm.s32 @!p0 $0x2  }
0x2b: {  	_ =	swait.ge @!p0 [sflag:s0], s1  }
0x2c: {  	s1 =	ssub.s32 @!p0 $0x0, s1;
	[sflag:s0] =	ssyncset.done @!p0 $0x0  }
0x2d: {  	[sflag:s0] =	ssyncadd.s32 @!p0 s1  }
0x2e: {  	[bflag:$0x3] =	sbarrier.arrive $0xFFFF  }
0x2f: {  	_ =	shalt  }

</sc_bundles>
